<compile_context>
chip_gen: v7x
topology: tpu7x:2x2x1
jax: 0.10.2.dev20260603
libtpu: 0.0.44.dev20260713+nightly
codegen_flags: <defaults>
</compile_context>

<pallas_src>
import functools

import numpy as np
import jax
import jax.numpy as jnp
from jax import lax
from jax.experimental import pallas as pl
from jax.experimental.pallas import tpu as pltpu
from jax.experimental.pallas import tpu_sc as plsc

_BOX = 100
_B, _C, _H, _W = 64, 3, 224, 224
_NLAB = 1000
_BATCH_PROB = 0.1


def _static_rng():
    rs = np.random.RandomState(42)
    perm = rs.permutation(_B)
    keep = rs.rand(_B) > _BATCH_PROB
    xs = rs.randint(0, _H - _BOX + 1, size=_B)
    ys = rs.randint(0, _W - _BOX + 1, size=_B)
    return perm, keep, xs, ys


_PERM, _KEEP, _XS, _YS = _static_rng()
_KEEP_IDX = np.nonzero(_KEEP)[0]
_K = int(len(_KEEP_IDX))
_LAM = 1.0 - (_BOX * _BOX) / float(_H * _W)

_EYE = np.eye(_B, dtype=np.float32)
_WLAB = (_LAM * _EYE[_KEEP_IDX] + (1.0 - _LAM) * _EYE[_PERM[_KEEP_IDX]])

_NUM_TILES = 32
_L = 16
_HH = 112


def _merge_rows(pv, bv, h0, wa, rlo, rhi, y, k_lo, k_hi, m_l, m_r):
    lo_l = pl.multiple_of(k_lo * _L, _L)
    lo_r = pl.multiple_of(k_hi * _L, _L)
    mids = []
    for k in range(1, 7):
        lo = jnp.minimum((k_lo + k) * _L, (k_hi - 1) * _L)
        mids.append(pl.multiple_of(lo, _L))

    @plsc.parallel_loop(rlo, rhi, unroll=4)
    def row(r):
        rb = r - wa
        rp = r - h0
        s = bv[rb, pl.ds(lo_l, _L)]
        cur = pv[rp, pl.ds(lo_l, _L)]
        pv[rp, pl.ds(lo_l, _L)] = jnp.where(m_l, s, cur)
        s = bv[rb, pl.ds(lo_r, _L)]
        cur = pv[rp, pl.ds(lo_r, _L)]
        pv[rp, pl.ds(lo_r, _L)] = jnp.where(m_r, s, cur)
        for lo in mids:
            pv[rp, pl.ds(lo, _L)] = bv[rb, pl.ds(lo, _L)]


def _sc_images_body(images_hbm, out_hbm, pv0, pv1, bv0, smem,
                    sem_p0, sem_p1, sem_b0, sem_o0, sem_o1):
    wid = lax.axis_index("s") * 2 + lax.axis_index("c")

    for t in range(_NUM_TILES):
        my = [i for i in range(_K) if i % _NUM_TILES == t]
        if not my:
            continue

        @pl.when(wid == t)
        def _params(my=my):
            for j, i in enumerate(my):
                b = int(_KEEP_IDX[i])
                smem[5 * j + 0] = b
                smem[5 * j + 1] = int(_PERM[b])
                smem[5 * j + 2] = int(_XS[b])
                smem[5 * j + 3] = int(_YS[b])
                smem[5 * j + 4] = i
            smem[15] = len(my)

    n_pairs = smem[15] * _C
    col0 = lax.iota(jnp.int32, _L)

    def pair(p, carry):
        j = p // _C
        c = p - j * _C
        b = smem[5 * j + 0]
        pb = smem[5 * j + 1]
        x = smem[5 * j + 2]
        y = smem[5 * j + 3]
        oi = smem[5 * j + 4]

        k_lo = y // _L
        k_hi = (y + _BOX - 1) // _L
        col_l = k_lo * _L + col0
        m_l = (col_l >= y) & (col_l < y + _BOX)
        col_r = k_hi * _L + col0
        m_r = (col_r >= y) & (col_r < y + _BOX)

        rlo0 = x
        rhi0 = jnp.minimum(x + _BOX, _HH)
        has0 = x < _HH
        rlo1 = jnp.maximum(x, _HH)
        rhi1 = x + _BOX
        has1 = x + _BOX > _HH
        wa = pl.multiple_of(jnp.minimum((x // 8) * 8, _H - _HH), 8)

        pltpu.async_copy(images_hbm.at[pb, c, pl.ds(wa, _HH)], bv0, sem_b0)

        @pl.when(p > 0)
        def _drain0():
            pltpu.make_async_copy(
                pv0, out_hbm.at[0, 0, pl.ds(0, _HH)], sem_o0
            ).wait()

        cp0 = pltpu.async_copy(images_hbm.at[b, c, pl.ds(0, _HH)], pv0, sem_p0)

        @pl.when(p > 0)
        def _drain1():
            pltpu.make_async_copy(
                pv1, out_hbm.at[0, 0, pl.ds(_HH, _HH)], sem_o1
            ).wait()

        cp1 = pltpu.async_copy(
            images_hbm.at[b, c, pl.ds(_HH, _HH)], pv1, sem_p1
        )

        cp0.wait()
        pltpu.make_async_copy(
            images_hbm.at[0, 0, pl.ds(0, _HH)], bv0, sem_b0
        ).wait()

        @pl.when(has0)
        def _merge0():
            _merge_rows(pv0, bv0, 0, wa, rlo0, rhi0, y, k_lo, k_hi, m_l, m_r)

        pltpu.async_copy(pv0, out_hbm.at[oi, c, pl.ds(0, _HH)], sem_o0)

        cp1.wait()

        @pl.when(has1)
        def _merge1():
            _merge_rows(pv1, bv0, _HH, wa, rlo1, rhi1, y, k_lo, k_hi,
                        m_l, m_r)

        pltpu.async_copy(pv1, out_hbm.at[oi, c, pl.ds(_HH, _HH)], sem_o1)
        return carry

    lax.fori_loop(0, n_pairs, pair, 0)

    pltpu.make_async_copy(pv0, out_hbm.at[0, 0, pl.ds(0, _HH)], sem_o0).wait()
    pltpu.make_async_copy(
        pv1, out_hbm.at[0, 0, pl.ds(_HH, _HH)], sem_o1
    ).wait()


_sc_images = pl.kernel(
    _sc_images_body,
    out_type=jax.ShapeDtypeStruct((_K, _C, _H, _W), jnp.float32),
    mesh=plsc.VectorSubcoreMesh(core_axis_name="c", subcore_axis_name="s"),
    scratch_types=[
        pltpu.VMEM((_HH, _W), jnp.float32),
        pltpu.VMEM((_HH, _W), jnp.float32),
        pltpu.VMEM((_HH, _W), jnp.float32),
        pltpu.SMEM((16,), jnp.int32),
        pltpu.SemaphoreType.DMA,
        pltpu.SemaphoreType.DMA,
        pltpu.SemaphoreType.DMA,
        pltpu.SemaphoreType.DMA,
        pltpu.SemaphoreType.DMA,
    ],
)


def _tc_labels_body(w_ref, l_ref, o_ref):
    o_ref[...] = jnp.dot(
        w_ref[...], l_ref[...], preferred_element_type=jnp.float32
    )


def _tc_labels(labels):
    return pl.pallas_call(
        _tc_labels_body,
        out_shape=jax.ShapeDtypeStruct((_K, _NLAB), jnp.float32),
    )(jnp.asarray(_WLAB), labels)


@jax.jit
def kernel(images, labels):
    mixed = _sc_images(images)
    mixed_labels = _tc_labels(labels)
    return mixed, mixed_labels

# --- scband reference (transcript-rebuilt; emitter-appended) ---
"""Pipeline reference for scband-cutmix-33457795236027 (READ-ONLY COPY).

The authoritative reference and input builder live on the scoring server;
editing this copy changes nothing except your own understanding.
"""

import jax, jax.numpy as jnp
import numpy as np

BOX = 100  # min_cut_size == max_cut_size == 100
BATCH_PROB = 0.1


def _gen_rng(B, H, W, box):
    # Deterministic replacement for torch.randperm / torch.rand / torch.randint.
    rs = np.random.RandomState(42)
    perm = rs.permutation(B)
    keep = rs.rand(B) > BATCH_PROB  # original: if torch.rand(1) > batch_prob -> apply & keep
    xs = rs.randint(0, H - box + 1, size=B)
    ys = rs.randint(0, W - box + 1, size=B)
    return perm, keep, xs, ys


def setup_inputs(seed: int = 0) -> dict:
    key = jax.random.key(seed)
    k1, k2 = jax.random.split(key)
    images = jax.random.normal(k1, (64, 3, 224, 224), dtype=jnp.float32)
    labels = jax.random.uniform(k2, (64, 1000), dtype=jnp.float32)
    return {"images": images, "labels": labels}


def reference(images, labels):
    B, C, H, W = images.shape
    box = BOX
    perm, keep, xs, ys = _gen_rng(B, H, W, box)

    shuff_imgs = images[jnp.asarray(perm)]
    shuff_labels = labels[jnp.asarray(perm)]

    xs_a = jnp.asarray(xs)
    ys_a = jnp.asarray(ys)
    rows = jnp.arange(H)[None, :, None]  # [1, H, 1]
    cols = jnp.arange(W)[None, None, :]  # [1, 1, W]
    mask = ((rows >= xs_a[:, None, None]) & (rows < xs_a[:, None, None] + box)
            & (cols >= ys_a[:, None, None]) & (cols < ys_a[:, None, None] + box))  # [B, H, W]

    # src_img[:, x:x+box, y:y+box] = src_trg[:, x:x+box, y:y+box]
    mixed = jnp.where(mask[:, None, :, :], shuff_imgs, images)

    lam = 1.0 - (box * box) / float(H * W)
    mixed_labels = lam * labels + (1.0 - lam) * shuff_labels

    keep_idx = jnp.asarray(np.nonzero(keep)[0])
    return (mixed[keep_idx], mixed_labels[keep_idx])

if __name__ == "__main__":
    import jax
    _d = setup_inputs()
    print(jax.jit(kernel)(*tuple(_d.values())))

</pallas_src>

<mosaic_0001>
#map = affine_map<(d0, d1) -> (0, 0, 0, 0)>
module attributes {stable_mosaic.version = 14 : i64} {
  func.func @_sc_images_body(%arg0: i32, %arg1: i32, %arg2: memref<64x3x224x224xf32, #tpu.memory_space<hbm>>, %arg3: memref<55x3x224x224xf32, #tpu.memory_space<hbm>>, %arg4: memref<112x224xf32, #tpu.memory_space<vmem>>, %arg5: memref<112x224xf32, #tpu.memory_space<vmem>>, %arg6: memref<112x224xf32, #tpu.memory_space<vmem>>, %arg7: memref<16xi32, #tpu.memory_space<smem>>, %arg8: memref<!tpu.dma_semaphore, #tpu.memory_space<semaphore_mem>>, %arg9: memref<!tpu.dma_semaphore, #tpu.memory_space<semaphore_mem>>, %arg10: memref<!tpu.dma_semaphore, #tpu.memory_space<semaphore_mem>>, %arg11: memref<!tpu.dma_semaphore, #tpu.memory_space<semaphore_mem>>, %arg12: memref<!tpu.dma_semaphore, #tpu.memory_space<semaphore_mem>>) attributes {dimension_semantics = [#tpu.dimension_semantics<core_parallel>, #tpu.dimension_semantics<subcore_parallel>], iteration_bounds = array<i64: 2, 16>, scalar_prefetch = 0 : i64, scratch_operands = 9 : i64, tpu.core_type = #tpu.core_type<sc_vector_subcore>, window_params = [{transform_indices = #map}, {transform_indices = #map}]} {
    %mul3A = arith.constant 2 : i32
    %mul3A_0 = arith.muli %arg1, %mul3A : i32
    %add3A = arith.addi %mul3A_0, %arg0 : i32
    %eq3A = arith.constant 0 : i32
    %eq3A_1 = arith.cmpi eq, %add3A, %eq3A : i32
    %convert_element_type3A = arith.extui %eq3A_1 : i1 to i32
    %cond3A = arith.constant 0 : i32
    %cond3A_2 = arith.cmpi ne, %convert_element_type3A, %cond3A : i32
    scf.if %cond3A_2 {
      %swap3A = arith.constant 1 : i32
      %swap3A_190 = arith.constant 0 : i32
      %swap3A_191 = arith.index_cast %swap3A_190 : i32 to index
      %swap3A_192 = memref.load %arg7[%swap3A_191] : memref<16xi32, #tpu.memory_space<smem>>
      memref.store %swap3A, %arg7[%swap3A_191] : memref<16xi32, #tpu.memory_space<smem>>
      %swap3A_193 = arith.constant 58 : i32
      %swap3A_194 = arith.constant 1 : i32
      %swap3A_195 = arith.index_cast %swap3A_194 : i32 to index
      %swap3A_196 = memref.load %arg7[%swap3A_195] : memref<16xi32, #tpu.memory_space<smem>>
      memref.store %swap3A_193, %arg7[%swap3A_195] : memref<16xi32, #tpu.memory_space<smem>>
      %swap3A_197 = arith.constant 14 : i32
      %swap3A_198 = arith.constant 2 : i32
      %swap3A_199 = arith.index_cast %swap3A_198 : i32 to index
      %swap3A_200 = memref.load %arg7[%swap3A_199] : memref<16xi32, #tpu.memory_space<smem>>
      memref.store %swap3A_197, %arg7[%swap3A_199] : memref<16xi32, #tpu.memory_space<smem>>
      %swap3A_201 = arith.constant 112 : i32
      %swap3A_202 = arith.constant 3 : i32
      %swap3A_203 = arith.index_cast %swap3A_202 : i32 to index
      %swap3A_204 = memref.load %arg7[%swap3A_203] : memref<16xi32, #tpu.memory_space<smem>>
      memref.store %swap3A_201, %arg7[%swap3A_203] : memref<16xi32, #tpu.memory_space<smem>>
      %swap3A_205 = arith.constant 0 : i32
      %swap3A_206 = arith.constant 4 : i32
      %swap3A_207 = arith.index_cast %swap3A_206 : i32 to index
      %swap3A_208 = memref.load %arg7[%swap3A_207] : memref<16xi32, #tpu.memory_space<smem>>
      memref.store %swap3A_205, %arg7[%swap3A_207] : memref<16xi32, #tpu.memory_space<smem>>
      %swap3A_209 = arith.constant 38 : i32
      %swap3A_210 = arith.constant 5 : i32
      %swap3A_211 = arith.index_cast %swap3A_210 : i32 to index
      %swap3A_212 = memref.load %arg7[%swap3A_211] : memref<16xi32, #tpu.memory_space<smem>>
      memref.store %swap3A_209, %arg7[%swap3A_211] : memref<16xi32, #tpu.memory_space<smem>>
      %swap3A_213 = arith.constant 32 : i32
      %swap3A_214 = arith.constant 6 : i32
      %swap3A_215 = arith.index_cast %swap3A_214 : i32 to index
      %swap3A_216 = memref.load %arg7[%swap3A_215] : memref<16xi32, #tpu.memory_space<smem>>
      memref.store %swap3A_213, %arg7[%swap3A_215] : memref<16xi32, #tpu.memory_space<smem>>
      %swap3A_217 = arith.constant 120 : i32
      %swap3A_218 = arith.constant 7 : i32
      %swap3A_219 = arith.index_cast %swap3A_218 : i32 to index
      %swap3A_220 = memref.load %arg7[%swap3A_219] : memref<16xi32, #tpu.memory_space<smem>>
      memref.store %swap3A_217, %arg7[%swap3A_219] : memref<16xi32, #tpu.memory_space<smem>>
      %swap3A_221 = arith.constant 16 : i32
      %swap3A_222 = arith.constant 8 : i32
      %swap3A_223 = arith.index_cast %swap3A_222 : i32 to index
      %swap3A_224 = memref.load %arg7[%swap3A_223] : memref<16xi32, #tpu.memory_space<smem>>
      memref.store %swap3A_221, %arg7[%swap3A_223] : memref<16xi32, #tpu.memory_space<smem>>
      %swap3A_225 = arith.constant 32 : i32
      %swap3A_226 = arith.constant 9 : i32
      %swap3A_227 = arith.index_cast %swap3A_226 : i32 to index
      %swap3A_228 = memref.load %arg7[%swap3A_227] : memref<16xi32, #tpu.memory_space<smem>>
      memref.store %swap3A_225, %arg7[%swap3A_227] : memref<16xi32, #tpu.memory_space<smem>>
      %swap3A_229 = arith.constant 2 : i32
      %swap3A_230 = arith.constant 15 : i32
      %swap3A_231 = arith.index_cast %swap3A_230 : i32 to index
      %swap3A_232 = memref.load %arg7[%swap3A_231] : memref<16xi32, #tpu.memory_space<smem>>
      memref.store %swap3A_229, %arg7[%swap3A_231] : memref<16xi32, #tpu.memory_space<smem>>
    } else {
    }
    %eq3A_3 = arith.constant 1 : i32
    %eq3A_4 = arith.cmpi eq, %add3A, %eq3A_3 : i32
    %convert_element_type3A_5 = arith.extui %eq3A_4 : i1 to i32
    %cond3A_6 = arith.constant 0 : i32
    %cond3A_7 = arith.cmpi ne, %convert_element_type3A_5, %cond3A_6 : i32
    scf.if %cond3A_7 {
      %swap3A = arith.constant 2 : i32
      %swap3A_190 = arith.constant 0 : i32
      %swap3A_191 = arith.index_cast %swap3A_190 : i32 to index
      %swap3A_192 = memref.load %arg7[%swap3A_191] : memref<16xi32, #tpu.memory_space<smem>>
      memref.store %swap3A, %arg7[%swap3A_191] : memref<16xi32, #tpu.memory_space<smem>>
      %swap3A_193 = arith.constant 0 : i32
      %swap3A_194 = arith.constant 1 : i32
      %swap3A_195 = arith.index_cast %swap3A_194 : i32 to index
      %swap3A_196 = memref.load %arg7[%swap3A_195] : memref<16xi32, #tpu.memory_space<smem>>
      memref.store %swap3A_193, %arg7[%swap3A_195] : memref<16xi32, #tpu.memory_space<smem>>
      %swap3A_197 = arith.constant 42 : i32
      %swap3A_198 = arith.constant 2 : i32
      %swap3A_199 = arith.index_cast %swap3A_198 : i32 to index
      %swap3A_200 = memref.load %arg7[%swap3A_199] : memref<16xi32, #tpu.memory_space<smem>>
      memref.store %swap3A_197, %arg7[%swap3A_199] : memref<16xi32, #tpu.memory_space<smem>>
      %swap3A_201 = arith.constant 57 : i32
      %swap3A_202 = arith.constant 3 : i32
      %swap3A_203 = arith.index_cast %swap3A_202 : i32 to index
      %swap3A_204 = memref.load %arg7[%swap3A_203] : memref<16xi32, #tpu.memory_space<smem>>
      memref.store %swap3A_201, %arg7[%swap3A_203] : memref<16xi32, #tpu.memory_space<smem>>
      %swap3A_205 = arith.constant 1 : i32
      %swap3A_206 = arith.constant 4 : i32
      %swap3A_207 = arith.index_cast %swap3A_206 : i32 to index
      %swap3A_208 = memref.load %arg7[%swap3A_207] : memref<16xi32, #tpu.memory_space<smem>>
      memref.store %swap3A_205, %arg7[%swap3A_207] : memref<16xi32, #tpu.memory_space<smem>>
      %swap3A_209 = arith.constant 39 : i32
      %swap3A_210 = arith.constant 5 : i32
      %swap3A_211 = arith.index_cast %swap3A_210 : i32 to index
      %swap3A_212 = memref.load %arg7[%swap3A_211] : memref<16xi32, #tpu.memory_space<smem>>
      memref.store %swap3A_209, %arg7[%swap3A_211] : memref<16xi32, #tpu.memory_space<smem>>
      %swap3A_213 = arith.constant 57 : i32
      %swap3A_214 = arith.constant 6 : i32
      %swap3A_215 = arith.index_cast %swap3A_214 : i32 to index
      %swap3A_216 = memref.load %arg7[%swap3A_215] : memref<16xi32, #tpu.memory_space<smem>>
      memref.store %swap3A_213, %arg7[%swap3A_215] : memref<16xi32, #tpu.memory_space<smem>>
      %swap3A_217 = arith.constant 115 : i32
      %swap3A_218 = arith.constant 7 : i32
      %swap3A_219 = arith.index_cast %swap3A_218 : i32 to index
      %swap3A_220 = memref.load %arg7[%swap3A_219] : memref<16xi32, #tpu.memory_space<smem>>
      memref.store %swap3A_217, %arg7[%swap3A_219] : memref<16xi32, #tpu.memory_space<smem>>
      %swap3A_221 = arith.constant 37 : i32
      %swap3A_222 = arith.constant 8 : i32
      %swap3A_223 = arith.index_cast %swap3A_222 : i32 to index
      %swap3A_224 = memref.load %arg7[%swap3A_223] : memref<16xi32, #tpu.memory_space<smem>>
      memref.store %swap3A_221, %arg7[%swap3A_223] : memref<16xi32, #tpu.memory_space<smem>>
      %swap3A_225 = arith.constant 33 : i32
      %swap3A_226 = arith.constant 9 : i32
      %swap3A_227 = arith.index_cast %swap3A_226 : i32 to index
      %swap3A_228 = memref.load %arg7[%swap3A_227] : memref<16xi32, #tpu.memory_space<smem>>
      memref.store %swap3A_225, %arg7[%swap3A_227] : memref<16xi32, #tpu.memory_space<smem>>
      %swap3A_229 = arith.constant 2 : i32
      %swap3A_230 = arith.constant 15 : i32
      %swap3A_231 = arith.index_cast %swap3A_230 : i32 to index
      %swap3A_232 = memref.load %arg7[%swap3A_231] : memref<16xi32, #tpu.memory_space<smem>>
      memref.store %swap3A_229, %arg7[%swap3A_231] : memref<16xi32, #tpu.memory_space<smem>>
    } else {
    }
    %eq3A_8 = arith.constant 2 : i32
    %eq3A_9 = arith.cmpi eq, %add3A, %eq3A_8 : i32
    %convert_element_type3A_10 = arith.extui %eq3A_9 : i1 to i32
    %cond3A_11 = arith.constant 0 : i32
    %cond3A_12 = arith.cmpi ne, %convert_element_type3A_10, %cond3A_11 : i32
    scf.if %cond3A_12 {
      %swap3A = arith.constant 3 : i32
      %swap3A_190 = arith.constant 0 : i32
      %swap3A_191 = arith.index_cast %swap3A_190 : i32 to index
      %swap3A_192 = memref.load %arg7[%swap3A_191] : memref<16xi32, #tpu.memory_space<smem>>
      memref.store %swap3A, %arg7[%swap3A_191] : memref<16xi32, #tpu.memory_space<smem>>
      %swap3A_193 = arith.constant 44 : i32
      %swap3A_194 = arith.constant 1 : i32
      %swap3A_195 = arith.index_cast %swap3A_194 : i32 to index
      %swap3A_196 = memref.load %arg7[%swap3A_195] : memref<16xi32, #tpu.memory_space<smem>>
      memref.store %swap3A_193, %arg7[%swap3A_195] : memref<16xi32, #tpu.memory_space<smem>>
      %swap3A_197 = arith.constant 28 : i32
      %swap3A_198 = arith.constant 2 : i32
      %swap3A_199 = arith.index_cast %swap3A_198 : i32 to index
      %swap3A_200 = memref.load %arg7[%swap3A_199] : memref<16xi32, #tpu.memory_space<smem>>
      memref.store %swap3A_197, %arg7[%swap3A_199] : memref<16xi32, #tpu.memory_space<smem>>
      %swap3A_201 = arith.constant 51 : i32
      %swap3A_202 = arith.constant 3 : i32
      %swap3A_203 = arith.index_cast %swap3A_202 : i32 to index
      %swap3A_204 = memref.load %arg7[%swap3A_203] : memref<16xi32, #tpu.memory_space<smem>>
      memref.store %swap3A_201, %arg7[%swap3A_203] : memref<16xi32, #tpu.memory_space<smem>>
      %swap3A_205 = arith.constant 2 : i32
      %swap3A_206 = arith.constant 4 : i32
      %swap3A_207 = arith.index_cast %swap3A_206 : i32 to index
      %swap3A_208 = memref.load %arg7[%swap3A_207] : memref<16xi32, #tpu.memory_space<smem>>
      memref.store %swap3A_205, %arg7[%swap3A_207] : memref<16xi32, #tpu.memory_space<smem>>
      %swap3A_209 = arith.constant 40 : i32
      %swap3A_210 = arith.constant 5 : i32
      %swap3A_211 = arith.index_cast %swap3A_210 : i32 to index
      %swap3A_212 = memref.load %arg7[%swap3A_211] : memref<16xi32, #tpu.memory_space<smem>>
      memref.store %swap3A_209, %arg7[%swap3A_211] : memref<16xi32, #tpu.memory_space<smem>>
      %swap3A_213 = arith.constant 45 : i32
      %swap3A_214 = arith.constant 6 : i32
      %swap3A_215 = arith.index_cast %swap3A_214 : i32 to index
      %swap3A_216 = memref.load %arg7[%swap3A_215] : memref<16xi32, #tpu.memory_space<smem>>
      memref.store %swap3A_213, %arg7[%swap3A_215] : memref<16xi32, #tpu.memory_space<smem>>
      %swap3A_217 = arith.constant 76 : i32
      %swap3A_218 = arith.constant 7 : i32
      %swap3A_219 = arith.index_cast %swap3A_218 : i32 to index
      %swap3A_220 = memref.load %arg7[%swap3A_219] : memref<16xi32, #tpu.memory_space<smem>>
      memref.store %swap3A_217, %arg7[%swap3A_219] : memref<16xi32, #tpu.memory_space<smem>>
      %swap3A_221 = arith.constant 23 : i32
      %swap3A_222 = arith.constant 8 : i32
      %swap3A_223 = arith.index_cast %swap3A_222 : i32 to index
      %swap3A_224 = memref.load %arg7[%swap3A_223] : memref<16xi32, #tpu.memory_space<smem>>
      memref.store %swap3A_221, %arg7[%swap3A_223] : memref<16xi32, #tpu.memory_space<smem>>
      %swap3A_225 = arith.constant 34 : i32
      %swap3A_226 = arith.constant 9 : i32
      %swap3A_227 = arith.index_cast %swap3A_226 : i32 to index
      %swap3A_228 = memref.load %arg7[%swap3A_227] : memref<16xi32, #tpu.memory_space<smem>>
      memref.store %swap3A_225, %arg7[%swap3A_227] : memref<16xi32, #tpu.memory_space<smem>>
      %swap3A_229 = arith.constant 2 : i32
      %swap3A_230 = arith.constant 15 : i32
      %swap3A_231 = arith.index_cast %swap3A_230 : i32 to index
      %swap3A_232 = memref.load %arg7[%swap3A_231] : memref<16xi32, #tpu.memory_space<smem>>
      memref.store %swap3A_229, %arg7[%swap3A_231] : memref<16xi32, #tpu.memory_space<smem>>
    } else {
    }
    %eq3A_13 = arith.constant 3 : i32
    %eq3A_14 = arith.cmpi eq, %add3A, %eq3A_13 : i32
    %convert_element_type3A_15 = arith.extui %eq3A_14 : i1 to i32
    %cond3A_16 = arith.constant 0 : i32
    %cond3A_17 = arith.cmpi ne, %convert_element_type3A_15, %cond3A_16 : i32
    scf.if %cond3A_17 {
      %swap3A = arith.constant 4 : i32
      %swap3A_190 = arith.constant 0 : i32
      %swap3A_191 = arith.index_cast %swap3A_190 : i32 to index
      %swap3A_192 = memref.load %arg7[%swap3A_191] : memref<16xi32, #tpu.memory_space<smem>>
      memref.store %swap3A, %arg7[%swap3A_191] : memref<16xi32, #tpu.memory_space<smem>>
      %swap3A_193 = arith.constant 5 : i32
      %swap3A_194 = arith.constant 1 : i32
      %swap3A_195 = arith.index_cast %swap3A_194 : i32 to index
      %swap3A_196 = memref.load %arg7[%swap3A_195] : memref<16xi32, #tpu.memory_space<smem>>
      memref.store %swap3A_193, %arg7[%swap3A_195] : memref<16xi32, #tpu.memory_space<smem>>
      %swap3A_197 = arith.constant 35 : i32
      %swap3A_198 = arith.constant 2 : i32
      %swap3A_199 = arith.index_cast %swap3A_198 : i32 to index
      %swap3A_200 = memref.load %arg7[%swap3A_199] : memref<16xi32, #tpu.memory_space<smem>>
      memref.store %swap3A_197, %arg7[%swap3A_199] : memref<16xi32, #tpu.memory_space<smem>>
      %swap3A_201 = arith.constant 11 : i32
      %swap3A_202 = arith.constant 3 : i32
      %swap3A_203 = arith.index_cast %swap3A_202 : i32 to index
      %swap3A_204 = memref.load %arg7[%swap3A_203] : memref<16xi32, #tpu.memory_space<smem>>
      memref.store %swap3A_201, %arg7[%swap3A_203] : memref<16xi32, #tpu.memory_space<smem>>
      %swap3A_205 = arith.constant 3 : i32
      %swap3A_206 = arith.constant 4 : i32
      %swap3A_207 = arith.index_cast %swap3A_206 : i32 to index
      %swap3A_208 = memref.load %arg7[%swap3A_207] : memref<16xi32, #tpu.memory_space<smem>>
      memref.store %swap3A_205, %arg7[%swap3A_207] : memref<16xi32, #tpu.memory_space<smem>>
      %swap3A_209 = arith.constant 42 : i32
      %swap3A_210 = arith.constant 5 : i32
      %swap3A_211 = arith.index_cast %swap3A_210 : i32 to index
      %swap3A_212 = memref.load %arg7[%swap3A_211] : memref<16xi32, #tpu.memory_space<smem>>
      memref.store %swap3A_209, %arg7[%swap3A_211] : memref<16xi32, #tpu.memory_space<smem>>
      %swap3A_213 = arith.constant 29 : i32
      %swap3A_214 = arith.constant 6 : i32
      %swap3A_215 = arith.index_cast %swap3A_214 : i32 to index
      %swap3A_216 = memref.load %arg7[%swap3A_215] : memref<16xi32, #tpu.memory_space<smem>>
      memref.store %swap3A_213, %arg7[%swap3A_215] : memref<16xi32, #tpu.memory_space<smem>>
      %swap3A_217 = arith.constant 2 : i32
      %swap3A_218 = arith.constant 7 : i32
      %swap3A_219 = arith.index_cast %swap3A_218 : i32 to index
      %swap3A_220 = memref.load %arg7[%swap3A_219] : memref<16xi32, #tpu.memory_space<smem>>
      memref.store %swap3A_217, %arg7[%swap3A_219] : memref<16xi32, #tpu.memory_space<smem>>
      %swap3A_221 = arith.constant 115 : i32
      %swap3A_222 = arith.constant 8 : i32
      %swap3A_223 = arith.index_cast %swap3A_222 : i32 to index
      %swap3A_224 = memref.load %arg7[%swap3A_223] : memref<16xi32, #tpu.memory_space<smem>>
      memref.store %swap3A_221, %arg7[%swap3A_223] : memref<16xi32, #tpu.memory_space<smem>>
      %swap3A_225 = arith.constant 35 : i32
      %swap3A_226 = arith.constant 9 : i32
      %swap3A_227 = arith.index_cast %swap3A_226 : i32 to index
      %swap3A_228 = memref.load %arg7[%swap3A_227] : memref<16xi32, #tpu.memory_space<smem>>
      memref.store %swap3A_225, %arg7[%swap3A_227] : memref<16xi32, #tpu.memory_space<smem>>
      %swap3A_229 = arith.constant 2 : i32
      %swap3A_230 = arith.constant 15 : i32
      %swap3A_231 = arith.index_cast %swap3A_230 : i32 to index
      %swap3A_232 = memref.load %arg7[%swap3A_231] : memref<16xi32, #tpu.memory_space<smem>>
      memref.store %swap3A_229, %arg7[%swap3A_231] : memref<16xi32, #tpu.memory_space<smem>>
    } else {
    }
    %eq3A_18 = arith.constant 4 : i32
    %eq3A_19 = arith.cmpi eq, %add3A, %eq3A_18 : i32
    %convert_element_type3A_20 = arith.extui %eq3A_19 : i1 to i32
    %cond3A_21 = arith.constant 0 : i32
    %cond3A_22 = arith.cmpi ne, %convert_element_type3A_20, %cond3A_21 : i32
    scf.if %cond3A_22 {
      %swap3A = arith.constant 5 : i32
      %swap3A_190 = arith.constant 0 : i32
      %swap3A_191 = arith.index_cast %swap3A_190 : i32 to index
      %swap3A_192 = memref.load %arg7[%swap3A_191] : memref<16xi32, #tpu.memory_space<smem>>
      memref.store %swap3A, %arg7[%swap3A_191] : memref<16xi32, #tpu.memory_space<smem>>
      %swap3A_193 = arith.constant 36 : i32
      %swap3A_194 = arith.constant 1 : i32
      %swap3A_195 = arith.index_cast %swap3A_194 : i32 to index
      %swap3A_196 = memref.load %arg7[%swap3A_195] : memref<16xi32, #tpu.memory_space<smem>>
      memref.store %swap3A_193, %arg7[%swap3A_195] : memref<16xi32, #tpu.memory_space<smem>>
      %swap3A_197 = arith.constant 12 : i32
      %swap3A_198 = arith.constant 2 : i32
      %swap3A_199 = arith.index_cast %swap3A_198 : i32 to index
      %swap3A_200 = memref.load %arg7[%swap3A_199] : memref<16xi32, #tpu.memory_space<smem>>
      memref.store %swap3A_197, %arg7[%swap3A_199] : memref<16xi32, #tpu.memory_space<smem>>
      %swap3A_201 = arith.constant 38 : i32
      %swap3A_202 = arith.constant 3 : i32
      %swap3A_203 = arith.index_cast %swap3A_202 : i32 to index
      %swap3A_204 = memref.load %arg7[%swap3A_203] : memref<16xi32, #tpu.memory_space<smem>>
      memref.store %swap3A_201, %arg7[%swap3A_203] : memref<16xi32, #tpu.memory_space<smem>>
      %swap3A_205 = arith.constant 4 : i32
      %swap3A_206 = arith.constant 4 : i32
      %swap3A_207 = arith.index_cast %swap3A_206 : i32 to index
      %swap3A_208 = memref.load %arg7[%swap3A_207] : memref<16xi32, #tpu.memory_space<smem>>
      memref.store %swap3A_205, %arg7[%swap3A_207] : memref<16xi32, #tpu.memory_space<smem>>
      %swap3A_209 = arith.constant 43 : i32
      %swap3A_210 = arith.constant 5 : i32
      %swap3A_211 = arith.index_cast %swap3A_210 : i32 to index
      %swap3A_212 = memref.load %arg7[%swap3A_211] : memref<16xi32, #tpu.memory_space<smem>>
      memref.store %swap3A_209, %arg7[%swap3A_211] : memref<16xi32, #tpu.memory_space<smem>>
      %swap3A_213 = arith.constant 43 : i32
      %swap3A_214 = arith.constant 6 : i32
      %swap3A_215 = arith.index_cast %swap3A_214 : i32 to index
      %swap3A_216 = memref.load %arg7[%swap3A_215] : memref<16xi32, #tpu.memory_space<smem>>
      memref.store %swap3A_213, %arg7[%swap3A_215] : memref<16xi32, #tpu.memory_space<smem>>
      %swap3A_217 = arith.constant 102 : i32
      %swap3A_218 = arith.constant 7 : i32
      %swap3A_219 = arith.index_cast %swap3A_218 : i32 to index
      %swap3A_220 = memref.load %arg7[%swap3A_219] : memref<16xi32, #tpu.memory_space<smem>>
      memref.store %swap3A_217, %arg7[%swap3A_219] : memref<16xi32, #tpu.memory_space<smem>>
      %swap3A_221 = arith.constant 97 : i32
      %swap3A_222 = arith.constant 8 : i32
      %swap3A_223 = arith.index_cast %swap3A_222 : i32 to index
      %swap3A_224 = memref.load %arg7[%swap3A_223] : memref<16xi32, #tpu.memory_space<smem>>
      memref.store %swap3A_221, %arg7[%swap3A_223] : memref<16xi32, #tpu.memory_space<smem>>
      %swap3A_225 = arith.constant 36 : i32
      %swap3A_226 = arith.constant 9 : i32
      %swap3A_227 = arith.index_cast %swap3A_226 : i32 to index
      %swap3A_228 = memref.load %arg7[%swap3A_227] : memref<16xi32, #tpu.memory_space<smem>>
      memref.store %swap3A_225, %arg7[%swap3A_227] : memref<16xi32, #tpu.memory_space<smem>>
      %swap3A_229 = arith.constant 2 : i32
      %swap3A_230 = arith.constant 15 : i32
      %swap3A_231 = arith.index_cast %swap3A_230 : i32 to index
      %swap3A_232 = memref.load %arg7[%swap3A_231] : memref<16xi32, #tpu.memory_space<smem>>
      memref.store %swap3A_229, %arg7[%swap3A_231] : memref<16xi32, #tpu.memory_space<smem>>
    } else {
    }
    %eq3A_23 = arith.constant 5 : i32
    %eq3A_24 = arith.cmpi eq, %add3A, %eq3A_23 : i32
    %convert_element_type3A_25 = arith.extui %eq3A_24 : i1 to i32
    %cond3A_26 = arith.constant 0 : i32
    %cond3A_27 = arith.cmpi ne, %convert_element_type3A_25, %cond3A_26 : i32
    scf.if %cond3A_27 {
      %swap3A = arith.constant 6 : i32
      %swap3A_190 = arith.constant 0 : i32
      %swap3A_191 = arith.index_cast %swap3A_190 : i32 to index
      %swap3A_192 = memref.load %arg7[%swap3A_191] : memref<16xi32, #tpu.memory_space<smem>>
      memref.store %swap3A, %arg7[%swap3A_191] : memref<16xi32, #tpu.memory_space<smem>>
      %swap3A_193 = arith.constant 16 : i32
      %swap3A_194 = arith.constant 1 : i32
      %swap3A_195 = arith.index_cast %swap3A_194 : i32 to index
      %swap3A_196 = memref.load %arg7[%swap3A_195] : memref<16xi32, #tpu.memory_space<smem>>
      memref.store %swap3A_193, %arg7[%swap3A_195] : memref<16xi32, #tpu.memory_space<smem>>
      %swap3A_197 = arith.constant 31 : i32
      %swap3A_198 = arith.constant 2 : i32
      %swap3A_199 = arith.index_cast %swap3A_198 : i32 to index
      %swap3A_200 = memref.load %arg7[%swap3A_199] : memref<16xi32, #tpu.memory_space<smem>>
      memref.store %swap3A_197, %arg7[%swap3A_199] : memref<16xi32, #tpu.memory_space<smem>>
      %swap3A_201 = arith.constant 1 : i32
      %swap3A_202 = arith.constant 3 : i32
      %swap3A_203 = arith.index_cast %swap3A_202 : i32 to index
      %swap3A_204 = memref.load %arg7[%swap3A_203] : memref<16xi32, #tpu.memory_space<smem>>
      memref.store %swap3A_201, %arg7[%swap3A_203] : memref<16xi32, #tpu.memory_space<smem>>
      %swap3A_205 = arith.constant 5 : i32
      %swap3A_206 = arith.constant 4 : i32
      %swap3A_207 = arith.index_cast %swap3A_206 : i32 to index
      %swap3A_208 = memref.load %arg7[%swap3A_207] : memref<16xi32, #tpu.memory_space<smem>>
      memref.store %swap3A_205, %arg7[%swap3A_207] : memref<16xi32, #tpu.memory_space<smem>>
      %swap3A_209 = arith.constant 44 : i32
      %swap3A_210 = arith.constant 5 : i32
      %swap3A_211 = arith.index_cast %swap3A_210 : i32 to index
      %swap3A_212 = memref.load %arg7[%swap3A_211] : memref<16xi32, #tpu.memory_space<smem>>
      memref.store %swap3A_209, %arg7[%swap3A_211] : memref<16xi32, #tpu.memory_space<smem>>
      %swap3A_213 = arith.constant 48 : i32
      %swap3A_214 = arith.constant 6 : i32
      %swap3A_215 = arith.index_cast %swap3A_214 : i32 to index
      %swap3A_216 = memref.load %arg7[%swap3A_215] : memref<16xi32, #tpu.memory_space<smem>>
      memref.store %swap3A_213, %arg7[%swap3A_215] : memref<16xi32, #tpu.memory_space<smem>>
      %swap3A_217 = arith.constant 69 : i32
      %swap3A_218 = arith.constant 7 : i32
      %swap3A_219 = arith.index_cast %swap3A_218 : i32 to index
      %swap3A_220 = memref.load %arg7[%swap3A_219] : memref<16xi32, #tpu.memory_space<smem>>
      memref.store %swap3A_217, %arg7[%swap3A_219] : memref<16xi32, #tpu.memory_space<smem>>
      %swap3A_221 = arith.constant 69 : i32
      %swap3A_222 = arith.constant 8 : i32
      %swap3A_223 = arith.index_cast %swap3A_222 : i32 to index
      %swap3A_224 = memref.load %arg7[%swap3A_223] : memref<16xi32, #tpu.memory_space<smem>>
      memref.store %swap3A_221, %arg7[%swap3A_223] : memref<16xi32, #tpu.memory_space<smem>>
      %swap3A_225 = arith.constant 37 : i32
      %swap3A_226 = arith.constant 9 : i32
      %swap3A_227 = arith.index_cast %swap3A_226 : i32 to index
      %swap3A_228 = memref.load %arg7[%swap3A_227] : memref<16xi32, #tpu.memory_space<smem>>
      memref.store %swap3A_225, %arg7[%swap3A_227] : memref<16xi32, #tpu.memory_space<smem>>
      %swap3A_229 = arith.constant 2 : i32
      %swap3A_230 = arith.constant 15 : i32
      %swap3A_231 = arith.index_cast %swap3A_230 : i32 to index
      %swap3A_232 = memref.load %arg7[%swap3A_231] : memref<16xi32, #tpu.memory_space<smem>>
      memref.store %swap3A_229, %arg7[%swap3A_231] : memref<16xi32, #tpu.memory_space<smem>>
    } else {
    }
    %eq3A_28 = arith.constant 6 : i32
    %eq3A_29 = arith.cmpi eq, %add3A, %eq3A_28 : i32
    %convert_element_type3A_30 = arith.extui %eq3A_29 : i1 to i32
    %cond3A_31 = arith.constant 0 : i32
    %cond3A_32 = arith.cmpi ne, %convert_element_type3A_30, %cond3A_31 : i32
    scf.if %cond3A_32 {
      %swap3A = arith.constant 7 : i32
      %swap3A_190 = arith.constant 0 : i32
      %swap3A_191 = arith.index_cast %swap3A_190 : i32 to index
      %swap3A_192 = memref.load %arg7[%swap3A_191] : memref<16xi32, #tpu.memory_space<smem>>
      memref.store %swap3A, %arg7[%swap3A_191] : memref<16xi32, #tpu.memory_space<smem>>
      %swap3A_193 = arith.constant 12 : i32
      %swap3A_194 = arith.constant 1 : i32
      %swap3A_195 = arith.index_cast %swap3A_194 : i32 to index
      %swap3A_196 = memref.load %arg7[%swap3A_195] : memref<16xi32, #tpu.memory_space<smem>>
      memref.store %swap3A_193, %arg7[%swap3A_195] : memref<16xi32, #tpu.memory_space<smem>>
      %swap3A_197 = arith.constant 70 : i32
      %swap3A_198 = arith.constant 2 : i32
      %swap3A_199 = arith.index_cast %swap3A_198 : i32 to index
      %swap3A_200 = memref.load %arg7[%swap3A_199] : memref<16xi32, #tpu.memory_space<smem>>
      memref.store %swap3A_197, %arg7[%swap3A_199] : memref<16xi32, #tpu.memory_space<smem>>
      %swap3A_201 = arith.constant 2 : i32
      %swap3A_202 = arith.constant 3 : i32
      %swap3A_203 = arith.index_cast %swap3A_202 : i32 to index
      %swap3A_204 = memref.load %arg7[%swap3A_203] : memref<16xi32, #tpu.memory_space<smem>>
      memref.store %swap3A_201, %arg7[%swap3A_203] : memref<16xi32, #tpu.memory_space<smem>>
      %swap3A_205 = arith.constant 6 : i32
      %swap3A_206 = arith.constant 4 : i32
      %swap3A_207 = arith.index_cast %swap3A_206 : i32 to index
      %swap3A_208 = memref.load %arg7[%swap3A_207] : memref<16xi32, #tpu.memory_space<smem>>
      memref.store %swap3A_205, %arg7[%swap3A_207] : memref<16xi32, #tpu.memory_space<smem>>
      %swap3A_209 = arith.constant 45 : i32
      %swap3A_210 = arith.constant 5 : i32
      %swap3A_211 = arith.index_cast %swap3A_210 : i32 to index
      %swap3A_212 = memref.load %arg7[%swap3A_211] : memref<16xi32, #tpu.memory_space<smem>>
      memref.store %swap3A_209, %arg7[%swap3A_211] : memref<16xi32, #tpu.memory_space<smem>>
      %swap3A_213 = arith.constant 1 : i32
      %swap3A_214 = arith.constant 6 : i32
      %swap3A_215 = arith.index_cast %swap3A_214 : i32 to index
      %swap3A_216 = memref.load %arg7[%swap3A_215] : memref<16xi32, #tpu.memory_space<smem>>
      memref.store %swap3A_213, %arg7[%swap3A_215] : memref<16xi32, #tpu.memory_space<smem>>
      %swap3A_217 = arith.constant 71 : i32
      %swap3A_218 = arith.constant 7 : i32
      %swap3A_219 = arith.index_cast %swap3A_218 : i32 to index
      %swap3A_220 = memref.load %arg7[%swap3A_219] : memref<16xi32, #tpu.memory_space<smem>>
      memref.store %swap3A_217, %arg7[%swap3A_219] : memref<16xi32, #tpu.memory_space<smem>>
      %swap3A_221 = arith.constant 85 : i32
      %swap3A_222 = arith.constant 8 : i32
      %swap3A_223 = arith.index_cast %swap3A_222 : i32 to index
      %swap3A_224 = memref.load %arg7[%swap3A_223] : memref<16xi32, #tpu.memory_space<smem>>
      memref.store %swap3A_221, %arg7[%swap3A_223] : memref<16xi32, #tpu.memory_space<smem>>
      %swap3A_225 = arith.constant 38 : i32
      %swap3A_226 = arith.constant 9 : i32
      %swap3A_227 = arith.index_cast %swap3A_226 : i32 to index
      %swap3A_228 = memref.load %arg7[%swap3A_227] : memref<16xi32, #tpu.memory_space<smem>>
      memref.store %swap3A_225, %arg7[%swap3A_227] : memref<16xi32, #tpu.memory_space<smem>>
      %swap3A_229 = arith.constant 2 : i32
      %swap3A_230 = arith.constant 15 : i32
      %swap3A_231 = arith.index_cast %swap3A_230 : i32 to index
      %swap3A_232 = memref.load %arg7[%swap3A_231] : memref<16xi32, #tpu.memory_space<smem>>
      memref.store %swap3A_229, %arg7[%swap3A_231] : memref<16xi32, #tpu.memory_space<smem>>
    } else {
    }
    %eq3A_33 = arith.constant 7 : i32
    %eq3A_34 = arith.cmpi eq, %add3A, %eq3A_33 : i32
    %convert_element_type3A_35 = arith.extui %eq3A_34 : i1 to i32
    %cond3A_36 = arith.constant 0 : i32
    %cond3A_37 = arith.cmpi ne, %convert_element_type3A_35, %cond3A_36 : i32
    scf.if %cond3A_37 {
      %swap3A = arith.constant 8 : i32
      %swap3A_190 = arith.constant 0 : i32
      %swap3A_191 = arith.index_cast %swap3A_190 : i32 to index
      %swap3A_192 = memref.load %arg7[%swap3A_191] : memref<16xi32, #tpu.memory_space<smem>>
      memref.store %swap3A, %arg7[%swap3A_191] : memref<16xi32, #tpu.memory_space<smem>>
      %swap3A_193 = arith.constant 25 : i32
      %swap3A_194 = arith.constant 1 : i32
      %swap3A_195 = arith.index_cast %swap3A_194 : i32 to index
      %swap3A_196 = memref.load %arg7[%swap3A_195] : memref<16xi32, #tpu.memory_space<smem>>
      memref.store %swap3A_193, %arg7[%swap3A_195] : memref<16xi32, #tpu.memory_space<smem>>
      %swap3A_197 = arith.constant 58 : i32
      %swap3A_198 = arith.constant 2 : i32
      %swap3A_199 = arith.index_cast %swap3A_198 : i32 to index
      %swap3A_200 = memref.load %arg7[%swap3A_199] : memref<16xi32, #tpu.memory_space<smem>>
      memref.store %swap3A_197, %arg7[%swap3A_199] : memref<16xi32, #tpu.memory_space<smem>>
      %swap3A_201 = arith.constant 112 : i32
      %swap3A_202 = arith.constant 3 : i32
      %swap3A_203 = arith.index_cast %swap3A_202 : i32 to index
      %swap3A_204 = memref.load %arg7[%swap3A_203] : memref<16xi32, #tpu.memory_space<smem>>
      memref.store %swap3A_201, %arg7[%swap3A_203] : memref<16xi32, #tpu.memory_space<smem>>
      %swap3A_205 = arith.constant 7 : i32
      %swap3A_206 = arith.constant 4 : i32
      %swap3A_207 = arith.index_cast %swap3A_206 : i32 to index
      %swap3A_208 = memref.load %arg7[%swap3A_207] : memref<16xi32, #tpu.memory_space<smem>>
      memref.store %swap3A_205, %arg7[%swap3A_207] : memref<16xi32, #tpu.memory_space<smem>>
      %swap3A_209 = arith.constant 46 : i32
      %swap3A_210 = arith.constant 5 : i32
      %swap3A_211 = arith.index_cast %swap3A_210 : i32 to index
      %swap3A_212 = memref.load %arg7[%swap3A_211] : memref<16xi32, #tpu.memory_space<smem>>
      memref.store %swap3A_209, %arg7[%swap3A_211] : memref<16xi32, #tpu.memory_space<smem>>
      %swap3A_213 = arith.constant 21 : i32
      %swap3A_214 = arith.constant 6 : i32
      %swap3A_215 = arith.index_cast %swap3A_214 : i32 to index
      %swap3A_216 = memref.load %arg7[%swap3A_215] : memref<16xi32, #tpu.memory_space<smem>>
      memref.store %swap3A_213, %arg7[%swap3A_215] : memref<16xi32, #tpu.memory_space<smem>>
      %swap3A_217 = arith.constant 26 : i32
      %swap3A_218 = arith.constant 7 : i32
      %swap3A_219 = arith.index_cast %swap3A_218 : i32 to index
      %swap3A_220 = memref.load %arg7[%swap3A_219] : memref<16xi32, #tpu.memory_space<smem>>
      memref.store %swap3A_217, %arg7[%swap3A_219] : memref<16xi32, #tpu.memory_space<smem>>
      %swap3A_221 = arith.constant 10 : i32
      %swap3A_222 = arith.constant 8 : i32
      %swap3A_223 = arith.index_cast %swap3A_222 : i32 to index
      %swap3A_224 = memref.load %arg7[%swap3A_223] : memref<16xi32, #tpu.memory_space<smem>>
      memref.store %swap3A_221, %arg7[%swap3A_223] : memref<16xi32, #tpu.memory_space<smem>>
      %swap3A_225 = arith.constant 39 : i32
      %swap3A_226 = arith.constant 9 : i32
      %swap3A_227 = arith.index_cast %swap3A_226 : i32 to index
      %swap3A_228 = memref.load %arg7[%swap3A_227] : memref<16xi32, #tpu.memory_space<smem>>
      memref.store %swap3A_225, %arg7[%swap3A_227] : memref<16xi32, #tpu.memory_space<smem>>
      %swap3A_229 = arith.constant 2 : i32
      %swap3A_230 = arith.constant 15 : i32
      %swap3A_231 = arith.index_cast %swap3A_230 : i32 to index
      %swap3A_232 = memref.load %arg7[%swap3A_231] : memref<16xi32, #tpu.memory_space<smem>>
      memref.store %swap3A_229, %arg7[%swap3A_231] : memref<16xi32, #tpu.memory_space<smem>>
    } else {
    }
    %eq3A_38 = arith.constant 8 : i32
    %eq3A_39 = arith.cmpi eq, %add3A, %eq3A_38 : i32
    %convert_element_type3A_40 = arith.extui %eq3A_39 : i1 to i32
    %cond3A_41 = arith.constant 0 : i32
    %cond3A_42 = arith.cmpi ne, %convert_element_type3A_40, %cond3A_41 : i32
    scf.if %cond3A_42 {
      %swap3A = arith.constant 9 : i32
      %swap3A_190 = arith.constant 0 : i32
      %swap3A_191 = arith.index_cast %swap3A_190 : i32 to index
      %swap3A_192 = memref.load %arg7[%swap3A_191] : memref<16xi32, #tpu.memory_space<smem>>
      memref.store %swap3A, %arg7[%swap3A_191] : memref<16xi32, #tpu.memory_space<smem>>
      %swap3A_193 = arith.constant 61 : i32
      %swap3A_194 = arith.constant 1 : i32
      %swap3A_195 = arith.index_cast %swap3A_194 : i32 to index
      %swap3A_196 = memref.load %arg7[%swap3A_195] : memref<16xi32, #tpu.memory_space<smem>>
      memref.store %swap3A_193, %arg7[%swap3A_195] : memref<16xi32, #tpu.memory_space<smem>>
      %swap3A_197 = arith.constant 114 : i32
      %swap3A_198 = arith.constant 2 : i32
      %swap3A_199 = arith.index_cast %swap3A_198 : i32 to index
      %swap3A_200 = memref.load %arg7[%swap3A_199] : memref<16xi32, #tpu.memory_space<smem>>
      memref.store %swap3A_197, %arg7[%swap3A_199] : memref<16xi32, #tpu.memory_space<smem>>
      %swap3A_201 = arith.constant 100 : i32
      %swap3A_202 = arith.constant 3 : i32
      %swap3A_203 = arith.index_cast %swap3A_202 : i32 to index
      %swap3A_204 = memref.load %arg7[%swap3A_203] : memref<16xi32, #tpu.memory_space<smem>>
      memref.store %swap3A_201, %arg7[%swap3A_203] : memref<16xi32, #tpu.memory_space<smem>>
      %swap3A_205 = arith.constant 8 : i32
      %swap3A_206 = arith.constant 4 : i32
      %swap3A_207 = arith.index_cast %swap3A_206 : i32 to index
      %swap3A_208 = memref.load %arg7[%swap3A_207] : memref<16xi32, #tpu.memory_space<smem>>
      memref.store %swap3A_205, %arg7[%swap3A_207] : memref<16xi32, #tpu.memory_space<smem>>
      %swap3A_209 = arith.constant 47 : i32
      %swap3A_210 = arith.constant 5 : i32
      %swap3A_211 = arith.index_cast %swap3A_210 : i32 to index
      %swap3A_212 = memref.load %arg7[%swap3A_211] : memref<16xi32, #tpu.memory_space<smem>>
      memref.store %swap3A_209, %arg7[%swap3A_211] : memref<16xi32, #tpu.memory_space<smem>>
      %swap3A_213 = arith.constant 2 : i32
      %swap3A_214 = arith.constant 6 : i32
      %swap3A_215 = arith.index_cast %swap3A_214 : i32 to index
      %swap3A_216 = memref.load %arg7[%swap3A_215] : memref<16xi32, #tpu.memory_space<smem>>
      memref.store %swap3A_213, %arg7[%swap3A_215] : memref<16xi32, #tpu.memory_space<smem>>
      %swap3A_217 = arith.constant 8 : i32
      %swap3A_218 = arith.constant 7 : i32
      %swap3A_219 = arith.index_cast %swap3A_218 : i32 to index
      %swap3A_220 = memref.load %arg7[%swap3A_219] : memref<16xi32, #tpu.memory_space<smem>>
      memref.store %swap3A_217, %arg7[%swap3A_219] : memref<16xi32, #tpu.memory_space<smem>>
      %swap3A_221 = arith.constant 111 : i32
      %swap3A_222 = arith.constant 8 : i32
      %swap3A_223 = arith.index_cast %swap3A_222 : i32 to index
      %swap3A_224 = memref.load %arg7[%swap3A_223] : memref<16xi32, #tpu.memory_space<smem>>
      memref.store %swap3A_221, %arg7[%swap3A_223] : memref<16xi32, #tpu.memory_space<smem>>
      %swap3A_225 = arith.constant 40 : i32
      %swap3A_226 = arith.constant 9 : i32
      %swap3A_227 = arith.index_cast %swap3A_226 : i32 to index
      %swap3A_228 = memref.load %arg7[%swap3A_227] : memref<16xi32, #tpu.memory_space<smem>>
      memref.store %swap3A_225, %arg7[%swap3A_227] : memref<16xi32, #tpu.memory_space<smem>>
      %swap3A_229 = arith.constant 2 : i32
      %swap3A_230 = arith.constant 15 : i32
      %swap3A_231 = arith.index_cast %swap3A_230 : i32 to index
      %swap3A_232 = memref.load %arg7[%swap3A_231] : memref<16xi32, #tpu.memory_space<smem>>
      memref.store %swap3A_229, %arg7[%swap3A_231] : memref<16xi32, #tpu.memory_space<smem>>
    } else {
    }
    %eq3A_43 = arith.constant 9 : i32
    %eq3A_44 = arith.cmpi eq, %add3A, %eq3A_43 : i32
    %convert_element_type3A_45 = arith.extui %eq3A_44 : i1 to i32
    %cond3A_46 = arith.constant 0 : i32
    %cond3A_47 = arith.cmpi ne, %convert_element_type3A_45, %cond3A_46 : i32
    scf.if %cond3A_47 {
      %swap3A = arith.constant 10 : i32
      %swap3A_190 = arith.constant 0 : i32
      %swap3A_191 = arith.index_cast %swap3A_190 : i32 to index
      %swap3A_192 = memref.load %arg7[%swap3A_191] : memref<16xi32, #tpu.memory_space<smem>>
      memref.store %swap3A, %arg7[%swap3A_191] : memref<16xi32, #tpu.memory_space<smem>>
      %swap3A_193 = arith.constant 56 : i32
      %swap3A_194 = arith.constant 1 : i32
      %swap3A_195 = arith.index_cast %swap3A_194 : i32 to index
      %swap3A_196 = memref.load %arg7[%swap3A_195] : memref<16xi32, #tpu.memory_space<smem>>
      memref.store %swap3A_193, %arg7[%swap3A_195] : memref<16xi32, #tpu.memory_space<smem>>
      %swap3A_197 = arith.constant 85 : i32
      %swap3A_198 = arith.constant 2 : i32
      %swap3A_199 = arith.index_cast %swap3A_198 : i32 to index
      %swap3A_200 = memref.load %arg7[%swap3A_199] : memref<16xi32, #tpu.memory_space<smem>>
      memref.store %swap3A_197, %arg7[%swap3A_199] : memref<16xi32, #tpu.memory_space<smem>>
      %swap3A_201 = arith.constant 112 : i32
      %swap3A_202 = arith.constant 3 : i32
      %swap3A_203 = arith.index_cast %swap3A_202 : i32 to index
      %swap3A_204 = memref.load %arg7[%swap3A_203] : memref<16xi32, #tpu.memory_space<smem>>
      memref.store %swap3A_201, %arg7[%swap3A_203] : memref<16xi32, #tpu.memory_space<smem>>
      %swap3A_205 = arith.constant 9 : i32
      %swap3A_206 = arith.constant 4 : i32
      %swap3A_207 = arith.index_cast %swap3A_206 : i32 to index
      %swap3A_208 = memref.load %arg7[%swap3A_207] : memref<16xi32, #tpu.memory_space<smem>>
      memref.store %swap3A_205, %arg7[%swap3A_207] : memref<16xi32, #tpu.memory_space<smem>>
      %swap3A_209 = arith.constant 48 : i32
      %swap3A_210 = arith.constant 5 : i32
      %swap3A_211 = arith.index_cast %swap3A_210 : i32 to index
      %swap3A_212 = memref.load %arg7[%swap3A_211] : memref<16xi32, #tpu.memory_space<smem>>
      memref.store %swap3A_209, %arg7[%swap3A_211] : memref<16xi32, #tpu.memory_space<smem>>
      %swap3A_213 = arith.constant 62 : i32
      %swap3A_214 = arith.constant 6 : i32
      %swap3A_215 = arith.index_cast %swap3A_214 : i32 to index
      %swap3A_216 = memref.load %arg7[%swap3A_215] : memref<16xi32, #tpu.memory_space<smem>>
      memref.store %swap3A_213, %arg7[%swap3A_215] : memref<16xi32, #tpu.memory_space<smem>>
      %swap3A_217 = arith.constant 61 : i32
      %swap3A_218 = arith.constant 7 : i32
      %swap3A_219 = arith.index_cast %swap3A_218 : i32 to index
      %swap3A_220 = memref.load %arg7[%swap3A_219] : memref<16xi32, #tpu.memory_space<smem>>
      memref.store %swap3A_217, %arg7[%swap3A_219] : memref<16xi32, #tpu.memory_space<smem>>
      %swap3A_221 = arith.constant 15 : i32
      %swap3A_222 = arith.constant 8 : i32
      %swap3A_223 = arith.index_cast %swap3A_222 : i32 to index
      %swap3A_224 = memref.load %arg7[%swap3A_223] : memref<16xi32, #tpu.memory_space<smem>>
      memref.store %swap3A_221, %arg7[%swap3A_223] : memref<16xi32, #tpu.memory_space<smem>>
      %swap3A_225 = arith.constant 41 : i32
      %swap3A_226 = arith.constant 9 : i32
      %swap3A_227 = arith.index_cast %swap3A_226 : i32 to index
      %swap3A_228 = memref.load %arg7[%swap3A_227] : memref<16xi32, #tpu.memory_space<smem>>
      memref.store %swap3A_225, %arg7[%swap3A_227] : memref<16xi32, #tpu.memory_space<smem>>
      %swap3A_229 = arith.constant 2 : i32
      %swap3A_230 = arith.constant 15 : i32
      %swap3A_231 = arith.index_cast %swap3A_230 : i32 to index
      %swap3A_232 = memref.load %arg7[%swap3A_231] : memref<16xi32, #tpu.memory_space<smem>>
      memref.store %swap3A_229, %arg7[%swap3A_231] : memref<16xi32, #tpu.memory_space<smem>>
    } else {
    }
    %eq3A_48 = arith.constant 10 : i32
    %eq3A_49 = arith.cmpi eq, %add3A, %eq3A_48 : i32
    %convert_element_type3A_50 = arith.extui %eq3A_49 : i1 to i32
    %cond3A_51 = arith.constant 0 : i32
    %cond3A_52 = arith.cmpi ne, %convert_element_type3A_50, %cond3A_51 : i32
    scf.if %cond3A_52 {
      %swap3A = arith.constant 11 : i32
      %swap3A_190 = arith.constant 0 : i32
      %swap3A_191 = arith.index_cast %swap3A_190 : i32 to index
      %swap3A_192 = memref.load %arg7[%swap3A_191] : memref<16xi32, #tpu.memory_space<smem>>
      memref.store %swap3A, %arg7[%swap3A_191] : memref<16xi32, #tpu.memory_space<smem>>
      %swap3A_193 = arith.constant 9 : i32
      %swap3A_194 = arith.constant 1 : i32
      %swap3A_195 = arith.index_cast %swap3A_194 : i32 to index
      %swap3A_196 = memref.load %arg7[%swap3A_195] : memref<16xi32, #tpu.memory_space<smem>>
      memref.store %swap3A_193, %arg7[%swap3A_195] : memref<16xi32, #tpu.memory_space<smem>>
      %swap3A_197 = arith.constant 27 : i32
      %swap3A_198 = arith.constant 2 : i32
      %swap3A_199 = arith.index_cast %swap3A_198 : i32 to index
      %swap3A_200 = memref.load %arg7[%swap3A_199] : memref<16xi32, #tpu.memory_space<smem>>
      memref.store %swap3A_197, %arg7[%swap3A_199] : memref<16xi32, #tpu.memory_space<smem>>
      %swap3A_201 = arith.constant 55 : i32
      %swap3A_202 = arith.constant 3 : i32
      %swap3A_203 = arith.index_cast %swap3A_202 : i32 to index
      %swap3A_204 = memref.load %arg7[%swap3A_203] : memref<16xi32, #tpu.memory_space<smem>>
      memref.store %swap3A_201, %arg7[%swap3A_203] : memref<16xi32, #tpu.memory_space<smem>>
      %swap3A_205 = arith.constant 10 : i32
      %swap3A_206 = arith.constant 4 : i32
      %swap3A_207 = arith.index_cast %swap3A_206 : i32 to index
      %swap3A_208 = memref.load %arg7[%swap3A_207] : memref<16xi32, #tpu.memory_space<smem>>
      memref.store %swap3A_205, %arg7[%swap3A_207] : memref<16xi32, #tpu.memory_space<smem>>
      %swap3A_209 = arith.constant 49 : i32
      %swap3A_210 = arith.constant 5 : i32
      %swap3A_211 = arith.index_cast %swap3A_210 : i32 to index
      %swap3A_212 = memref.load %arg7[%swap3A_211] : memref<16xi32, #tpu.memory_space<smem>>
      memref.store %swap3A_209, %arg7[%swap3A_211] : memref<16xi32, #tpu.memory_space<smem>>
      %swap3A_213 = arith.constant 39 : i32
      %swap3A_214 = arith.constant 6 : i32
      %swap3A_215 = arith.index_cast %swap3A_214 : i32 to index
      %swap3A_216 = memref.load %arg7[%swap3A_215] : memref<16xi32, #tpu.memory_space<smem>>
      memref.store %swap3A_213, %arg7[%swap3A_215] : memref<16xi32, #tpu.memory_space<smem>>
      %swap3A_217 = arith.constant 36 : i32
      %swap3A_218 = arith.constant 7 : i32
      %swap3A_219 = arith.index_cast %swap3A_218 : i32 to index
      %swap3A_220 = memref.load %arg7[%swap3A_219] : memref<16xi32, #tpu.memory_space<smem>>
      memref.store %swap3A_217, %arg7[%swap3A_219] : memref<16xi32, #tpu.memory_space<smem>>
      %swap3A_221 = arith.constant 96 : i32
      %swap3A_222 = arith.constant 8 : i32
      %swap3A_223 = arith.index_cast %swap3A_222 : i32 to index
      %swap3A_224 = memref.load %arg7[%swap3A_223] : memref<16xi32, #tpu.memory_space<smem>>
      memref.store %swap3A_221, %arg7[%swap3A_223] : memref<16xi32, #tpu.memory_space<smem>>
      %swap3A_225 = arith.constant 42 : i32
      %swap3A_226 = arith.constant 9 : i32
      %swap3A_227 = arith.index_cast %swap3A_226 : i32 to index
      %swap3A_228 = memref.load %arg7[%swap3A_227] : memref<16xi32, #tpu.memory_space<smem>>
      memref.store %swap3A_225, %arg7[%swap3A_227] : memref<16xi32, #tpu.memory_space<smem>>
      %swap3A_229 = arith.constant 2 : i32
      %swap3A_230 = arith.constant 15 : i32
      %swap3A_231 = arith.index_cast %swap3A_230 : i32 to index
      %swap3A_232 = memref.load %arg7[%swap3A_231] : memref<16xi32, #tpu.memory_space<smem>>
      memref.store %swap3A_229, %arg7[%swap3A_231] : memref<16xi32, #tpu.memory_space<smem>>
    } else {
    }
    %eq3A_53 = arith.constant 11 : i32
    %eq3A_54 = arith.cmpi eq, %add3A, %eq3A_53 : i32
    %convert_element_type3A_55 = arith.extui %eq3A_54 : i1 to i32
    %cond3A_56 = arith.constant 0 : i32
    %cond3A_57 = arith.cmpi ne, %convert_element_type3A_55, %cond3A_56 : i32
    scf.if %cond3A_57 {
      %swap3A = arith.constant 12 : i32
      %swap3A_190 = arith.constant 0 : i32
      %swap3A_191 = arith.index_cast %swap3A_190 : i32 to index
      %swap3A_192 = memref.load %arg7[%swap3A_191] : memref<16xi32, #tpu.memory_space<smem>>
      memref.store %swap3A, %arg7[%swap3A_191] : memref<16xi32, #tpu.memory_space<smem>>
      %swap3A_193 = arith.constant 40 : i32
      %swap3A_194 = arith.constant 1 : i32
      %swap3A_195 = arith.index_cast %swap3A_194 : i32 to index
      %swap3A_196 = memref.load %arg7[%swap3A_195] : memref<16xi32, #tpu.memory_space<smem>>
      memref.store %swap3A_193, %arg7[%swap3A_195] : memref<16xi32, #tpu.memory_space<smem>>
      %swap3A_197 = arith.constant 65 : i32
      %swap3A_198 = arith.constant 2 : i32
      %swap3A_199 = arith.index_cast %swap3A_198 : i32 to index
      %swap3A_200 = memref.load %arg7[%swap3A_199] : memref<16xi32, #tpu.memory_space<smem>>
      memref.store %swap3A_197, %arg7[%swap3A_199] : memref<16xi32, #tpu.memory_space<smem>>
      %swap3A_201 = arith.constant 80 : i32
      %swap3A_202 = arith.constant 3 : i32
      %swap3A_203 = arith.index_cast %swap3A_202 : i32 to index
      %swap3A_204 = memref.load %arg7[%swap3A_203] : memref<16xi32, #tpu.memory_space<smem>>
      memref.store %swap3A_201, %arg7[%swap3A_203] : memref<16xi32, #tpu.memory_space<smem>>
      %swap3A_205 = arith.constant 11 : i32
      %swap3A_206 = arith.constant 4 : i32
      %swap3A_207 = arith.index_cast %swap3A_206 : i32 to index
      %swap3A_208 = memref.load %arg7[%swap3A_207] : memref<16xi32, #tpu.memory_space<smem>>
      memref.store %swap3A_205, %arg7[%swap3A_207] : memref<16xi32, #tpu.memory_space<smem>>
      %swap3A_209 = arith.constant 50 : i32
      %swap3A_210 = arith.constant 5 : i32
      %swap3A_211 = arith.index_cast %swap3A_210 : i32 to index
      %swap3A_212 = memref.load %arg7[%swap3A_211] : memref<16xi32, #tpu.memory_space<smem>>
      memref.store %swap3A_209, %arg7[%swap3A_211] : memref<16xi32, #tpu.memory_space<smem>>
      %swap3A_213 = arith.constant 35 : i32
      %swap3A_214 = arith.constant 6 : i32
      %swap3A_215 = arith.index_cast %swap3A_214 : i32 to index
      %swap3A_216 = memref.load %arg7[%swap3A_215] : memref<16xi32, #tpu.memory_space<smem>>
      memref.store %swap3A_213, %arg7[%swap3A_215] : memref<16xi32, #tpu.memory_space<smem>>
      %swap3A_217 = arith.constant 96 : i32
      %swap3A_218 = arith.constant 7 : i32
      %swap3A_219 = arith.index_cast %swap3A_218 : i32 to index
      %swap3A_220 = memref.load %arg7[%swap3A_219] : memref<16xi32, #tpu.memory_space<smem>>
      memref.store %swap3A_217, %arg7[%swap3A_219] : memref<16xi32, #tpu.memory_space<smem>>
      %swap3A_221 = arith.constant 72 : i32
      %swap3A_222 = arith.constant 8 : i32
      %swap3A_223 = arith.index_cast %swap3A_222 : i32 to index
      %swap3A_224 = memref.load %arg7[%swap3A_223] : memref<16xi32, #tpu.memory_space<smem>>
      memref.store %swap3A_221, %arg7[%swap3A_223] : memref<16xi32, #tpu.memory_space<smem>>
      %swap3A_225 = arith.constant 43 : i32
      %swap3A_226 = arith.constant 9 : i32
      %swap3A_227 = arith.index_cast %swap3A_226 : i32 to index
      %swap3A_228 = memref.load %arg7[%swap3A_227] : memref<16xi32, #tpu.memory_space<smem>>
      memref.store %swap3A_225, %arg7[%swap3A_227] : memref<16xi32, #tpu.memory_space<smem>>
      %swap3A_229 = arith.constant 2 : i32
      %swap3A_230 = arith.constant 15 : i32
      %swap3A_231 = arith.index_cast %swap3A_230 : i32 to index
      %swap3A_232 = memref.load %arg7[%swap3A_231] : memref<16xi32, #tpu.memory_space<smem>>
      memref.store %swap3A_229, %arg7[%swap3A_231] : memref<16xi32, #tpu.memory_space<smem>>
    } else {
    }
    %eq3A_58 = arith.constant 12 : i32
    %eq3A_59 = arith.cmpi eq, %add3A, %eq3A_58 : i32
    %convert_element_type3A_60 = arith.extui %eq3A_59 : i1 to i32
    %cond3A_61 = arith.constant 0 : i32
    %cond3A_62 = arith.cmpi ne, %convert_element_type3A_60, %cond3A_61 : i32
    scf.if %cond3A_62 {
      %swap3A = arith.constant 13 : i32
      %swap3A_190 = arith.constant 0 : i32
      %swap3A_191 = arith.index_cast %swap3A_190 : i32 to index
      %swap3A_192 = memref.load %arg7[%swap3A_191] : memref<16xi32, #tpu.memory_space<smem>>
      memref.store %swap3A, %arg7[%swap3A_191] : memref<16xi32, #tpu.memory_space<smem>>
      %swap3A_193 = arith.constant 13 : i32
      %swap3A_194 = arith.constant 1 : i32
      %swap3A_195 = arith.index_cast %swap3A_194 : i32 to index
      %swap3A_196 = memref.load %arg7[%swap3A_195] : memref<16xi32, #tpu.memory_space<smem>>
      memref.store %swap3A_193, %arg7[%swap3A_195] : memref<16xi32, #tpu.memory_space<smem>>
      %swap3A_197 = arith.constant 41 : i32
      %swap3A_198 = arith.constant 2 : i32
      %swap3A_199 = arith.index_cast %swap3A_198 : i32 to index
      %swap3A_200 = memref.load %arg7[%swap3A_199] : memref<16xi32, #tpu.memory_space<smem>>
      memref.store %swap3A_197, %arg7[%swap3A_199] : memref<16xi32, #tpu.memory_space<smem>>
      %swap3A_201 = arith.constant 58 : i32
      %swap3A_202 = arith.constant 3 : i32
      %swap3A_203 = arith.index_cast %swap3A_202 : i32 to index
      %swap3A_204 = memref.load %arg7[%swap3A_203] : memref<16xi32, #tpu.memory_space<smem>>
      memref.store %swap3A_201, %arg7[%swap3A_203] : memref<16xi32, #tpu.memory_space<smem>>
      %swap3A_205 = arith.constant 12 : i32
      %swap3A_206 = arith.constant 4 : i32
      %swap3A_207 = arith.index_cast %swap3A_206 : i32 to index
      %swap3A_208 = memref.load %arg7[%swap3A_207] : memref<16xi32, #tpu.memory_space<smem>>
      memref.store %swap3A_205, %arg7[%swap3A_207] : memref<16xi32, #tpu.memory_space<smem>>
      %swap3A_209 = arith.constant 51 : i32
      %swap3A_210 = arith.constant 5 : i32
      %swap3A_211 = arith.index_cast %swap3A_210 : i32 to index
      %swap3A_212 = memref.load %arg7[%swap3A_211] : memref<16xi32, #tpu.memory_space<smem>>
      memref.store %swap3A_209, %arg7[%swap3A_211] : memref<16xi32, #tpu.memory_space<smem>>
      %swap3A_213 = arith.constant 23 : i32
      %swap3A_214 = arith.constant 6 : i32
      %swap3A_215 = arith.index_cast %swap3A_214 : i32 to index
      %swap3A_216 = memref.load %arg7[%swap3A_215] : memref<16xi32, #tpu.memory_space<smem>>
      memref.store %swap3A_213, %arg7[%swap3A_215] : memref<16xi32, #tpu.memory_space<smem>>
      %swap3A_217 = arith.constant 50 : i32
      %swap3A_218 = arith.constant 7 : i32
      %swap3A_219 = arith.index_cast %swap3A_218 : i32 to index
      %swap3A_220 = memref.load %arg7[%swap3A_219] : memref<16xi32, #tpu.memory_space<smem>>
      memref.store %swap3A_217, %arg7[%swap3A_219] : memref<16xi32, #tpu.memory_space<smem>>
      %swap3A_221 = arith.constant 123 : i32
      %swap3A_222 = arith.constant 8 : i32
      %swap3A_223 = arith.index_cast %swap3A_222 : i32 to index
      %swap3A_224 = memref.load %arg7[%swap3A_223] : memref<16xi32, #tpu.memory_space<smem>>
      memref.store %swap3A_221, %arg7[%swap3A_223] : memref<16xi32, #tpu.memory_space<smem>>
      %swap3A_225 = arith.constant 44 : i32
      %swap3A_226 = arith.constant 9 : i32
      %swap3A_227 = arith.index_cast %swap3A_226 : i32 to index
      %swap3A_228 = memref.load %arg7[%swap3A_227] : memref<16xi32, #tpu.memory_space<smem>>
      memref.store %swap3A_225, %arg7[%swap3A_227] : memref<16xi32, #tpu.memory_space<smem>>
      %swap3A_229 = arith.constant 2 : i32
      %swap3A_230 = arith.constant 15 : i32
      %swap3A_231 = arith.index_cast %swap3A_230 : i32 to index
      %swap3A_232 = memref.load %arg7[%swap3A_231] : memref<16xi32, #tpu.memory_space<smem>>
      memref.store %swap3A_229, %arg7[%swap3A_231] : memref<16xi32, #tpu.memory_space<smem>>
    } else {
    }
    %eq3A_63 = arith.constant 13 : i32
    %eq3A_64 = arith.cmpi eq, %add3A, %eq3A_63 : i32
    %convert_element_type3A_65 = arith.extui %eq3A_64 : i1 to i32
    %cond3A_66 = arith.constant 0 : i32
    %cond3A_67 = arith.cmpi ne, %convert_element_type3A_65, %cond3A_66 : i32
    scf.if %cond3A_67 {
      %swap3A = arith.constant 15 : i32
      %swap3A_190 = arith.constant 0 : i32
      %swap3A_191 = arith.index_cast %swap3A_190 : i32 to index
      %swap3A_192 = memref.load %arg7[%swap3A_191] : memref<16xi32, #tpu.memory_space<smem>>
      memref.store %swap3A, %arg7[%swap3A_191] : memref<16xi32, #tpu.memory_space<smem>>
      %swap3A_193 = arith.constant 50 : i32
      %swap3A_194 = arith.constant 1 : i32
      %swap3A_195 = arith.index_cast %swap3A_194 : i32 to index
      %swap3A_196 = memref.load %arg7[%swap3A_195] : memref<16xi32, #tpu.memory_space<smem>>
      memref.store %swap3A_193, %arg7[%swap3A_195] : memref<16xi32, #tpu.memory_space<smem>>
      %swap3A_197 = arith.constant 61 : i32
      %swap3A_198 = arith.constant 2 : i32
      %swap3A_199 = arith.index_cast %swap3A_198 : i32 to index
      %swap3A_200 = memref.load %arg7[%swap3A_199] : memref<16xi32, #tpu.memory_space<smem>>
      memref.store %swap3A_197, %arg7[%swap3A_199] : memref<16xi32, #tpu.memory_space<smem>>
      %swap3A_201 = arith.constant 1 : i32
      %swap3A_202 = arith.constant 3 : i32
      %swap3A_203 = arith.index_cast %swap3A_202 : i32 to index
      %swap3A_204 = memref.load %arg7[%swap3A_203] : memref<16xi32, #tpu.memory_space<smem>>
      memref.store %swap3A_201, %arg7[%swap3A_203] : memref<16xi32, #tpu.memory_space<smem>>
      %swap3A_205 = arith.constant 13 : i32
      %swap3A_206 = arith.constant 4 : i32
      %swap3A_207 = arith.index_cast %swap3A_206 : i32 to index
      %swap3A_208 = memref.load %arg7[%swap3A_207] : memref<16xi32, #tpu.memory_space<smem>>
      memref.store %swap3A_205, %arg7[%swap3A_207] : memref<16xi32, #tpu.memory_space<smem>>
      %swap3A_209 = arith.constant 52 : i32
      %swap3A_210 = arith.constant 5 : i32
      %swap3A_211 = arith.index_cast %swap3A_210 : i32 to index
      %swap3A_212 = memref.load %arg7[%swap3A_211] : memref<16xi32, #tpu.memory_space<smem>>
      memref.store %swap3A_209, %arg7[%swap3A_211] : memref<16xi32, #tpu.memory_space<smem>>
      %swap3A_213 = arith.constant 53 : i32
      %swap3A_214 = arith.constant 6 : i32
      %swap3A_215 = arith.index_cast %swap3A_214 : i32 to index
      %swap3A_216 = memref.load %arg7[%swap3A_215] : memref<16xi32, #tpu.memory_space<smem>>
      memref.store %swap3A_213, %arg7[%swap3A_215] : memref<16xi32, #tpu.memory_space<smem>>
      %swap3A_217 = arith.constant 105 : i32
      %swap3A_218 = arith.constant 7 : i32
      %swap3A_219 = arith.index_cast %swap3A_218 : i32 to index
      %swap3A_220 = memref.load %arg7[%swap3A_219] : memref<16xi32, #tpu.memory_space<smem>>
      memref.store %swap3A_217, %arg7[%swap3A_219] : memref<16xi32, #tpu.memory_space<smem>>
      %swap3A_221 = arith.constant 58 : i32
      %swap3A_222 = arith.constant 8 : i32
      %swap3A_223 = arith.index_cast %swap3A_222 : i32 to index
      %swap3A_224 = memref.load %arg7[%swap3A_223] : memref<16xi32, #tpu.memory_space<smem>>
      memref.store %swap3A_221, %arg7[%swap3A_223] : memref<16xi32, #tpu.memory_space<smem>>
      %swap3A_225 = arith.constant 45 : i32
      %swap3A_226 = arith.constant 9 : i32
      %swap3A_227 = arith.index_cast %swap3A_226 : i32 to index
      %swap3A_228 = memref.load %arg7[%swap3A_227] : memref<16xi32, #tpu.memory_space<smem>>
      memref.store %swap3A_225, %arg7[%swap3A_227] : memref<16xi32, #tpu.memory_space<smem>>
      %swap3A_229 = arith.constant 2 : i32
      %swap3A_230 = arith.constant 15 : i32
      %swap3A_231 = arith.index_cast %swap3A_230 : i32 to index
      %swap3A_232 = memref.load %arg7[%swap3A_231] : memref<16xi32, #tpu.memory_space<smem>>
      memref.store %swap3A_229, %arg7[%swap3A_231] : memref<16xi32, #tpu.memory_space<smem>>
    } else {
    }
    %eq3A_68 = arith.constant 14 : i32
    %eq3A_69 = arith.cmpi eq, %add3A, %eq3A_68 : i32
    %convert_element_type3A_70 = arith.extui %eq3A_69 : i1 to i32
    %cond3A_71 = arith.constant 0 : i32
    %cond3A_72 = arith.cmpi ne, %convert_element_type3A_70, %cond3A_71 : i32
    scf.if %cond3A_72 {
      %swap3A = arith.constant 17 : i32
      %swap3A_190 = arith.constant 0 : i32
      %swap3A_191 = arith.index_cast %swap3A_190 : i32 to index
      %swap3A_192 = memref.load %arg7[%swap3A_191] : memref<16xi32, #tpu.memory_space<smem>>
      memref.store %swap3A, %arg7[%swap3A_191] : memref<16xi32, #tpu.memory_space<smem>>
      %swap3A_193 = arith.constant 17 : i32
      %swap3A_194 = arith.constant 1 : i32
      %swap3A_195 = arith.index_cast %swap3A_194 : i32 to index
      %swap3A_196 = memref.load %arg7[%swap3A_195] : memref<16xi32, #tpu.memory_space<smem>>
      memref.store %swap3A_193, %arg7[%swap3A_195] : memref<16xi32, #tpu.memory_space<smem>>
      %swap3A_197 = arith.constant 116 : i32
      %swap3A_198 = arith.constant 2 : i32
      %swap3A_199 = arith.index_cast %swap3A_198 : i32 to index
      %swap3A_200 = memref.load %arg7[%swap3A_199] : memref<16xi32, #tpu.memory_space<smem>>
      memref.store %swap3A_197, %arg7[%swap3A_199] : memref<16xi32, #tpu.memory_space<smem>>
      %swap3A_201 = arith.constant 91 : i32
      %swap3A_202 = arith.constant 3 : i32
      %swap3A_203 = arith.index_cast %swap3A_202 : i32 to index
      %swap3A_204 = memref.load %arg7[%swap3A_203] : memref<16xi32, #tpu.memory_space<smem>>
      memref.store %swap3A_201, %arg7[%swap3A_203] : memref<16xi32, #tpu.memory_space<smem>>
      %swap3A_205 = arith.constant 14 : i32
      %swap3A_206 = arith.constant 4 : i32
      %swap3A_207 = arith.index_cast %swap3A_206 : i32 to index
      %swap3A_208 = memref.load %arg7[%swap3A_207] : memref<16xi32, #tpu.memory_space<smem>>
      memref.store %swap3A_205, %arg7[%swap3A_207] : memref<16xi32, #tpu.memory_space<smem>>
      %swap3A_209 = arith.constant 53 : i32
      %swap3A_210 = arith.constant 5 : i32
      %swap3A_211 = arith.index_cast %swap3A_210 : i32 to index
      %swap3A_212 = memref.load %arg7[%swap3A_211] : memref<16xi32, #tpu.memory_space<smem>>
      memref.store %swap3A_209, %arg7[%swap3A_211] : memref<16xi32, #tpu.memory_space<smem>>
      %swap3A_213 = arith.constant 10 : i32
      %swap3A_214 = arith.constant 6 : i32
      %swap3A_215 = arith.index_cast %swap3A_214 : i32 to index
      %swap3A_216 = memref.load %arg7[%swap3A_215] : memref<16xi32, #tpu.memory_space<smem>>
      memref.store %swap3A_213, %arg7[%swap3A_215] : memref<16xi32, #tpu.memory_space<smem>>
      %swap3A_217 = arith.constant 43 : i32
      %swap3A_218 = arith.constant 7 : i32
      %swap3A_219 = arith.index_cast %swap3A_218 : i32 to index
      %swap3A_220 = memref.load %arg7[%swap3A_219] : memref<16xi32, #tpu.memory_space<smem>>
      memref.store %swap3A_217, %arg7[%swap3A_219] : memref<16xi32, #tpu.memory_space<smem>>
      %swap3A_221 = arith.constant 69 : i32
      %swap3A_222 = arith.constant 8 : i32
      %swap3A_223 = arith.index_cast %swap3A_222 : i32 to index
      %swap3A_224 = memref.load %arg7[%swap3A_223] : memref<16xi32, #tpu.memory_space<smem>>
      memref.store %swap3A_221, %arg7[%swap3A_223] : memref<16xi32, #tpu.memory_space<smem>>
      %swap3A_225 = arith.constant 46 : i32
      %swap3A_226 = arith.constant 9 : i32
      %swap3A_227 = arith.index_cast %swap3A_226 : i32 to index
      %swap3A_228 = memref.load %arg7[%swap3A_227] : memref<16xi32, #tpu.memory_space<smem>>
      memref.store %swap3A_225, %arg7[%swap3A_227] : memref<16xi32, #tpu.memory_space<smem>>
      %swap3A_229 = arith.constant 2 : i32
      %swap3A_230 = arith.constant 15 : i32
      %swap3A_231 = arith.index_cast %swap3A_230 : i32 to index
      %swap3A_232 = memref.load %arg7[%swap3A_231] : memref<16xi32, #tpu.memory_space<smem>>
      memref.store %swap3A_229, %arg7[%swap3A_231] : memref<16xi32, #tpu.memory_space<smem>>
    } else {
    }
    %eq3A_73 = arith.constant 15 : i32
    %eq3A_74 = arith.cmpi eq, %add3A, %eq3A_73 : i32
    %convert_element_type3A_75 = arith.extui %eq3A_74 : i1 to i32
    %cond3A_76 = arith.constant 0 : i32
    %cond3A_77 = arith.cmpi ne, %convert_element_type3A_75, %cond3A_76 : i32
    scf.if %cond3A_77 {
      %swap3A = arith.constant 18 : i32
      %swap3A_190 = arith.constant 0 : i32
      %swap3A_191 = arith.index_cast %swap3A_190 : i32 to index
      %swap3A_192 = memref.load %arg7[%swap3A_191] : memref<16xi32, #tpu.memory_space<smem>>
      memref.store %swap3A, %arg7[%swap3A_191] : memref<16xi32, #tpu.memory_space<smem>>
      %swap3A_193 = arith.constant 49 : i32
      %swap3A_194 = arith.constant 1 : i32
      %swap3A_195 = arith.index_cast %swap3A_194 : i32 to index
      %swap3A_196 = memref.load %arg7[%swap3A_195] : memref<16xi32, #tpu.memory_space<smem>>
      memref.store %swap3A_193, %arg7[%swap3A_195] : memref<16xi32, #tpu.memory_space<smem>>
      %swap3A_197 = arith.constant 5 : i32
      %swap3A_198 = arith.constant 2 : i32
      %swap3A_199 = arith.index_cast %swap3A_198 : i32 to index
      %swap3A_200 = memref.load %arg7[%swap3A_199] : memref<16xi32, #tpu.memory_space<smem>>
      memref.store %swap3A_197, %arg7[%swap3A_199] : memref<16xi32, #tpu.memory_space<smem>>
      %swap3A_201 = arith.constant 53 : i32
      %swap3A_202 = arith.constant 3 : i32
      %swap3A_203 = arith.index_cast %swap3A_202 : i32 to index
      %swap3A_204 = memref.load %arg7[%swap3A_203] : memref<16xi32, #tpu.memory_space<smem>>
      memref.store %swap3A_201, %arg7[%swap3A_203] : memref<16xi32, #tpu.memory_space<smem>>
      %swap3A_205 = arith.constant 15 : i32
      %swap3A_206 = arith.constant 4 : i32
      %swap3A_207 = arith.index_cast %swap3A_206 : i32 to index
      %swap3A_208 = memref.load %arg7[%swap3A_207] : memref<16xi32, #tpu.memory_space<smem>>
      memref.store %swap3A_205, %arg7[%swap3A_207] : memref<16xi32, #tpu.memory_space<smem>>
      %swap3A_209 = arith.constant 54 : i32
      %swap3A_210 = arith.constant 5 : i32
      %swap3A_211 = arith.index_cast %swap3A_210 : i32 to index
      %swap3A_212 = memref.load %arg7[%swap3A_211] : memref<16xi32, #tpu.memory_space<smem>>
      memref.store %swap3A_209, %arg7[%swap3A_211] : memref<16xi32, #tpu.memory_space<smem>>
      %swap3A_213 = arith.constant 22 : i32
      %swap3A_214 = arith.constant 6 : i32
      %swap3A_215 = arith.index_cast %swap3A_214 : i32 to index
      %swap3A_216 = memref.load %arg7[%swap3A_215] : memref<16xi32, #tpu.memory_space<smem>>
      memref.store %swap3A_213, %arg7[%swap3A_215] : memref<16xi32, #tpu.memory_space<smem>>
      %swap3A_217 = arith.constant 23 : i32
      %swap3A_218 = arith.constant 7 : i32
      %swap3A_219 = arith.index_cast %swap3A_218 : i32 to index
      %swap3A_220 = memref.load %arg7[%swap3A_219] : memref<16xi32, #tpu.memory_space<smem>>
      memref.store %swap3A_217, %arg7[%swap3A_219] : memref<16xi32, #tpu.memory_space<smem>>
      %swap3A_221 = arith.constant 79 : i32
      %swap3A_222 = arith.constant 8 : i32
      %swap3A_223 = arith.index_cast %swap3A_222 : i32 to index
      %swap3A_224 = memref.load %arg7[%swap3A_223] : memref<16xi32, #tpu.memory_space<smem>>
      memref.store %swap3A_221, %arg7[%swap3A_223] : memref<16xi32, #tpu.memory_space<smem>>
      %swap3A_225 = arith.constant 47 : i32
      %swap3A_226 = arith.constant 9 : i32
      %swap3A_227 = arith.index_cast %swap3A_226 : i32 to index
      %swap3A_228 = memref.load %arg7[%swap3A_227] : memref<16xi32, #tpu.memory_space<smem>>
      memref.store %swap3A_225, %arg7[%swap3A_227] : memref<16xi32, #tpu.memory_space<smem>>
      %swap3A_229 = arith.constant 2 : i32
      %swap3A_230 = arith.constant 15 : i32
      %swap3A_231 = arith.index_cast %swap3A_230 : i32 to index
      %swap3A_232 = memref.load %arg7[%swap3A_231] : memref<16xi32, #tpu.memory_space<smem>>
      memref.store %swap3A_229, %arg7[%swap3A_231] : memref<16xi32, #tpu.memory_space<smem>>
    } else {
    }
    %eq3A_78 = arith.constant 16 : i32
    %eq3A_79 = arith.cmpi eq, %add3A, %eq3A_78 : i32
    %convert_element_type3A_80 = arith.extui %eq3A_79 : i1 to i32
    %cond3A_81 = arith.constant 0 : i32
    %cond3A_82 = arith.cmpi ne, %convert_element_type3A_80, %cond3A_81 : i32
    scf.if %cond3A_82 {
      %swap3A = arith.constant 19 : i32
      %swap3A_190 = arith.constant 0 : i32
      %swap3A_191 = arith.index_cast %swap3A_190 : i32 to index
      %swap3A_192 = memref.load %arg7[%swap3A_191] : memref<16xi32, #tpu.memory_space<smem>>
      memref.store %swap3A, %arg7[%swap3A_191] : memref<16xi32, #tpu.memory_space<smem>>
      %swap3A_193 = arith.constant 8 : i32
      %swap3A_194 = arith.constant 1 : i32
      %swap3A_195 = arith.index_cast %swap3A_194 : i32 to index
      %swap3A_196 = memref.load %arg7[%swap3A_195] : memref<16xi32, #tpu.memory_space<smem>>
      memref.store %swap3A_193, %arg7[%swap3A_195] : memref<16xi32, #tpu.memory_space<smem>>
      %swap3A_197 = arith.constant 27 : i32
      %swap3A_198 = arith.constant 2 : i32
      %swap3A_199 = arith.index_cast %swap3A_198 : i32 to index
      %swap3A_200 = memref.load %arg7[%swap3A_199] : memref<16xi32, #tpu.memory_space<smem>>
      memref.store %swap3A_197, %arg7[%swap3A_199] : memref<16xi32, #tpu.memory_space<smem>>
      %swap3A_201 = arith.constant 86 : i32
      %swap3A_202 = arith.constant 3 : i32
      %swap3A_203 = arith.index_cast %swap3A_202 : i32 to index
      %swap3A_204 = memref.load %arg7[%swap3A_203] : memref<16xi32, #tpu.memory_space<smem>>
      memref.store %swap3A_201, %arg7[%swap3A_203] : memref<16xi32, #tpu.memory_space<smem>>
      %swap3A_205 = arith.constant 16 : i32
      %swap3A_206 = arith.constant 4 : i32
      %swap3A_207 = arith.index_cast %swap3A_206 : i32 to index
      %swap3A_208 = memref.load %arg7[%swap3A_207] : memref<16xi32, #tpu.memory_space<smem>>
      memref.store %swap3A_205, %arg7[%swap3A_207] : memref<16xi32, #tpu.memory_space<smem>>
      %swap3A_209 = arith.constant 55 : i32
      %swap3A_210 = arith.constant 5 : i32
      %swap3A_211 = arith.index_cast %swap3A_210 : i32 to index
      %swap3A_212 = memref.load %arg7[%swap3A_211] : memref<16xi32, #tpu.memory_space<smem>>
      memref.store %swap3A_209, %arg7[%swap3A_211] : memref<16xi32, #tpu.memory_space<smem>>
      %swap3A_213 = arith.constant 18 : i32
      %swap3A_214 = arith.constant 6 : i32
      %swap3A_215 = arith.index_cast %swap3A_214 : i32 to index
      %swap3A_216 = memref.load %arg7[%swap3A_215] : memref<16xi32, #tpu.memory_space<smem>>
      memref.store %swap3A_213, %arg7[%swap3A_215] : memref<16xi32, #tpu.memory_space<smem>>
      %swap3A_217 = arith.constant 78 : i32
      %swap3A_218 = arith.constant 7 : i32
      %swap3A_219 = arith.index_cast %swap3A_218 : i32 to index
      %swap3A_220 = memref.load %arg7[%swap3A_219] : memref<16xi32, #tpu.memory_space<smem>>
      memref.store %swap3A_217, %arg7[%swap3A_219] : memref<16xi32, #tpu.memory_space<smem>>
      %swap3A_221 = arith.constant 92 : i32
      %swap3A_222 = arith.constant 8 : i32
      %swap3A_223 = arith.index_cast %swap3A_222 : i32 to index
      %swap3A_224 = memref.load %arg7[%swap3A_223] : memref<16xi32, #tpu.memory_space<smem>>
      memref.store %swap3A_221, %arg7[%swap3A_223] : memref<16xi32, #tpu.memory_space<smem>>
      %swap3A_225 = arith.constant 48 : i32
      %swap3A_226 = arith.constant 9 : i32
      %swap3A_227 = arith.index_cast %swap3A_226 : i32 to index
      %swap3A_228 = memref.load %arg7[%swap3A_227] : memref<16xi32, #tpu.memory_space<smem>>
      memref.store %swap3A_225, %arg7[%swap3A_227] : memref<16xi32, #tpu.memory_space<smem>>
      %swap3A_229 = arith.constant 2 : i32
      %swap3A_230 = arith.constant 15 : i32
      %swap3A_231 = arith.index_cast %swap3A_230 : i32 to index
      %swap3A_232 = memref.load %arg7[%swap3A_231] : memref<16xi32, #tpu.memory_space<smem>>
      memref.store %swap3A_229, %arg7[%swap3A_231] : memref<16xi32, #tpu.memory_space<smem>>
    } else {
    }
    %eq3A_83 = arith.constant 17 : i32
    %eq3A_84 = arith.cmpi eq, %add3A, %eq3A_83 : i32
    %convert_element_type3A_85 = arith.extui %eq3A_84 : i1 to i32
    %cond3A_86 = arith.constant 0 : i32
    %cond3A_87 = arith.cmpi ne, %convert_element_type3A_85, %cond3A_86 : i32
    scf.if %cond3A_87 {
      %swap3A = arith.constant 20 : i32
      %swap3A_190 = arith.constant 0 : i32
      %swap3A_191 = arith.index_cast %swap3A_190 : i32 to index
      %swap3A_192 = memref.load %arg7[%swap3A_191] : memref<16xi32, #tpu.memory_space<smem>>
      memref.store %swap3A, %arg7[%swap3A_191] : memref<16xi32, #tpu.memory_space<smem>>
      %swap3A_193 = arith.constant 6 : i32
      %swap3A_194 = arith.constant 1 : i32
      %swap3A_195 = arith.index_cast %swap3A_194 : i32 to index
      %swap3A_196 = memref.load %arg7[%swap3A_195] : memref<16xi32, #tpu.memory_space<smem>>
      memref.store %swap3A_193, %arg7[%swap3A_195] : memref<16xi32, #tpu.memory_space<smem>>
      %swap3A_197 = arith.constant 27 : i32
      %swap3A_198 = arith.constant 2 : i32
      %swap3A_199 = arith.index_cast %swap3A_198 : i32 to index
      %swap3A_200 = memref.load %arg7[%swap3A_199] : memref<16xi32, #tpu.memory_space<smem>>
      memref.store %swap3A_197, %arg7[%swap3A_199] : memref<16xi32, #tpu.memory_space<smem>>
      %swap3A_201 = arith.constant 100 : i32
      %swap3A_202 = arith.constant 3 : i32
      %swap3A_203 = arith.index_cast %swap3A_202 : i32 to index
      %swap3A_204 = memref.load %arg7[%swap3A_203] : memref<16xi32, #tpu.memory_space<smem>>
      memref.store %swap3A_201, %arg7[%swap3A_203] : memref<16xi32, #tpu.memory_space<smem>>
      %swap3A_205 = arith.constant 17 : i32
      %swap3A_206 = arith.constant 4 : i32
      %swap3A_207 = arith.index_cast %swap3A_206 : i32 to index
      %swap3A_208 = memref.load %arg7[%swap3A_207] : memref<16xi32, #tpu.memory_space<smem>>
      memref.store %swap3A_205, %arg7[%swap3A_207] : memref<16xi32, #tpu.memory_space<smem>>
      %swap3A_209 = arith.constant 57 : i32
      %swap3A_210 = arith.constant 5 : i32
      %swap3A_211 = arith.index_cast %swap3A_210 : i32 to index
      %swap3A_212 = memref.load %arg7[%swap3A_211] : memref<16xi32, #tpu.memory_space<smem>>
      memref.store %swap3A_209, %arg7[%swap3A_211] : memref<16xi32, #tpu.memory_space<smem>>
      %swap3A_213 = arith.constant 20 : i32
      %swap3A_214 = arith.constant 6 : i32
      %swap3A_215 = arith.index_cast %swap3A_214 : i32 to index
      %swap3A_216 = memref.load %arg7[%swap3A_215] : memref<16xi32, #tpu.memory_space<smem>>
      memref.store %swap3A_213, %arg7[%swap3A_215] : memref<16xi32, #tpu.memory_space<smem>>
      %swap3A_217 = arith.constant 117 : i32
      %swap3A_218 = arith.constant 7 : i32
      %swap3A_219 = arith.index_cast %swap3A_218 : i32 to index
      %swap3A_220 = memref.load %arg7[%swap3A_219] : memref<16xi32, #tpu.memory_space<smem>>
      memref.store %swap3A_217, %arg7[%swap3A_219] : memref<16xi32, #tpu.memory_space<smem>>
      %swap3A_221 = arith.constant 19 : i32
      %swap3A_222 = arith.constant 8 : i32
      %swap3A_223 = arith.index_cast %swap3A_222 : i32 to index
      %swap3A_224 = memref.load %arg7[%swap3A_223] : memref<16xi32, #tpu.memory_space<smem>>
      memref.store %swap3A_221, %arg7[%swap3A_223] : memref<16xi32, #tpu.memory_space<smem>>
      %swap3A_225 = arith.constant 49 : i32
      %swap3A_226 = arith.constant 9 : i32
      %swap3A_227 = arith.index_cast %swap3A_226 : i32 to index
      %swap3A_228 = memref.load %arg7[%swap3A_227] : memref<16xi32, #tpu.memory_space<smem>>
      memref.store %swap3A_225, %arg7[%swap3A_227] : memref<16xi32, #tpu.memory_space<smem>>
      %swap3A_229 = arith.constant 2 : i32
      %swap3A_230 = arith.constant 15 : i32
      %swap3A_231 = arith.index_cast %swap3A_230 : i32 to index
      %swap3A_232 = memref.load %arg7[%swap3A_231] : memref<16xi32, #tpu.memory_space<smem>>
      memref.store %swap3A_229, %arg7[%swap3A_231] : memref<16xi32, #tpu.memory_space<smem>>
    } else {
    }
    %eq3A_88 = arith.constant 18 : i32
    %eq3A_89 = arith.cmpi eq, %add3A, %eq3A_88 : i32
    %convert_element_type3A_90 = arith.extui %eq3A_89 : i1 to i32
    %cond3A_91 = arith.constant 0 : i32
    %cond3A_92 = arith.cmpi ne, %convert_element_type3A_90, %cond3A_91 : i32
    scf.if %cond3A_92 {
      %swap3A = arith.constant 21 : i32
      %swap3A_190 = arith.constant 0 : i32
      %swap3A_191 = arith.index_cast %swap3A_190 : i32 to index
      %swap3A_192 = memref.load %arg7[%swap3A_191] : memref<16xi32, #tpu.memory_space<smem>>
      memref.store %swap3A, %arg7[%swap3A_191] : memref<16xi32, #tpu.memory_space<smem>>
      %swap3A_193 = arith.constant 33 : i32
      %swap3A_194 = arith.constant 1 : i32
      %swap3A_195 = arith.index_cast %swap3A_194 : i32 to index
      %swap3A_196 = memref.load %arg7[%swap3A_195] : memref<16xi32, #tpu.memory_space<smem>>
      memref.store %swap3A_193, %arg7[%swap3A_195] : memref<16xi32, #tpu.memory_space<smem>>
      %swap3A_197 = arith.constant 107 : i32
      %swap3A_198 = arith.constant 2 : i32
      %swap3A_199 = arith.index_cast %swap3A_198 : i32 to index
      %swap3A_200 = memref.load %arg7[%swap3A_199] : memref<16xi32, #tpu.memory_space<smem>>
      memref.store %swap3A_197, %arg7[%swap3A_199] : memref<16xi32, #tpu.memory_space<smem>>
      %swap3A_201 = arith.constant 95 : i32
      %swap3A_202 = arith.constant 3 : i32
      %swap3A_203 = arith.index_cast %swap3A_202 : i32 to index
      %swap3A_204 = memref.load %arg7[%swap3A_203] : memref<16xi32, #tpu.memory_space<smem>>
      memref.store %swap3A_201, %arg7[%swap3A_203] : memref<16xi32, #tpu.memory_space<smem>>
      %swap3A_205 = arith.constant 18 : i32
      %swap3A_206 = arith.constant 4 : i32
      %swap3A_207 = arith.index_cast %swap3A_206 : i32 to index
      %swap3A_208 = memref.load %arg7[%swap3A_207] : memref<16xi32, #tpu.memory_space<smem>>
      memref.store %swap3A_205, %arg7[%swap3A_207] : memref<16xi32, #tpu.memory_space<smem>>
      %swap3A_209 = arith.constant 59 : i32
      %swap3A_210 = arith.constant 5 : i32
      %swap3A_211 = arith.index_cast %swap3A_210 : i32 to index
      %swap3A_212 = memref.load %arg7[%swap3A_211] : memref<16xi32, #tpu.memory_space<smem>>
      memref.store %swap3A_209, %arg7[%swap3A_211] : memref<16xi32, #tpu.memory_space<smem>>
      %swap3A_213 = arith.constant 42 : i32
      %swap3A_214 = arith.constant 6 : i32
      %swap3A_215 = arith.index_cast %swap3A_214 : i32 to index
      %swap3A_216 = memref.load %arg7[%swap3A_215] : memref<16xi32, #tpu.memory_space<smem>>
      memref.store %swap3A_213, %arg7[%swap3A_215] : memref<16xi32, #tpu.memory_space<smem>>
      %swap3A_217 = arith.constant 95 : i32
      %swap3A_218 = arith.constant 7 : i32
      %swap3A_219 = arith.index_cast %swap3A_218 : i32 to index
      %swap3A_220 = memref.load %arg7[%swap3A_219] : memref<16xi32, #tpu.memory_space<smem>>
      memref.store %swap3A_217, %arg7[%swap3A_219] : memref<16xi32, #tpu.memory_space<smem>>
      %swap3A_221 = arith.constant 58 : i32
      %swap3A_222 = arith.constant 8 : i32
      %swap3A_223 = arith.index_cast %swap3A_222 : i32 to index
      %swap3A_224 = memref.load %arg7[%swap3A_223] : memref<16xi32, #tpu.memory_space<smem>>
      memref.store %swap3A_221, %arg7[%swap3A_223] : memref<16xi32, #tpu.memory_space<smem>>
      %swap3A_225 = arith.constant 50 : i32
      %swap3A_226 = arith.constant 9 : i32
      %swap3A_227 = arith.index_cast %swap3A_226 : i32 to index
      %swap3A_228 = memref.load %arg7[%swap3A_227] : memref<16xi32, #tpu.memory_space<smem>>
      memref.store %swap3A_225, %arg7[%swap3A_227] : memref<16xi32, #tpu.memory_space<smem>>
      %swap3A_229 = arith.constant 2 : i32
      %swap3A_230 = arith.constant 15 : i32
      %swap3A_231 = arith.index_cast %swap3A_230 : i32 to index
      %swap3A_232 = memref.load %arg7[%swap3A_231] : memref<16xi32, #tpu.memory_space<smem>>
      memref.store %swap3A_229, %arg7[%swap3A_231] : memref<16xi32, #tpu.memory_space<smem>>
    } else {
    }
    %eq3A_93 = arith.constant 19 : i32
    %eq3A_94 = arith.cmpi eq, %add3A, %eq3A_93 : i32
    %convert_element_type3A_95 = arith.extui %eq3A_94 : i1 to i32
    %cond3A_96 = arith.constant 0 : i32
    %cond3A_97 = arith.cmpi ne, %convert_element_type3A_95, %cond3A_96 : i32
    scf.if %cond3A_97 {
      %swap3A = arith.constant 22 : i32
      %swap3A_190 = arith.constant 0 : i32
      %swap3A_191 = arith.index_cast %swap3A_190 : i32 to index
      %swap3A_192 = memref.load %arg7[%swap3A_191] : memref<16xi32, #tpu.memory_space<smem>>
      memref.store %swap3A, %arg7[%swap3A_191] : memref<16xi32, #tpu.memory_space<smem>>
      %swap3A_193 = arith.constant 4 : i32
      %swap3A_194 = arith.constant 1 : i32
      %swap3A_195 = arith.index_cast %swap3A_194 : i32 to index
      %swap3A_196 = memref.load %arg7[%swap3A_195] : memref<16xi32, #tpu.memory_space<smem>>
      memref.store %swap3A_193, %arg7[%swap3A_195] : memref<16xi32, #tpu.memory_space<smem>>
      %swap3A_197 = arith.constant 43 : i32
      %swap3A_198 = arith.constant 2 : i32
      %swap3A_199 = arith.index_cast %swap3A_198 : i32 to index
      %swap3A_200 = memref.load %arg7[%swap3A_199] : memref<16xi32, #tpu.memory_space<smem>>
      memref.store %swap3A_197, %arg7[%swap3A_199] : memref<16xi32, #tpu.memory_space<smem>>
      %swap3A_201 = arith.constant 96 : i32
      %swap3A_202 = arith.constant 3 : i32
      %swap3A_203 = arith.index_cast %swap3A_202 : i32 to index
      %swap3A_204 = memref.load %arg7[%swap3A_203] : memref<16xi32, #tpu.memory_space<smem>>
      memref.store %swap3A_201, %arg7[%swap3A_203] : memref<16xi32, #tpu.memory_space<smem>>
      %swap3A_205 = arith.constant 19 : i32
      %swap3A_206 = arith.constant 4 : i32
      %swap3A_207 = arith.index_cast %swap3A_206 : i32 to index
      %swap3A_208 = memref.load %arg7[%swap3A_207] : memref<16xi32, #tpu.memory_space<smem>>
      memref.store %swap3A_205, %arg7[%swap3A_207] : memref<16xi32, #tpu.memory_space<smem>>
      %swap3A_209 = arith.constant 60 : i32
      %swap3A_210 = arith.constant 5 : i32
      %swap3A_211 = arith.index_cast %swap3A_210 : i32 to index
      %swap3A_212 = memref.load %arg7[%swap3A_211] : memref<16xi32, #tpu.memory_space<smem>>
      memref.store %swap3A_209, %arg7[%swap3A_211] : memref<16xi32, #tpu.memory_space<smem>>
      %swap3A_213 = arith.constant 14 : i32
      %swap3A_214 = arith.constant 6 : i32
      %swap3A_215 = arith.index_cast %swap3A_214 : i32 to index
      %swap3A_216 = memref.load %arg7[%swap3A_215] : memref<16xi32, #tpu.memory_space<smem>>
      memref.store %swap3A_213, %arg7[%swap3A_215] : memref<16xi32, #tpu.memory_space<smem>>
      %swap3A_217 = arith.constant 87 : i32
      %swap3A_218 = arith.constant 7 : i32
      %swap3A_219 = arith.index_cast %swap3A_218 : i32 to index
      %swap3A_220 = memref.load %arg7[%swap3A_219] : memref<16xi32, #tpu.memory_space<smem>>
      memref.store %swap3A_217, %arg7[%swap3A_219] : memref<16xi32, #tpu.memory_space<smem>>
      %swap3A_221 = arith.constant 35 : i32
      %swap3A_222 = arith.constant 8 : i32
      %swap3A_223 = arith.index_cast %swap3A_222 : i32 to index
      %swap3A_224 = memref.load %arg7[%swap3A_223] : memref<16xi32, #tpu.memory_space<smem>>
      memref.store %swap3A_221, %arg7[%swap3A_223] : memref<16xi32, #tpu.memory_space<smem>>
      %swap3A_225 = arith.constant 51 : i32
      %swap3A_226 = arith.constant 9 : i32
      %swap3A_227 = arith.index_cast %swap3A_226 : i32 to index
      %swap3A_228 = memref.load %arg7[%swap3A_227] : memref<16xi32, #tpu.memory_space<smem>>
      memref.store %swap3A_225, %arg7[%swap3A_227] : memref<16xi32, #tpu.memory_space<smem>>
      %swap3A_229 = arith.constant 2 : i32
      %swap3A_230 = arith.constant 15 : i32
      %swap3A_231 = arith.index_cast %swap3A_230 : i32 to index
      %swap3A_232 = memref.load %arg7[%swap3A_231] : memref<16xi32, #tpu.memory_space<smem>>
      memref.store %swap3A_229, %arg7[%swap3A_231] : memref<16xi32, #tpu.memory_space<smem>>
    } else {
    }
    %eq3A_98 = arith.constant 20 : i32
    %eq3A_99 = arith.cmpi eq, %add3A, %eq3A_98 : i32
    %convert_element_type3A_100 = arith.extui %eq3A_99 : i1 to i32
    %cond3A_101 = arith.constant 0 : i32
    %cond3A_102 = arith.cmpi ne, %convert_element_type3A_100, %cond3A_101 : i32
    scf.if %cond3A_102 {
      %swap3A = arith.constant 23 : i32
      %swap3A_190 = arith.constant 0 : i32
      %swap3A_191 = arith.index_cast %swap3A_190 : i32 to index
      %swap3A_192 = memref.load %arg7[%swap3A_191] : memref<16xi32, #tpu.memory_space<smem>>
      memref.store %swap3A, %arg7[%swap3A_191] : memref<16xi32, #tpu.memory_space<smem>>
      %swap3A_193 = arith.constant 47 : i32
      %swap3A_194 = arith.constant 1 : i32
      %swap3A_195 = arith.index_cast %swap3A_194 : i32 to index
      %swap3A_196 = memref.load %arg7[%swap3A_195] : memref<16xi32, #tpu.memory_space<smem>>
      memref.store %swap3A_193, %arg7[%swap3A_195] : memref<16xi32, #tpu.memory_space<smem>>
      %swap3A_197 = arith.constant 83 : i32
      %swap3A_198 = arith.constant 2 : i32
      %swap3A_199 = arith.index_cast %swap3A_198 : i32 to index
      %swap3A_200 = memref.load %arg7[%swap3A_199] : memref<16xi32, #tpu.memory_space<smem>>
      memref.store %swap3A_197, %arg7[%swap3A_199] : memref<16xi32, #tpu.memory_space<smem>>
      %swap3A_201 = arith.constant 0 : i32
      %swap3A_202 = arith.constant 3 : i32
      %swap3A_203 = arith.index_cast %swap3A_202 : i32 to index
      %swap3A_204 = memref.load %arg7[%swap3A_203] : memref<16xi32, #tpu.memory_space<smem>>
      memref.store %swap3A_201, %arg7[%swap3A_203] : memref<16xi32, #tpu.memory_space<smem>>
      %swap3A_205 = arith.constant 20 : i32
      %swap3A_206 = arith.constant 4 : i32
      %swap3A_207 = arith.index_cast %swap3A_206 : i32 to index
      %swap3A_208 = memref.load %arg7[%swap3A_207] : memref<16xi32, #tpu.memory_space<smem>>
      memref.store %swap3A_205, %arg7[%swap3A_207] : memref<16xi32, #tpu.memory_space<smem>>
      %swap3A_209 = arith.constant 61 : i32
      %swap3A_210 = arith.constant 5 : i32
      %swap3A_211 = arith.index_cast %swap3A_210 : i32 to index
      %swap3A_212 = memref.load %arg7[%swap3A_211] : memref<16xi32, #tpu.memory_space<smem>>
      memref.store %swap3A_209, %arg7[%swap3A_211] : memref<16xi32, #tpu.memory_space<smem>>
      %swap3A_213 = arith.constant 28 : i32
      %swap3A_214 = arith.constant 6 : i32
      %swap3A_215 = arith.index_cast %swap3A_214 : i32 to index
      %swap3A_216 = memref.load %arg7[%swap3A_215] : memref<16xi32, #tpu.memory_space<smem>>
      memref.store %swap3A_213, %arg7[%swap3A_215] : memref<16xi32, #tpu.memory_space<smem>>
      %swap3A_217 = arith.constant 104 : i32
      %swap3A_218 = arith.constant 7 : i32
      %swap3A_219 = arith.index_cast %swap3A_218 : i32 to index
      %swap3A_220 = memref.load %arg7[%swap3A_219] : memref<16xi32, #tpu.memory_space<smem>>
      memref.store %swap3A_217, %arg7[%swap3A_219] : memref<16xi32, #tpu.memory_space<smem>>
      %swap3A_221 = arith.constant 18 : i32
      %swap3A_222 = arith.constant 8 : i32
      %swap3A_223 = arith.index_cast %swap3A_222 : i32 to index
      %swap3A_224 = memref.load %arg7[%swap3A_223] : memref<16xi32, #tpu.memory_space<smem>>
      memref.store %swap3A_221, %arg7[%swap3A_223] : memref<16xi32, #tpu.memory_space<smem>>
      %swap3A_225 = arith.constant 52 : i32
      %swap3A_226 = arith.constant 9 : i32
      %swap3A_227 = arith.index_cast %swap3A_226 : i32 to index
      %swap3A_228 = memref.load %arg7[%swap3A_227] : memref<16xi32, #tpu.memory_space<smem>>
      memref.store %swap3A_225, %arg7[%swap3A_227] : memref<16xi32, #tpu.memory_space<smem>>
      %swap3A_229 = arith.constant 2 : i32
      %swap3A_230 = arith.constant 15 : i32
      %swap3A_231 = arith.index_cast %swap3A_230 : i32 to index
      %swap3A_232 = memref.load %arg7[%swap3A_231] : memref<16xi32, #tpu.memory_space<smem>>
      memref.store %swap3A_229, %arg7[%swap3A_231] : memref<16xi32, #tpu.memory_space<smem>>
    } else {
    }
    %eq3A_103 = arith.constant 21 : i32
    %eq3A_104 = arith.cmpi eq, %add3A, %eq3A_103 : i32
    %convert_element_type3A_105 = arith.extui %eq3A_104 : i1 to i32
    %cond3A_106 = arith.constant 0 : i32
    %cond3A_107 = arith.cmpi ne, %convert_element_type3A_105, %cond3A_106 : i32
    scf.if %cond3A_107 {
      %swap3A = arith.constant 24 : i32
      %swap3A_190 = arith.constant 0 : i32
      %swap3A_191 = arith.index_cast %swap3A_190 : i32 to index
      %swap3A_192 = memref.load %arg7[%swap3A_191] : memref<16xi32, #tpu.memory_space<smem>>
      memref.store %swap3A, %arg7[%swap3A_191] : memref<16xi32, #tpu.memory_space<smem>>
      %swap3A_193 = arith.constant 19 : i32
      %swap3A_194 = arith.constant 1 : i32
      %swap3A_195 = arith.index_cast %swap3A_194 : i32 to index
      %swap3A_196 = memref.load %arg7[%swap3A_195] : memref<16xi32, #tpu.memory_space<smem>>
      memref.store %swap3A_193, %arg7[%swap3A_195] : memref<16xi32, #tpu.memory_space<smem>>
      %swap3A_197 = arith.constant 29 : i32
      %swap3A_198 = arith.constant 2 : i32
      %swap3A_199 = arith.index_cast %swap3A_198 : i32 to index
      %swap3A_200 = memref.load %arg7[%swap3A_199] : memref<16xi32, #tpu.memory_space<smem>>
      memref.store %swap3A_197, %arg7[%swap3A_199] : memref<16xi32, #tpu.memory_space<smem>>
      %swap3A_201 = arith.constant 18 : i32
      %swap3A_202 = arith.constant 3 : i32
      %swap3A_203 = arith.index_cast %swap3A_202 : i32 to index
      %swap3A_204 = memref.load %arg7[%swap3A_203] : memref<16xi32, #tpu.memory_space<smem>>
      memref.store %swap3A_201, %arg7[%swap3A_203] : memref<16xi32, #tpu.memory_space<smem>>
      %swap3A_205 = arith.constant 21 : i32
      %swap3A_206 = arith.constant 4 : i32
      %swap3A_207 = arith.index_cast %swap3A_206 : i32 to index
      %swap3A_208 = memref.load %arg7[%swap3A_207] : memref<16xi32, #tpu.memory_space<smem>>
      memref.store %swap3A_205, %arg7[%swap3A_207] : memref<16xi32, #tpu.memory_space<smem>>
      %swap3A_209 = arith.constant 62 : i32
      %swap3A_210 = arith.constant 5 : i32
      %swap3A_211 = arith.index_cast %swap3A_210 : i32 to index
      %swap3A_212 = memref.load %arg7[%swap3A_211] : memref<16xi32, #tpu.memory_space<smem>>
      memref.store %swap3A_209, %arg7[%swap3A_211] : memref<16xi32, #tpu.memory_space<smem>>
      %swap3A_213 = arith.constant 51 : i32
      %swap3A_214 = arith.constant 6 : i32
      %swap3A_215 = arith.index_cast %swap3A_214 : i32 to index
      %swap3A_216 = memref.load %arg7[%swap3A_215] : memref<16xi32, #tpu.memory_space<smem>>
      memref.store %swap3A_213, %arg7[%swap3A_215] : memref<16xi32, #tpu.memory_space<smem>>
      %swap3A_217 = arith.constant 51 : i32
      %swap3A_218 = arith.constant 7 : i32
      %swap3A_219 = arith.index_cast %swap3A_218 : i32 to index
      %swap3A_220 = memref.load %arg7[%swap3A_219] : memref<16xi32, #tpu.memory_space<smem>>
      memref.store %swap3A_217, %arg7[%swap3A_219] : memref<16xi32, #tpu.memory_space<smem>>
      %swap3A_221 = arith.constant 89 : i32
      %swap3A_222 = arith.constant 8 : i32
      %swap3A_223 = arith.index_cast %swap3A_222 : i32 to index
      %swap3A_224 = memref.load %arg7[%swap3A_223] : memref<16xi32, #tpu.memory_space<smem>>
      memref.store %swap3A_221, %arg7[%swap3A_223] : memref<16xi32, #tpu.memory_space<smem>>
      %swap3A_225 = arith.constant 53 : i32
      %swap3A_226 = arith.constant 9 : i32
      %swap3A_227 = arith.index_cast %swap3A_226 : i32 to index
      %swap3A_228 = memref.load %arg7[%swap3A_227] : memref<16xi32, #tpu.memory_space<smem>>
      memref.store %swap3A_225, %arg7[%swap3A_227] : memref<16xi32, #tpu.memory_space<smem>>
      %swap3A_229 = arith.constant 2 : i32
      %swap3A_230 = arith.constant 15 : i32
      %swap3A_231 = arith.index_cast %swap3A_230 : i32 to index
      %swap3A_232 = memref.load %arg7[%swap3A_231] : memref<16xi32, #tpu.memory_space<smem>>
      memref.store %swap3A_229, %arg7[%swap3A_231] : memref<16xi32, #tpu.memory_space<smem>>
    } else {
    }
    %eq3A_108 = arith.constant 22 : i32
    %eq3A_109 = arith.cmpi eq, %add3A, %eq3A_108 : i32
    %convert_element_type3A_110 = arith.extui %eq3A_109 : i1 to i32
    %cond3A_111 = arith.constant 0 : i32
    %cond3A_112 = arith.cmpi ne, %convert_element_type3A_110, %cond3A_111 : i32
    scf.if %cond3A_112 {
      %swap3A = arith.constant 25 : i32
      %swap3A_190 = arith.constant 0 : i32
      %swap3A_191 = arith.index_cast %swap3A_190 : i32 to index
      %swap3A_192 = memref.load %arg7[%swap3A_191] : memref<16xi32, #tpu.memory_space<smem>>
      memref.store %swap3A, %arg7[%swap3A_191] : memref<16xi32, #tpu.memory_space<smem>>
      %swap3A_193 = arith.constant 54 : i32
      %swap3A_194 = arith.constant 1 : i32
      %swap3A_195 = arith.index_cast %swap3A_194 : i32 to index
      %swap3A_196 = memref.load %arg7[%swap3A_195] : memref<16xi32, #tpu.memory_space<smem>>
      memref.store %swap3A_193, %arg7[%swap3A_195] : memref<16xi32, #tpu.memory_space<smem>>
      %swap3A_197 = arith.constant 61 : i32
      %swap3A_198 = arith.constant 2 : i32
      %swap3A_199 = arith.index_cast %swap3A_198 : i32 to index
      %swap3A_200 = memref.load %arg7[%swap3A_199] : memref<16xi32, #tpu.memory_space<smem>>
      memref.store %swap3A_197, %arg7[%swap3A_199] : memref<16xi32, #tpu.memory_space<smem>>
      %swap3A_201 = arith.constant 1 : i32
      %swap3A_202 = arith.constant 3 : i32
      %swap3A_203 = arith.index_cast %swap3A_202 : i32 to index
      %swap3A_204 = memref.load %arg7[%swap3A_203] : memref<16xi32, #tpu.memory_space<smem>>
      memref.store %swap3A_201, %arg7[%swap3A_203] : memref<16xi32, #tpu.memory_space<smem>>
      %swap3A_205 = arith.constant 22 : i32
      %swap3A_206 = arith.constant 4 : i32
      %swap3A_207 = arith.index_cast %swap3A_206 : i32 to index
      %swap3A_208 = memref.load %arg7[%swap3A_207] : memref<16xi32, #tpu.memory_space<smem>>
      memref.store %swap3A_205, %arg7[%swap3A_207] : memref<16xi32, #tpu.memory_space<smem>>
      %swap3A_209 = arith.constant 63 : i32
      %swap3A_210 = arith.constant 5 : i32
      %swap3A_211 = arith.index_cast %swap3A_210 : i32 to index
      %swap3A_212 = memref.load %arg7[%swap3A_211] : memref<16xi32, #tpu.memory_space<smem>>
      memref.store %swap3A_209, %arg7[%swap3A_211] : memref<16xi32, #tpu.memory_space<smem>>
      %swap3A_213 = arith.constant 38 : i32
      %swap3A_214 = arith.constant 6 : i32
      %swap3A_215 = arith.index_cast %swap3A_214 : i32 to index
      %swap3A_216 = memref.load %arg7[%swap3A_215] : memref<16xi32, #tpu.memory_space<smem>>
      memref.store %swap3A_213, %arg7[%swap3A_215] : memref<16xi32, #tpu.memory_space<smem>>
      %swap3A_217 = arith.constant 112 : i32
      %swap3A_218 = arith.constant 7 : i32
      %swap3A_219 = arith.index_cast %swap3A_218 : i32 to index
      %swap3A_220 = memref.load %arg7[%swap3A_219] : memref<16xi32, #tpu.memory_space<smem>>
      memref.store %swap3A_217, %arg7[%swap3A_219] : memref<16xi32, #tpu.memory_space<smem>>
      %swap3A_221 = arith.constant 66 : i32
      %swap3A_222 = arith.constant 8 : i32
      %swap3A_223 = arith.index_cast %swap3A_222 : i32 to index
      %swap3A_224 = memref.load %arg7[%swap3A_223] : memref<16xi32, #tpu.memory_space<smem>>
      memref.store %swap3A_221, %arg7[%swap3A_223] : memref<16xi32, #tpu.memory_space<smem>>
      %swap3A_225 = arith.constant 54 : i32
      %swap3A_226 = arith.constant 9 : i32
      %swap3A_227 = arith.index_cast %swap3A_226 : i32 to index
      %swap3A_228 = memref.load %arg7[%swap3A_227] : memref<16xi32, #tpu.memory_space<smem>>
      memref.store %swap3A_225, %arg7[%swap3A_227] : memref<16xi32, #tpu.memory_space<smem>>
      %swap3A_229 = arith.constant 2 : i32
      %swap3A_230 = arith.constant 15 : i32
      %swap3A_231 = arith.index_cast %swap3A_230 : i32 to index
      %swap3A_232 = memref.load %arg7[%swap3A_231] : memref<16xi32, #tpu.memory_space<smem>>
      memref.store %swap3A_229, %arg7[%swap3A_231] : memref<16xi32, #tpu.memory_space<smem>>
    } else {
    }
    %eq3A_113 = arith.constant 23 : i32
    %eq3A_114 = arith.cmpi eq, %add3A, %eq3A_113 : i32
    %convert_element_type3A_115 = arith.extui %eq3A_114 : i1 to i32
    %cond3A_116 = arith.constant 0 : i32
    %cond3A_117 = arith.cmpi ne, %convert_element_type3A_115, %cond3A_116 : i32
    scf.if %cond3A_117 {
      %swap3A = arith.constant 27 : i32
      %swap3A_190 = arith.constant 0 : i32
      %swap3A_191 = arith.index_cast %swap3A_190 : i32 to index
      %swap3A_192 = memref.load %arg7[%swap3A_191] : memref<16xi32, #tpu.memory_space<smem>>
      memref.store %swap3A, %arg7[%swap3A_191] : memref<16xi32, #tpu.memory_space<smem>>
      %swap3A_193 = arith.constant 55 : i32
      %swap3A_194 = arith.constant 1 : i32
      %swap3A_195 = arith.index_cast %swap3A_194 : i32 to index
      %swap3A_196 = memref.load %arg7[%swap3A_195] : memref<16xi32, #tpu.memory_space<smem>>
      memref.store %swap3A_193, %arg7[%swap3A_195] : memref<16xi32, #tpu.memory_space<smem>>
      %swap3A_197 = arith.constant 121 : i32
      %swap3A_198 = arith.constant 2 : i32
      %swap3A_199 = arith.index_cast %swap3A_198 : i32 to index
      %swap3A_200 = memref.load %arg7[%swap3A_199] : memref<16xi32, #tpu.memory_space<smem>>
      memref.store %swap3A_197, %arg7[%swap3A_199] : memref<16xi32, #tpu.memory_space<smem>>
      %swap3A_201 = arith.constant 43 : i32
      %swap3A_202 = arith.constant 3 : i32
      %swap3A_203 = arith.index_cast %swap3A_202 : i32 to index
      %swap3A_204 = memref.load %arg7[%swap3A_203] : memref<16xi32, #tpu.memory_space<smem>>
      memref.store %swap3A_201, %arg7[%swap3A_203] : memref<16xi32, #tpu.memory_space<smem>>
      %swap3A_205 = arith.constant 23 : i32
      %swap3A_206 = arith.constant 4 : i32
      %swap3A_207 = arith.index_cast %swap3A_206 : i32 to index
      %swap3A_208 = memref.load %arg7[%swap3A_207] : memref<16xi32, #tpu.memory_space<smem>>
      memref.store %swap3A_205, %arg7[%swap3A_207] : memref<16xi32, #tpu.memory_space<smem>>
      %swap3A_209 = arith.constant 1 : i32
      %swap3A_210 = arith.constant 15 : i32
      %swap3A_211 = arith.index_cast %swap3A_210 : i32 to index
      %swap3A_212 = memref.load %arg7[%swap3A_211] : memref<16xi32, #tpu.memory_space<smem>>
      memref.store %swap3A_209, %arg7[%swap3A_211] : memref<16xi32, #tpu.memory_space<smem>>
    } else {
    }
    %eq3A_118 = arith.constant 24 : i32
    %eq3A_119 = arith.cmpi eq, %add3A, %eq3A_118 : i32
    %convert_element_type3A_120 = arith.extui %eq3A_119 : i1 to i32
    %cond3A_121 = arith.constant 0 : i32
    %cond3A_122 = arith.cmpi ne, %convert_element_type3A_120, %cond3A_121 : i32
    scf.if %cond3A_122 {
      %swap3A = arith.constant 28 : i32
      %swap3A_190 = arith.constant 0 : i32
      %swap3A_191 = arith.index_cast %swap3A_190 : i32 to index
      %swap3A_192 = memref.load %arg7[%swap3A_191] : memref<16xi32, #tpu.memory_space<smem>>
      memref.store %swap3A, %arg7[%swap3A_191] : memref<16xi32, #tpu.memory_space<smem>>
      %swap3A_193 = arith.constant 31 : i32
      %swap3A_194 = arith.constant 1 : i32
      %swap3A_195 = arith.index_cast %swap3A_194 : i32 to index
      %swap3A_196 = memref.load %arg7[%swap3A_195] : memref<16xi32, #tpu.memory_space<smem>>
      memref.store %swap3A_193, %arg7[%swap3A_195] : memref<16xi32, #tpu.memory_space<smem>>
      %swap3A_197 = arith.constant 118 : i32
      %swap3A_198 = arith.constant 2 : i32
      %swap3A_199 = arith.index_cast %swap3A_198 : i32 to index
      %swap3A_200 = memref.load %arg7[%swap3A_199] : memref<16xi32, #tpu.memory_space<smem>>
      memref.store %swap3A_197, %arg7[%swap3A_199] : memref<16xi32, #tpu.memory_space<smem>>
      %swap3A_201 = arith.constant 89 : i32
      %swap3A_202 = arith.constant 3 : i32
      %swap3A_203 = arith.index_cast %swap3A_202 : i32 to index
      %swap3A_204 = memref.load %arg7[%swap3A_203] : memref<16xi32, #tpu.memory_space<smem>>
      memref.store %swap3A_201, %arg7[%swap3A_203] : memref<16xi32, #tpu.memory_space<smem>>
      %swap3A_205 = arith.constant 24 : i32
      %swap3A_206 = arith.constant 4 : i32
      %swap3A_207 = arith.index_cast %swap3A_206 : i32 to index
      %swap3A_208 = memref.load %arg7[%swap3A_207] : memref<16xi32, #tpu.memory_space<smem>>
      memref.store %swap3A_205, %arg7[%swap3A_207] : memref<16xi32, #tpu.memory_space<smem>>
      %swap3A_209 = arith.constant 1 : i32
      %swap3A_210 = arith.constant 15 : i32
      %swap3A_211 = arith.index_cast %swap3A_210 : i32 to index
      %swap3A_212 = memref.load %arg7[%swap3A_211] : memref<16xi32, #tpu.memory_space<smem>>
      memref.store %swap3A_209, %arg7[%swap3A_211] : memref<16xi32, #tpu.memory_space<smem>>
    } else {
    }
    %eq3A_123 = arith.constant 25 : i32
    %eq3A_124 = arith.cmpi eq, %add3A, %eq3A_123 : i32
    %convert_element_type3A_125 = arith.extui %eq3A_124 : i1 to i32
    %cond3A_126 = arith.constant 0 : i32
    %cond3A_127 = arith.cmpi ne, %convert_element_type3A_125, %cond3A_126 : i32
    scf.if %cond3A_127 {
      %swap3A = arith.constant 29 : i32
      %swap3A_190 = arith.constant 0 : i32
      %swap3A_191 = arith.index_cast %swap3A_190 : i32 to index
      %swap3A_192 = memref.load %arg7[%swap3A_191] : memref<16xi32, #tpu.memory_space<smem>>
      memref.store %swap3A, %arg7[%swap3A_191] : memref<16xi32, #tpu.memory_space<smem>>
      %swap3A_193 = arith.constant 30 : i32
      %swap3A_194 = arith.constant 1 : i32
      %swap3A_195 = arith.index_cast %swap3A_194 : i32 to index
      %swap3A_196 = memref.load %arg7[%swap3A_195] : memref<16xi32, #tpu.memory_space<smem>>
      memref.store %swap3A_193, %arg7[%swap3A_195] : memref<16xi32, #tpu.memory_space<smem>>
      %swap3A_197 = arith.constant 91 : i32
      %swap3A_198 = arith.constant 2 : i32
      %swap3A_199 = arith.index_cast %swap3A_198 : i32 to index
      %swap3A_200 = memref.load %arg7[%swap3A_199] : memref<16xi32, #tpu.memory_space<smem>>
      memref.store %swap3A_197, %arg7[%swap3A_199] : memref<16xi32, #tpu.memory_space<smem>>
      %swap3A_201 = arith.constant 31 : i32
      %swap3A_202 = arith.constant 3 : i32
      %swap3A_203 = arith.index_cast %swap3A_202 : i32 to index
      %swap3A_204 = memref.load %arg7[%swap3A_203] : memref<16xi32, #tpu.memory_space<smem>>
      memref.store %swap3A_201, %arg7[%swap3A_203] : memref<16xi32, #tpu.memory_space<smem>>
      %swap3A_205 = arith.constant 25 : i32
      %swap3A_206 = arith.constant 4 : i32
      %swap3A_207 = arith.index_cast %swap3A_206 : i32 to index
      %swap3A_208 = memref.load %arg7[%swap3A_207] : memref<16xi32, #tpu.memory_space<smem>>
      memref.store %swap3A_205, %arg7[%swap3A_207] : memref<16xi32, #tpu.memory_space<smem>>
      %swap3A_209 = arith.constant 1 : i32
      %swap3A_210 = arith.constant 15 : i32
      %swap3A_211 = arith.index_cast %swap3A_210 : i32 to index
      %swap3A_212 = memref.load %arg7[%swap3A_211] : memref<16xi32, #tpu.memory_space<smem>>
      memref.store %swap3A_209, %arg7[%swap3A_211] : memref<16xi32, #tpu.memory_space<smem>>
    } else {
    }
    %eq3A_128 = arith.constant 26 : i32
    %eq3A_129 = arith.cmpi eq, %add3A, %eq3A_128 : i32
    %convert_element_type3A_130 = arith.extui %eq3A_129 : i1 to i32
    %cond3A_131 = arith.constant 0 : i32
    %cond3A_132 = arith.cmpi ne, %convert_element_type3A_130, %cond3A_131 : i32
    scf.if %cond3A_132 {
      %swap3A = arith.constant 31 : i32
      %swap3A_190 = arith.constant 0 : i32
      %swap3A_191 = arith.index_cast %swap3A_190 : i32 to index
      %swap3A_192 = memref.load %arg7[%swap3A_191] : memref<16xi32, #tpu.memory_space<smem>>
      memref.store %swap3A, %arg7[%swap3A_191] : memref<16xi32, #tpu.memory_space<smem>>
      %swap3A_193 = arith.constant 60 : i32
      %swap3A_194 = arith.constant 1 : i32
      %swap3A_195 = arith.index_cast %swap3A_194 : i32 to index
      %swap3A_196 = memref.load %arg7[%swap3A_195] : memref<16xi32, #tpu.memory_space<smem>>
      memref.store %swap3A_193, %arg7[%swap3A_195] : memref<16xi32, #tpu.memory_space<smem>>
      %swap3A_197 = arith.constant 102 : i32
      %swap3A_198 = arith.constant 2 : i32
      %swap3A_199 = arith.index_cast %swap3A_198 : i32 to index
      %swap3A_200 = memref.load %arg7[%swap3A_199] : memref<16xi32, #tpu.memory_space<smem>>
      memref.store %swap3A_197, %arg7[%swap3A_199] : memref<16xi32, #tpu.memory_space<smem>>
      %swap3A_201 = arith.constant 31 : i32
      %swap3A_202 = arith.constant 3 : i32
      %swap3A_203 = arith.index_cast %swap3A_202 : i32 to index
      %swap3A_204 = memref.load %arg7[%swap3A_203] : memref<16xi32, #tpu.memory_space<smem>>
      memref.store %swap3A_201, %arg7[%swap3A_203] : memref<16xi32, #tpu.memory_space<smem>>
      %swap3A_205 = arith.constant 26 : i32
      %swap3A_206 = arith.constant 4 : i32
      %swap3A_207 = arith.index_cast %swap3A_206 : i32 to index
      %swap3A_208 = memref.load %arg7[%swap3A_207] : memref<16xi32, #tpu.memory_space<smem>>
      memref.store %swap3A_205, %arg7[%swap3A_207] : memref<16xi32, #tpu.memory_space<smem>>
      %swap3A_209 = arith.constant 1 : i32
      %swap3A_210 = arith.constant 15 : i32
      %swap3A_211 = arith.index_cast %swap3A_210 : i32 to index
      %swap3A_212 = memref.load %arg7[%swap3A_211] : memref<16xi32, #tpu.memory_space<smem>>
      memref.store %swap3A_209, %arg7[%swap3A_211] : memref<16xi32, #tpu.memory_space<smem>>
    } else {
    }
    %eq3A_133 = arith.constant 27 : i32
    %eq3A_134 = arith.cmpi eq, %add3A, %eq3A_133 : i32
    %convert_element_type3A_135 = arith.extui %eq3A_134 : i1 to i32
    %cond3A_136 = arith.constant 0 : i32
    %cond3A_137 = arith.cmpi ne, %convert_element_type3A_135, %cond3A_136 : i32
    scf.if %cond3A_137 {
      %swap3A = arith.constant 32 : i32
      %swap3A_190 = arith.constant 0 : i32
      %swap3A_191 = arith.index_cast %swap3A_190 : i32 to index
      %swap3A_192 = memref.load %arg7[%swap3A_191] : memref<16xi32, #tpu.memory_space<smem>>
      memref.store %swap3A, %arg7[%swap3A_191] : memref<16xi32, #tpu.memory_space<smem>>
      %swap3A_193 = arith.constant 15 : i32
      %swap3A_194 = arith.constant 1 : i32
      %swap3A_195 = arith.index_cast %swap3A_194 : i32 to index
      %swap3A_196 = memref.load %arg7[%swap3A_195] : memref<16xi32, #tpu.memory_space<smem>>
      memref.store %swap3A_193, %arg7[%swap3A_195] : memref<16xi32, #tpu.memory_space<smem>>
      %swap3A_197 = arith.constant 61 : i32
      %swap3A_198 = arith.constant 2 : i32
      %swap3A_199 = arith.index_cast %swap3A_198 : i32 to index
      %swap3A_200 = memref.load %arg7[%swap3A_199] : memref<16xi32, #tpu.memory_space<smem>>
      memref.store %swap3A_197, %arg7[%swap3A_199] : memref<16xi32, #tpu.memory_space<smem>>
      %swap3A_201 = arith.constant 118 : i32
      %swap3A_202 = arith.constant 3 : i32
      %swap3A_203 = arith.index_cast %swap3A_202 : i32 to index
      %swap3A_204 = memref.load %arg7[%swap3A_203] : memref<16xi32, #tpu.memory_space<smem>>
      memref.store %swap3A_201, %arg7[%swap3A_203] : memref<16xi32, #tpu.memory_space<smem>>
      %swap3A_205 = arith.constant 27 : i32
      %swap3A_206 = arith.constant 4 : i32
      %swap3A_207 = arith.index_cast %swap3A_206 : i32 to index
      %swap3A_208 = memref.load %arg7[%swap3A_207] : memref<16xi32, #tpu.memory_space<smem>>
      memref.store %swap3A_205, %arg7[%swap3A_207] : memref<16xi32, #tpu.memory_space<smem>>
      %swap3A_209 = arith.constant 1 : i32
      %swap3A_210 = arith.constant 15 : i32
      %swap3A_211 = arith.index_cast %swap3A_210 : i32 to index
      %swap3A_212 = memref.load %arg7[%swap3A_211] : memref<16xi32, #tpu.memory_space<smem>>
      memref.store %swap3A_209, %arg7[%swap3A_211] : memref<16xi32, #tpu.memory_space<smem>>
    } else {
    }
    %eq3A_138 = arith.constant 28 : i32
    %eq3A_139 = arith.cmpi eq, %add3A, %eq3A_138 : i32
    %convert_element_type3A_140 = arith.extui %eq3A_139 : i1 to i32
    %cond3A_141 = arith.constant 0 : i32
    %cond3A_142 = arith.cmpi ne, %convert_element_type3A_140, %cond3A_141 : i32
    scf.if %cond3A_142 {
      %swap3A = arith.constant 33 : i32
      %swap3A_190 = arith.constant 0 : i32
      %swap3A_191 = arith.index_cast %swap3A_190 : i32 to index
      %swap3A_192 = memref.load %arg7[%swap3A_191] : memref<16xi32, #tpu.memory_space<smem>>
      memref.store %swap3A, %arg7[%swap3A_191] : memref<16xi32, #tpu.memory_space<smem>>
      %swap3A_193 = arith.constant 27 : i32
      %swap3A_194 = arith.constant 1 : i32
      %swap3A_195 = arith.index_cast %swap3A_194 : i32 to index
      %swap3A_196 = memref.load %arg7[%swap3A_195] : memref<16xi32, #tpu.memory_space<smem>>
      memref.store %swap3A_193, %arg7[%swap3A_195] : memref<16xi32, #tpu.memory_space<smem>>
      %swap3A_197 = arith.constant 96 : i32
      %swap3A_198 = arith.constant 2 : i32
      %swap3A_199 = arith.index_cast %swap3A_198 : i32 to index
      %swap3A_200 = memref.load %arg7[%swap3A_199] : memref<16xi32, #tpu.memory_space<smem>>
      memref.store %swap3A_197, %arg7[%swap3A_199] : memref<16xi32, #tpu.memory_space<smem>>
      %swap3A_201 = arith.constant 67 : i32
      %swap3A_202 = arith.constant 3 : i32
      %swap3A_203 = arith.index_cast %swap3A_202 : i32 to index
      %swap3A_204 = memref.load %arg7[%swap3A_203] : memref<16xi32, #tpu.memory_space<smem>>
      memref.store %swap3A_201, %arg7[%swap3A_203] : memref<16xi32, #tpu.memory_space<smem>>
      %swap3A_205 = arith.constant 28 : i32
      %swap3A_206 = arith.constant 4 : i32
      %swap3A_207 = arith.index_cast %swap3A_206 : i32 to index
      %swap3A_208 = memref.load %arg7[%swap3A_207] : memref<16xi32, #tpu.memory_space<smem>>
      memref.store %swap3A_205, %arg7[%swap3A_207] : memref<16xi32, #tpu.memory_space<smem>>
      %swap3A_209 = arith.constant 1 : i32
      %swap3A_210 = arith.constant 15 : i32
      %swap3A_211 = arith.index_cast %swap3A_210 : i32 to index
      %swap3A_212 = memref.load %arg7[%swap3A_211] : memref<16xi32, #tpu.memory_space<smem>>
      memref.store %swap3A_209, %arg7[%swap3A_211] : memref<16xi32, #tpu.memory_space<smem>>
    } else {
    }
    %eq3A_143 = arith.constant 29 : i32
    %eq3A_144 = arith.cmpi eq, %add3A, %eq3A_143 : i32
    %convert_element_type3A_145 = arith.extui %eq3A_144 : i1 to i32
    %cond3A_146 = arith.constant 0 : i32
    %cond3A_147 = arith.cmpi ne, %convert_element_type3A_145, %cond3A_146 : i32
    scf.if %cond3A_147 {
      %swap3A = arith.constant 34 : i32
      %swap3A_190 = arith.constant 0 : i32
      %swap3A_191 = arith.index_cast %swap3A_190 : i32 to index
      %swap3A_192 = memref.load %arg7[%swap3A_191] : memref<16xi32, #tpu.memory_space<smem>>
      memref.store %swap3A, %arg7[%swap3A_191] : memref<16xi32, #tpu.memory_space<smem>>
      %swap3A_193 = arith.constant 26 : i32
      %swap3A_194 = arith.constant 1 : i32
      %swap3A_195 = arith.index_cast %swap3A_194 : i32 to index
      %swap3A_196 = memref.load %arg7[%swap3A_195] : memref<16xi32, #tpu.memory_space<smem>>
      memref.store %swap3A_193, %arg7[%swap3A_195] : memref<16xi32, #tpu.memory_space<smem>>
      %swap3A_197 = arith.constant 0 : i32
      %swap3A_198 = arith.constant 2 : i32
      %swap3A_199 = arith.index_cast %swap3A_198 : i32 to index
      %swap3A_200 = memref.load %arg7[%swap3A_199] : memref<16xi32, #tpu.memory_space<smem>>
      memref.store %swap3A_197, %arg7[%swap3A_199] : memref<16xi32, #tpu.memory_space<smem>>
      %swap3A_201 = arith.constant 54 : i32
      %swap3A_202 = arith.constant 3 : i32
      %swap3A_203 = arith.index_cast %swap3A_202 : i32 to index
      %swap3A_204 = memref.load %arg7[%swap3A_203] : memref<16xi32, #tpu.memory_space<smem>>
      memref.store %swap3A_201, %arg7[%swap3A_203] : memref<16xi32, #tpu.memory_space<smem>>
      %swap3A_205 = arith.constant 29 : i32
      %swap3A_206 = arith.constant 4 : i32
      %swap3A_207 = arith.index_cast %swap3A_206 : i32 to index
      %swap3A_208 = memref.load %arg7[%swap3A_207] : memref<16xi32, #tpu.memory_space<smem>>
      memref.store %swap3A_205, %arg7[%swap3A_207] : memref<16xi32, #tpu.memory_space<smem>>
      %swap3A_209 = arith.constant 1 : i32
      %swap3A_210 = arith.constant 15 : i32
      %swap3A_211 = arith.index_cast %swap3A_210 : i32 to index
      %swap3A_212 = memref.load %arg7[%swap3A_211] : memref<16xi32, #tpu.memory_space<smem>>
      memref.store %swap3A_209, %arg7[%swap3A_211] : memref<16xi32, #tpu.memory_space<smem>>
    } else {
    }
    %eq3A_148 = arith.constant 30 : i32
    %eq3A_149 = arith.cmpi eq, %add3A, %eq3A_148 : i32
    %convert_element_type3A_150 = arith.extui %eq3A_149 : i1 to i32
    %cond3A_151 = arith.constant 0 : i32
    %cond3A_152 = arith.cmpi ne, %convert_element_type3A_150, %cond3A_151 : i32
    scf.if %cond3A_152 {
      %swap3A = arith.constant 36 : i32
      %swap3A_190 = arith.constant 0 : i32
      %swap3A_191 = arith.index_cast %swap3A_190 : i32 to index
      %swap3A_192 = memref.load %arg7[%swap3A_191] : memref<16xi32, #tpu.memory_space<smem>>
      memref.store %swap3A, %arg7[%swap3A_191] : memref<16xi32, #tpu.memory_space<smem>>
      %swap3A_193 = arith.constant 46 : i32
      %swap3A_194 = arith.constant 1 : i32
      %swap3A_195 = arith.index_cast %swap3A_194 : i32 to index
      %swap3A_196 = memref.load %arg7[%swap3A_195] : memref<16xi32, #tpu.memory_space<smem>>
      memref.store %swap3A_193, %arg7[%swap3A_195] : memref<16xi32, #tpu.memory_space<smem>>
      %swap3A_197 = arith.constant 26 : i32
      %swap3A_198 = arith.constant 2 : i32
      %swap3A_199 = arith.index_cast %swap3A_198 : i32 to index
      %swap3A_200 = memref.load %arg7[%swap3A_199] : memref<16xi32, #tpu.memory_space<smem>>
      memref.store %swap3A_197, %arg7[%swap3A_199] : memref<16xi32, #tpu.memory_space<smem>>
      %swap3A_201 = arith.constant 55 : i32
      %swap3A_202 = arith.constant 3 : i32
      %swap3A_203 = arith.index_cast %swap3A_202 : i32 to index
      %swap3A_204 = memref.load %arg7[%swap3A_203] : memref<16xi32, #tpu.memory_space<smem>>
      memref.store %swap3A_201, %arg7[%swap3A_203] : memref<16xi32, #tpu.memory_space<smem>>
      %swap3A_205 = arith.constant 30 : i32
      %swap3A_206 = arith.constant 4 : i32
      %swap3A_207 = arith.index_cast %swap3A_206 : i32 to index
      %swap3A_208 = memref.load %arg7[%swap3A_207] : memref<16xi32, #tpu.memory_space<smem>>
      memref.store %swap3A_205, %arg7[%swap3A_207] : memref<16xi32, #tpu.memory_space<smem>>
      %swap3A_209 = arith.constant 1 : i32
      %swap3A_210 = arith.constant 15 : i32
      %swap3A_211 = arith.index_cast %swap3A_210 : i32 to index
      %swap3A_212 = memref.load %arg7[%swap3A_211] : memref<16xi32, #tpu.memory_space<smem>>
      memref.store %swap3A_209, %arg7[%swap3A_211] : memref<16xi32, #tpu.memory_space<smem>>
    } else {
    }
    %eq3A_153 = arith.constant 31 : i32
    %eq3A_154 = arith.cmpi eq, %add3A, %eq3A_153 : i32
    %convert_element_type3A_155 = arith.extui %eq3A_154 : i1 to i32
    %cond3A_156 = arith.constant 0 : i32
    %cond3A_157 = arith.cmpi ne, %convert_element_type3A_155, %cond3A_156 : i32
    scf.if %cond3A_157 {
      %swap3A = arith.constant 37 : i32
      %swap3A_190 = arith.constant 0 : i32
      %swap3A_191 = arith.index_cast %swap3A_190 : i32 to index
      %swap3A_192 = memref.load %arg7[%swap3A_191] : memref<16xi32, #tpu.memory_space<smem>>
      memref.store %swap3A, %arg7[%swap3A_191] : memref<16xi32, #tpu.memory_space<smem>>
      %swap3A_193 = arith.constant 11 : i32
      %swap3A_194 = arith.constant 1 : i32
      %swap3A_195 = arith.index_cast %swap3A_194 : i32 to index
      %swap3A_196 = memref.load %arg7[%swap3A_195] : memref<16xi32, #tpu.memory_space<smem>>
      memref.store %swap3A_193, %arg7[%swap3A_195] : memref<16xi32, #tpu.memory_space<smem>>
      %swap3A_197 = arith.constant 61 : i32
      %swap3A_198 = arith.constant 2 : i32
      %swap3A_199 = arith.index_cast %swap3A_198 : i32 to index
      %swap3A_200 = memref.load %arg7[%swap3A_199] : memref<16xi32, #tpu.memory_space<smem>>
      memref.store %swap3A_197, %arg7[%swap3A_199] : memref<16xi32, #tpu.memory_space<smem>>
      %swap3A_201 = arith.constant 122 : i32
      %swap3A_202 = arith.constant 3 : i32
      %swap3A_203 = arith.index_cast %swap3A_202 : i32 to index
      %swap3A_204 = memref.load %arg7[%swap3A_203] : memref<16xi32, #tpu.memory_space<smem>>
      memref.store %swap3A_201, %arg7[%swap3A_203] : memref<16xi32, #tpu.memory_space<smem>>
      %swap3A_205 = arith.constant 31 : i32
      %swap3A_206 = arith.constant 4 : i32
      %swap3A_207 = arith.index_cast %swap3A_206 : i32 to index
      %swap3A_208 = memref.load %arg7[%swap3A_207] : memref<16xi32, #tpu.memory_space<smem>>
      memref.store %swap3A_205, %arg7[%swap3A_207] : memref<16xi32, #tpu.memory_space<smem>>
      %swap3A_209 = arith.constant 1 : i32
      %swap3A_210 = arith.constant 15 : i32
      %swap3A_211 = arith.index_cast %swap3A_210 : i32 to index
      %swap3A_212 = memref.load %arg7[%swap3A_211] : memref<16xi32, #tpu.memory_space<smem>>
      memref.store %swap3A_209, %arg7[%swap3A_211] : memref<16xi32, #tpu.memory_space<smem>>
    } else {
    }
    %get3A = arith.constant 15 : i32
    %get3A_158 = arith.index_cast %get3A : i32 to index
    %get3A_159 = memref.load %arg7[%get3A_158] : memref<16xi32, #tpu.memory_space<smem>>
    %mul3A_160 = arith.constant 3 : i32
    %mul3A_161 = arith.muli %get3A_159, %mul3A_160 : i32
    %iota3A = tpu.iota {dimensions = array<i32: 0>} : vector<16xi32>
    %while3A = arith.constant 0 : i32
    %while3A_162 = arith.constant 0 : i32
    %while3A_163 = arith.subi %mul3A_161, %while3A_162 : i32
    %while3A_164 = arith.addi %while3A_162, %while3A_163 : i32
    %while3A_165 = arith.constant 1 : i32
    %while3A_166 = arith.divsi %while3A_163, %while3A_165 : i32
    %while3A_167 = arith.muli %while3A_166, %while3A_165 : i32
    %while3A_168 = arith.addi %while3A_162, %while3A_167 : i32
    %while3A_169 = arith.constant 1 : i32
    scf.for %while3A_190 = %while3A_162 to %while3A_168 step %while3A_169  : i32 {
      %jit3A = arith.constant 3 : i32
      %div3A = arith.divsi %while3A_190, %jit3A : i32
      %sign3A = arith.constant 0 : i32
      %sign3A_191 = arith.cmpi sgt, %while3A_190, %sign3A : i32
      %sign3A_192 = arith.extui %sign3A_191 : i1 to i32
      %sign3A_193 = arith.constant 0 : i32
      %sign3A_194 = arith.cmpi slt, %while3A_190, %sign3A_193 : i32
      %sign3A_195 = arith.extui %sign3A_194 : i1 to i32
      %sign3A_196 = arith.subi %sign3A_192, %sign3A_195 : i32
      %sign3A_197 = arith.constant 0 : i32
      %sign3A_198 = arith.cmpi sgt, %jit3A, %sign3A_197 : i32
      %sign3A_199 = arith.extui %sign3A_198 : i1 to i32
      %sign3A_200 = arith.constant 0 : i32
      %sign3A_201 = arith.cmpi slt, %jit3A, %sign3A_200 : i32
      %sign3A_202 = arith.extui %sign3A_201 : i1 to i32
      %sign3A_203 = arith.subi %sign3A_199, %sign3A_202 : i32
      %ne3A = arith.cmpi ne, %sign3A_196, %sign3A_203 : i32
      %rem3A = arith.remsi %while3A_190, %jit3A : i32
      %ne3A_204 = arith.constant 0 : i32
      %ne3A_205 = arith.cmpi ne, %rem3A, %ne3A_204 : i32
      %and3A = arith.andi %ne3A, %ne3A_205 : i1
      %sub3A = arith.constant 1 : i32
      %sub3A_206 = arith.subi %div3A, %sub3A : i32
      %select_n3A = arith.select %and3A, %sub3A_206, %div3A : i32
      %mul3A_207 = arith.constant 3 : i32
      %mul3A_208 = arith.muli %select_n3A, %mul3A_207 : i32
      %sub3A_209 = arith.subi %while3A_190, %mul3A_208 : i32
      %mul3A_210 = arith.constant 5 : i32
      %mul3A_211 = arith.muli %mul3A_210, %select_n3A : i32
      %add3A_212 = arith.constant 0 : i32
      %add3A_213 = arith.addi %mul3A_211, %add3A_212 : i32
      %get3A_214 = arith.index_cast %add3A_213 : i32 to index
      %get3A_215 = memref.load %arg7[%get3A_214] : memref<16xi32, #tpu.memory_space<smem>>
      %mul3A_216 = arith.constant 5 : i32
      %mul3A_217 = arith.muli %mul3A_216, %select_n3A : i32
      %add3A_218 = arith.constant 1 : i32
      %add3A_219 = arith.addi %mul3A_217, %add3A_218 : i32
      %get3A_220 = arith.index_cast %add3A_219 : i32 to index
      %get3A_221 = memref.load %arg7[%get3A_220] : memref<16xi32, #tpu.memory_space<smem>>
      %mul3A_222 = arith.constant 5 : i32
      %mul3A_223 = arith.muli %mul3A_222, %select_n3A : i32
      %add3A_224 = arith.constant 2 : i32
      %add3A_225 = arith.addi %mul3A_223, %add3A_224 : i32
      %get3A_226 = arith.index_cast %add3A_225 : i32 to index
      %get3A_227 = memref.load %arg7[%get3A_226] : memref<16xi32, #tpu.memory_space<smem>>
      %mul3A_228 = arith.constant 5 : i32
      %mul3A_229 = arith.muli %mul3A_228, %select_n3A : i32
      %add3A_230 = arith.constant 3 : i32
      %add3A_231 = arith.addi %mul3A_229, %add3A_230 : i32
      %get3A_232 = arith.index_cast %add3A_231 : i32 to index
      %get3A_233 = memref.load %arg7[%get3A_232] : memref<16xi32, #tpu.memory_space<smem>>
      %mul3A_234 = arith.constant 5 : i32
      %mul3A_235 = arith.muli %mul3A_234, %select_n3A : i32
      %add3A_236 = arith.constant 4 : i32
      %add3A_237 = arith.addi %mul3A_235, %add3A_236 : i32
      %get3A_238 = arith.index_cast %add3A_237 : i32 to index
      %get3A_239 = memref.load %arg7[%get3A_238] : memref<16xi32, #tpu.memory_space<smem>>
      %jit3A_240 = arith.constant 16 : i32
      %div3A_241 = arith.divsi %get3A_233, %jit3A_240 : i32
      %sign3A_242 = arith.constant 0 : i32
      %sign3A_243 = arith.cmpi sgt, %get3A_233, %sign3A_242 : i32
      %sign3A_244 = arith.extui %sign3A_243 : i1 to i32
      %sign3A_245 = arith.constant 0 : i32
      %sign3A_246 = arith.cmpi slt, %get3A_233, %sign3A_245 : i32
      %sign3A_247 = arith.extui %sign3A_246 : i1 to i32
      %sign3A_248 = arith.subi %sign3A_244, %sign3A_247 : i32
      %sign3A_249 = arith.constant 0 : i32
      %sign3A_250 = arith.cmpi sgt, %jit3A_240, %sign3A_249 : i32
      %sign3A_251 = arith.extui %sign3A_250 : i1 to i32
      %sign3A_252 = arith.constant 0 : i32
      %sign3A_253 = arith.cmpi slt, %jit3A_240, %sign3A_252 : i32
      %sign3A_254 = arith.extui %sign3A_253 : i1 to i32
      %sign3A_255 = arith.subi %sign3A_251, %sign3A_254 : i32
      %ne3A_256 = arith.cmpi ne, %sign3A_248, %sign3A_255 : i32
      %rem3A_257 = arith.remsi %get3A_233, %jit3A_240 : i32
      %ne3A_258 = arith.constant 0 : i32
      %ne3A_259 = arith.cmpi ne, %rem3A_257, %ne3A_258 : i32
      %and3A_260 = arith.andi %ne3A_256, %ne3A_259 : i1
      %sub3A_261 = arith.constant 1 : i32
      %sub3A_262 = arith.subi %div3A_241, %sub3A_261 : i32
      %select_n3A_263 = arith.select %and3A_260, %sub3A_262, %div3A_241 : i32
      %add3A_264 = arith.constant 100 : i32
      %add3A_265 = arith.addi %get3A_233, %add3A_264 : i32
      %sub3A_266 = arith.constant 1 : i32
      %sub3A_267 = arith.subi %add3A_265, %sub3A_266 : i32
      %jit3A_268 = arith.constant 16 : i32
      %div3A_269 = arith.divsi %sub3A_267, %jit3A_268 : i32
      %sign3A_270 = arith.constant 0 : i32
      %sign3A_271 = arith.cmpi sgt, %sub3A_267, %sign3A_270 : i32
      %sign3A_272 = arith.extui %sign3A_271 : i1 to i32
      %sign3A_273 = arith.constant 0 : i32
      %sign3A_274 = arith.cmpi slt, %sub3A_267, %sign3A_273 : i32
      %sign3A_275 = arith.extui %sign3A_274 : i1 to i32
      %sign3A_276 = arith.subi %sign3A_272, %sign3A_275 : i32
      %sign3A_277 = arith.constant 0 : i32
      %sign3A_278 = arith.cmpi sgt, %jit3A_268, %sign3A_277 : i32
      %sign3A_279 = arith.extui %sign3A_278 : i1 to i32
      %sign3A_280 = arith.constant 0 : i32
      %sign3A_281 = arith.cmpi slt, %jit3A_268, %sign3A_280 : i32
      %sign3A_282 = arith.extui %sign3A_281 : i1 to i32
      %sign3A_283 = arith.subi %sign3A_279, %sign3A_282 : i32
      %ne3A_284 = arith.cmpi ne, %sign3A_276, %sign3A_283 : i32
      %rem3A_285 = arith.remsi %sub3A_267, %jit3A_268 : i32
      %ne3A_286 = arith.constant 0 : i32
      %ne3A_287 = arith.cmpi ne, %rem3A_285, %ne3A_286 : i32
      %and3A_288 = arith.andi %ne3A_284, %ne3A_287 : i1
      %sub3A_289 = arith.constant 1 : i32
      %sub3A_290 = arith.subi %div3A_269, %sub3A_289 : i32
      %select_n3A_291 = arith.select %and3A_288, %sub3A_290, %div3A_269 : i32
      %mul3A_292 = arith.constant 16 : i32
      %mul3A_293 = arith.muli %select_n3A_263, %mul3A_292 : i32
      %add3A_294 = vector.broadcast %mul3A_293 : i32 to vector<16xi32>
      %add3A_295 = arith.addi %add3A_294, %iota3A : vector<16xi32>
      %ge3A = vector.broadcast %get3A_233 : i32 to vector<16xi32>
      %ge3A_296 = arith.cmpi sge, %add3A_295, %ge3A : vector<16xi32>
      %add3A_297 = arith.constant 100 : i32
      %add3A_298 = arith.addi %get3A_233, %add3A_297 : i32
      %lt3A = vector.broadcast %add3A_298 : i32 to vector<16xi32>
      %lt3A_299 = arith.cmpi slt, %add3A_295, %lt3A : vector<16xi32>
      %and3A_300 = arith.andi %ge3A_296, %lt3A_299 : vector<16xi1>
      %mul3A_301 = arith.constant 16 : i32
      %mul3A_302 = arith.muli %select_n3A_291, %mul3A_301 : i32
      %add3A_303 = vector.broadcast %mul3A_302 : i32 to vector<16xi32>
      %add3A_304 = arith.addi %add3A_303, %iota3A : vector<16xi32>
      %ge3A_305 = vector.broadcast %get3A_233 : i32 to vector<16xi32>
      %ge3A_306 = arith.cmpi sge, %add3A_304, %ge3A_305 : vector<16xi32>
      %add3A_307 = arith.constant 100 : i32
      %add3A_308 = arith.addi %get3A_233, %add3A_307 : i32
      %lt3A_309 = vector.broadcast %add3A_308 : i32 to vector<16xi32>
      %lt3A_310 = arith.cmpi slt, %add3A_304, %lt3A_309 : vector<16xi32>
      %and3A_311 = arith.andi %ge3A_306, %lt3A_310 : vector<16xi1>
      %add3A_312 = arith.constant 100 : i32
      %add3A_313 = arith.addi %get3A_227, %add3A_312 : i32
      %min3A = arith.constant 112 : i32
      %min3A_314 = arith.minsi %add3A_313, %min3A : i32
      %lt3A_315 = arith.constant 112 : i32
      %lt3A_316 = arith.cmpi slt, %get3A_227, %lt3A_315 : i32
      %max3A = arith.constant 112 : i32
      %max3A_317 = arith.maxsi %get3A_227, %max3A : i32
      %add3A_318 = arith.constant 100 : i32
      %add3A_319 = arith.addi %get3A_227, %add3A_318 : i32
      %add3A_320 = arith.constant 100 : i32
      %add3A_321 = arith.addi %get3A_227, %add3A_320 : i32
      %gt3A = arith.constant 112 : i32
      %gt3A_322 = arith.cmpi sgt, %add3A_321, %gt3A : i32
      %jit3A_323 = arith.constant 8 : i32
      %div3A_324 = arith.divsi %get3A_227, %jit3A_323 : i32
      %sign3A_325 = arith.constant 0 : i32
      %sign3A_326 = arith.cmpi sgt, %get3A_227, %sign3A_325 : i32
      %sign3A_327 = arith.extui %sign3A_326 : i1 to i32
      %sign3A_328 = arith.constant 0 : i32
      %sign3A_329 = arith.cmpi slt, %get3A_227, %sign3A_328 : i32
      %sign3A_330 = arith.extui %sign3A_329 : i1 to i32
      %sign3A_331 = arith.subi %sign3A_327, %sign3A_330 : i32
      %sign3A_332 = arith.constant 0 : i32
      %sign3A_333 = arith.cmpi sgt, %jit3A_323, %sign3A_332 : i32
      %sign3A_334 = arith.extui %sign3A_333 : i1 to i32
      %sign3A_335 = arith.constant 0 : i32
      %sign3A_336 = arith.cmpi slt, %jit3A_323, %sign3A_335 : i32
      %sign3A_337 = arith.extui %sign3A_336 : i1 to i32
      %sign3A_338 = arith.subi %sign3A_334, %sign3A_337 : i32
      %ne3A_339 = arith.cmpi ne, %sign3A_331, %sign3A_338 : i32
      %rem3A_340 = arith.remsi %get3A_227, %jit3A_323 : i32
      %ne3A_341 = arith.constant 0 : i32
      %ne3A_342 = arith.cmpi ne, %rem3A_340, %ne3A_341 : i32
      %and3A_343 = arith.andi %ne3A_339, %ne3A_342 : i1
      %sub3A_344 = arith.constant 1 : i32
      %sub3A_345 = arith.subi %div3A_324, %sub3A_344 : i32
      %select_n3A_346 = arith.select %and3A_343, %sub3A_345, %div3A_324 : i32
      %mul3A_347 = arith.constant 8 : i32
      %mul3A_348 = arith.muli %select_n3A_346, %mul3A_347 : i32
      %min3A_349 = arith.constant 112 : i32
      %min3A_350 = arith.minsi %mul3A_348, %min3A_349 : i32
      %multiple_of3A = tpu.assume_multiple %min3A_350, 8 : i32
      %dma_start3A = arith.constant 0 : i32
      %dma_start3A_351 = tpu.memref_slice %arg2[%get3A_221, %sub3A_209, %multiple_of3A, %dma_start3A] : memref<64x3x224x224xf32, #tpu.memory_space<hbm>> -> memref<1x1x112x224xf32, #tpu.memory_space<hbm>>
      %dma_start3A_352 = tpu.memref_squeeze %dma_start3A_351 : memref<1x1x112x224xf32, #tpu.memory_space<hbm>> -> memref<112x224xf32, #tpu.memory_space<hbm>>
      %dma_start3A_353 = arith.constant 0 : i32
      %dma_start3A_354 = tpu.memref_slice %arg2[%get3A_221, %sub3A_209, %multiple_of3A, %dma_start3A_353] : memref<64x3x224x224xf32, #tpu.memory_space<hbm>> -> memref<1x1x112x224xf32, #tpu.memory_space<hbm>>
      %dma_start3A_355 = tpu.memref_squeeze %dma_start3A_354 : memref<1x1x112x224xf32, #tpu.memory_space<hbm>> -> memref<112x224xf32, #tpu.memory_space<hbm>>
      tpu.enqueue_dma source(%dma_start3A_355 : memref<112x224xf32, #tpu.memory_space<hbm>>) target(%arg6 : memref<112x224xf32, #tpu.memory_space<vmem>>) target_semaphore(%arg10 : memref<!tpu.dma_semaphore, #tpu.memory_space<semaphore_mem>>)
      %gt3A_356 = arith.constant 0 : i32
      %gt3A_357 = arith.cmpi sgt, %while3A_190, %gt3A_356 : i32
      %convert_element_type3A_358 = arith.extui %gt3A_357 : i1 to i32
      %cond3A_359 = arith.constant 0 : i32
      %cond3A_360 = arith.cmpi ne, %convert_element_type3A_358, %cond3A_359 : i32
      scf.if %cond3A_360 {
        %dma_wait3A_430 = arith.constant 0 : i32
        %dma_wait3A_431 = arith.constant 0 : i32
        %dma_wait3A_432 = arith.constant 0 : i32
        %dma_wait3A_433 = arith.constant 0 : i32
        %dma_wait3A_434 = tpu.memref_slice %arg3[%dma_wait3A_430, %dma_wait3A_431, %dma_wait3A_432, %dma_wait3A_433] : memref<55x3x224x224xf32, #tpu.memory_space<hbm>> -> memref<1x1x112x224xf32, #tpu.memory_space<hbm>>
        %dma_wait3A_435 = tpu.memref_squeeze %dma_wait3A_434 : memref<1x1x112x224xf32, #tpu.memory_space<hbm>> -> memref<112x224xf32, #tpu.memory_space<hbm>>
        %dma_wait3A_436 = arith.constant 0 : i32
        %dma_wait3A_437 = arith.constant 0 : i32
        %dma_wait3A_438 = tpu.memref_slice %arg3[%dma_wait3A_430, %dma_wait3A_431, %dma_wait3A_436, %dma_wait3A_437] : memref<55x3x224x224xf32, #tpu.memory_space<hbm>> -> memref<1x1x112x224xf32, #tpu.memory_space<hbm>>
        %dma_wait3A_439 = tpu.memref_squeeze %dma_wait3A_438 : memref<1x1x112x224xf32, #tpu.memory_space<hbm>> -> memref<112x224xf32, #tpu.memory_space<hbm>>
        tpu.wait_dma2 semaphore(%arg11 : memref<!tpu.dma_semaphore, #tpu.memory_space<semaphore_mem>>) src(%arg4 : memref<112x224xf32, #tpu.memory_space<vmem>>) dst(%dma_wait3A_439 : memref<112x224xf32, #tpu.memory_space<hbm>>)
      } else {
      }
      %dma_start3A_361 = arith.constant 0 : i32
      %dma_start3A_362 = arith.constant 0 : i32
      %dma_start3A_363 = tpu.memref_slice %arg2[%get3A_215, %sub3A_209, %dma_start3A_361, %dma_start3A_362] : memref<64x3x224x224xf32, #tpu.memory_space<hbm>> -> memref<1x1x112x224xf32, #tpu.memory_space<hbm>>
      %dma_start3A_364 = tpu.memref_squeeze %dma_start3A_363 : memref<1x1x112x224xf32, #tpu.memory_space<hbm>> -> memref<112x224xf32, #tpu.memory_space<hbm>>
      %dma_start3A_365 = arith.constant 0 : i32
      %dma_start3A_366 = arith.constant 0 : i32
      %dma_start3A_367 = tpu.memref_slice %arg2[%get3A_215, %sub3A_209, %dma_start3A_365, %dma_start3A_366] : memref<64x3x224x224xf32, #tpu.memory_space<hbm>> -> memref<1x1x112x224xf32, #tpu.memory_space<hbm>>
      %dma_start3A_368 = tpu.memref_squeeze %dma_start3A_367 : memref<1x1x112x224xf32, #tpu.memory_space<hbm>> -> memref<112x224xf32, #tpu.memory_space<hbm>>
      tpu.enqueue_dma source(%dma_start3A_368 : memref<112x224xf32, #tpu.memory_space<hbm>>) target(%arg4 : memref<112x224xf32, #tpu.memory_space<vmem>>) target_semaphore(%arg8 : memref<!tpu.dma_semaphore, #tpu.memory_space<semaphore_mem>>)
      %gt3A_369 = arith.constant 0 : i32
      %gt3A_370 = arith.cmpi sgt, %while3A_190, %gt3A_369 : i32
      %convert_element_type3A_371 = arith.extui %gt3A_370 : i1 to i32
      %cond3A_372 = arith.constant 0 : i32
      %cond3A_373 = arith.cmpi ne, %convert_element_type3A_371, %cond3A_372 : i32
      scf.if %cond3A_373 {
        %dma_wait3A_430 = arith.constant 0 : i32
        %dma_wait3A_431 = arith.constant 0 : i32
        %dma_wait3A_432 = arith.constant 112 : i32
        %dma_wait3A_433 = arith.constant 0 : i32
        %dma_wait3A_434 = tpu.memref_slice %arg3[%dma_wait3A_430, %dma_wait3A_431, %dma_wait3A_432, %dma_wait3A_433] : memref<55x3x224x224xf32, #tpu.memory_space<hbm>> -> memref<1x1x112x224xf32, #tpu.memory_space<hbm>>
        %dma_wait3A_435 = tpu.memref_squeeze %dma_wait3A_434 : memref<1x1x112x224xf32, #tpu.memory_space<hbm>> -> memref<112x224xf32, #tpu.memory_space<hbm>>
        %dma_wait3A_436 = arith.constant 112 : i32
        %dma_wait3A_437 = arith.constant 0 : i32
        %dma_wait3A_438 = tpu.memref_slice %arg3[%dma_wait3A_430, %dma_wait3A_431, %dma_wait3A_436, %dma_wait3A_437] : memref<55x3x224x224xf32, #tpu.memory_space<hbm>> -> memref<1x1x112x224xf32, #tpu.memory_space<hbm>>
        %dma_wait3A_439 = tpu.memref_squeeze %dma_wait3A_438 : memref<1x1x112x224xf32, #tpu.memory_space<hbm>> -> memref<112x224xf32, #tpu.memory_space<hbm>>
        tpu.wait_dma2 semaphore(%arg12 : memref<!tpu.dma_semaphore, #tpu.memory_space<semaphore_mem>>) src(%arg5 : memref<112x224xf32, #tpu.memory_space<vmem>>) dst(%dma_wait3A_439 : memref<112x224xf32, #tpu.memory_space<hbm>>)
      } else {
      }
      %dma_start3A_374 = arith.constant 112 : i32
      %dma_start3A_375 = arith.constant 0 : i32
      %dma_start3A_376 = tpu.memref_slice %arg2[%get3A_215, %sub3A_209, %dma_start3A_374, %dma_start3A_375] : memref<64x3x224x224xf32, #tpu.memory_space<hbm>> -> memref<1x1x112x224xf32, #tpu.memory_space<hbm>>
      %dma_start3A_377 = tpu.memref_squeeze %dma_start3A_376 : memref<1x1x112x224xf32, #tpu.memory_space<hbm>> -> memref<112x224xf32, #tpu.memory_space<hbm>>
      %dma_start3A_378 = arith.constant 112 : i32
      %dma_start3A_379 = arith.constant 0 : i32
      %dma_start3A_380 = tpu.memref_slice %arg2[%get3A_215, %sub3A_209, %dma_start3A_378, %dma_start3A_379] : memref<64x3x224x224xf32, #tpu.memory_space<hbm>> -> memref<1x1x112x224xf32, #tpu.memory_space<hbm>>
      %dma_start3A_381 = tpu.memref_squeeze %dma_start3A_380 : memref<1x1x112x224xf32, #tpu.memory_space<hbm>> -> memref<112x224xf32, #tpu.memory_space<hbm>>
      tpu.enqueue_dma source(%dma_start3A_381 : memref<112x224xf32, #tpu.memory_space<hbm>>) target(%arg5 : memref<112x224xf32, #tpu.memory_space<vmem>>) target_semaphore(%arg9 : memref<!tpu.dma_semaphore, #tpu.memory_space<semaphore_mem>>)
      %dma_wait3A_382 = arith.constant 0 : i32
      %dma_wait3A_383 = arith.constant 0 : i32
      %dma_wait3A_384 = tpu.memref_slice %arg2[%get3A_215, %sub3A_209, %dma_wait3A_382, %dma_wait3A_383] : memref<64x3x224x224xf32, #tpu.memory_space<hbm>> -> memref<1x1x112x224xf32, #tpu.memory_space<hbm>>
      %dma_wait3A_385 = tpu.memref_squeeze %dma_wait3A_384 : memref<1x1x112x224xf32, #tpu.memory_space<hbm>> -> memref<112x224xf32, #tpu.memory_space<hbm>>
      %dma_wait3A_386 = arith.constant 0 : i32
      %dma_wait3A_387 = arith.constant 0 : i32
      %dma_wait3A_388 = tpu.memref_slice %arg2[%get3A_215, %sub3A_209, %dma_wait3A_386, %dma_wait3A_387] : memref<64x3x224x224xf32, #tpu.memory_space<hbm>> -> memref<1x1x112x224xf32, #tpu.memory_space<hbm>>
      %dma_wait3A_389 = tpu.memref_squeeze %dma_wait3A_388 : memref<1x1x112x224xf32, #tpu.memory_space<hbm>> -> memref<112x224xf32, #tpu.memory_space<hbm>>
      tpu.wait_dma2 semaphore(%arg8 : memref<!tpu.dma_semaphore, #tpu.memory_space<semaphore_mem>>) src(%dma_wait3A_389 : memref<112x224xf32, #tpu.memory_space<hbm>>) dst(%arg4 : memref<112x224xf32, #tpu.memory_space<vmem>>)
      %dma_wait3A_390 = arith.constant 0 : i32
      %dma_wait3A_391 = arith.constant 0 : i32
      %dma_wait3A_392 = arith.constant 0 : i32
      %dma_wait3A_393 = arith.constant 0 : i32
      %dma_wait3A_394 = tpu.memref_slice %arg2[%dma_wait3A_390, %dma_wait3A_391, %dma_wait3A_392, %dma_wait3A_393] : memref<64x3x224x224xf32, #tpu.memory_space<hbm>> -> memref<1x1x112x224xf32, #tpu.memory_space<hbm>>
      %dma_wait3A_395 = tpu.memref_squeeze %dma_wait3A_394 : memref<1x1x112x224xf32, #tpu.memory_space<hbm>> -> memref<112x224xf32, #tpu.memory_space<hbm>>
      %dma_wait3A_396 = arith.constant 0 : i32
      %dma_wait3A_397 = arith.constant 0 : i32
      %dma_wait3A_398 = tpu.memref_slice %arg2[%dma_wait3A_390, %dma_wait3A_391, %dma_wait3A_396, %dma_wait3A_397] : memref<64x3x224x224xf32, #tpu.memory_space<hbm>> -> memref<1x1x112x224xf32, #tpu.memory_space<hbm>>
      %dma_wait3A_399 = tpu.memref_squeeze %dma_wait3A_398 : memref<1x1x112x224xf32, #tpu.memory_space<hbm>> -> memref<112x224xf32, #tpu.memory_space<hbm>>
      tpu.wait_dma2 semaphore(%arg10 : memref<!tpu.dma_semaphore, #tpu.memory_space<semaphore_mem>>) src(%dma_wait3A_399 : memref<112x224xf32, #tpu.memory_space<hbm>>) dst(%arg6 : memref<112x224xf32, #tpu.memory_space<vmem>>)
      %convert_element_type3A_400 = arith.extui %lt3A_316 : i1 to i32
      %cond3A_401 = arith.constant 0 : i32
      %cond3A_402 = arith.cmpi ne, %convert_element_type3A_400, %cond3A_401 : i32
      scf.if %cond3A_402 {
        %mul3A_430 = arith.constant 16 : i32
        %mul3A_431 = arith.muli %select_n3A_263, %mul3A_430 : i32
        %multiple_of3A_432 = tpu.assume_multiple %mul3A_431, 16 : i32
        %mul3A_433 = arith.constant 16 : i32
        %mul3A_434 = arith.muli %select_n3A_291, %mul3A_433 : i32
        %multiple_of3A_435 = tpu.assume_multiple %mul3A_434, 16 : i32
        %add3A_436 = arith.constant 1 : i32
        %add3A_437 = arith.addi %select_n3A_263, %add3A_436 : i32
        %mul3A_438 = arith.constant 16 : i32
        %mul3A_439 = arith.muli %add3A_437, %mul3A_438 : i32
        %sub3A_440 = arith.constant 1 : i32
        %sub3A_441 = arith.subi %select_n3A_291, %sub3A_440 : i32
        %mul3A_442 = arith.constant 16 : i32
        %mul3A_443 = arith.muli %sub3A_441, %mul3A_442 : i32
        %min3A_444 = arith.minsi %mul3A_439, %mul3A_443 : i32
        %multiple_of3A_445 = tpu.assume_multiple %min3A_444, 16 : i32
        %add3A_446 = arith.constant 2 : i32
        %add3A_447 = arith.addi %select_n3A_263, %add3A_446 : i32
        %mul3A_448 = arith.constant 16 : i32
        %mul3A_449 = arith.muli %add3A_447, %mul3A_448 : i32
        %sub3A_450 = arith.constant 1 : i32
        %sub3A_451 = arith.subi %select_n3A_291, %sub3A_450 : i32
        %mul3A_452 = arith.constant 16 : i32
        %mul3A_453 = arith.muli %sub3A_451, %mul3A_452 : i32
        %min3A_454 = arith.minsi %mul3A_449, %mul3A_453 : i32
        %multiple_of3A_455 = tpu.assume_multiple %min3A_454, 16 : i32
        %add3A_456 = arith.constant 3 : i32
        %add3A_457 = arith.addi %select_n3A_263, %add3A_456 : i32
        %mul3A_458 = arith.constant 16 : i32
        %mul3A_459 = arith.muli %add3A_457, %mul3A_458 : i32
        %sub3A_460 = arith.constant 1 : i32
        %sub3A_461 = arith.subi %select_n3A_291, %sub3A_460 : i32
        %mul3A_462 = arith.constant 16 : i32
        %mul3A_463 = arith.muli %sub3A_461, %mul3A_462 : i32
        %min3A_464 = arith.minsi %mul3A_459, %mul3A_463 : i32
        %multiple_of3A_465 = tpu.assume_multiple %min3A_464, 16 : i32
        %add3A_466 = arith.constant 4 : i32
        %add3A_467 = arith.addi %select_n3A_263, %add3A_466 : i32
        %mul3A_468 = arith.constant 16 : i32
        %mul3A_469 = arith.muli %add3A_467, %mul3A_468 : i32
        %sub3A_470 = arith.constant 1 : i32
        %sub3A_471 = arith.subi %select_n3A_291, %sub3A_470 : i32
        %mul3A_472 = arith.constant 16 : i32
        %mul3A_473 = arith.muli %sub3A_471, %mul3A_472 : i32
        %min3A_474 = arith.minsi %mul3A_469, %mul3A_473 : i32
        %multiple_of3A_475 = tpu.assume_multiple %min3A_474, 16 : i32
        %add3A_476 = arith.constant 5 : i32
        %add3A_477 = arith.addi %select_n3A_263, %add3A_476 : i32
        %mul3A_478 = arith.constant 16 : i32
        %mul3A_479 = arith.muli %add3A_477, %mul3A_478 : i32
        %sub3A_480 = arith.constant 1 : i32
        %sub3A_481 = arith.subi %select_n3A_291, %sub3A_480 : i32
        %mul3A_482 = arith.constant 16 : i32
        %mul3A_483 = arith.muli %sub3A_481, %mul3A_482 : i32
        %min3A_484 = arith.minsi %mul3A_479, %mul3A_483 : i32
        %multiple_of3A_485 = tpu.assume_multiple %min3A_484, 16 : i32
        %add3A_486 = arith.constant 6 : i32
        %add3A_487 = arith.addi %select_n3A_263, %add3A_486 : i32
        %mul3A_488 = arith.constant 16 : i32
        %mul3A_489 = arith.muli %add3A_487, %mul3A_488 : i32
        %sub3A_490 = arith.constant 1 : i32
        %sub3A_491 = arith.subi %select_n3A_291, %sub3A_490 : i32
        %mul3A_492 = arith.constant 16 : i32
        %mul3A_493 = arith.muli %sub3A_491, %mul3A_492 : i32
        %min3A_494 = arith.minsi %mul3A_489, %mul3A_493 : i32
        %multiple_of3A_495 = tpu.assume_multiple %min3A_494, 16 : i32
        %parallel_loop3A = arith.constant 1 : i32
        scf.for %parallel_loop3A_496 = %get3A_227 to %min3A_314 step %parallel_loop3A  : i32 {
          %parallel_loop3A_497 = arith.subi %parallel_loop3A_496, %multiple_of3A : i32
          %parallel_loop3A_498 = arith.constant 0 : i32
          %parallel_loop3A_499 = arith.subi %parallel_loop3A_496, %parallel_loop3A_498 : i32
          %parallel_loop3A_500 = arith.index_cast %parallel_loop3A_497 : i32 to index
          %parallel_loop3A_501 = arith.index_cast %multiple_of3A_432 : i32 to index
          %parallel_loop3A_502 = tpu.vector_load %arg6[%parallel_loop3A_500, %parallel_loop3A_501] {strides = array<i32>} : memref<112x224xf32, #tpu.memory_space<vmem>>, vector<1x16xf32>,
          %parallel_loop3A_503 = vector.shape_cast %parallel_loop3A_502 : vector<1x16xf32> to vector<16xf32>
          %parallel_loop3A_504 = arith.index_cast %parallel_loop3A_499 : i32 to index
          %parallel_loop3A_505 = arith.index_cast %multiple_of3A_432 : i32 to index
          %parallel_loop3A_506 = tpu.vector_load %arg4[%parallel_loop3A_504, %parallel_loop3A_505] {strides = array<i32>} : memref<112x224xf32, #tpu.memory_space<vmem>>, vector<1x16xf32>,
          %parallel_loop3A_507 = vector.shape_cast %parallel_loop3A_506 : vector<1x16xf32> to vector<16xf32>
          %parallel_loop3A_508 = arith.select %and3A_300, %parallel_loop3A_503, %parallel_loop3A_507 : vector<16xi1>, vector<16xf32>
          %parallel_loop3A_509 = arith.index_cast %parallel_loop3A_499 : i32 to index
          %parallel_loop3A_510 = arith.index_cast %multiple_of3A_432 : i32 to index
          %parallel_loop3A_511 = tpu.vector_load %arg4[%parallel_loop3A_509, %parallel_loop3A_510] {strides = array<i32>} : memref<112x224xf32, #tpu.memory_space<vmem>>, vector<1x16xf32>,
          %parallel_loop3A_512 = vector.shape_cast %parallel_loop3A_511 : vector<1x16xf32> to vector<16xf32>
          %parallel_loop3A_513 = vector.shape_cast %parallel_loop3A_508 : vector<16xf32> to vector<1x16xf32>
          tpu.vector_store %arg4[%parallel_loop3A_509, %parallel_loop3A_510], %parallel_loop3A_513 {strides = array<i32>} : memref<112x224xf32, #tpu.memory_space<vmem>>, vector<1x16xf32>,
          %parallel_loop3A_514 = arith.index_cast %parallel_loop3A_497 : i32 to index
          %parallel_loop3A_515 = arith.index_cast %multiple_of3A_435 : i32 to index
          %parallel_loop3A_516 = tpu.vector_load %arg6[%parallel_loop3A_514, %parallel_loop3A_515] {strides = array<i32>} : memref<112x224xf32, #tpu.memory_space<vmem>>, vector<1x16xf32>,
          %parallel_loop3A_517 = vector.shape_cast %parallel_loop3A_516 : vector<1x16xf32> to vector<16xf32>
          %parallel_loop3A_518 = arith.index_cast %parallel_loop3A_499 : i32 to index
          %parallel_loop3A_519 = arith.index_cast %multiple_of3A_435 : i32 to index
          %parallel_loop3A_520 = tpu.vector_load %arg4[%parallel_loop3A_518, %parallel_loop3A_519] {strides = array<i32>} : memref<112x224xf32, #tpu.memory_space<vmem>>, vector<1x16xf32>,
          %parallel_loop3A_521 = vector.shape_cast %parallel_loop3A_520 : vector<1x16xf32> to vector<16xf32>
          %parallel_loop3A_522 = arith.select %and3A_311, %parallel_loop3A_517, %parallel_loop3A_521 : vector<16xi1>, vector<16xf32>
          %parallel_loop3A_523 = arith.index_cast %parallel_loop3A_499 : i32 to index
          %parallel_loop3A_524 = arith.index_cast %multiple_of3A_435 : i32 to index
          %parallel_loop3A_525 = tpu.vector_load %arg4[%parallel_loop3A_523, %parallel_loop3A_524] {strides = array<i32>} : memref<112x224xf32, #tpu.memory_space<vmem>>, vector<1x16xf32>,
          %parallel_loop3A_526 = vector.shape_cast %parallel_loop3A_525 : vector<1x16xf32> to vector<16xf32>
          %parallel_loop3A_527 = vector.shape_cast %parallel_loop3A_522 : vector<16xf32> to vector<1x16xf32>
          tpu.vector_store %arg4[%parallel_loop3A_523, %parallel_loop3A_524], %parallel_loop3A_527 {strides = array<i32>} : memref<112x224xf32, #tpu.memory_space<vmem>>, vector<1x16xf32>,
          %parallel_loop3A_528 = arith.index_cast %parallel_loop3A_497 : i32 to index
          %parallel_loop3A_529 = arith.index_cast %multiple_of3A_445 : i32 to index
          %parallel_loop3A_530 = tpu.vector_load %arg6[%parallel_loop3A_528, %parallel_loop3A_529] {strides = array<i32>} : memref<112x224xf32, #tpu.memory_space<vmem>>, vector<1x16xf32>,
          %parallel_loop3A_531 = vector.shape_cast %parallel_loop3A_530 : vector<1x16xf32> to vector<16xf32>
          %parallel_loop3A_532 = arith.index_cast %parallel_loop3A_499 : i32 to index
          %parallel_loop3A_533 = arith.index_cast %multiple_of3A_445 : i32 to index
          %parallel_loop3A_534 = tpu.vector_load %arg4[%parallel_loop3A_532, %parallel_loop3A_533] {strides = array<i32>} : memref<112x224xf32, #tpu.memory_space<vmem>>, vector<1x16xf32>,
          %parallel_loop3A_535 = vector.shape_cast %parallel_loop3A_534 : vector<1x16xf32> to vector<16xf32>
          %parallel_loop3A_536 = vector.shape_cast %parallel_loop3A_531 : vector<16xf32> to vector<1x16xf32>
          tpu.vector_store %arg4[%parallel_loop3A_532, %parallel_loop3A_533], %parallel_loop3A_536 {strides = array<i32>} : memref<112x224xf32, #tpu.memory_space<vmem>>, vector<1x16xf32>,
          %parallel_loop3A_537 = arith.index_cast %parallel_loop3A_497 : i32 to index
          %parallel_loop3A_538 = arith.index_cast %multiple_of3A_455 : i32 to index
          %parallel_loop3A_539 = tpu.vector_load %arg6[%parallel_loop3A_537, %parallel_loop3A_538] {strides = array<i32>} : memref<112x224xf32, #tpu.memory_space<vmem>>, vector<1x16xf32>,
          %parallel_loop3A_540 = vector.shape_cast %parallel_loop3A_539 : vector<1x16xf32> to vector<16xf32>
          %parallel_loop3A_541 = arith.index_cast %parallel_loop3A_499 : i32 to index
          %parallel_loop3A_542 = arith.index_cast %multiple_of3A_455 : i32 to index
          %parallel_loop3A_543 = tpu.vector_load %arg4[%parallel_loop3A_541, %parallel_loop3A_542] {strides = array<i32>} : memref<112x224xf32, #tpu.memory_space<vmem>>, vector<1x16xf32>,
          %parallel_loop3A_544 = vector.shape_cast %parallel_loop3A_543 : vector<1x16xf32> to vector<16xf32>
          %parallel_loop3A_545 = vector.shape_cast %parallel_loop3A_540 : vector<16xf32> to vector<1x16xf32>
          tpu.vector_store %arg4[%parallel_loop3A_541, %parallel_loop3A_542], %parallel_loop3A_545 {strides = array<i32>} : memref<112x224xf32, #tpu.memory_space<vmem>>, vector<1x16xf32>,
          %parallel_loop3A_546 = arith.index_cast %parallel_loop3A_497 : i32 to index
          %parallel_loop3A_547 = arith.index_cast %multiple_of3A_465 : i32 to index
          %parallel_loop3A_548 = tpu.vector_load %arg6[%parallel_loop3A_546, %parallel_loop3A_547] {strides = array<i32>} : memref<112x224xf32, #tpu.memory_space<vmem>>, vector<1x16xf32>,
          %parallel_loop3A_549 = vector.shape_cast %parallel_loop3A_548 : vector<1x16xf32> to vector<16xf32>
          %parallel_loop3A_550 = arith.index_cast %parallel_loop3A_499 : i32 to index
          %parallel_loop3A_551 = arith.index_cast %multiple_of3A_465 : i32 to index
          %parallel_loop3A_552 = tpu.vector_load %arg4[%parallel_loop3A_550, %parallel_loop3A_551] {strides = array<i32>} : memref<112x224xf32, #tpu.memory_space<vmem>>, vector<1x16xf32>,
          %parallel_loop3A_553 = vector.shape_cast %parallel_loop3A_552 : vector<1x16xf32> to vector<16xf32>
          %parallel_loop3A_554 = vector.shape_cast %parallel_loop3A_549 : vector<16xf32> to vector<1x16xf32>
          tpu.vector_store %arg4[%parallel_loop3A_550, %parallel_loop3A_551], %parallel_loop3A_554 {strides = array<i32>} : memref<112x224xf32, #tpu.memory_space<vmem>>, vector<1x16xf32>,
          %parallel_loop3A_555 = arith.index_cast %parallel_loop3A_497 : i32 to index
          %parallel_loop3A_556 = arith.index_cast %multiple_of3A_475 : i32 to index
          %parallel_loop3A_557 = tpu.vector_load %arg6[%parallel_loop3A_555, %parallel_loop3A_556] {strides = array<i32>} : memref<112x224xf32, #tpu.memory_space<vmem>>, vector<1x16xf32>,
          %parallel_loop3A_558 = vector.shape_cast %parallel_loop3A_557 : vector<1x16xf32> to vector<16xf32>
          %parallel_loop3A_559 = arith.index_cast %parallel_loop3A_499 : i32 to index
          %parallel_loop3A_560 = arith.index_cast %multiple_of3A_475 : i32 to index
          %parallel_loop3A_561 = tpu.vector_load %arg4[%parallel_loop3A_559, %parallel_loop3A_560] {strides = array<i32>} : memref<112x224xf32, #tpu.memory_space<vmem>>, vector<1x16xf32>,
          %parallel_loop3A_562 = vector.shape_cast %parallel_loop3A_561 : vector<1x16xf32> to vector<16xf32>
          %parallel_loop3A_563 = vector.shape_cast %parallel_loop3A_558 : vector<16xf32> to vector<1x16xf32>
          tpu.vector_store %arg4[%parallel_loop3A_559, %parallel_loop3A_560], %parallel_loop3A_563 {strides = array<i32>} : memref<112x224xf32, #tpu.memory_space<vmem>>, vector<1x16xf32>,
          %parallel_loop3A_564 = arith.index_cast %parallel_loop3A_497 : i32 to index
          %parallel_loop3A_565 = arith.index_cast %multiple_of3A_485 : i32 to index
          %parallel_loop3A_566 = tpu.vector_load %arg6[%parallel_loop3A_564, %parallel_loop3A_565] {strides = array<i32>} : memref<112x224xf32, #tpu.memory_space<vmem>>, vector<1x16xf32>,
          %parallel_loop3A_567 = vector.shape_cast %parallel_loop3A_566 : vector<1x16xf32> to vector<16xf32>
          %parallel_loop3A_568 = arith.index_cast %parallel_loop3A_499 : i32 to index
          %parallel_loop3A_569 = arith.index_cast %multiple_of3A_485 : i32 to index
          %parallel_loop3A_570 = tpu.vector_load %arg4[%parallel_loop3A_568, %parallel_loop3A_569] {strides = array<i32>} : memref<112x224xf32, #tpu.memory_space<vmem>>, vector<1x16xf32>,
          %parallel_loop3A_571 = vector.shape_cast %parallel_loop3A_570 : vector<1x16xf32> to vector<16xf32>
          %parallel_loop3A_572 = vector.shape_cast %parallel_loop3A_567 : vector<16xf32> to vector<1x16xf32>
          tpu.vector_store %arg4[%parallel_loop3A_568, %parallel_loop3A_569], %parallel_loop3A_572 {strides = array<i32>} : memref<112x224xf32, #tpu.memory_space<vmem>>, vector<1x16xf32>,
          %parallel_loop3A_573 = arith.index_cast %parallel_loop3A_497 : i32 to index
          %parallel_loop3A_574 = arith.index_cast %multiple_of3A_495 : i32 to index
          %parallel_loop3A_575 = tpu.vector_load %arg6[%parallel_loop3A_573, %parallel_loop3A_574] {strides = array<i32>} : memref<112x224xf32, #tpu.memory_space<vmem>>, vector<1x16xf32>,
          %parallel_loop3A_576 = vector.shape_cast %parallel_loop3A_575 : vector<1x16xf32> to vector<16xf32>
          %parallel_loop3A_577 = arith.index_cast %parallel_loop3A_499 : i32 to index
          %parallel_loop3A_578 = arith.index_cast %multiple_of3A_495 : i32 to index
          %parallel_loop3A_579 = tpu.vector_load %arg4[%parallel_loop3A_577, %parallel_loop3A_578] {strides = array<i32>} : memref<112x224xf32, #tpu.memory_space<vmem>>, vector<1x16xf32>,
          %parallel_loop3A_580 = vector.shape_cast %parallel_loop3A_579 : vector<1x16xf32> to vector<16xf32>
          %parallel_loop3A_581 = vector.shape_cast %parallel_loop3A_576 : vector<16xf32> to vector<1x16xf32>
          tpu.vector_store %arg4[%parallel_loop3A_577, %parallel_loop3A_578], %parallel_loop3A_581 {strides = array<i32>} : memref<112x224xf32, #tpu.memory_space<vmem>>, vector<1x16xf32>,
        } {sc.loop_unroll_factor = 4 : i64, sc.parallel_access}
      } else {
      }
      %dma_start3A_403 = arith.constant 0 : i32
      %dma_start3A_404 = arith.constant 0 : i32
      %dma_start3A_405 = tpu.memref_slice %arg3[%get3A_239, %sub3A_209, %dma_start3A_403, %dma_start3A_404] : memref<55x3x224x224xf32, #tpu.memory_space<hbm>> -> memref<1x1x112x224xf32, #tpu.memory_space<hbm>>
      %dma_start3A_406 = tpu.memref_squeeze %dma_start3A_405 : memref<1x1x112x224xf32, #tpu.memory_space<hbm>> -> memref<112x224xf32, #tpu.memory_space<hbm>>
      %dma_start3A_407 = arith.constant 0 : i32
      %dma_start3A_408 = arith.constant 0 : i32
      %dma_start3A_409 = tpu.memref_slice %arg3[%get3A_239, %sub3A_209, %dma_start3A_407, %dma_start3A_408] : memref<55x3x224x224xf32, #tpu.memory_space<hbm>> -> memref<1x1x112x224xf32, #tpu.memory_space<hbm>>
      %dma_start3A_410 = tpu.memref_squeeze %dma_start3A_409 : memref<1x1x112x224xf32, #tpu.memory_space<hbm>> -> memref<112x224xf32, #tpu.memory_space<hbm>>
      tpu.enqueue_dma source(%arg4 : memref<112x224xf32, #tpu.memory_space<vmem>>) target(%dma_start3A_410 : memref<112x224xf32, #tpu.memory_space<hbm>>) target_semaphore(%arg11 : memref<!tpu.dma_semaphore, #tpu.memory_space<semaphore_mem>>)
      %dma_wait3A_411 = arith.constant 112 : i32
      %dma_wait3A_412 = arith.constant 0 : i32
      %dma_wait3A_413 = tpu.memref_slice %arg2[%get3A_215, %sub3A_209, %dma_wait3A_411, %dma_wait3A_412] : memref<64x3x224x224xf32, #tpu.memory_space<hbm>> -> memref<1x1x112x224xf32, #tpu.memory_space<hbm>>
      %dma_wait3A_414 = tpu.memref_squeeze %dma_wait3A_413 : memref<1x1x112x224xf32, #tpu.memory_space<hbm>> -> memref<112x224xf32, #tpu.memory_space<hbm>>
      %dma_wait3A_415 = arith.constant 112 : i32
      %dma_wait3A_416 = arith.constant 0 : i32
      %dma_wait3A_417 = tpu.memref_slice %arg2[%get3A_215, %sub3A_209, %dma_wait3A_415, %dma_wait3A_416] : memref<64x3x224x224xf32, #tpu.memory_space<hbm>> -> memref<1x1x112x224xf32, #tpu.memory_space<hbm>>
      %dma_wait3A_418 = tpu.memref_squeeze %dma_wait3A_417 : memref<1x1x112x224xf32, #tpu.memory_space<hbm>> -> memref<112x224xf32, #tpu.memory_space<hbm>>
      tpu.wait_dma2 semaphore(%arg9 : memref<!tpu.dma_semaphore, #tpu.memory_space<semaphore_mem>>) src(%dma_wait3A_418 : memref<112x224xf32, #tpu.memory_space<hbm>>) dst(%arg5 : memref<112x224xf32, #tpu.memory_space<vmem>>)
      %convert_element_type3A_419 = arith.extui %gt3A_322 : i1 to i32
      %cond3A_420 = arith.constant 0 : i32
      %cond3A_421 = arith.cmpi ne, %convert_element_type3A_419, %cond3A_420 : i32
      scf.if %cond3A_421 {
        %mul3A_430 = arith.constant 16 : i32
        %mul3A_431 = arith.muli %select_n3A_263, %mul3A_430 : i32
        %multiple_of3A_432 = tpu.assume_multiple %mul3A_431, 16 : i32
        %mul3A_433 = arith.constant 16 : i32
        %mul3A_434 = arith.muli %select_n3A_291, %mul3A_433 : i32
        %multiple_of3A_435 = tpu.assume_multiple %mul3A_434, 16 : i32
        %add3A_436 = arith.constant 1 : i32
        %add3A_437 = arith.addi %select_n3A_263, %add3A_436 : i32
        %mul3A_438 = arith.constant 16 : i32
        %mul3A_439 = arith.muli %add3A_437, %mul3A_438 : i32
        %sub3A_440 = arith.constant 1 : i32
        %sub3A_441 = arith.subi %select_n3A_291, %sub3A_440 : i32
        %mul3A_442 = arith.constant 16 : i32
        %mul3A_443 = arith.muli %sub3A_441, %mul3A_442 : i32
        %min3A_444 = arith.minsi %mul3A_439, %mul3A_443 : i32
        %multiple_of3A_445 = tpu.assume_multiple %min3A_444, 16 : i32
        %add3A_446 = arith.constant 2 : i32
        %add3A_447 = arith.addi %select_n3A_263, %add3A_446 : i32
        %mul3A_448 = arith.constant 16 : i32
        %mul3A_449 = arith.muli %add3A_447, %mul3A_448 : i32
        %sub3A_450 = arith.constant 1 : i32
        %sub3A_451 = arith.subi %select_n3A_291, %sub3A_450 : i32
        %mul3A_452 = arith.constant 16 : i32
        %mul3A_453 = arith.muli %sub3A_451, %mul3A_452 : i32
        %min3A_454 = arith.minsi %mul3A_449, %mul3A_453 : i32
        %multiple_of3A_455 = tpu.assume_multiple %min3A_454, 16 : i32
        %add3A_456 = arith.constant 3 : i32
        %add3A_457 = arith.addi %select_n3A_263, %add3A_456 : i32
        %mul3A_458 = arith.constant 16 : i32
        %mul3A_459 = arith.muli %add3A_457, %mul3A_458 : i32
        %sub3A_460 = arith.constant 1 : i32
        %sub3A_461 = arith.subi %select_n3A_291, %sub3A_460 : i32
        %mul3A_462 = arith.constant 16 : i32
        %mul3A_463 = arith.muli %sub3A_461, %mul3A_462 : i32
        %min3A_464 = arith.minsi %mul3A_459, %mul3A_463 : i32
        %multiple_of3A_465 = tpu.assume_multiple %min3A_464, 16 : i32
        %add3A_466 = arith.constant 4 : i32
        %add3A_467 = arith.addi %select_n3A_263, %add3A_466 : i32
        %mul3A_468 = arith.constant 16 : i32
        %mul3A_469 = arith.muli %add3A_467, %mul3A_468 : i32
        %sub3A_470 = arith.constant 1 : i32
        %sub3A_471 = arith.subi %select_n3A_291, %sub3A_470 : i32
        %mul3A_472 = arith.constant 16 : i32
        %mul3A_473 = arith.muli %sub3A_471, %mul3A_472 : i32
        %min3A_474 = arith.minsi %mul3A_469, %mul3A_473 : i32
        %multiple_of3A_475 = tpu.assume_multiple %min3A_474, 16 : i32
        %add3A_476 = arith.constant 5 : i32
        %add3A_477 = arith.addi %select_n3A_263, %add3A_476 : i32
        %mul3A_478 = arith.constant 16 : i32
        %mul3A_479 = arith.muli %add3A_477, %mul3A_478 : i32
        %sub3A_480 = arith.constant 1 : i32
        %sub3A_481 = arith.subi %select_n3A_291, %sub3A_480 : i32
        %mul3A_482 = arith.constant 16 : i32
        %mul3A_483 = arith.muli %sub3A_481, %mul3A_482 : i32
        %min3A_484 = arith.minsi %mul3A_479, %mul3A_483 : i32
        %multiple_of3A_485 = tpu.assume_multiple %min3A_484, 16 : i32
        %add3A_486 = arith.constant 6 : i32
        %add3A_487 = arith.addi %select_n3A_263, %add3A_486 : i32
        %mul3A_488 = arith.constant 16 : i32
        %mul3A_489 = arith.muli %add3A_487, %mul3A_488 : i32
        %sub3A_490 = arith.constant 1 : i32
        %sub3A_491 = arith.subi %select_n3A_291, %sub3A_490 : i32
        %mul3A_492 = arith.constant 16 : i32
        %mul3A_493 = arith.muli %sub3A_491, %mul3A_492 : i32
        %min3A_494 = arith.minsi %mul3A_489, %mul3A_493 : i32
        %multiple_of3A_495 = tpu.assume_multiple %min3A_494, 16 : i32
        %parallel_loop3A = arith.constant 1 : i32
        scf.for %parallel_loop3A_496 = %max3A_317 to %add3A_319 step %parallel_loop3A  : i32 {
          %parallel_loop3A_497 = arith.subi %parallel_loop3A_496, %multiple_of3A : i32
          %parallel_loop3A_498 = arith.constant 112 : i32
          %parallel_loop3A_499 = arith.subi %parallel_loop3A_496, %parallel_loop3A_498 : i32
          %parallel_loop3A_500 = arith.index_cast %parallel_loop3A_497 : i32 to index
          %parallel_loop3A_501 = arith.index_cast %multiple_of3A_432 : i32 to index
          %parallel_loop3A_502 = tpu.vector_load %arg6[%parallel_loop3A_500, %parallel_loop3A_501] {strides = array<i32>} : memref<112x224xf32, #tpu.memory_space<vmem>>, vector<1x16xf32>,
          %parallel_loop3A_503 = vector.shape_cast %parallel_loop3A_502 : vector<1x16xf32> to vector<16xf32>
          %parallel_loop3A_504 = arith.index_cast %parallel_loop3A_499 : i32 to index
          %parallel_loop3A_505 = arith.index_cast %multiple_of3A_432 : i32 to index
          %parallel_loop3A_506 = tpu.vector_load %arg5[%parallel_loop3A_504, %parallel_loop3A_505] {strides = array<i32>} : memref<112x224xf32, #tpu.memory_space<vmem>>, vector<1x16xf32>,
          %parallel_loop3A_507 = vector.shape_cast %parallel_loop3A_506 : vector<1x16xf32> to vector<16xf32>
          %parallel_loop3A_508 = arith.select %and3A_300, %parallel_loop3A_503, %parallel_loop3A_507 : vector<16xi1>, vector<16xf32>
          %parallel_loop3A_509 = arith.index_cast %parallel_loop3A_499 : i32 to index
          %parallel_loop3A_510 = arith.index_cast %multiple_of3A_432 : i32 to index
          %parallel_loop3A_511 = tpu.vector_load %arg5[%parallel_loop3A_509, %parallel_loop3A_510] {strides = array<i32>} : memref<112x224xf32, #tpu.memory_space<vmem>>, vector<1x16xf32>,
          %parallel_loop3A_512 = vector.shape_cast %parallel_loop3A_511 : vector<1x16xf32> to vector<16xf32>
          %parallel_loop3A_513 = vector.shape_cast %parallel_loop3A_508 : vector<16xf32> to vector<1x16xf32>
          tpu.vector_store %arg5[%parallel_loop3A_509, %parallel_loop3A_510], %parallel_loop3A_513 {strides = array<i32>} : memref<112x224xf32, #tpu.memory_space<vmem>>, vector<1x16xf32>,
          %parallel_loop3A_514 = arith.index_cast %parallel_loop3A_497 : i32 to index
          %parallel_loop3A_515 = arith.index_cast %multiple_of3A_435 : i32 to index
          %parallel_loop3A_516 = tpu.vector_load %arg6[%parallel_loop3A_514, %parallel_loop3A_515] {strides = array<i32>} : memref<112x224xf32, #tpu.memory_space<vmem>>, vector<1x16xf32>,
          %parallel_loop3A_517 = vector.shape_cast %parallel_loop3A_516 : vector<1x16xf32> to vector<16xf32>
          %parallel_loop3A_518 = arith.index_cast %parallel_loop3A_499 : i32 to index
          %parallel_loop3A_519 = arith.index_cast %multiple_of3A_435 : i32 to index
          %parallel_loop3A_520 = tpu.vector_load %arg5[%parallel_loop3A_518, %parallel_loop3A_519] {strides = array<i32>} : memref<112x224xf32, #tpu.memory_space<vmem>>, vector<1x16xf32>,
          %parallel_loop3A_521 = vector.shape_cast %parallel_loop3A_520 : vector<1x16xf32> to vector<16xf32>
          %parallel_loop3A_522 = arith.select %and3A_311, %parallel_loop3A_517, %parallel_loop3A_521 : vector<16xi1>, vector<16xf32>
          %parallel_loop3A_523 = arith.index_cast %parallel_loop3A_499 : i32 to index
          %parallel_loop3A_524 = arith.index_cast %multiple_of3A_435 : i32 to index
          %parallel_loop3A_525 = tpu.vector_load %arg5[%parallel_loop3A_523, %parallel_loop3A_524] {strides = array<i32>} : memref<112x224xf32, #tpu.memory_space<vmem>>, vector<1x16xf32>,
          %parallel_loop3A_526 = vector.shape_cast %parallel_loop3A_525 : vector<1x16xf32> to vector<16xf32>
          %parallel_loop3A_527 = vector.shape_cast %parallel_loop3A_522 : vector<16xf32> to vector<1x16xf32>
          tpu.vector_store %arg5[%parallel_loop3A_523, %parallel_loop3A_524], %parallel_loop3A_527 {strides = array<i32>} : memref<112x224xf32, #tpu.memory_space<vmem>>, vector<1x16xf32>,
          %parallel_loop3A_528 = arith.index_cast %parallel_loop3A_497 : i32 to index
          %parallel_loop3A_529 = arith.index_cast %multiple_of3A_445 : i32 to index
          %parallel_loop3A_530 = tpu.vector_load %arg6[%parallel_loop3A_528, %parallel_loop3A_529] {strides = array<i32>} : memref<112x224xf32, #tpu.memory_space<vmem>>, vector<1x16xf32>,
          %parallel_loop3A_531 = vector.shape_cast %parallel_loop3A_530 : vector<1x16xf32> to vector<16xf32>
          %parallel_loop3A_532 = arith.index_cast %parallel_loop3A_499 : i32 to index
          %parallel_loop3A_533 = arith.index_cast %multiple_of3A_445 : i32 to index
          %parallel_loop3A_534 = tpu.vector_load %arg5[%parallel_loop3A_532, %parallel_loop3A_533] {strides = array<i32>} : memref<112x224xf32, #tpu.memory_space<vmem>>, vector<1x16xf32>,
          %parallel_loop3A_535 = vector.shape_cast %parallel_loop3A_534 : vector<1x16xf32> to vector<16xf32>
          %parallel_loop3A_536 = vector.shape_cast %parallel_loop3A_531 : vector<16xf32> to vector<1x16xf32>
          tpu.vector_store %arg5[%parallel_loop3A_532, %parallel_loop3A_533], %parallel_loop3A_536 {strides = array<i32>} : memref<112x224xf32, #tpu.memory_space<vmem>>, vector<1x16xf32>,
          %parallel_loop3A_537 = arith.index_cast %parallel_loop3A_497 : i32 to index
          %parallel_loop3A_538 = arith.index_cast %multiple_of3A_455 : i32 to index
          %parallel_loop3A_539 = tpu.vector_load %arg6[%parallel_loop3A_537, %parallel_loop3A_538] {strides = array<i32>} : memref<112x224xf32, #tpu.memory_space<vmem>>, vector<1x16xf32>,
          %parallel_loop3A_540 = vector.shape_cast %parallel_loop3A_539 : vector<1x16xf32> to vector<16xf32>
          %parallel_loop3A_541 = arith.index_cast %parallel_loop3A_499 : i32 to index
          %parallel_loop3A_542 = arith.index_cast %multiple_of3A_455 : i32 to index
          %parallel_loop3A_543 = tpu.vector_load %arg5[%parallel_loop3A_541, %parallel_loop3A_542] {strides = array<i32>} : memref<112x224xf32, #tpu.memory_space<vmem>>, vector<1x16xf32>,
          %parallel_loop3A_544 = vector.shape_cast %parallel_loop3A_543 : vector<1x16xf32> to vector<16xf32>
          %parallel_loop3A_545 = vector.shape_cast %parallel_loop3A_540 : vector<16xf32> to vector<1x16xf32>
          tpu.vector_store %arg5[%parallel_loop3A_541, %parallel_loop3A_542], %parallel_loop3A_545 {strides = array<i32>} : memref<112x224xf32, #tpu.memory_space<vmem>>, vector<1x16xf32>,
          %parallel_loop3A_546 = arith.index_cast %parallel_loop3A_497 : i32 to index
          %parallel_loop3A_547 = arith.index_cast %multiple_of3A_465 : i32 to index
          %parallel_loop3A_548 = tpu.vector_load %arg6[%parallel_loop3A_546, %parallel_loop3A_547] {strides = array<i32>} : memref<112x224xf32, #tpu.memory_space<vmem>>, vector<1x16xf32>,
          %parallel_loop3A_549 = vector.shape_cast %parallel_loop3A_548 : vector<1x16xf32> to vector<16xf32>
          %parallel_loop3A_550 = arith.index_cast %parallel_loop3A_499 : i32 to index
          %parallel_loop3A_551 = arith.index_cast %multiple_of3A_465 : i32 to index
          %parallel_loop3A_552 = tpu.vector_load %arg5[%parallel_loop3A_550, %parallel_loop3A_551] {strides = array<i32>} : memref<112x224xf32, #tpu.memory_space<vmem>>, vector<1x16xf32>,
          %parallel_loop3A_553 = vector.shape_cast %parallel_loop3A_552 : vector<1x16xf32> to vector<16xf32>
          %parallel_loop3A_554 = vector.shape_cast %parallel_loop3A_549 : vector<16xf32> to vector<1x16xf32>
          tpu.vector_store %arg5[%parallel_loop3A_550, %parallel_loop3A_551], %parallel_loop3A_554 {strides = array<i32>} : memref<112x224xf32, #tpu.memory_space<vmem>>, vector<1x16xf32>,
          %parallel_loop3A_555 = arith.index_cast %parallel_loop3A_497 : i32 to index
          %parallel_loop3A_556 = arith.index_cast %multiple_of3A_475 : i32 to index
          %parallel_loop3A_557 = tpu.vector_load %arg6[%parallel_loop3A_555, %parallel_loop3A_556] {strides = array<i32>} : memref<112x224xf32, #tpu.memory_space<vmem>>, vector<1x16xf32>,
          %parallel_loop3A_558 = vector.shape_cast %parallel_loop3A_557 : vector<1x16xf32> to vector<16xf32>
          %parallel_loop3A_559 = arith.index_cast %parallel_loop3A_499 : i32 to index
          %parallel_loop3A_560 = arith.index_cast %multiple_of3A_475 : i32 to index
          %parallel_loop3A_561 = tpu.vector_load %arg5[%parallel_loop3A_559, %parallel_loop3A_560] {strides = array<i32>} : memref<112x224xf32, #tpu.memory_space<vmem>>, vector<1x16xf32>,
          %parallel_loop3A_562 = vector.shape_cast %parallel_loop3A_561 : vector<1x16xf32> to vector<16xf32>
          %parallel_loop3A_563 = vector.shape_cast %parallel_loop3A_558 : vector<16xf32> to vector<1x16xf32>
          tpu.vector_store %arg5[%parallel_loop3A_559, %parallel_loop3A_560], %parallel_loop3A_563 {strides = array<i32>} : memref<112x224xf32, #tpu.memory_space<vmem>>, vector<1x16xf32>,
          %parallel_loop3A_564 = arith.index_cast %parallel_loop3A_497 : i32 to index
          %parallel_loop3A_565 = arith.index_cast %multiple_of3A_485 : i32 to index
          %parallel_loop3A_566 = tpu.vector_load %arg6[%parallel_loop3A_564, %parallel_loop3A_565] {strides = array<i32>} : memref<112x224xf32, #tpu.memory_space<vmem>>, vector<1x16xf32>,
          %parallel_loop3A_567 = vector.shape_cast %parallel_loop3A_566 : vector<1x16xf32> to vector<16xf32>
          %parallel_loop3A_568 = arith.index_cast %parallel_loop3A_499 : i32 to index
          %parallel_loop3A_569 = arith.index_cast %multiple_of3A_485 : i32 to index
          %parallel_loop3A_570 = tpu.vector_load %arg5[%parallel_loop3A_568, %parallel_loop3A_569] {strides = array<i32>} : memref<112x224xf32, #tpu.memory_space<vmem>>, vector<1x16xf32>,
          %parallel_loop3A_571 = vector.shape_cast %parallel_loop3A_570 : vector<1x16xf32> to vector<16xf32>
          %parallel_loop3A_572 = vector.shape_cast %parallel_loop3A_567 : vector<16xf32> to vector<1x16xf32>
          tpu.vector_store %arg5[%parallel_loop3A_568, %parallel_loop3A_569], %parallel_loop3A_572 {strides = array<i32>} : memref<112x224xf32, #tpu.memory_space<vmem>>, vector<1x16xf32>,
          %parallel_loop3A_573 = arith.index_cast %parallel_loop3A_497 : i32 to index
          %parallel_loop3A_574 = arith.index_cast %multiple_of3A_495 : i32 to index
          %parallel_loop3A_575 = tpu.vector_load %arg6[%parallel_loop3A_573, %parallel_loop3A_574] {strides = array<i32>} : memref<112x224xf32, #tpu.memory_space<vmem>>, vector<1x16xf32>,
          %parallel_loop3A_576 = vector.shape_cast %parallel_loop3A_575 : vector<1x16xf32> to vector<16xf32>
          %parallel_loop3A_577 = arith.index_cast %parallel_loop3A_499 : i32 to index
          %parallel_loop3A_578 = arith.index_cast %multiple_of3A_495 : i32 to index
          %parallel_loop3A_579 = tpu.vector_load %arg5[%parallel_loop3A_577, %parallel_loop3A_578] {strides = array<i32>} : memref<112x224xf32, #tpu.memory_space<vmem>>, vector<1x16xf32>,
          %parallel_loop3A_580 = vector.shape_cast %parallel_loop3A_579 : vector<1x16xf32> to vector<16xf32>
          %parallel_loop3A_581 = vector.shape_cast %parallel_loop3A_576 : vector<16xf32> to vector<1x16xf32>
          tpu.vector_store %arg5[%parallel_loop3A_577, %parallel_loop3A_578], %parallel_loop3A_581 {strides = array<i32>} : memref<112x224xf32, #tpu.memory_space<vmem>>, vector<1x16xf32>,
        } {sc.loop_unroll_factor = 4 : i64, sc.parallel_access}
      } else {
      }
      %dma_start3A_422 = arith.constant 112 : i32
      %dma_start3A_423 = arith.constant 0 : i32
      %dma_start3A_424 = tpu.memref_slice %arg3[%get3A_239, %sub3A_209, %dma_start3A_422, %dma_start3A_423] : memref<55x3x224x224xf32, #tpu.memory_space<hbm>> -> memref<1x1x112x224xf32, #tpu.memory_space<hbm>>
      %dma_start3A_425 = tpu.memref_squeeze %dma_start3A_424 : memref<1x1x112x224xf32, #tpu.memory_space<hbm>> -> memref<112x224xf32, #tpu.memory_space<hbm>>
      %dma_start3A_426 = arith.constant 112 : i32
      %dma_start3A_427 = arith.constant 0 : i32
      %dma_start3A_428 = tpu.memref_slice %arg3[%get3A_239, %sub3A_209, %dma_start3A_426, %dma_start3A_427] : memref<55x3x224x224xf32, #tpu.memory_space<hbm>> -> memref<1x1x112x224xf32, #tpu.memory_space<hbm>>
      %dma_start3A_429 = tpu.memref_squeeze %dma_start3A_428 : memref<1x1x112x224xf32, #tpu.memory_space<hbm>> -> memref<112x224xf32, #tpu.memory_space<hbm>>
      tpu.enqueue_dma source(%arg5 : memref<112x224xf32, #tpu.memory_space<vmem>>) target(%dma_start3A_429 : memref<112x224xf32, #tpu.memory_space<hbm>>) target_semaphore(%arg12 : memref<!tpu.dma_semaphore, #tpu.memory_space<semaphore_mem>>)
    }
    %while3A_170 = arith.constant 1 : i32
    scf.for %while3A_190 = %while3A_168 to %while3A_164 step %while3A_170  : i32 {
      %jit3A = arith.constant 3 : i32
      %div3A = arith.divsi %while3A_190, %jit3A : i32
      %sign3A = arith.constant 0 : i32
      %sign3A_191 = arith.cmpi sgt, %while3A_190, %sign3A : i32
      %sign3A_192 = arith.extui %sign3A_191 : i1 to i32
      %sign3A_193 = arith.constant 0 : i32
      %sign3A_194 = arith.cmpi slt, %while3A_190, %sign3A_193 : i32
      %sign3A_195 = arith.extui %sign3A_194 : i1 to i32
      %sign3A_196 = arith.subi %sign3A_192, %sign3A_195 : i32
      %sign3A_197 = arith.constant 0 : i32
      %sign3A_198 = arith.cmpi sgt, %jit3A, %sign3A_197 : i32
      %sign3A_199 = arith.extui %sign3A_198 : i1 to i32
      %sign3A_200 = arith.constant 0 : i32
      %sign3A_201 = arith.cmpi slt, %jit3A, %sign3A_200 : i32
      %sign3A_202 = arith.extui %sign3A_201 : i1 to i32
      %sign3A_203 = arith.subi %sign3A_199, %sign3A_202 : i32
      %ne3A = arith.cmpi ne, %sign3A_196, %sign3A_203 : i32
      %rem3A = arith.remsi %while3A_190, %jit3A : i32
      %ne3A_204 = arith.constant 0 : i32
      %ne3A_205 = arith.cmpi ne, %rem3A, %ne3A_204 : i32
      %and3A = arith.andi %ne3A, %ne3A_205 : i1
      %sub3A = arith.constant 1 : i32
      %sub3A_206 = arith.subi %div3A, %sub3A : i32
      %select_n3A = arith.select %and3A, %sub3A_206, %div3A : i32
      %mul3A_207 = arith.constant 3 : i32
      %mul3A_208 = arith.muli %select_n3A, %mul3A_207 : i32
      %sub3A_209 = arith.subi %while3A_190, %mul3A_208 : i32
      %mul3A_210 = arith.constant 5 : i32
      %mul3A_211 = arith.muli %mul3A_210, %select_n3A : i32
      %add3A_212 = arith.constant 0 : i32
      %add3A_213 = arith.addi %mul3A_211, %add3A_212 : i32
      %get3A_214 = arith.index_cast %add3A_213 : i32 to index
      %get3A_215 = memref.load %arg7[%get3A_214] : memref<16xi32, #tpu.memory_space<smem>>
      %mul3A_216 = arith.constant 5 : i32
      %mul3A_217 = arith.muli %mul3A_216, %select_n3A : i32
      %add3A_218 = arith.constant 1 : i32
      %add3A_219 = arith.addi %mul3A_217, %add3A_218 : i32
      %get3A_220 = arith.index_cast %add3A_219 : i32 to index
      %get3A_221 = memref.load %arg7[%get3A_220] : memref<16xi32, #tpu.memory_space<smem>>
      %mul3A_222 = arith.constant 5 : i32
      %mul3A_223 = arith.muli %mul3A_222, %select_n3A : i32
      %add3A_224 = arith.constant 2 : i32
      %add3A_225 = arith.addi %mul3A_223, %add3A_224 : i32
      %get3A_226 = arith.index_cast %add3A_225 : i32 to index
      %get3A_227 = memref.load %arg7[%get3A_226] : memref<16xi32, #tpu.memory_space<smem>>
      %mul3A_228 = arith.constant 5 : i32
      %mul3A_229 = arith.muli %mul3A_228, %select_n3A : i32
      %add3A_230 = arith.constant 3 : i32
      %add3A_231 = arith.addi %mul3A_229, %add3A_230 : i32
      %get3A_232 = arith.index_cast %add3A_231 : i32 to index
      %get3A_233 = memref.load %arg7[%get3A_232] : memref<16xi32, #tpu.memory_space<smem>>
      %mul3A_234 = arith.constant 5 : i32
      %mul3A_235 = arith.muli %mul3A_234, %select_n3A : i32
      %add3A_236 = arith.constant 4 : i32
      %add3A_237 = arith.addi %mul3A_235, %add3A_236 : i32
      %get3A_238 = arith.index_cast %add3A_237 : i32 to index
      %get3A_239 = memref.load %arg7[%get3A_238] : memref<16xi32, #tpu.memory_space<smem>>
      %jit3A_240 = arith.constant 16 : i32
      %div3A_241 = arith.divsi %get3A_233, %jit3A_240 : i32
      %sign3A_242 = arith.constant 0 : i32
      %sign3A_243 = arith.cmpi sgt, %get3A_233, %sign3A_242 : i32
      %sign3A_244 = arith.extui %sign3A_243 : i1 to i32
      %sign3A_245 = arith.constant 0 : i32
      %sign3A_246 = arith.cmpi slt, %get3A_233, %sign3A_245 : i32
      %sign3A_247 = arith.extui %sign3A_246 : i1 to i32
      %sign3A_248 = arith.subi %sign3A_244, %sign3A_247 : i32
      %sign3A_249 = arith.constant 0 : i32
      %sign3A_250 = arith.cmpi sgt, %jit3A_240, %sign3A_249 : i32
      %sign3A_251 = arith.extui %sign3A_250 : i1 to i32
      %sign3A_252 = arith.constant 0 : i32
      %sign3A_253 = arith.cmpi slt, %jit3A_240, %sign3A_252 : i32
      %sign3A_254 = arith.extui %sign3A_253 : i1 to i32
      %sign3A_255 = arith.subi %sign3A_251, %sign3A_254 : i32
      %ne3A_256 = arith.cmpi ne, %sign3A_248, %sign3A_255 : i32
      %rem3A_257 = arith.remsi %get3A_233, %jit3A_240 : i32
      %ne3A_258 = arith.constant 0 : i32
      %ne3A_259 = arith.cmpi ne, %rem3A_257, %ne3A_258 : i32
      %and3A_260 = arith.andi %ne3A_256, %ne3A_259 : i1
      %sub3A_261 = arith.constant 1 : i32
      %sub3A_262 = arith.subi %div3A_241, %sub3A_261 : i32
      %select_n3A_263 = arith.select %and3A_260, %sub3A_262, %div3A_241 : i32
      %add3A_264 = arith.constant 100 : i32
      %add3A_265 = arith.addi %get3A_233, %add3A_264 : i32
      %sub3A_266 = arith.constant 1 : i32
      %sub3A_267 = arith.subi %add3A_265, %sub3A_266 : i32
      %jit3A_268 = arith.constant 16 : i32
      %div3A_269 = arith.divsi %sub3A_267, %jit3A_268 : i32
      %sign3A_270 = arith.constant 0 : i32
      %sign3A_271 = arith.cmpi sgt, %sub3A_267, %sign3A_270 : i32
      %sign3A_272 = arith.extui %sign3A_271 : i1 to i32
      %sign3A_273 = arith.constant 0 : i32
      %sign3A_274 = arith.cmpi slt, %sub3A_267, %sign3A_273 : i32
      %sign3A_275 = arith.extui %sign3A_274 : i1 to i32
      %sign3A_276 = arith.subi %sign3A_272, %sign3A_275 : i32
      %sign3A_277 = arith.constant 0 : i32
      %sign3A_278 = arith.cmpi sgt, %jit3A_268, %sign3A_277 : i32
      %sign3A_279 = arith.extui %sign3A_278 : i1 to i32
      %sign3A_280 = arith.constant 0 : i32
      %sign3A_281 = arith.cmpi slt, %jit3A_268, %sign3A_280 : i32
      %sign3A_282 = arith.extui %sign3A_281 : i1 to i32
      %sign3A_283 = arith.subi %sign3A_279, %sign3A_282 : i32
      %ne3A_284 = arith.cmpi ne, %sign3A_276, %sign3A_283 : i32
      %rem3A_285 = arith.remsi %sub3A_267, %jit3A_268 : i32
      %ne3A_286 = arith.constant 0 : i32
      %ne3A_287 = arith.cmpi ne, %rem3A_285, %ne3A_286 : i32
      %and3A_288 = arith.andi %ne3A_284, %ne3A_287 : i1
      %sub3A_289 = arith.constant 1 : i32
      %sub3A_290 = arith.subi %div3A_269, %sub3A_289 : i32
      %select_n3A_291 = arith.select %and3A_288, %sub3A_290, %div3A_269 : i32
      %mul3A_292 = arith.constant 16 : i32
      %mul3A_293 = arith.muli %select_n3A_263, %mul3A_292 : i32
      %add3A_294 = vector.broadcast %mul3A_293 : i32 to vector<16xi32>
      %add3A_295 = arith.addi %add3A_294, %iota3A : vector<16xi32>
      %ge3A = vector.broadcast %get3A_233 : i32 to vector<16xi32>
      %ge3A_296 = arith.cmpi sge, %add3A_295, %ge3A : vector<16xi32>
      %add3A_297 = arith.constant 100 : i32
      %add3A_298 = arith.addi %get3A_233, %add3A_297 : i32
      %lt3A = vector.broadcast %add3A_298 : i32 to vector<16xi32>
      %lt3A_299 = arith.cmpi slt, %add3A_295, %lt3A : vector<16xi32>
      %and3A_300 = arith.andi %ge3A_296, %lt3A_299 : vector<16xi1>
      %mul3A_301 = arith.constant 16 : i32
      %mul3A_302 = arith.muli %select_n3A_291, %mul3A_301 : i32
      %add3A_303 = vector.broadcast %mul3A_302 : i32 to vector<16xi32>
      %add3A_304 = arith.addi %add3A_303, %iota3A : vector<16xi32>
      %ge3A_305 = vector.broadcast %get3A_233 : i32 to vector<16xi32>
      %ge3A_306 = arith.cmpi sge, %add3A_304, %ge3A_305 : vector<16xi32>
      %add3A_307 = arith.constant 100 : i32
      %add3A_308 = arith.addi %get3A_233, %add3A_307 : i32
      %lt3A_309 = vector.broadcast %add3A_308 : i32 to vector<16xi32>
      %lt3A_310 = arith.cmpi slt, %add3A_304, %lt3A_309 : vector<16xi32>
      %and3A_311 = arith.andi %ge3A_306, %lt3A_310 : vector<16xi1>
      %add3A_312 = arith.constant 100 : i32
      %add3A_313 = arith.addi %get3A_227, %add3A_312 : i32
      %min3A = arith.constant 112 : i32
      %min3A_314 = arith.minsi %add3A_313, %min3A : i32
      %lt3A_315 = arith.constant 112 : i32
      %lt3A_316 = arith.cmpi slt, %get3A_227, %lt3A_315 : i32
      %max3A = arith.constant 112 : i32
      %max3A_317 = arith.maxsi %get3A_227, %max3A : i32
      %add3A_318 = arith.constant 100 : i32
      %add3A_319 = arith.addi %get3A_227, %add3A_318 : i32
      %add3A_320 = arith.constant 100 : i32
      %add3A_321 = arith.addi %get3A_227, %add3A_320 : i32
      %gt3A = arith.constant 112 : i32
      %gt3A_322 = arith.cmpi sgt, %add3A_321, %gt3A : i32
      %jit3A_323 = arith.constant 8 : i32
      %div3A_324 = arith.divsi %get3A_227, %jit3A_323 : i32
      %sign3A_325 = arith.constant 0 : i32
      %sign3A_326 = arith.cmpi sgt, %get3A_227, %sign3A_325 : i32
      %sign3A_327 = arith.extui %sign3A_326 : i1 to i32
      %sign3A_328 = arith.constant 0 : i32
      %sign3A_329 = arith.cmpi slt, %get3A_227, %sign3A_328 : i32
      %sign3A_330 = arith.extui %sign3A_329 : i1 to i32
      %sign3A_331 = arith.subi %sign3A_327, %sign3A_330 : i32
      %sign3A_332 = arith.constant 0 : i32
      %sign3A_333 = arith.cmpi sgt, %jit3A_323, %sign3A_332 : i32
      %sign3A_334 = arith.extui %sign3A_333 : i1 to i32
      %sign3A_335 = arith.constant 0 : i32
      %sign3A_336 = arith.cmpi slt, %jit3A_323, %sign3A_335 : i32
      %sign3A_337 = arith.extui %sign3A_336 : i1 to i32
      %sign3A_338 = arith.subi %sign3A_334, %sign3A_337 : i32
      %ne3A_339 = arith.cmpi ne, %sign3A_331, %sign3A_338 : i32
      %rem3A_340 = arith.remsi %get3A_227, %jit3A_323 : i32
      %ne3A_341 = arith.constant 0 : i32
      %ne3A_342 = arith.cmpi ne, %rem3A_340, %ne3A_341 : i32
      %and3A_343 = arith.andi %ne3A_339, %ne3A_342 : i1
      %sub3A_344 = arith.constant 1 : i32
      %sub3A_345 = arith.subi %div3A_324, %sub3A_344 : i32
      %select_n3A_346 = arith.select %and3A_343, %sub3A_345, %div3A_324 : i32
      %mul3A_347 = arith.constant 8 : i32
      %mul3A_348 = arith.muli %select_n3A_346, %mul3A_347 : i32
      %min3A_349 = arith.constant 112 : i32
      %min3A_350 = arith.minsi %mul3A_348, %min3A_349 : i32
      %multiple_of3A = tpu.assume_multiple %min3A_350, 8 : i32
      %dma_start3A = arith.constant 0 : i32
      %dma_start3A_351 = tpu.memref_slice %arg2[%get3A_221, %sub3A_209, %multiple_of3A, %dma_start3A] : memref<64x3x224x224xf32, #tpu.memory_space<hbm>> -> memref<1x1x112x224xf32, #tpu.memory_space<hbm>>
      %dma_start3A_352 = tpu.memref_squeeze %dma_start3A_351 : memref<1x1x112x224xf32, #tpu.memory_space<hbm>> -> memref<112x224xf32, #tpu.memory_space<hbm>>
      %dma_start3A_353 = arith.constant 0 : i32
      %dma_start3A_354 = tpu.memref_slice %arg2[%get3A_221, %sub3A_209, %multiple_of3A, %dma_start3A_353] : memref<64x3x224x224xf32, #tpu.memory_space<hbm>> -> memref<1x1x112x224xf32, #tpu.memory_space<hbm>>
      %dma_start3A_355 = tpu.memref_squeeze %dma_start3A_354 : memref<1x1x112x224xf32, #tpu.memory_space<hbm>> -> memref<112x224xf32, #tpu.memory_space<hbm>>
      tpu.enqueue_dma source(%dma_start3A_355 : memref<112x224xf32, #tpu.memory_space<hbm>>) target(%arg6 : memref<112x224xf32, #tpu.memory_space<vmem>>) target_semaphore(%arg10 : memref<!tpu.dma_semaphore, #tpu.memory_space<semaphore_mem>>)
      %gt3A_356 = arith.constant 0 : i32
      %gt3A_357 = arith.cmpi sgt, %while3A_190, %gt3A_356 : i32
      %convert_element_type3A_358 = arith.extui %gt3A_357 : i1 to i32
      %cond3A_359 = arith.constant 0 : i32
      %cond3A_360 = arith.cmpi ne, %convert_element_type3A_358, %cond3A_359 : i32
      scf.if %cond3A_360 {
        %dma_wait3A_430 = arith.constant 0 : i32
        %dma_wait3A_431 = arith.constant 0 : i32
        %dma_wait3A_432 = arith.constant 0 : i32
        %dma_wait3A_433 = arith.constant 0 : i32
        %dma_wait3A_434 = tpu.memref_slice %arg3[%dma_wait3A_430, %dma_wait3A_431, %dma_wait3A_432, %dma_wait3A_433] : memref<55x3x224x224xf32, #tpu.memory_space<hbm>> -> memref<1x1x112x224xf32, #tpu.memory_space<hbm>>
        %dma_wait3A_435 = tpu.memref_squeeze %dma_wait3A_434 : memref<1x1x112x224xf32, #tpu.memory_space<hbm>> -> memref<112x224xf32, #tpu.memory_space<hbm>>
        %dma_wait3A_436 = arith.constant 0 : i32
        %dma_wait3A_437 = arith.constant 0 : i32
        %dma_wait3A_438 = tpu.memref_slice %arg3[%dma_wait3A_430, %dma_wait3A_431, %dma_wait3A_436, %dma_wait3A_437] : memref<55x3x224x224xf32, #tpu.memory_space<hbm>> -> memref<1x1x112x224xf32, #tpu.memory_space<hbm>>
        %dma_wait3A_439 = tpu.memref_squeeze %dma_wait3A_438 : memref<1x1x112x224xf32, #tpu.memory_space<hbm>> -> memref<112x224xf32, #tpu.memory_space<hbm>>
        tpu.wait_dma2 semaphore(%arg11 : memref<!tpu.dma_semaphore, #tpu.memory_space<semaphore_mem>>) src(%arg4 : memref<112x224xf32, #tpu.memory_space<vmem>>) dst(%dma_wait3A_439 : memref<112x224xf32, #tpu.memory_space<hbm>>)
      } else {
      }
      %dma_start3A_361 = arith.constant 0 : i32
      %dma_start3A_362 = arith.constant 0 : i32
      %dma_start3A_363 = tpu.memref_slice %arg2[%get3A_215, %sub3A_209, %dma_start3A_361, %dma_start3A_362] : memref<64x3x224x224xf32, #tpu.memory_space<hbm>> -> memref<1x1x112x224xf32, #tpu.memory_space<hbm>>
      %dma_start3A_364 = tpu.memref_squeeze %dma_start3A_363 : memref<1x1x112x224xf32, #tpu.memory_space<hbm>> -> memref<112x224xf32, #tpu.memory_space<hbm>>
      %dma_start3A_365 = arith.constant 0 : i32
      %dma_start3A_366 = arith.constant 0 : i32
      %dma_start3A_367 = tpu.memref_slice %arg2[%get3A_215, %sub3A_209, %dma_start3A_365, %dma_start3A_366] : memref<64x3x224x224xf32, #tpu.memory_space<hbm>> -> memref<1x1x112x224xf32, #tpu.memory_space<hbm>>
      %dma_start3A_368 = tpu.memref_squeeze %dma_start3A_367 : memref<1x1x112x224xf32, #tpu.memory_space<hbm>> -> memref<112x224xf32, #tpu.memory_space<hbm>>
      tpu.enqueue_dma source(%dma_start3A_368 : memref<112x224xf32, #tpu.memory_space<hbm>>) target(%arg4 : memref<112x224xf32, #tpu.memory_space<vmem>>) target_semaphore(%arg8 : memref<!tpu.dma_semaphore, #tpu.memory_space<semaphore_mem>>)
      %gt3A_369 = arith.constant 0 : i32
      %gt3A_370 = arith.cmpi sgt, %while3A_190, %gt3A_369 : i32
      %convert_element_type3A_371 = arith.extui %gt3A_370 : i1 to i32
      %cond3A_372 = arith.constant 0 : i32
      %cond3A_373 = arith.cmpi ne, %convert_element_type3A_371, %cond3A_372 : i32
      scf.if %cond3A_373 {
        %dma_wait3A_430 = arith.constant 0 : i32
        %dma_wait3A_431 = arith.constant 0 : i32
        %dma_wait3A_432 = arith.constant 112 : i32
        %dma_wait3A_433 = arith.constant 0 : i32
        %dma_wait3A_434 = tpu.memref_slice %arg3[%dma_wait3A_430, %dma_wait3A_431, %dma_wait3A_432, %dma_wait3A_433] : memref<55x3x224x224xf32, #tpu.memory_space<hbm>> -> memref<1x1x112x224xf32, #tpu.memory_space<hbm>>
        %dma_wait3A_435 = tpu.memref_squeeze %dma_wait3A_434 : memref<1x1x112x224xf32, #tpu.memory_space<hbm>> -> memref<112x224xf32, #tpu.memory_space<hbm>>
        %dma_wait3A_436 = arith.constant 112 : i32
        %dma_wait3A_437 = arith.constant 0 : i32
        %dma_wait3A_438 = tpu.memref_slice %arg3[%dma_wait3A_430, %dma_wait3A_431, %dma_wait3A_436, %dma_wait3A_437] : memref<55x3x224x224xf32, #tpu.memory_space<hbm>> -> memref<1x1x112x224xf32, #tpu.memory_space<hbm>>
        %dma_wait3A_439 = tpu.memref_squeeze %dma_wait3A_438 : memref<1x1x112x224xf32, #tpu.memory_space<hbm>> -> memref<112x224xf32, #tpu.memory_space<hbm>>
        tpu.wait_dma2 semaphore(%arg12 : memref<!tpu.dma_semaphore, #tpu.memory_space<semaphore_mem>>) src(%arg5 : memref<112x224xf32, #tpu.memory_space<vmem>>) dst(%dma_wait3A_439 : memref<112x224xf32, #tpu.memory_space<hbm>>)
      } else {
      }
      %dma_start3A_374 = arith.constant 112 : i32
      %dma_start3A_375 = arith.constant 0 : i32
      %dma_start3A_376 = tpu.memref_slice %arg2[%get3A_215, %sub3A_209, %dma_start3A_374, %dma_start3A_375] : memref<64x3x224x224xf32, #tpu.memory_space<hbm>> -> memref<1x1x112x224xf32, #tpu.memory_space<hbm>>
      %dma_start3A_377 = tpu.memref_squeeze %dma_start3A_376 : memref<1x1x112x224xf32, #tpu.memory_space<hbm>> -> memref<112x224xf32, #tpu.memory_space<hbm>>
      %dma_start3A_378 = arith.constant 112 : i32
      %dma_start3A_379 = arith.constant 0 : i32
      %dma_start3A_380 = tpu.memref_slice %arg2[%get3A_215, %sub3A_209, %dma_start3A_378, %dma_start3A_379] : memref<64x3x224x224xf32, #tpu.memory_space<hbm>> -> memref<1x1x112x224xf32, #tpu.memory_space<hbm>>
      %dma_start3A_381 = tpu.memref_squeeze %dma_start3A_380 : memref<1x1x112x224xf32, #tpu.memory_space<hbm>> -> memref<112x224xf32, #tpu.memory_space<hbm>>
      tpu.enqueue_dma source(%dma_start3A_381 : memref<112x224xf32, #tpu.memory_space<hbm>>) target(%arg5 : memref<112x224xf32, #tpu.memory_space<vmem>>) target_semaphore(%arg9 : memref<!tpu.dma_semaphore, #tpu.memory_space<semaphore_mem>>)
      %dma_wait3A_382 = arith.constant 0 : i32
      %dma_wait3A_383 = arith.constant 0 : i32
      %dma_wait3A_384 = tpu.memref_slice %arg2[%get3A_215, %sub3A_209, %dma_wait3A_382, %dma_wait3A_383] : memref<64x3x224x224xf32, #tpu.memory_space<hbm>> -> memref<1x1x112x224xf32, #tpu.memory_space<hbm>>
      %dma_wait3A_385 = tpu.memref_squeeze %dma_wait3A_384 : memref<1x1x112x224xf32, #tpu.memory_space<hbm>> -> memref<112x224xf32, #tpu.memory_space<hbm>>
      %dma_wait3A_386 = arith.constant 0 : i32
      %dma_wait3A_387 = arith.constant 0 : i32
      %dma_wait3A_388 = tpu.memref_slice %arg2[%get3A_215, %sub3A_209, %dma_wait3A_386, %dma_wait3A_387] : memref<64x3x224x224xf32, #tpu.memory_space<hbm>> -> memref<1x1x112x224xf32, #tpu.memory_space<hbm>>
      %dma_wait3A_389 = tpu.memref_squeeze %dma_wait3A_388 : memref<1x1x112x224xf32, #tpu.memory_space<hbm>> -> memref<112x224xf32, #tpu.memory_space<hbm>>
      tpu.wait_dma2 semaphore(%arg8 : memref<!tpu.dma_semaphore, #tpu.memory_space<semaphore_mem>>) src(%dma_wait3A_389 : memref<112x224xf32, #tpu.memory_space<hbm>>) dst(%arg4 : memref<112x224xf32, #tpu.memory_space<vmem>>)
      %dma_wait3A_390 = arith.constant 0 : i32
      %dma_wait3A_391 = arith.constant 0 : i32
      %dma_wait3A_392 = arith.constant 0 : i32
      %dma_wait3A_393 = arith.constant 0 : i32
      %dma_wait3A_394 = tpu.memref_slice %arg2[%dma_wait3A_390, %dma_wait3A_391, %dma_wait3A_392, %dma_wait3A_393] : memref<64x3x224x224xf32, #tpu.memory_space<hbm>> -> memref<1x1x112x224xf32, #tpu.memory_space<hbm>>
      %dma_wait3A_395 = tpu.memref_squeeze %dma_wait3A_394 : memref<1x1x112x224xf32, #tpu.memory_space<hbm>> -> memref<112x224xf32, #tpu.memory_space<hbm>>
      %dma_wait3A_396 = arith.constant 0 : i32
      %dma_wait3A_397 = arith.constant 0 : i32
      %dma_wait3A_398 = tpu.memref_slice %arg2[%dma_wait3A_390, %dma_wait3A_391, %dma_wait3A_396, %dma_wait3A_397] : memref<64x3x224x224xf32, #tpu.memory_space<hbm>> -> memref<1x1x112x224xf32, #tpu.memory_space<hbm>>
      %dma_wait3A_399 = tpu.memref_squeeze %dma_wait3A_398 : memref<1x1x112x224xf32, #tpu.memory_space<hbm>> -> memref<112x224xf32, #tpu.memory_space<hbm>>
      tpu.wait_dma2 semaphore(%arg10 : memref<!tpu.dma_semaphore, #tpu.memory_space<semaphore_mem>>) src(%dma_wait3A_399 : memref<112x224xf32, #tpu.memory_space<hbm>>) dst(%arg6 : memref<112x224xf32, #tpu.memory_space<vmem>>)
      %convert_element_type3A_400 = arith.extui %lt3A_316 : i1 to i32
      %cond3A_401 = arith.constant 0 : i32
      %cond3A_402 = arith.cmpi ne, %convert_element_type3A_400, %cond3A_401 : i32
      scf.if %cond3A_402 {
        %mul3A_430 = arith.constant 16 : i32
        %mul3A_431 = arith.muli %select_n3A_263, %mul3A_430 : i32
        %multiple_of3A_432 = tpu.assume_multiple %mul3A_431, 16 : i32
        %mul3A_433 = arith.constant 16 : i32
        %mul3A_434 = arith.muli %select_n3A_291, %mul3A_433 : i32
        %multiple_of3A_435 = tpu.assume_multiple %mul3A_434, 16 : i32
        %add3A_436 = arith.constant 1 : i32
        %add3A_437 = arith.addi %select_n3A_263, %add3A_436 : i32
        %mul3A_438 = arith.constant 16 : i32
        %mul3A_439 = arith.muli %add3A_437, %mul3A_438 : i32
        %sub3A_440 = arith.constant 1 : i32
        %sub3A_441 = arith.subi %select_n3A_291, %sub3A_440 : i32
        %mul3A_442 = arith.constant 16 : i32
        %mul3A_443 = arith.muli %sub3A_441, %mul3A_442 : i32
        %min3A_444 = arith.minsi %mul3A_439, %mul3A_443 : i32
        %multiple_of3A_445 = tpu.assume_multiple %min3A_444, 16 : i32
        %add3A_446 = arith.constant 2 : i32
        %add3A_447 = arith.addi %select_n3A_263, %add3A_446 : i32
        %mul3A_448 = arith.constant 16 : i32
        %mul3A_449 = arith.muli %add3A_447, %mul3A_448 : i32
        %sub3A_450 = arith.constant 1 : i32
        %sub3A_451 = arith.subi %select_n3A_291, %sub3A_450 : i32
        %mul3A_452 = arith.constant 16 : i32
        %mul3A_453 = arith.muli %sub3A_451, %mul3A_452 : i32
        %min3A_454 = arith.minsi %mul3A_449, %mul3A_453 : i32
        %multiple_of3A_455 = tpu.assume_multiple %min3A_454, 16 : i32
        %add3A_456 = arith.constant 3 : i32
        %add3A_457 = arith.addi %select_n3A_263, %add3A_456 : i32
        %mul3A_458 = arith.constant 16 : i32
        %mul3A_459 = arith.muli %add3A_457, %mul3A_458 : i32
        %sub3A_460 = arith.constant 1 : i32
        %sub3A_461 = arith.subi %select_n3A_291, %sub3A_460 : i32
        %mul3A_462 = arith.constant 16 : i32
        %mul3A_463 = arith.muli %sub3A_461, %mul3A_462 : i32
        %min3A_464 = arith.minsi %mul3A_459, %mul3A_463 : i32
        %multiple_of3A_465 = tpu.assume_multiple %min3A_464, 16 : i32
        %add3A_466 = arith.constant 4 : i32
        %add3A_467 = arith.addi %select_n3A_263, %add3A_466 : i32
        %mul3A_468 = arith.constant 16 : i32
        %mul3A_469 = arith.muli %add3A_467, %mul3A_468 : i32
        %sub3A_470 = arith.constant 1 : i32
        %sub3A_471 = arith.subi %select_n3A_291, %sub3A_470 : i32
        %mul3A_472 = arith.constant 16 : i32
        %mul3A_473 = arith.muli %sub3A_471, %mul3A_472 : i32
        %min3A_474 = arith.minsi %mul3A_469, %mul3A_473 : i32
        %multiple_of3A_475 = tpu.assume_multiple %min3A_474, 16 : i32
        %add3A_476 = arith.constant 5 : i32
        %add3A_477 = arith.addi %select_n3A_263, %add3A_476 : i32
        %mul3A_478 = arith.constant 16 : i32
        %mul3A_479 = arith.muli %add3A_477, %mul3A_478 : i32
        %sub3A_480 = arith.constant 1 : i32
        %sub3A_481 = arith.subi %select_n3A_291, %sub3A_480 : i32
        %mul3A_482 = arith.constant 16 : i32
        %mul3A_483 = arith.muli %sub3A_481, %mul3A_482 : i32
        %min3A_484 = arith.minsi %mul3A_479, %mul3A_483 : i32
        %multiple_of3A_485 = tpu.assume_multiple %min3A_484, 16 : i32
        %add3A_486 = arith.constant 6 : i32
        %add3A_487 = arith.addi %select_n3A_263, %add3A_486 : i32
        %mul3A_488 = arith.constant 16 : i32
        %mul3A_489 = arith.muli %add3A_487, %mul3A_488 : i32
        %sub3A_490 = arith.constant 1 : i32
        %sub3A_491 = arith.subi %select_n3A_291, %sub3A_490 : i32
        %mul3A_492 = arith.constant 16 : i32
        %mul3A_493 = arith.muli %sub3A_491, %mul3A_492 : i32
        %min3A_494 = arith.minsi %mul3A_489, %mul3A_493 : i32
        %multiple_of3A_495 = tpu.assume_multiple %min3A_494, 16 : i32
        %parallel_loop3A = arith.constant 1 : i32
        scf.for %parallel_loop3A_496 = %get3A_227 to %min3A_314 step %parallel_loop3A  : i32 {
          %parallel_loop3A_497 = arith.subi %parallel_loop3A_496, %multiple_of3A : i32
          %parallel_loop3A_498 = arith.constant 0 : i32
          %parallel_loop3A_499 = arith.subi %parallel_loop3A_496, %parallel_loop3A_498 : i32
          %parallel_loop3A_500 = arith.index_cast %parallel_loop3A_497 : i32 to index
          %parallel_loop3A_501 = arith.index_cast %multiple_of3A_432 : i32 to index
          %parallel_loop3A_502 = tpu.vector_load %arg6[%parallel_loop3A_500, %parallel_loop3A_501] {strides = array<i32>} : memref<112x224xf32, #tpu.memory_space<vmem>>, vector<1x16xf32>,
          %parallel_loop3A_503 = vector.shape_cast %parallel_loop3A_502 : vector<1x16xf32> to vector<16xf32>
          %parallel_loop3A_504 = arith.index_cast %parallel_loop3A_499 : i32 to index
          %parallel_loop3A_505 = arith.index_cast %multiple_of3A_432 : i32 to index
          %parallel_loop3A_506 = tpu.vector_load %arg4[%parallel_loop3A_504, %parallel_loop3A_505] {strides = array<i32>} : memref<112x224xf32, #tpu.memory_space<vmem>>, vector<1x16xf32>,
          %parallel_loop3A_507 = vector.shape_cast %parallel_loop3A_506 : vector<1x16xf32> to vector<16xf32>
          %parallel_loop3A_508 = arith.select %and3A_300, %parallel_loop3A_503, %parallel_loop3A_507 : vector<16xi1>, vector<16xf32>
          %parallel_loop3A_509 = arith.index_cast %parallel_loop3A_499 : i32 to index
          %parallel_loop3A_510 = arith.index_cast %multiple_of3A_432 : i32 to index
          %parallel_loop3A_511 = tpu.vector_load %arg4[%parallel_loop3A_509, %parallel_loop3A_510] {strides = array<i32>} : memref<112x224xf32, #tpu.memory_space<vmem>>, vector<1x16xf32>,
          %parallel_loop3A_512 = vector.shape_cast %parallel_loop3A_511 : vector<1x16xf32> to vector<16xf32>
          %parallel_loop3A_513 = vector.shape_cast %parallel_loop3A_508 : vector<16xf32> to vector<1x16xf32>
          tpu.vector_store %arg4[%parallel_loop3A_509, %parallel_loop3A_510], %parallel_loop3A_513 {strides = array<i32>} : memref<112x224xf32, #tpu.memory_space<vmem>>, vector<1x16xf32>,
          %parallel_loop3A_514 = arith.index_cast %parallel_loop3A_497 : i32 to index
          %parallel_loop3A_515 = arith.index_cast %multiple_of3A_435 : i32 to index
          %parallel_loop3A_516 = tpu.vector_load %arg6[%parallel_loop3A_514, %parallel_loop3A_515] {strides = array<i32>} : memref<112x224xf32, #tpu.memory_space<vmem>>, vector<1x16xf32>,
          %parallel_loop3A_517 = vector.shape_cast %parallel_loop3A_516 : vector<1x16xf32> to vector<16xf32>
          %parallel_loop3A_518 = arith.index_cast %parallel_loop3A_499 : i32 to index
          %parallel_loop3A_519 = arith.index_cast %multiple_of3A_435 : i32 to index
          %parallel_loop3A_520 = tpu.vector_load %arg4[%parallel_loop3A_518, %parallel_loop3A_519] {strides = array<i32>} : memref<112x224xf32, #tpu.memory_space<vmem>>, vector<1x16xf32>,
          %parallel_loop3A_521 = vector.shape_cast %parallel_loop3A_520 : vector<1x16xf32> to vector<16xf32>
          %parallel_loop3A_522 = arith.select %and3A_311, %parallel_loop3A_517, %parallel_loop3A_521 : vector<16xi1>, vector<16xf32>
          %parallel_loop3A_523 = arith.index_cast %parallel_loop3A_499 : i32 to index
          %parallel_loop3A_524 = arith.index_cast %multiple_of3A_435 : i32 to index
          %parallel_loop3A_525 = tpu.vector_load %arg4[%parallel_loop3A_523, %parallel_loop3A_524] {strides = array<i32>} : memref<112x224xf32, #tpu.memory_space<vmem>>, vector<1x16xf32>,
          %parallel_loop3A_526 = vector.shape_cast %parallel_loop3A_525 : vector<1x16xf32> to vector<16xf32>
          %parallel_loop3A_527 = vector.shape_cast %parallel_loop3A_522 : vector<16xf32> to vector<1x16xf32>
          tpu.vector_store %arg4[%parallel_loop3A_523, %parallel_loop3A_524], %parallel_loop3A_527 {strides = array<i32>} : memref<112x224xf32, #tpu.memory_space<vmem>>, vector<1x16xf32>,
          %parallel_loop3A_528 = arith.index_cast %parallel_loop3A_497 : i32 to index
          %parallel_loop3A_529 = arith.index_cast %multiple_of3A_445 : i32 to index
          %parallel_loop3A_530 = tpu.vector_load %arg6[%parallel_loop3A_528, %parallel_loop3A_529] {strides = array<i32>} : memref<112x224xf32, #tpu.memory_space<vmem>>, vector<1x16xf32>,
          %parallel_loop3A_531 = vector.shape_cast %parallel_loop3A_530 : vector<1x16xf32> to vector<16xf32>
          %parallel_loop3A_532 = arith.index_cast %parallel_loop3A_499 : i32 to index
          %parallel_loop3A_533 = arith.index_cast %multiple_of3A_445 : i32 to index
          %parallel_loop3A_534 = tpu.vector_load %arg4[%parallel_loop3A_532, %parallel_loop3A_533] {strides = array<i32>} : memref<112x224xf32, #tpu.memory_space<vmem>>, vector<1x16xf32>,
          %parallel_loop3A_535 = vector.shape_cast %parallel_loop3A_534 : vector<1x16xf32> to vector<16xf32>
          %parallel_loop3A_536 = vector.shape_cast %parallel_loop3A_531 : vector<16xf32> to vector<1x16xf32>
          tpu.vector_store %arg4[%parallel_loop3A_532, %parallel_loop3A_533], %parallel_loop3A_536 {strides = array<i32>} : memref<112x224xf32, #tpu.memory_space<vmem>>, vector<1x16xf32>,
          %parallel_loop3A_537 = arith.index_cast %parallel_loop3A_497 : i32 to index
          %parallel_loop3A_538 = arith.index_cast %multiple_of3A_455 : i32 to index
          %parallel_loop3A_539 = tpu.vector_load %arg6[%parallel_loop3A_537, %parallel_loop3A_538] {strides = array<i32>} : memref<112x224xf32, #tpu.memory_space<vmem>>, vector<1x16xf32>,
          %parallel_loop3A_540 = vector.shape_cast %parallel_loop3A_539 : vector<1x16xf32> to vector<16xf32>
          %parallel_loop3A_541 = arith.index_cast %parallel_loop3A_499 : i32 to index
          %parallel_loop3A_542 = arith.index_cast %multiple_of3A_455 : i32 to index
          %parallel_loop3A_543 = tpu.vector_load %arg4[%parallel_loop3A_541, %parallel_loop3A_542] {strides = array<i32>} : memref<112x224xf32, #tpu.memory_space<vmem>>, vector<1x16xf32>,
          %parallel_loop3A_544 = vector.shape_cast %parallel_loop3A_543 : vector<1x16xf32> to vector<16xf32>
          %parallel_loop3A_545 = vector.shape_cast %parallel_loop3A_540 : vector<16xf32> to vector<1x16xf32>
          tpu.vector_store %arg4[%parallel_loop3A_541, %parallel_loop3A_542], %parallel_loop3A_545 {strides = array<i32>} : memref<112x224xf32, #tpu.memory_space<vmem>>, vector<1x16xf32>,
          %parallel_loop3A_546 = arith.index_cast %parallel_loop3A_497 : i32 to index
          %parallel_loop3A_547 = arith.index_cast %multiple_of3A_465 : i32 to index
          %parallel_loop3A_548 = tpu.vector_load %arg6[%parallel_loop3A_546, %parallel_loop3A_547] {strides = array<i32>} : memref<112x224xf32, #tpu.memory_space<vmem>>, vector<1x16xf32>,
          %parallel_loop3A_549 = vector.shape_cast %parallel_loop3A_548 : vector<1x16xf32> to vector<16xf32>
          %parallel_loop3A_550 = arith.index_cast %parallel_loop3A_499 : i32 to index
          %parallel_loop3A_551 = arith.index_cast %multiple_of3A_465 : i32 to index
          %parallel_loop3A_552 = tpu.vector_load %arg4[%parallel_loop3A_550, %parallel_loop3A_551] {strides = array<i32>} : memref<112x224xf32, #tpu.memory_space<vmem>>, vector<1x16xf32>,
          %parallel_loop3A_553 = vector.shape_cast %parallel_loop3A_552 : vector<1x16xf32> to vector<16xf32>
          %parallel_loop3A_554 = vector.shape_cast %parallel_loop3A_549 : vector<16xf32> to vector<1x16xf32>
          tpu.vector_store %arg4[%parallel_loop3A_550, %parallel_loop3A_551], %parallel_loop3A_554 {strides = array<i32>} : memref<112x224xf32, #tpu.memory_space<vmem>>, vector<1x16xf32>,
          %parallel_loop3A_555 = arith.index_cast %parallel_loop3A_497 : i32 to index
          %parallel_loop3A_556 = arith.index_cast %multiple_of3A_475 : i32 to index
          %parallel_loop3A_557 = tpu.vector_load %arg6[%parallel_loop3A_555, %parallel_loop3A_556] {strides = array<i32>} : memref<112x224xf32, #tpu.memory_space<vmem>>, vector<1x16xf32>,
          %parallel_loop3A_558 = vector.shape_cast %parallel_loop3A_557 : vector<1x16xf32> to vector<16xf32>
          %parallel_loop3A_559 = arith.index_cast %parallel_loop3A_499 : i32 to index
          %parallel_loop3A_560 = arith.index_cast %multiple_of3A_475 : i32 to index
          %parallel_loop3A_561 = tpu.vector_load %arg4[%parallel_loop3A_559, %parallel_loop3A_560] {strides = array<i32>} : memref<112x224xf32, #tpu.memory_space<vmem>>, vector<1x16xf32>,
          %parallel_loop3A_562 = vector.shape_cast %parallel_loop3A_561 : vector<1x16xf32> to vector<16xf32>
          %parallel_loop3A_563 = vector.shape_cast %parallel_loop3A_558 : vector<16xf32> to vector<1x16xf32>
          tpu.vector_store %arg4[%parallel_loop3A_559, %parallel_loop3A_560], %parallel_loop3A_563 {strides = array<i32>} : memref<112x224xf32, #tpu.memory_space<vmem>>, vector<1x16xf32>,
          %parallel_loop3A_564 = arith.index_cast %parallel_loop3A_497 : i32 to index
          %parallel_loop3A_565 = arith.index_cast %multiple_of3A_485 : i32 to index
          %parallel_loop3A_566 = tpu.vector_load %arg6[%parallel_loop3A_564, %parallel_loop3A_565] {strides = array<i32>} : memref<112x224xf32, #tpu.memory_space<vmem>>, vector<1x16xf32>,
          %parallel_loop3A_567 = vector.shape_cast %parallel_loop3A_566 : vector<1x16xf32> to vector<16xf32>
          %parallel_loop3A_568 = arith.index_cast %parallel_loop3A_499 : i32 to index
          %parallel_loop3A_569 = arith.index_cast %multiple_of3A_485 : i32 to index
          %parallel_loop3A_570 = tpu.vector_load %arg4[%parallel_loop3A_568, %parallel_loop3A_569] {strides = array<i32>} : memref<112x224xf32, #tpu.memory_space<vmem>>, vector<1x16xf32>,
          %parallel_loop3A_571 = vector.shape_cast %parallel_loop3A_570 : vector<1x16xf32> to vector<16xf32>
          %parallel_loop3A_572 = vector.shape_cast %parallel_loop3A_567 : vector<16xf32> to vector<1x16xf32>
          tpu.vector_store %arg4[%parallel_loop3A_568, %parallel_loop3A_569], %parallel_loop3A_572 {strides = array<i32>} : memref<112x224xf32, #tpu.memory_space<vmem>>, vector<1x16xf32>,
          %parallel_loop3A_573 = arith.index_cast %parallel_loop3A_497 : i32 to index
          %parallel_loop3A_574 = arith.index_cast %multiple_of3A_495 : i32 to index
          %parallel_loop3A_575 = tpu.vector_load %arg6[%parallel_loop3A_573, %parallel_loop3A_574] {strides = array<i32>} : memref<112x224xf32, #tpu.memory_space<vmem>>, vector<1x16xf32>,
          %parallel_loop3A_576 = vector.shape_cast %parallel_loop3A_575 : vector<1x16xf32> to vector<16xf32>
          %parallel_loop3A_577 = arith.index_cast %parallel_loop3A_499 : i32 to index
          %parallel_loop3A_578 = arith.index_cast %multiple_of3A_495 : i32 to index
          %parallel_loop3A_579 = tpu.vector_load %arg4[%parallel_loop3A_577, %parallel_loop3A_578] {strides = array<i32>} : memref<112x224xf32, #tpu.memory_space<vmem>>, vector<1x16xf32>,
          %parallel_loop3A_580 = vector.shape_cast %parallel_loop3A_579 : vector<1x16xf32> to vector<16xf32>
          %parallel_loop3A_581 = vector.shape_cast %parallel_loop3A_576 : vector<16xf32> to vector<1x16xf32>
          tpu.vector_store %arg4[%parallel_loop3A_577, %parallel_loop3A_578], %parallel_loop3A_581 {strides = array<i32>} : memref<112x224xf32, #tpu.memory_space<vmem>>, vector<1x16xf32>,
        } {sc.loop_unroll_factor = 4 : i64, sc.parallel_access}
      } else {
      }
      %dma_start3A_403 = arith.constant 0 : i32
      %dma_start3A_404 = arith.constant 0 : i32
      %dma_start3A_405 = tpu.memref_slice %arg3[%get3A_239, %sub3A_209, %dma_start3A_403, %dma_start3A_404] : memref<55x3x224x224xf32, #tpu.memory_space<hbm>> -> memref<1x1x112x224xf32, #tpu.memory_space<hbm>>
      %dma_start3A_406 = tpu.memref_squeeze %dma_start3A_405 : memref<1x1x112x224xf32, #tpu.memory_space<hbm>> -> memref<112x224xf32, #tpu.memory_space<hbm>>
      %dma_start3A_407 = arith.constant 0 : i32
      %dma_start3A_408 = arith.constant 0 : i32
      %dma_start3A_409 = tpu.memref_slice %arg3[%get3A_239, %sub3A_209, %dma_start3A_407, %dma_start3A_408] : memref<55x3x224x224xf32, #tpu.memory_space<hbm>> -> memref<1x1x112x224xf32, #tpu.memory_space<hbm>>
      %dma_start3A_410 = tpu.memref_squeeze %dma_start3A_409 : memref<1x1x112x224xf32, #tpu.memory_space<hbm>> -> memref<112x224xf32, #tpu.memory_space<hbm>>
      tpu.enqueue_dma source(%arg4 : memref<112x224xf32, #tpu.memory_space<vmem>>) target(%dma_start3A_410 : memref<112x224xf32, #tpu.memory_space<hbm>>) target_semaphore(%arg11 : memref<!tpu.dma_semaphore, #tpu.memory_space<semaphore_mem>>)
      %dma_wait3A_411 = arith.constant 112 : i32
      %dma_wait3A_412 = arith.constant 0 : i32
      %dma_wait3A_413 = tpu.memref_slice %arg2[%get3A_215, %sub3A_209, %dma_wait3A_411, %dma_wait3A_412] : memref<64x3x224x224xf32, #tpu.memory_space<hbm>> -> memref<1x1x112x224xf32, #tpu.memory_space<hbm>>
      %dma_wait3A_414 = tpu.memref_squeeze %dma_wait3A_413 : memref<1x1x112x224xf32, #tpu.memory_space<hbm>> -> memref<112x224xf32, #tpu.memory_space<hbm>>
      %dma_wait3A_415 = arith.constant 112 : i32
      %dma_wait3A_416 = arith.constant 0 : i32
      %dma_wait3A_417 = tpu.memref_slice %arg2[%get3A_215, %sub3A_209, %dma_wait3A_415, %dma_wait3A_416] : memref<64x3x224x224xf32, #tpu.memory_space<hbm>> -> memref<1x1x112x224xf32, #tpu.memory_space<hbm>>
      %dma_wait3A_418 = tpu.memref_squeeze %dma_wait3A_417 : memref<1x1x112x224xf32, #tpu.memory_space<hbm>> -> memref<112x224xf32, #tpu.memory_space<hbm>>
      tpu.wait_dma2 semaphore(%arg9 : memref<!tpu.dma_semaphore, #tpu.memory_space<semaphore_mem>>) src(%dma_wait3A_418 : memref<112x224xf32, #tpu.memory_space<hbm>>) dst(%arg5 : memref<112x224xf32, #tpu.memory_space<vmem>>)
      %convert_element_type3A_419 = arith.extui %gt3A_322 : i1 to i32
      %cond3A_420 = arith.constant 0 : i32
      %cond3A_421 = arith.cmpi ne, %convert_element_type3A_419, %cond3A_420 : i32
      scf.if %cond3A_421 {
        %mul3A_430 = arith.constant 16 : i32
        %mul3A_431 = arith.muli %select_n3A_263, %mul3A_430 : i32
        %multiple_of3A_432 = tpu.assume_multiple %mul3A_431, 16 : i32
        %mul3A_433 = arith.constant 16 : i32
        %mul3A_434 = arith.muli %select_n3A_291, %mul3A_433 : i32
        %multiple_of3A_435 = tpu.assume_multiple %mul3A_434, 16 : i32
        %add3A_436 = arith.constant 1 : i32
        %add3A_437 = arith.addi %select_n3A_263, %add3A_436 : i32
        %mul3A_438 = arith.constant 16 : i32
        %mul3A_439 = arith.muli %add3A_437, %mul3A_438 : i32
        %sub3A_440 = arith.constant 1 : i32
        %sub3A_441 = arith.subi %select_n3A_291, %sub3A_440 : i32
        %mul3A_442 = arith.constant 16 : i32
        %mul3A_443 = arith.muli %sub3A_441, %mul3A_442 : i32
        %min3A_444 = arith.minsi %mul3A_439, %mul3A_443 : i32
        %multiple_of3A_445 = tpu.assume_multiple %min3A_444, 16 : i32
        %add3A_446 = arith.constant 2 : i32
        %add3A_447 = arith.addi %select_n3A_263, %add3A_446 : i32
        %mul3A_448 = arith.constant 16 : i32
        %mul3A_449 = arith.muli %add3A_447, %mul3A_448 : i32
        %sub3A_450 = arith.constant 1 : i32
        %sub3A_451 = arith.subi %select_n3A_291, %sub3A_450 : i32
        %mul3A_452 = arith.constant 16 : i32
        %mul3A_453 = arith.muli %sub3A_451, %mul3A_452 : i32
        %min3A_454 = arith.minsi %mul3A_449, %mul3A_453 : i32
        %multiple_of3A_455 = tpu.assume_multiple %min3A_454, 16 : i32
        %add3A_456 = arith.constant 3 : i32
        %add3A_457 = arith.addi %select_n3A_263, %add3A_456 : i32
        %mul3A_458 = arith.constant 16 : i32
        %mul3A_459 = arith.muli %add3A_457, %mul3A_458 : i32
        %sub3A_460 = arith.constant 1 : i32
        %sub3A_461 = arith.subi %select_n3A_291, %sub3A_460 : i32
        %mul3A_462 = arith.constant 16 : i32
        %mul3A_463 = arith.muli %sub3A_461, %mul3A_462 : i32
        %min3A_464 = arith.minsi %mul3A_459, %mul3A_463 : i32
        %multiple_of3A_465 = tpu.assume_multiple %min3A_464, 16 : i32
        %add3A_466 = arith.constant 4 : i32
        %add3A_467 = arith.addi %select_n3A_263, %add3A_466 : i32
        %mul3A_468 = arith.constant 16 : i32
        %mul3A_469 = arith.muli %add3A_467, %mul3A_468 : i32
        %sub3A_470 = arith.constant 1 : i32
        %sub3A_471 = arith.subi %select_n3A_291, %sub3A_470 : i32
        %mul3A_472 = arith.constant 16 : i32
        %mul3A_473 = arith.muli %sub3A_471, %mul3A_472 : i32
        %min3A_474 = arith.minsi %mul3A_469, %mul3A_473 : i32
        %multiple_of3A_475 = tpu.assume_multiple %min3A_474, 16 : i32
        %add3A_476 = arith.constant 5 : i32
        %add3A_477 = arith.addi %select_n3A_263, %add3A_476 : i32
        %mul3A_478 = arith.constant 16 : i32
        %mul3A_479 = arith.muli %add3A_477, %mul3A_478 : i32
        %sub3A_480 = arith.constant 1 : i32
        %sub3A_481 = arith.subi %select_n3A_291, %sub3A_480 : i32
        %mul3A_482 = arith.constant 16 : i32
        %mul3A_483 = arith.muli %sub3A_481, %mul3A_482 : i32
        %min3A_484 = arith.minsi %mul3A_479, %mul3A_483 : i32
        %multiple_of3A_485 = tpu.assume_multiple %min3A_484, 16 : i32
        %add3A_486 = arith.constant 6 : i32
        %add3A_487 = arith.addi %select_n3A_263, %add3A_486 : i32
        %mul3A_488 = arith.constant 16 : i32
        %mul3A_489 = arith.muli %add3A_487, %mul3A_488 : i32
        %sub3A_490 = arith.constant 1 : i32
        %sub3A_491 = arith.subi %select_n3A_291, %sub3A_490 : i32
        %mul3A_492 = arith.constant 16 : i32
        %mul3A_493 = arith.muli %sub3A_491, %mul3A_492 : i32
        %min3A_494 = arith.minsi %mul3A_489, %mul3A_493 : i32
        %multiple_of3A_495 = tpu.assume_multiple %min3A_494, 16 : i32
        %parallel_loop3A = arith.constant 1 : i32
        scf.for %parallel_loop3A_496 = %max3A_317 to %add3A_319 step %parallel_loop3A  : i32 {
          %parallel_loop3A_497 = arith.subi %parallel_loop3A_496, %multiple_of3A : i32
          %parallel_loop3A_498 = arith.constant 112 : i32
          %parallel_loop3A_499 = arith.subi %parallel_loop3A_496, %parallel_loop3A_498 : i32
          %parallel_loop3A_500 = arith.index_cast %parallel_loop3A_497 : i32 to index
          %parallel_loop3A_501 = arith.index_cast %multiple_of3A_432 : i32 to index
          %parallel_loop3A_502 = tpu.vector_load %arg6[%parallel_loop3A_500, %parallel_loop3A_501] {strides = array<i32>} : memref<112x224xf32, #tpu.memory_space<vmem>>, vector<1x16xf32>,
          %parallel_loop3A_503 = vector.shape_cast %parallel_loop3A_502 : vector<1x16xf32> to vector<16xf32>
          %parallel_loop3A_504 = arith.index_cast %parallel_loop3A_499 : i32 to index
          %parallel_loop3A_505 = arith.index_cast %multiple_of3A_432 : i32 to index
          %parallel_loop3A_506 = tpu.vector_load %arg5[%parallel_loop3A_504, %parallel_loop3A_505] {strides = array<i32>} : memref<112x224xf32, #tpu.memory_space<vmem>>, vector<1x16xf32>,
          %parallel_loop3A_507 = vector.shape_cast %parallel_loop3A_506 : vector<1x16xf32> to vector<16xf32>
          %parallel_loop3A_508 = arith.select %and3A_300, %parallel_loop3A_503, %parallel_loop3A_507 : vector<16xi1>, vector<16xf32>
          %parallel_loop3A_509 = arith.index_cast %parallel_loop3A_499 : i32 to index
          %parallel_loop3A_510 = arith.index_cast %multiple_of3A_432 : i32 to index
          %parallel_loop3A_511 = tpu.vector_load %arg5[%parallel_loop3A_509, %parallel_loop3A_510] {strides = array<i32>} : memref<112x224xf32, #tpu.memory_space<vmem>>, vector<1x16xf32>,
          %parallel_loop3A_512 = vector.shape_cast %parallel_loop3A_511 : vector<1x16xf32> to vector<16xf32>
          %parallel_loop3A_513 = vector.shape_cast %parallel_loop3A_508 : vector<16xf32> to vector<1x16xf32>
          tpu.vector_store %arg5[%parallel_loop3A_509, %parallel_loop3A_510], %parallel_loop3A_513 {strides = array<i32>} : memref<112x224xf32, #tpu.memory_space<vmem>>, vector<1x16xf32>,
          %parallel_loop3A_514 = arith.index_cast %parallel_loop3A_497 : i32 to index
          %parallel_loop3A_515 = arith.index_cast %multiple_of3A_435 : i32 to index
          %parallel_loop3A_516 = tpu.vector_load %arg6[%parallel_loop3A_514, %parallel_loop3A_515] {strides = array<i32>} : memref<112x224xf32, #tpu.memory_space<vmem>>, vector<1x16xf32>,
          %parallel_loop3A_517 = vector.shape_cast %parallel_loop3A_516 : vector<1x16xf32> to vector<16xf32>
          %parallel_loop3A_518 = arith.index_cast %parallel_loop3A_499 : i32 to index
          %parallel_loop3A_519 = arith.index_cast %multiple_of3A_435 : i32 to index
          %parallel_loop3A_520 = tpu.vector_load %arg5[%parallel_loop3A_518, %parallel_loop3A_519] {strides = array<i32>} : memref<112x224xf32, #tpu.memory_space<vmem>>, vector<1x16xf32>,
          %parallel_loop3A_521 = vector.shape_cast %parallel_loop3A_520 : vector<1x16xf32> to vector<16xf32>
          %parallel_loop3A_522 = arith.select %and3A_311, %parallel_loop3A_517, %parallel_loop3A_521 : vector<16xi1>, vector<16xf32>
          %parallel_loop3A_523 = arith.index_cast %parallel_loop3A_499 : i32 to index
          %parallel_loop3A_524 = arith.index_cast %multiple_of3A_435 : i32 to index
          %parallel_loop3A_525 = tpu.vector_load %arg5[%parallel_loop3A_523, %parallel_loop3A_524] {strides = array<i32>} : memref<112x224xf32, #tpu.memory_space<vmem>>, vector<1x16xf32>,
          %parallel_loop3A_526 = vector.shape_cast %parallel_loop3A_525 : vector<1x16xf32> to vector<16xf32>
          %parallel_loop3A_527 = vector.shape_cast %parallel_loop3A_522 : vector<16xf32> to vector<1x16xf32>
          tpu.vector_store %arg5[%parallel_loop3A_523, %parallel_loop3A_524], %parallel_loop3A_527 {strides = array<i32>} : memref<112x224xf32, #tpu.memory_space<vmem>>, vector<1x16xf32>,
          %parallel_loop3A_528 = arith.index_cast %parallel_loop3A_497 : i32 to index
          %parallel_loop3A_529 = arith.index_cast %multiple_of3A_445 : i32 to index
          %parallel_loop3A_530 = tpu.vector_load %arg6[%parallel_loop3A_528, %parallel_loop3A_529] {strides = array<i32>} : memref<112x224xf32, #tpu.memory_space<vmem>>, vector<1x16xf32>,
          %parallel_loop3A_531 = vector.shape_cast %parallel_loop3A_530 : vector<1x16xf32> to vector<16xf32>
          %parallel_loop3A_532 = arith.index_cast %parallel_loop3A_499 : i32 to index
          %parallel_loop3A_533 = arith.index_cast %multiple_of3A_445 : i32 to index
          %parallel_loop3A_534 = tpu.vector_load %arg5[%parallel_loop3A_532, %parallel_loop3A_533] {strides = array<i32>} : memref<112x224xf32, #tpu.memory_space<vmem>>, vector<1x16xf32>,
          %parallel_loop3A_535 = vector.shape_cast %parallel_loop3A_534 : vector<1x16xf32> to vector<16xf32>
          %parallel_loop3A_536 = vector.shape_cast %parallel_loop3A_531 : vector<16xf32> to vector<1x16xf32>
          tpu.vector_store %arg5[%parallel_loop3A_532, %parallel_loop3A_533], %parallel_loop3A_536 {strides = array<i32>} : memref<112x224xf32, #tpu.memory_space<vmem>>, vector<1x16xf32>,
          %parallel_loop3A_537 = arith.index_cast %parallel_loop3A_497 : i32 to index
          %parallel_loop3A_538 = arith.index_cast %multiple_of3A_455 : i32 to index
          %parallel_loop3A_539 = tpu.vector_load %arg6[%parallel_loop3A_537, %parallel_loop3A_538] {strides = array<i32>} : memref<112x224xf32, #tpu.memory_space<vmem>>, vector<1x16xf32>,
          %parallel_loop3A_540 = vector.shape_cast %parallel_loop3A_539 : vector<1x16xf32> to vector<16xf32>
          %parallel_loop3A_541 = arith.index_cast %parallel_loop3A_499 : i32 to index
          %parallel_loop3A_542 = arith.index_cast %multiple_of3A_455 : i32 to index
          %parallel_loop3A_543 = tpu.vector_load %arg5[%parallel_loop3A_541, %parallel_loop3A_542] {strides = array<i32>} : memref<112x224xf32, #tpu.memory_space<vmem>>, vector<1x16xf32>,
          %parallel_loop3A_544 = vector.shape_cast %parallel_loop3A_543 : vector<1x16xf32> to vector<16xf32>
          %parallel_loop3A_545 = vector.shape_cast %parallel_loop3A_540 : vector<16xf32> to vector<1x16xf32>
          tpu.vector_store %arg5[%parallel_loop3A_541, %parallel_loop3A_542], %parallel_loop3A_545 {strides = array<i32>} : memref<112x224xf32, #tpu.memory_space<vmem>>, vector<1x16xf32>,
          %parallel_loop3A_546 = arith.index_cast %parallel_loop3A_497 : i32 to index
          %parallel_loop3A_547 = arith.index_cast %multiple_of3A_465 : i32 to index
          %parallel_loop3A_548 = tpu.vector_load %arg6[%parallel_loop3A_546, %parallel_loop3A_547] {strides = array<i32>} : memref<112x224xf32, #tpu.memory_space<vmem>>, vector<1x16xf32>,
          %parallel_loop3A_549 = vector.shape_cast %parallel_loop3A_548 : vector<1x16xf32> to vector<16xf32>
          %parallel_loop3A_550 = arith.index_cast %parallel_loop3A_499 : i32 to index
          %parallel_loop3A_551 = arith.index_cast %multiple_of3A_465 : i32 to index
          %parallel_loop3A_552 = tpu.vector_load %arg5[%parallel_loop3A_550, %parallel_loop3A_551] {strides = array<i32>} : memref<112x224xf32, #tpu.memory_space<vmem>>, vector<1x16xf32>,
          %parallel_loop3A_553 = vector.shape_cast %parallel_loop3A_552 : vector<1x16xf32> to vector<16xf32>
          %parallel_loop3A_554 = vector.shape_cast %parallel_loop3A_549 : vector<16xf32> to vector<1x16xf32>
          tpu.vector_store %arg5[%parallel_loop3A_550, %parallel_loop3A_551], %parallel_loop3A_554 {strides = array<i32>} : memref<112x224xf32, #tpu.memory_space<vmem>>, vector<1x16xf32>,
          %parallel_loop3A_555 = arith.index_cast %parallel_loop3A_497 : i32 to index
          %parallel_loop3A_556 = arith.index_cast %multiple_of3A_475 : i32 to index
          %parallel_loop3A_557 = tpu.vector_load %arg6[%parallel_loop3A_555, %parallel_loop3A_556] {strides = array<i32>} : memref<112x224xf32, #tpu.memory_space<vmem>>, vector<1x16xf32>,
          %parallel_loop3A_558 = vector.shape_cast %parallel_loop3A_557 : vector<1x16xf32> to vector<16xf32>
          %parallel_loop3A_559 = arith.index_cast %parallel_loop3A_499 : i32 to index
          %parallel_loop3A_560 = arith.index_cast %multiple_of3A_475 : i32 to index
          %parallel_loop3A_561 = tpu.vector_load %arg5[%parallel_loop3A_559, %parallel_loop3A_560] {strides = array<i32>} : memref<112x224xf32, #tpu.memory_space<vmem>>, vector<1x16xf32>,
          %parallel_loop3A_562 = vector.shape_cast %parallel_loop3A_561 : vector<1x16xf32> to vector<16xf32>
          %parallel_loop3A_563 = vector.shape_cast %parallel_loop3A_558 : vector<16xf32> to vector<1x16xf32>
          tpu.vector_store %arg5[%parallel_loop3A_559, %parallel_loop3A_560], %parallel_loop3A_563 {strides = array<i32>} : memref<112x224xf32, #tpu.memory_space<vmem>>, vector<1x16xf32>,
          %parallel_loop3A_564 = arith.index_cast %parallel_loop3A_497 : i32 to index
          %parallel_loop3A_565 = arith.index_cast %multiple_of3A_485 : i32 to index
          %parallel_loop3A_566 = tpu.vector_load %arg6[%parallel_loop3A_564, %parallel_loop3A_565] {strides = array<i32>} : memref<112x224xf32, #tpu.memory_space<vmem>>, vector<1x16xf32>,
          %parallel_loop3A_567 = vector.shape_cast %parallel_loop3A_566 : vector<1x16xf32> to vector<16xf32>
          %parallel_loop3A_568 = arith.index_cast %parallel_loop3A_499 : i32 to index
          %parallel_loop3A_569 = arith.index_cast %multiple_of3A_485 : i32 to index
          %parallel_loop3A_570 = tpu.vector_load %arg5[%parallel_loop3A_568, %parallel_loop3A_569] {strides = array<i32>} : memref<112x224xf32, #tpu.memory_space<vmem>>, vector<1x16xf32>,
          %parallel_loop3A_571 = vector.shape_cast %parallel_loop3A_570 : vector<1x16xf32> to vector<16xf32>
          %parallel_loop3A_572 = vector.shape_cast %parallel_loop3A_567 : vector<16xf32> to vector<1x16xf32>
          tpu.vector_store %arg5[%parallel_loop3A_568, %parallel_loop3A_569], %parallel_loop3A_572 {strides = array<i32>} : memref<112x224xf32, #tpu.memory_space<vmem>>, vector<1x16xf32>,
          %parallel_loop3A_573 = arith.index_cast %parallel_loop3A_497 : i32 to index
          %parallel_loop3A_574 = arith.index_cast %multiple_of3A_495 : i32 to index
          %parallel_loop3A_575 = tpu.vector_load %arg6[%parallel_loop3A_573, %parallel_loop3A_574] {strides = array<i32>} : memref<112x224xf32, #tpu.memory_space<vmem>>, vector<1x16xf32>,
          %parallel_loop3A_576 = vector.shape_cast %parallel_loop3A_575 : vector<1x16xf32> to vector<16xf32>
          %parallel_loop3A_577 = arith.index_cast %parallel_loop3A_499 : i32 to index
          %parallel_loop3A_578 = arith.index_cast %multiple_of3A_495 : i32 to index
          %parallel_loop3A_579 = tpu.vector_load %arg5[%parallel_loop3A_577, %parallel_loop3A_578] {strides = array<i32>} : memref<112x224xf32, #tpu.memory_space<vmem>>, vector<1x16xf32>,
          %parallel_loop3A_580 = vector.shape_cast %parallel_loop3A_579 : vector<1x16xf32> to vector<16xf32>
          %parallel_loop3A_581 = vector.shape_cast %parallel_loop3A_576 : vector<16xf32> to vector<1x16xf32>
          tpu.vector_store %arg5[%parallel_loop3A_577, %parallel_loop3A_578], %parallel_loop3A_581 {strides = array<i32>} : memref<112x224xf32, #tpu.memory_space<vmem>>, vector<1x16xf32>,
        } {sc.loop_unroll_factor = 4 : i64, sc.parallel_access}
      } else {
      }
      %dma_start3A_422 = arith.constant 112 : i32
      %dma_start3A_423 = arith.constant 0 : i32
      %dma_start3A_424 = tpu.memref_slice %arg3[%get3A_239, %sub3A_209, %dma_start3A_422, %dma_start3A_423] : memref<55x3x224x224xf32, #tpu.memory_space<hbm>> -> memref<1x1x112x224xf32, #tpu.memory_space<hbm>>
      %dma_start3A_425 = tpu.memref_squeeze %dma_start3A_424 : memref<1x1x112x224xf32, #tpu.memory_space<hbm>> -> memref<112x224xf32, #tpu.memory_space<hbm>>
      %dma_start3A_426 = arith.constant 112 : i32
      %dma_start3A_427 = arith.constant 0 : i32
      %dma_start3A_428 = tpu.memref_slice %arg3[%get3A_239, %sub3A_209, %dma_start3A_426, %dma_start3A_427] : memref<55x3x224x224xf32, #tpu.memory_space<hbm>> -> memref<1x1x112x224xf32, #tpu.memory_space<hbm>>
      %dma_start3A_429 = tpu.memref_squeeze %dma_start3A_428 : memref<1x1x112x224xf32, #tpu.memory_space<hbm>> -> memref<112x224xf32, #tpu.memory_space<hbm>>
      tpu.enqueue_dma source(%arg5 : memref<112x224xf32, #tpu.memory_space<vmem>>) target(%dma_start3A_429 : memref<112x224xf32, #tpu.memory_space<hbm>>) target_semaphore(%arg12 : memref<!tpu.dma_semaphore, #tpu.memory_space<semaphore_mem>>)
    }
    %dma_wait3A = arith.constant 0 : i32
    %dma_wait3A_171 = arith.constant 0 : i32
    %dma_wait3A_172 = arith.constant 0 : i32
    %dma_wait3A_173 = arith.constant 0 : i32
    %dma_wait3A_174 = tpu.memref_slice %arg3[%dma_wait3A, %dma_wait3A_171, %dma_wait3A_172, %dma_wait3A_173] : memref<55x3x224x224xf32, #tpu.memory_space<hbm>> -> memref<1x1x112x224xf32, #tpu.memory_space<hbm>>
    %dma_wait3A_175 = tpu.memref_squeeze %dma_wait3A_174 : memref<1x1x112x224xf32, #tpu.memory_space<hbm>> -> memref<112x224xf32, #tpu.memory_space<hbm>>
    %dma_wait3A_176 = arith.constant 0 : i32
    %dma_wait3A_177 = arith.constant 0 : i32
    %dma_wait3A_178 = tpu.memref_slice %arg3[%dma_wait3A, %dma_wait3A_171, %dma_wait3A_176, %dma_wait3A_177] : memref<55x3x224x224xf32, #tpu.memory_space<hbm>> -> memref<1x1x112x224xf32, #tpu.memory_space<hbm>>
    %dma_wait3A_179 = tpu.memref_squeeze %dma_wait3A_178 : memref<1x1x112x224xf32, #tpu.memory_space<hbm>> -> memref<112x224xf32, #tpu.memory_space<hbm>>
    tpu.wait_dma2 semaphore(%arg11 : memref<!tpu.dma_semaphore, #tpu.memory_space<semaphore_mem>>) src(%arg4 : memref<112x224xf32, #tpu.memory_space<vmem>>) dst(%dma_wait3A_179 : memref<112x224xf32, #tpu.memory_space<hbm>>)
    %dma_wait3A_180 = arith.constant 0 : i32
    %dma_wait3A_181 = arith.constant 0 : i32
    %dma_wait3A_182 = arith.constant 112 : i32
    %dma_wait3A_183 = arith.constant 0 : i32
    %dma_wait3A_184 = tpu.memref_slice %arg3[%dma_wait3A_180, %dma_wait3A_181, %dma_wait3A_182, %dma_wait3A_183] : memref<55x3x224x224xf32, #tpu.memory_space<hbm>> -> memref<1x1x112x224xf32, #tpu.memory_space<hbm>>
    %dma_wait3A_185 = tpu.memref_squeeze %dma_wait3A_184 : memref<1x1x112x224xf32, #tpu.memory_space<hbm>> -> memref<112x224xf32, #tpu.memory_space<hbm>>
    %dma_wait3A_186 = arith.constant 112 : i32
    %dma_wait3A_187 = arith.constant 0 : i32
    %dma_wait3A_188 = tpu.memref_slice %arg3[%dma_wait3A_180, %dma_wait3A_181, %dma_wait3A_186, %dma_wait3A_187] : memref<55x3x224x224xf32, #tpu.memory_space<hbm>> -> memref<1x1x112x224xf32, #tpu.memory_space<hbm>>
    %dma_wait3A_189 = tpu.memref_squeeze %dma_wait3A_188 : memref<1x1x112x224xf32, #tpu.memory_space<hbm>> -> memref<112x224xf32, #tpu.memory_space<hbm>>
    tpu.wait_dma2 semaphore(%arg12 : memref<!tpu.dma_semaphore, #tpu.memory_space<semaphore_mem>>) src(%arg5 : memref<112x224xf32, #tpu.memory_space<vmem>>) dst(%dma_wait3A_189 : memref<112x224xf32, #tpu.memory_space<hbm>>)
    return
  }
}

module attributes {stable_mosaic.version = 14 : i64} {
  func.func @_tc_labels_body(%arg0: memref<55x64xf32, #tpu.memory_space<vmem>>, %arg1: memref<64x1000xf32, #tpu.memory_space<vmem>>, %arg2: memref<55x1000xf32, #tpu.memory_space<vmem>>) attributes {dimension_semantics = [], scalar_prefetch = 0 : i64, scratch_operands = 0 : i64, tpu.core_type = #tpu.core_type<tc>} {
    %get3A = arith.constant 0 : index
    %get3A_0 = arith.constant 0 : index
    %get3A_1 = vector.load %arg0[%get3A, %get3A_0] : memref<55x64xf32, #tpu.memory_space<vmem>>, vector<55x64xf32>
    %get3A_2 = arith.constant 0 : index
    %get3A_3 = arith.constant 0 : index
    %get3A_4 = vector.load %arg1[%get3A_2, %get3A_3] : memref<64x1000xf32, #tpu.memory_space<vmem>>, vector<64x1000xf32>
    %dot_general3A = arith.constant dense<0.000000e+00> : vector<55x1000xf32>
    %dot_general3A_5 = tpu.matmul %get3A_1, %get3A_4, %dot_general3A {dimension_numbers = #tpu.dot_dimension_numbers<[1], [0], [0], [1], [0, 0, 1, 1], [], []>, transpose_lhs_hint = false} : vector<55x64xf32>, vector<64x1000xf32>, vector<55x1000xf32> -> vector<55x1000xf32>
    %swap3A = arith.constant 0 : index
    %swap3A_6 = arith.constant 0 : index
    %swap3A_7 = vector.load %arg2[%swap3A, %swap3A_6] : memref<55x1000xf32, #tpu.memory_space<vmem>>, vector<55x1000xf32>
    tpu.vector_store %arg2[%swap3A, %swap3A_6], %dot_general3A_5 {strides = array<i32>} : memref<55x1000xf32, #tpu.memory_space<vmem>>, vector<55x1000xf32>,
    return
  }
}

</mosaic_0001>

<sc_bundles>
// kernel: kernel.4.cloned.1.call-start
scs
__scs_entry_jumppad:
0x0: {  	(pc) =	sbr.rel $0x88, $3  }
0x1: {  	(tag) =	ssettag $0x0;
	lr =	simm.s32 $0x1  }
0x2: {  	[smem:$0x3F9F] =	sst lr;
	_ =	strace $0xD0000000  }
0x3: {  	_ = 	snop  }
0x4: {  	_ = 	snop  }
0x5: {  	_ = 	snop  }
0x6: {  	_ = 	snop  }
0x7: {  	_ = 	snop  }
__scs_overlays_trampoline_lowered:
0x8: {  	[smem:$0x3FAE] =	sst s0  }
0x9: {  	[smem:$0x3FAF] =	sst s1  }
0xa: {  	[smem:$0x3FB0] =	sst s2  }
0xb: {  	[smem:$0x3FB1] =	sst s3  }
0xc: {  	[smem:$0x3FB2] =	sst s4  }
0xd: {  	[smem:$0x3FB3] =	sst s5  }
0xe: {  	[smem:$0x3FB4] =	sst s6  }
0xf: {  	[smem:$0x3FB5] =	sst s7  }
0x10: {  	[smem:$0x3FB6] =	sst s8  }
0x11: {  	[smem:$0x3FB7] =	sst s9;
	s0 =	simm.s32 @!p0 $0x0  }
0x12: {  	s1 =	sld [smem:$0x3F9D];
	s0 =	simm.s32 @p0 $0x1  }
0x13: {  	[smem:$0x3FB8] =	sst s0;
	s0 =	simm.s32 @!p1 $0x0  }
0x14: {  	s2 =	sld [smem:$0x3F9C];
	s0 =	simm.s32 @p1 $0x1  }
0x15: {  	[smem:$0x3FB9] =	sst s0;
	s0 =	simm.s32 @!p2 $0x0  }
0x16: {  	s3 =	sld [smem:$0x3FDB];
	s0 =	simm.s32 @p2 $0x1  }
0x17: {  	s4 =	simm.s32 $0x1BF5;
	[smem:$0x3FBB] =	sst s0  }
0x18: {  	s0 =	sld [smem:$0x3F9E];
	_ =	swait.ge [sflag:s4], $0x0  }
0x19: {  	s7 =	sld [smem:$0x3F9F]  }
0x1a: {  	s8 =	sadd.s32 $0xFFFFE003, lr  }
0x1b: {  	s9 =	sadd.s32 $0xFFFFFEF7, lr;
	s5 =	simm.s32 $0xFFFFFFFF;
	p2 =	slt.u32 s8, $0xFFFFF086  }
0x1c: {  	p1 =	slt.u32 s9, $0xF7A;
	s5 =	simm.s32 @!p2 $0x0  }
0x1d: {  	s5 =	simm.s32 @p1 $0x1;
	p0 =	seq.s32 s7, s2  }
0x1e: {  	s7 =	smul.u32 @!p0 $0xF7A, s2;
	p2 =	seq.s32 @!p0 s5, $0x0  }
0x1f: {  	s9 =	smul.u32 $0xF7A, s1;
	s8 =	simm.s32 @!p0 $0x1BF5;
	p2 =	por !p2, p0  }
0x20: {  	[sflag:s8] =	ssyncset.s32 @!p0 $0xFFFFF086;
	s6 =	sadd.s32 @!p0 s3, s7;
	s7 =	simm.s32 @!p0 $0x108  }
0x21: {  	s3 =	sadd.s32 s3, s9;
	s6 =	sadd.s32 @!p0 $0x88, s6;
	s7 =	simm.s32 @p2 $0x1082  }
0x22: {  	[simem:s7], [sflag:s8] =	dma.local @!p0 [hbm:s6], $0xF7A  }
0x23: {  	s9 =	sor.u32 $0xD0000000, s2;
	s6 =	simm.s32 $0x108;
	_ =	swait.ge @!p0 [sflag:s8], $0x0  }
0x24: {  	s3 =	sadd.s32 $0x88, s3;
	s6 =	simm.s32 @!p1 $0x1082;
	[sflag:s4] =	ssyncset.s32 $0xFFFFF086  }
0x25: {  	[simem:s6], [sflag:s4] =	dma.local [hbm:s3], $0xF7A  }
0x26: {  	[smem:$0x3F9F] =	sst s1;
	(tag) =	ssettag s2;
	_ =	strace s9  }
0x27: {  	s1 =	sld [smem:$0x3FAF]  }
0x28: {  	s2 =	sld [smem:$0x3FB0]  }
0x29: {  	s4 =	sld [smem:$0x3FB2]  }
0x2a: {  	p0 =	seq.s32 s5, $0x0;
	s5 =	sld [smem:$0x3FB3]  }
0x2b: {  	s6 =	sld [smem:$0x3FB4]  }
0x2c: {  	s7 =	sld [smem:$0x3FB5]  }
0x2d: {  	s3 =	simm.s32 $0x108;
	s8 =	sld [smem:$0x3FB6]  }
0x2e: {  	s3 =	simm.s32 @!p0 $0x1082;
	s9 =	sld [smem:$0x3FB7]  }
0x2f: {  	lr =	sadd.s32 s0, s3;
	s0 =	sld [smem:$0x3FAE]  }
0x30: {  	s3 =	sld [smem:$0x3FB1]  }
0x31: {  	[smem:$0x3FBA] =	sst s10  }
0x32: {  	s10 =	sld [smem:$0x3FB8];
	_ =	sdelay $0x3  }
0x33: {  	p0 =	seq.s32 s10, $0x1;
	s10 =	sld [smem:$0x3FBA];
	_ =	sdelay $0x3  }
0x34: {  	[smem:$0x3FBA] =	sst s10  }
0x35: {  	s10 =	sld [smem:$0x3FB9];
	_ =	sdelay $0x3  }
0x36: {  	p1 =	seq.s32 s10, $0x1;
	s10 =	sld [smem:$0x3FBA];
	_ =	sdelay $0x3  }
0x37: {  	[smem:$0x3FBA] =	sst s10  }
0x38: {  	s10 =	sld [smem:$0x3FBB]  }
0x39: {  	_ = 	snop;
	(pc) =	sbr.ind lr, $3  }
0x3a: {  	_ = 	snop  }
0x3b: {  	_ = 	snop  }
0x3c: {  	p2 =	seq.s32 s10, $0x1;
	s10 =	sld [smem:$0x3FBA]  }
0x3d: {  	_ =	shalt  }
0x3e: {  	_ =	shalt  }
0x3f: {  	_ =	shalt  }
0x40: {  	_ =	shalt  }
0x41: {  	_ =	shalt  }
0x42: {  	_ =	shalt  }
0x43: {  	_ =	shalt  }
0x44: {  	_ =	shalt  }
0x45: {  	_ =	shalt  }
0x46: {  	_ =	shalt  }
0x47: {  	_ =	shalt  }
0x48: {  	_ =	shalt  }
0x49: {  	_ =	shalt  }
0x4a: {  	_ =	shalt  }
0x4b: {  	_ =	shalt  }
0x4c: {  	_ =	shalt  }
0x4d: {  	_ =	shalt  }
0x4e: {  	_ =	shalt  }
0x4f: {  	_ =	shalt  }
0x50: {  	_ =	shalt  }
0x51: {  	_ =	shalt  }
0x52: {  	_ =	shalt  }
0x53: {  	_ =	shalt  }
0x54: {  	_ =	shalt  }
0x55: {  	_ =	shalt  }
0x56: {  	_ =	shalt  }
0x57: {  	_ =	shalt  }
0x58: {  	_ =	shalt  }
0x59: {  	_ =	shalt  }
0x5a: {  	_ =	shalt  }
0x5b: {  	_ =	shalt  }
0x5c: {  	_ =	shalt  }
0x5d: {  	_ =	shalt  }
0x5e: {  	_ =	shalt  }
0x5f: {  	_ =	shalt  }
0x60: {  	_ =	shalt  }
0x61: {  	_ =	shalt  }
0x62: {  	_ =	shalt  }
0x63: {  	_ =	shalt  }
0x64: {  	_ =	shalt  }
0x65: {  	_ =	shalt  }
0x66: {  	_ =	shalt  }
0x67: {  	_ =	shalt  }
0x68: {  	_ =	shalt  }
0x69: {  	_ =	shalt  }
0x6a: {  	_ =	shalt  }
0x6b: {  	_ =	shalt  }
0x6c: {  	_ =	shalt  }
0x6d: {  	_ =	shalt  }
0x6e: {  	_ =	shalt  }
0x6f: {  	_ =	shalt  }
0x70: {  	_ =	shalt  }
0x71: {  	_ =	shalt  }
0x72: {  	_ =	shalt  }
0x73: {  	_ =	shalt  }
0x74: {  	_ =	shalt  }
0x75: {  	_ =	shalt  }
0x76: {  	_ =	shalt  }
0x77: {  	_ =	shalt  }
0x78: {  	_ =	shalt  }
0x79: {  	_ =	shalt  }
0x7a: {  	_ =	shalt  }
0x7b: {  	_ =	shalt  }
0x7c: {  	_ =	shalt  }
0x7d: {  	_ =	shalt  }
0x7e: {  	_ =	shalt  }
0x7f: {  	_ =	shalt  }
0x80: {  	_ =	shalt  }
0x81: {  	_ =	shalt  }
0x82: {  	_ =	shalt  }
0x83: {  	_ =	shalt  }
0x84: {  	_ =	shalt  }
0x85: {  	_ =	shalt  }
0x86: {  	_ =	shalt  }
0x87: {  	_ =	shalt  }
.Lfunc_end0:
.L_simem_size_0:
called_computation_lowered:
.L_overlay_start_0:
0x88: {  	s2 =	sld [smem:$0x3FD9]  }
0x89: {  	s3 =	sld [smem:$0x3FFE];
	_ =	sdelay $0x1  }
0x8a: {  	s1 =	srdreg.scid  }
0x8b: {  	s0 =	sand.u32 $0x1, s1  }
0x8c: {  	s15 =	sshll.u32 s0, $0xA;
	s2 =	sadd.s32 s3, s2  }
0x8d: {  	s2 =	sadd.s32 s2, s15  }
0x8e: {  	[smem:$0x3FC6] =	sst s2  }
0x8f: {  	_ = 	snop  }
0x90: {  	s2 =	sld [smem:$0x3FD0];
	_ =	sdelay $0x2  }
0x91: {  	s4 =	simm.s32 $0xA;
	s5 =	simm.s32 $0x10;
	s16 =	sld [smem:$0x3FC9]  }
0x92: {  	[smem:s5], [sflag:s4] =	dma.local [hbm:s2], $0x1  }
0x93: {  	_ =	swait.eq [sflag:s4], $0x1  }
0x94: {  	[sflag:s4] =	ssyncset.done $0x0  }
0x95: {  	[sflag:s4] =	ssyncadd.s32 $0xFFFFFFFF  }
0x96: {  	s17 =	sld [smem:$0x10];
	(tm) =	ssettm $0x1  }
0x97: {  	s18 =	sld [smem:$0x3FFB];
	_ =	sdelay $0x3  }
0x98: {  	_ =	strace s18  }
0x99: {  	s4 =	sld [smem:$0x3FFC];
	_ =	sdelay $0x3  }
0x9a: {  	_ =	strace s4  }
0x9b: {  	s4 =	sld [smem:$0x3FFD];
	_ =	sdelay $0x3  }
0x9c: {  	_ =	strace s4  }
0x9d: {  	_ =	strace $0x8FFFFFFF  }
0x9e: {  	s19 =	sld [smem:$0x3FDB];
	_ =	sdelay $0x1  }
0x9f: {  	s20 =	simm.s32 $_scs_section_size  }
0xa0: {  	s6 =	simm.s32 $_size__tile_overlayer_lowered;
	s7 =	simm.s32 $_tile_overlayer_lowered  }
0xa1: {  	s23 =	simm.s32 $0x1BFF;
	s22 =	sshll.u32 s7, $0x1;
	s4 =	sadd.s32 s20, s19  }
0xa2: {  	s8 =	simm.s32 $0x0;
	s21 =	sshll.u32 s6, $0x1;
	s6 =	sadd.s32 s22, s4  }
0xa3: {  	[timem:s8], [sflag:s23] =	dma.local [hbm:s6], s21  }
0xa4: {  	_ =	swait.ge [sflag:s23], s21  }
0xa5: {  	s5 =	ssub.s32 $0x0, s21;
	[sflag:s23] =	ssyncset.done $0x0  }
0xa6: {  	[sflag:s23] =	ssyncadd.s32 s5;
	_ =	sdelay $0x1  }
0xa7: {  	s24 =	simm.s32 $0x1B8B  }
0xa8: {  	_ =	swait.ge [sflag:s24], $0x1  }
0xa9: {  	[sflag:s24] =	ssyncset.done $0x0  }
0xaa: {  	s25 =	simm.s32 $0x1B8E;
	[sflag:s24] =	ssyncadd.s32 $0xFFFFFFFF  }
0xab: {  	s26 =	simm.s32 $execute0_lowered;
	[smem:$0x3FD2] =	sst s25  }
0xac: {  	s5 =	sshll.u32 s26, $0x1;
	_ =	strace $0x80000046;
	[dreg:$0x1] =	wrdreg $0xFFFFFFFF  }
0xad: {  	s28 =	simm.s32 $_size_execute0_lowered;
	s4 =	sadd.s32 s4, s5;
	[dreg:$0x0] =	wrdreg $0x0  }
0xae: {  	s5 =	sshll.u32 s28, $0x1;
	[dreg:$0x2] =	wrdreg s4  }
0xaf: {  	[dreg:$0x3] =	wrdreg s5  }
0xb0: {  	[dreg:$0x4] =	wrdreg $0xC0  }
0xb1: {  	_ =	task [dreg:s8], $0x5FFFF  }
0xb2: {  	[dreg:$0x1] =	wrdreg $0xFFFFFFFF  }
0xb3: {  	[dreg:$0x0] =	wrdreg $0x60  }
0xb4: {  	[dreg:$0x2] =	wrdreg s16  }
0xb5: {  	[dreg:$0x3] =	wrdreg s17  }
0xb6: {  	[dreg:$0x4] =	wrdreg $0x9  }
0xb7: {  	_ =	task.clear_ibuf [dreg:s8], $0x5FFFF;
	_ =	strace $0x90000046  }
0xb8: {  	s29 =	simm.s32 $0x9;
	_ =	strace $0x80000048  }
0xb9: {  	_ =	swait.ge [sflag:s29], $0x1  }
0xba: {  	[sflag:s29] =	ssyncadd.s32 $0xFFFFFFFF  }
0xbb: {  	_ =	strace $0x90000048  }
0xbc: {  	_ =	sfence  }
0xbd: {  	s30 =	sld [smem:$0x0];
	_ =	sdelay $0x2  }
0xbe: {  	s31 =	sshll.u32 s1, $0xD;
	s1 =	sshrl.u32 s1, $0x2  }
0xbf: {  	s3 =	sand.u32 $0x4000, s31;
	s1 =	sadd.s32 s1, s30  }
0xc0: {  	s0 =	sor.u32 s3, s0;
	s1 =	sshll.u32 s1, $0x11  }
0xc1: {  	s0 =	sor.u32 s1, s0  }
0xc2: {  	s0 =	sadd.s32 $0x8F2B, s0  }
0xc3: {  	[sflag:s0] =	ssyncadd.remote.s32 $0x1  }
0xc4: {  	_ =	sfence.sel $0xFFFF  }
0xc5: {  	[dreg:$0x0] =	wrdreg $0xFFFFFFFF;
	(pc) =	sbr.abs _section_cstart, $3  }
0xc6: {  	[dreg:$0x1] =	wrdreg $0xFFFFFFFF  }
0xc7: {  	_ =	task.clear_ibuf [dreg:s8], $0x2FFFF;
	_ =	strace $0x9FFFFFFF  }
0xc8: {  	(tm) =	ssettm $0x7FFFFFFF  }
0xc9: {  	_ =	shalt  }
tec
execute0_lowered:
.L_overlay_start_1:
0x0: {  	(tag) =	ssettag $0x1  }
0x1: {  	s0 =	srdreg.scid;
	s1 =	stileid.u32  }
0x2: {  	s0 =	sand.u32 $0x1, s0;
	s1 =	sshll.u32 s1, $0x1  }
0x3: {  	s19 =	rddreg [dreg:$0x0];
	s2 =	ssub.s32 $0x2, s0;
	s3 =	sor.u32 s0, s1  }
0x4: {  	s25 =	rddreg [dreg:$0x1];
	s31 =	sshrl.u32 s2, $0x1;
	p2 =	sgt.s32 s3, $0x1  }
0x5: {  	s21 =	simm.s32 $0x0;
	s0 =	ssub.s32 s2, s31;
	p0 =	seq.s32 @p2 s3, $0x2  }
0x6: {  	[smem:$0x7FF] =	sst s21;
	s0 =	smax.u32 s0, $0x1;
	p1 =	por !p0, !p2  }
0x7: {  	_ =	strace $0x80000047;
	[smem:$0x7E6] =	sst s0;
	s0 =	simm.s32 @!p1 $0x0  }
0x8: {  	p0 =	por p0, !p2;
	s0 =	simm.s32 @p1 $0x1  }
0x9: {  	[smem:$0x7E7] =	sst s0;
	s0 =	simm.s32 @!p0 $0x0  }
0xa: {  	s0 =	simm.s32 @p0 $0x1;
	p0 =	seq.s32 @!p2 s3, $0x0  }
0xb: {  	p4 =	por !p0, p2  }
0xc: {  	[smem:$0x7E8] =	sst s0;
	s0 =	simm.s32 @!p4 $0x0  }
0xd: {  	s0 =	simm.s32 @p4 $0x1  }
0xe: {  	[smem:$0x7E9] =	sst s0;
	s0 =	simm.s32 @!p2 $0x0  }
0xf: {  	p3 =	sgt.s32 s3, $0x5;
	p0 =	por p0, p2;
	s0 =	simm.s32 @p2 $0x1  }
0x10: {  	p1 =	seq.s32 @p3 s3, $0x6;
	[smem:$0x7EA] =	sst s0;
	s0 =	simm.s32 @!p0 $0x0  }
0x11: {  	s0 =	simm.s32 @p0 $0x1;
	p0 =	por !p1, !p3  }
0x12: {  	[smem:$0x7EB] =	sst s0;
	s0 =	simm.s32 @!p0 $0x0  }
0x13: {  	s0 =	simm.s32 @p0 $0x1;
	p0 =	por p1, !p3  }
0x14: {  	[smem:$0x7EC] =	sst s0;
	s0 =	simm.s32 @!p0 $0x0  }
0x15: {  	s0 =	simm.s32 @p0 $0x1;
	p0 =	seq.s32 @!p3 s3, $0x4  }
0x16: {  	p1 =	por !p0, p3  }
0x17: {  	[smem:$0x7ED] =	sst s0;
	s0 =	simm.s32 @!p1 $0x0  }
0x18: {  	s0 =	simm.s32 @p1 $0x1  }
0x19: {  	[smem:$0x7EE] =	sst s0;
	s0 =	simm.s32 @!p3 $0x0  }
0x1a: {  	p0 =	por p0, p3;
	s0 =	simm.s32 @p3 $0x1  }
0x1b: {  	p2 =	sgt.s32 s3, $0x9;
	[smem:$0x7EF] =	sst s0;
	s0 =	simm.s32 @!p0 $0x0  }
0x1c: {  	s0 =	simm.s32 @p0 $0x1;
	p0 =	seq.s32 @p2 s3, $0xA  }
0x1d: {  	p5 =	por !p0, !p2;
	p0 =	por p0, !p2  }
0x1e: {  	p1 =	seq.s32 @!p2 s3, $0x8;
	[smem:$0x7F0] =	sst s0;
	s0 =	simm.s32 @!p0 $0x0  }
0x1f: {  	s0 =	simm.s32 @p0 $0x1;
	p0 =	por !p1, p2  }
0x20: {  	[smem:$0x7F1] =	sst s0;
	s0 =	simm.s32 @!p0 $0x0  }
0x21: {  	s0 =	simm.s32 @p0 $0x1  }
0x22: {  	[smem:$0x7F2] =	sst s0;
	s0 =	simm.s32 @!p2 $0x0  }
0x23: {  	p3 =	sgt.s32 s3, $0xD;
	p1 =	por p1, p2;
	s0 =	simm.s32 @p2 $0x1  }
0x24: {  	p0 =	seq.s32 @p3 s3, $0xE;
	[smem:$0x7F3] =	sst s0;
	s0 =	simm.s32 @!p1 $0x0  }
0x25: {  	s0 =	simm.s32 @p1 $0x1;
	p1 =	por !p0, !p3  }
0x26: {  	[smem:$0x7F4] =	sst s0;
	s0 =	simm.s32 @!p1 $0x0  }
0x27: {  	p0 =	por p0, !p3;
	s0 =	simm.s32 @p1 $0x1  }
0x28: {  	[smem:$0x7F5] =	sst s0;
	s0 =	simm.s32 @!p0 $0x0  }
0x29: {  	s0 =	simm.s32 @p0 $0x1  }
0x2a: {  	p1 =	seq.s32 @!p3 s3, $0xC;
	[smem:$0x7F6] =	sst s0;
	s0 =	simm.s32 @!p3 $0x0  }
0x2b: {  	p0 =	por p1, p3;
	s0 =	simm.s32 @p3 $0x1  }
0x2c: {  	[smem:$0x7F7] =	sst s0;
	s0 =	simm.s32 @!p0 $0x0  }
0x2d: {  	s0 =	simm.s32 @p0 $0x1;
	p0 =	sgt.s32 s3, $0x7  }
0x2e: {  	[smem:$0x7F8] =	sst s0;
	s0 =	simm.s32 @!p0 $0x0  }
0x2f: {  	s0 =	simm.s32 @p0 $0x1;
	p0 =	sgt.s32 s3, $0x3  }
0x30: {  	[smem:$0x7F9] =	sst s0;
	s0 =	simm.s32 @!p0 $0x0  }
0x31: {  	s22 =	simm.s32 $0x1;
	s0 =	simm.s32 @p0 $0x1;
	p0 =	sgt.s32 s3, $0xB  }
.Ltmp0:
0x32: {  	[smem:$0x7FA] =	sst s0;
	s0 =	simm.s32 @!p0 $0x0;
	(pc) =	sbr.rel .LBB2_1-.Ltmp0, $4  }
0x33: {  	p6 =	por !p1, p3;
	p3 =	sgt.s32 s3, $0xF;
	s0 =	simm.s32 @p0 $0x1  }
0x34: {  	s24 =	simm.s32 $0x7000;
	[smem:$0x7FB] =	sst s0;
	s0 =	simm.s32 @!p3 $0x0  }
0x35: {  	s26 =	simm.s32 $0x3;
	[smem:$0x7FC] =	sst s3;
	s0 =	simm.s32 @p3 $0x1  }
0x36: {  	s28 =	simm.s32 $0x2;
	v0 =	vlaneseq.u32;
	s2 =	simm.s32 $0x0;
	[smem:$0x7FD] =	sst s0  }
.LBB2_34:
0x37: {  	s0 =	simm.s32 $0x4  }
0x38: {  	_ =	swait.ge [sflag:s0], $0x7000  }
0x39: {  	[sflag:s0] =	ssyncset.done $0x0  }
0x3a: {  	s1 =	simm.s32 $0x5;
	[sflag:s0] =	ssyncadd.s32 $0xFFFF9000  }
0x3b: {  	_ =	swait.ge [sflag:s1], $0x7000  }
0x3c: {  	s2 =	sld [smem:$0x7E5]  }
0x3d: {  	s31 =	sld [smem:$0x7E6];
	_ =	sdelay $0x1  }
0x3e: {  	s2 =	sadd.s32 $0x1, s2  }
0x3f: {  	p0 =	sne.s32 s2, s31  }
.Ltmp1:
0x40: {  	_ = 	snop;
	(pc) =	sbr.rel @!p0 .LBB2_35-.Ltmp1, $3  }
0x41: {  	_ =	sdelay $0x1  }
0x42: {  	[sflag:s1] =	ssyncset.done $0x0  }
0x43: {  	s3 =	sld [smem:$0x7FC];
	[sflag:s1] =	ssyncadd.s32 $0xFFFF9000  }
.LBB2_1:
.Ltmp2:
0x44: {  	(pc) =	sbr.rel @p3 .LBB2_9-.Ltmp2, $2  }
0x45: {  	_ =	sdelay $0x2  }
0x46: {  	[smem:$0x7E5] =	sst s2  }
0x47: {  	s0 =	sld [smem:$0x7F9];
	_ =	sdelay $0x2  }
0x48: {  	p0 =	seq.s32 s0, $0x1  }
.Ltmp3:
0x49: {  	_ = 	snop;
	(pc) =	sbr.rel @p0 .LBB2_6-.Ltmp3, $1  }
0x4a: {  	_ =	sdelay $0x3  }
0x4b: {  	s0 =	sld [smem:$0x7FA];
	_ =	sdelay $0x2  }
0x4c: {  	p0 =	seq.s32 s0, $0x1  }
.Ltmp4:
0x4d: {  	_ = 	snop;
	(pc) =	sbr.rel @p0 .LBB2_5-.Ltmp4, $1  }
0x4e: {  	_ =	sdelay $0x3  }
0x4f: {  	s0 =	sld [smem:$0x7E7];
	_ =	sdelay $0x1  }
0x50: {  	s20 =	sld [smem:$0x7E8]  }
0x51: {  	s23 =	sld [smem:$0x7E9];
	p0 =	seq.s32 s0, $0x1  }
0x52: {  	s30 =	sld [smem:$0x7EB];
	s0 =	simm.s32 @!p0 $0x3  }
0x53: {  	[smem:$0x0] =	sst @!p0 s0;
	s0 =	simm.s32 @!p0 $0x2C  }
0x54: {  	[smem:$0x1] =	sst @!p0 s0;
	s0 =	simm.s32 @!p0 $0x1C  }
0x55: {  	[smem:$0x2] =	sst @!p0 s0;
	s0 =	simm.s32 @!p0 $0x33  }
0x56: {  	s1 =	simm.s32 @!p0 $0x2;
	[smem:$0x3] =	sst @!p0 s0  }
0x57: {  	s0 =	simm.s32 @!p0 $0x28;
	[smem:$0x4] =	sst @!p0 s1  }
0x58: {  	[smem:$0x5] =	sst @!p0 s0;
	s0 =	simm.s32 @!p0 $0x2D  }
0x59: {  	[smem:$0x6] =	sst @!p0 s0;
	s0 =	simm.s32 @!p0 $0x4C  }
0x5a: {  	[smem:$0x7] =	sst @!p0 s0;
	s0 =	simm.s32 @!p0 $0x17  }
0x5b: {  	p1 =	seq.s32 s20, $0x1;
	[smem:$0x8] =	sst @!p0 s0;
	s0 =	simm.s32 @!p0 $0x22  }
0x5c: {  	[smem:$0x9] =	sst @!p0 s0;
	s0 =	simm.s32 @!p1 $0x4  }
0x5d: {  	[smem:$0x0] =	sst @!p1 s0;
	s0 =	simm.s32 @!p1 $0x5  }
0x5e: {  	[smem:$0x1] =	sst @!p1 s0;
	s0 =	simm.s32 @!p1 $0x23  }
0x5f: {  	s2 =	simm.s32 @!p1 $0xB;
	[smem:$0x2] =	sst @!p1 s0  }
0x60: {  	[smem:$0x3] =	sst @!p1 s2;
	s2 =	simm.s32 @!p1 $0x3  }
0x61: {  	[smem:$0x4] =	sst @!p1 s2;
	s2 =	simm.s32 @!p1 $0x2A  }
0x62: {  	[smem:$0x5] =	sst @!p1 s2;
	s2 =	simm.s32 @!p1 $0x1D  }
0x63: {  	[smem:$0x6] =	sst @!p1 s2;
	s2 =	simm.s32 @!p1 $0x2  }
0x64: {  	[smem:$0x7] =	sst @!p1 s2;
	s2 =	simm.s32 @!p1 $0x73  }
0x65: {  	[smem:$0x8] =	sst @!p1 s2  }
0x66: {  	[smem:$0x9] =	sst @!p1 s0;
	p1 =	seq.s32 s23, $0x1  }
0x67: {  	s31 =	sld [smem:$0x7EA];
	s0 =	simm.s32 @!p1 $0x1  }
0x68: {  	[smem:$0x0] =	sst @!p1 s0;
	s0 =	simm.s32 @!p1 $0x3A  }
0x69: {  	[smem:$0x1] =	sst @!p1 s0;
	s0 =	simm.s32 @!p1 $0xE  }
0x6a: {  	[smem:$0x2] =	sst @!p1 s0;
	s0 =	simm.s32 @!p1 $0x70  }
0x6b: {  	[smem:$0x3] =	sst @!p1 s0;
	s0 =	simm.s32 @!p1 $0x0  }
0x6c: {  	[smem:$0x4] =	sst @!p1 s0;
	s0 =	simm.s32 @!p1 $0x26  }
0x6d: {  	[smem:$0x5] =	sst @!p1 s0;
	s0 =	simm.s32 @!p1 $0x20  }
0x6e: {  	s2 =	simm.s32 @!p1 $0x78;
	[smem:$0x6] =	sst @!p1 s0  }
0x6f: {  	[smem:$0x7] =	sst @!p1 s2;
	s2 =	simm.s32 @!p1 $0x10  }
0x70: {  	p2 =	seq.s32 s30, $0x1;
	[smem:$0x8] =	sst @!p1 s2  }
0x71: {  	[smem:$0x9] =	sst @!p1 s0;
	s0 =	simm.s32 @!p2 $0x2  }
0x72: {  	[smem:$0x0] =	sst @!p2 s0;
	s0 =	simm.s32 @!p2 $0x0  }
0x73: {  	[smem:$0x1] =	sst @!p2 s0;
	s0 =	simm.s32 @!p2 $0x2A  }
0x74: {  	[smem:$0x2] =	sst @!p2 s0;
	s0 =	simm.s32 @!p2 $0x39  }
0x75: {  	s2 =	simm.s32 @!p2 $0x1;
	[smem:$0x3] =	sst @!p2 s0  }
0x76: {  	s3 =	simm.s32 @!p2 $0x21;
	[smem:$0x4] =	sst @!p2 s2;
	s2 =	simm.s32 @!p2 $0x27  }
0x77: {  	s1 =	simm.s32 @p0 $0x2;
	s29 =	simm.s32 @!p1 $0x6;
	[smem:$0x5] =	sst @!p2 s2  }
.Ltmp5:
0x78: {  	[smem:$0x6] =	sst @!p2 s0;
	s0 =	simm.s32 @!p2 $0x73;
	(pc) =	sbr.rel .LBB2_16-.Ltmp5, $4  }
0x79: {  	s29 =	simm.s32 @p1 $0x6;
	[smem:$0x7] =	sst @!p2 s0;
	s0 =	simm.s32 @!p2 $0x25  }
0x7a: {  	s2 =	simm.s32 @!p0 $0x6;
	[smem:$0x8] =	sst @!p2 s0;
	s0 =	simm.s32 @!p1 $0x2  }
0x7b: {  	s2 =	simm.s32 @p0 $0x6;
	p0 =	seq.s32 s31, $0x1;
	s0 =	simm.s32 @p1 $0x2  }
0x7c: {  	s29 =	smov.u32 @p0 s2;
	[smem:$0x9] =	sst @!p2 s3;
	s0 =	smov.u32 @p0 s1  }
.LBB2_9:
0x7d: {  	_ = 	snop  }
0x7e: {  	p0 =	sgt.s32 s3, $0x17  }
.Ltmp6:
0x7f: {  	_ = 	snop;
	(pc) =	sbr.rel @p0 .LBB2_13-.Ltmp6, $1  }
0x80: {  	_ =	sdelay $0x3  }
0x81: {  	p0 =	sgt.s32 s3, $0x13  }
.Ltmp7:
0x82: {  	_ = 	snop;
	(pc) =	sbr.rel @p0 .LBB2_12-.Ltmp7, $1  }
0x83: {  	_ =	sdelay $0x3  }
0x84: {  	p2 =	sgt.s32 s3, $0x11  }
0x85: {  	p1 =	seq.s32 @p2 s3, $0x12  }
0x86: {  	p0 =	por !p1, !p2  }
0x87: {  	s31 =	sld [smem:$0x7FD];
	s0 =	simm.s32 @!p0 $0x15  }
0x88: {  	[smem:$0x0] =	sst @!p0 s0;
	s0 =	simm.s32 @!p0 $0x21  }
0x89: {  	[smem:$0x1] =	sst @!p0 s0;
	s0 =	simm.s32 @!p0 $0x6B  }
0x8a: {  	[smem:$0x2] =	sst @!p0 s0;
	s0 =	simm.s32 @!p0 $0x5F  }
0x8b: {  	s1 =	simm.s32 @!p0 $0x12;
	[smem:$0x3] =	sst @!p0 s0  }
0x8c: {  	[smem:$0x4] =	sst @!p0 s1;
	s1 =	simm.s32 @!p0 $0x3B  }
0x8d: {  	[smem:$0x5] =	sst @!p0 s1;
	s1 =	simm.s32 @!p0 $0x2A  }
0x8e: {  	[smem:$0x6] =	sst @!p0 s1  }
0x8f: {  	[smem:$0x7] =	sst @!p0 s0;
	s0 =	simm.s32 @!p0 $0x3A  }
0x90: {  	p3 =	por p1, !p2;
	[smem:$0x8] =	sst @!p0 s0;
	s0 =	simm.s32 @!p0 $0x32  }
0x91: {  	[smem:$0x9] =	sst @!p0 s0;
	s0 =	simm.s32 @!p3 $0x16  }
0x92: {  	[smem:$0x0] =	sst @!p3 s0;
	s0 =	simm.s32 @!p3 $0x4  }
0x93: {  	[smem:$0x1] =	sst @!p3 s0;
	s0 =	simm.s32 @!p3 $0x2B  }
0x94: {  	[smem:$0x2] =	sst @!p3 s0;
	s0 =	simm.s32 @!p3 $0x60  }
0x95: {  	[smem:$0x3] =	sst @!p3 s0;
	s0 =	simm.s32 @!p3 $0x13  }
0x96: {  	[smem:$0x4] =	sst @!p3 s0;
	s0 =	simm.s32 @!p3 $0x3C  }
0x97: {  	[smem:$0x5] =	sst @!p3 s0;
	s0 =	simm.s32 @!p3 $0xE  }
0x98: {  	[smem:$0x6] =	sst @!p3 s0;
	s0 =	simm.s32 @!p3 $0x57  }
0x99: {  	p4 =	seq.s32 @!p2 s3, $0x10;
	[smem:$0x7] =	sst @!p3 s0;
	s0 =	simm.s32 @!p3 $0x23  }
0x9a: {  	p1 =	por !p4, p2;
	[smem:$0x8] =	sst @!p3 s0;
	s0 =	simm.s32 @!p3 $0x33  }
0x9b: {  	[smem:$0x9] =	sst @!p3 s0;
	s0 =	simm.s32 @!p1 $0x13  }
0x9c: {  	[smem:$0x0] =	sst @!p1 s0;
	s0 =	simm.s32 @!p1 $0x8  }
0x9d: {  	[smem:$0x1] =	sst @!p1 s0;
	s0 =	simm.s32 @!p1 $0x1B  }
0x9e: {  	[smem:$0x2] =	sst @!p1 s0;
	s0 =	simm.s32 @!p1 $0x56  }
0x9f: {  	[smem:$0x3] =	sst @!p1 s0;
	s0 =	simm.s32 @!p1 $0x10  }
0xa0: {  	[smem:$0x4] =	sst @!p1 s0;
	s0 =	simm.s32 @!p1 $0x37  }
0xa1: {  	[smem:$0x5] =	sst @!p1 s0;
	s0 =	simm.s32 @!p1 $0x12  }
0xa2: {  	[smem:$0x6] =	sst @!p1 s0;
	s0 =	simm.s32 @!p1 $0x4E  }
0xa3: {  	[smem:$0x7] =	sst @!p1 s0;
	s0 =	simm.s32 @!p1 $0x5C  }
0xa4: {  	p4 =	por p4, p2;
	[smem:$0x8] =	sst @!p1 s0;
	s0 =	simm.s32 @!p1 $0x30  }
0xa5: {  	[smem:$0x9] =	sst @!p1 s0;
	s0 =	simm.s32 @!p4 $0x14  }
0xa6: {  	s1 =	simm.s32 @!p4 $0x6;
	[smem:$0x0] =	sst @!p4 s0  }
0xa7: {  	[smem:$0x1] =	sst @!p4 s1;
	s1 =	simm.s32 @!p4 $0x1B  }
0xa8: {  	[smem:$0x2] =	sst @!p4 s1;
	s1 =	simm.s32 @!p4 $0x64  }
0xa9: {  	s2 =	simm.s32 @!p0 $0x6;
	[smem:$0x3] =	sst @!p4 s1;
	s1 =	simm.s32 @!p4 $0x11  }
0xaa: {  	s3 =	simm.s32 @!p4 $0x31;
	[smem:$0x4] =	sst @!p4 s1;
	s1 =	simm.s32 @!p4 $0x39  }
0xab: {  	s29 =	simm.s32 @!p1 $0x6;
	s2 =	simm.s32 @p0 $0x6;
	[smem:$0x5] =	sst @!p4 s1  }
.Ltmp8:
0xac: {  	[smem:$0x6] =	sst @!p4 s0;
	s0 =	simm.s32 @!p4 $0x75;
	(pc) =	sbr.rel .LBB2_16-.Ltmp8, $4  }
0xad: {  	s29 =	simm.s32 @p1 $0x6;
	[smem:$0x7] =	sst @!p4 s0;
	s0 =	simm.s32 @!p4 $0x13  }
0xae: {  	s1 =	simm.s32 @!p0 $0x2;
	[smem:$0x8] =	sst @!p4 s0;
	s0 =	simm.s32 @!p1 $0x2  }
0xaf: {  	s29 =	smov.u32 @p2 s2;
	s1 =	simm.s32 @p0 $0x2;
	s0 =	simm.s32 @p1 $0x2  }
0xb0: {  	p3 =	seq.s32 s31, $0x1;
	[smem:$0x9] =	sst @!p4 s3;
	s0 =	smov.u32 @p2 s1  }
.LBB2_6:
0xb1: {  	s0 =	sld [smem:$0x7FB];
	_ =	sdelay $0x2  }
0xb2: {  	p0 =	seq.s32 s0, $0x1  }
.Ltmp9:
0xb3: {  	_ = 	snop;
	(pc) =	sbr.rel @p0 .LBB2_8-.Ltmp9, $1  }
0xb4: {  	_ =	sdelay $0x3  }
0xb5: {  	s20 =	sld [smem:$0x7F1]  }
0xb6: {  	s23 =	sld [smem:$0x7F2]  }
0xb7: {  	s0 =	simm.s32 @!p5 $0xB;
	s30 =	sld [smem:$0x7F4]  }
0xb8: {  	[smem:$0x0] =	sst @!p5 s0;
	s0 =	simm.s32 @!p5 $0x9  }
0xb9: {  	[smem:$0x1] =	sst @!p5 s0;
	s0 =	simm.s32 @!p5 $0x1B  }
0xba: {  	[smem:$0x2] =	sst @!p5 s0;
	s0 =	simm.s32 @!p5 $0x37  }
0xbb: {  	[smem:$0x3] =	sst @!p5 s0;
	s0 =	simm.s32 @!p5 $0xA  }
0xbc: {  	[smem:$0x4] =	sst @!p5 s0;
	s0 =	simm.s32 @!p5 $0x31  }
0xbd: {  	[smem:$0x5] =	sst @!p5 s0;
	s0 =	simm.s32 @!p5 $0x27  }
0xbe: {  	[smem:$0x6] =	sst @!p5 s0;
	s0 =	simm.s32 @!p5 $0x24  }
0xbf: {  	[smem:$0x7] =	sst @!p5 s0;
	s0 =	simm.s32 @!p5 $0x60  }
0xc0: {  	p0 =	seq.s32 s20, $0x1;
	[smem:$0x8] =	sst @!p5 s0;
	s0 =	simm.s32 @!p5 $0x2A  }
0xc1: {  	[smem:$0x9] =	sst @!p5 s0;
	s0 =	simm.s32 @!p0 $0xC  }
0xc2: {  	[smem:$0x0] =	sst @!p0 s0;
	s0 =	simm.s32 @!p0 $0x28  }
0xc3: {  	[smem:$0x1] =	sst @!p0 s0;
	s0 =	simm.s32 @!p0 $0x41  }
0xc4: {  	[smem:$0x2] =	sst @!p0 s0;
	s0 =	simm.s32 @!p0 $0x50  }
0xc5: {  	[smem:$0x3] =	sst @!p0 s0;
	s0 =	simm.s32 @!p0 $0xB  }
0xc6: {  	[smem:$0x4] =	sst @!p0 s0;
	s0 =	simm.s32 @!p0 $0x32  }
0xc7: {  	[smem:$0x5] =	sst @!p0 s0;
	s0 =	simm.s32 @!p0 $0x23  }
0xc8: {  	[smem:$0x6] =	sst @!p0 s0;
	s0 =	simm.s32 @!p0 $0x60  }
0xc9: {  	[smem:$0x7] =	sst @!p0 s0;
	s0 =	simm.s32 @!p0 $0x48  }
0xca: {  	[smem:$0x8] =	sst @!p0 s0;
	s0 =	simm.s32 @!p0 $0x2B  }
0xcb: {  	[smem:$0x9] =	sst @!p0 s0;
	p0 =	seq.s32 s23, $0x1  }
0xcc: {  	s31 =	sld [smem:$0x7F3];
	s0 =	simm.s32 @!p0 $0x9  }
0xcd: {  	[smem:$0x0] =	sst @!p0 s0;
	s0 =	simm.s32 @!p0 $0x3D  }
0xce: {  	[smem:$0x1] =	sst @!p0 s0;
	s0 =	simm.s32 @!p0 $0x72  }
0xcf: {  	[smem:$0x2] =	sst @!p0 s0;
	s0 =	simm.s32 @!p0 $0x64  }
0xd0: {  	s1 =	simm.s32 @!p0 $0x8;
	[smem:$0x3] =	sst @!p0 s0  }
0xd1: {  	s0 =	simm.s32 @!p0 $0x2F;
	[smem:$0x4] =	sst @!p0 s1  }
0xd2: {  	[smem:$0x5] =	sst @!p0 s0;
	s0 =	simm.s32 @!p0 $0x2  }
0xd3: {  	[smem:$0x6] =	sst @!p0 s0  }
0xd4: {  	[smem:$0x7] =	sst @!p0 s1;
	s1 =	simm.s32 @!p0 $0x6F  }
0xd5: {  	p1 =	seq.s32 s30, $0x1;
	[smem:$0x8] =	sst @!p0 s1;
	s1 =	simm.s32 @!p0 $0x28  }
0xd6: {  	[smem:$0x9] =	sst @!p0 s1;
	s1 =	simm.s32 @!p1 $0xA  }
0xd7: {  	s2 =	simm.s32 @!p5 $0x6;
	[smem:$0x0] =	sst @!p1 s1;
	s1 =	simm.s32 @!p1 $0x38  }
0xd8: {  	s3 =	simm.s32 @!p5 $0x2;
	[smem:$0x1] =	sst @!p1 s1;
	s1 =	simm.s32 @!p1 $0x55  }
0xd9: {  	s3 =	simm.s32 @p5 $0x2;
	[smem:$0x2] =	sst @!p1 s1;
	s1 =	simm.s32 @!p1 $0x70  }
0xda: {  	s2 =	simm.s32 @p5 $0x6;
	[smem:$0x3] =	sst @!p1 s1;
	s1 =	simm.s32 @!p1 $0x9  }
0xdb: {  	s29 =	simm.s32 @!p0 $0x6;
	[smem:$0x4] =	sst @!p1 s1;
	s1 =	simm.s32 @!p1 $0x30  }
.Ltmp10:
0xdc: {  	[smem:$0x5] =	sst @!p1 s1;
	s1 =	simm.s32 @!p1 $0x3E;
	(pc) =	sbr.rel .LBB2_16-.Ltmp10, $4  }
0xdd: {  	s29 =	simm.s32 @p0 $0x6;
	[smem:$0x6] =	sst @!p1 s1;
	s1 =	simm.s32 @!p1 $0x3D  }
0xde: {  	s0 =	simm.s32 @p0 $0x2;
	[smem:$0x7] =	sst @!p1 s1;
	s1 =	simm.s32 @!p1 $0xF  }
0xdf: {  	p0 =	seq.s32 s31, $0x1;
	[smem:$0x8] =	sst @!p1 s1;
	s1 =	simm.s32 @!p1 $0x29  }
0xe0: {  	s0 =	smov.u32 @p0 s3;
	s29 =	smov.u32 @p0 s2;
	[smem:$0x9] =	sst @!p1 s1  }
.LBB2_13:
0xe1: {  	p0 =	sgt.s32 s3, $0x1B  }
.Ltmp11:
0xe2: {  	_ = 	snop;
	(pc) =	sbr.rel @p0 .LBB2_15-.Ltmp11, $1  }
0xe3: {  	_ =	sdelay $0x3  }
0xe4: {  	p0 =	sgt.s32 s3, $0x19  }
0xe5: {  	p2 =	seq.s32 @p0 s3, $0x1A  }
0xe6: {  	p1 =	por !p2, !p0  }
0xe7: {  	s31 =	sld [smem:$0x7FD];
	s0 =	simm.s32 @!p1 $0x1F  }
0xe8: {  	s1 =	simm.s32 @!p1 $0x3C;
	[smem:$0x0] =	sst @!p1 s0  }
0xe9: {  	[smem:$0x1] =	sst @!p1 s1;
	s1 =	simm.s32 @!p1 $0x66  }
0xea: {  	[smem:$0x2] =	sst @!p1 s1  }
0xeb: {  	p3 =	por p2, !p0;
	[smem:$0x3] =	sst @!p1 s0;
	s0 =	simm.s32 @!p1 $0x1A  }
0xec: {  	[smem:$0x4] =	sst @!p1 s0;
	s0 =	simm.s32 @!p3 $0x20  }
0xed: {  	[smem:$0x0] =	sst @!p3 s0;
	s0 =	simm.s32 @!p3 $0xF  }
0xee: {  	[smem:$0x1] =	sst @!p3 s0;
	s0 =	simm.s32 @!p3 $0x3D  }
0xef: {  	p4 =	seq.s32 @!p0 s3, $0x18;
	[smem:$0x2] =	sst @!p3 s0;
	s0 =	simm.s32 @!p3 $0x76  }
0xf0: {  	p2 =	por !p4, p0;
	[smem:$0x3] =	sst @!p3 s0;
	s0 =	simm.s32 @!p3 $0x1B  }
0xf1: {  	[smem:$0x4] =	sst @!p3 s0;
	s0 =	simm.s32 @!p2 $0x1C  }
0xf2: {  	[smem:$0x0] =	sst @!p2 s0;
	s0 =	simm.s32 @!p2 $0x1F  }
0xf3: {  	s2 =	simm.s32 @!p1 $0x1;
	[smem:$0x1] =	sst @!p2 s0;
	s0 =	simm.s32 @!p2 $0x76  }
0xf4: {  	s29 =	simm.s32 @!p2 $0x3;
	[smem:$0x2] =	sst @!p2 s0;
	s0 =	simm.s32 @!p2 $0x59  }
0xf5: {  	p3 =	por p4, p0;
	[smem:$0x3] =	sst @!p2 s0;
	s0 =	simm.s32 @!p2 $0x18  }
0xf6: {  	s2 =	simm.s32 @p1 $0x1;
	[smem:$0x4] =	sst @!p2 s0;
	s0 =	simm.s32 @!p3 $0x1D  }
0xf7: {  	s29 =	simm.s32 @p2 $0x3;
	[smem:$0x0] =	sst @!p3 s0;
	s0 =	simm.s32 @!p3 $0x1E  }
.Ltmp12:
0xf8: {  	[smem:$0x1] =	sst @!p3 s0;
	s0 =	simm.s32 @!p3 $0x5B;
	(pc) =	sbr.rel .LBB2_16-.Ltmp12, $4  }
0xf9: {  	s1 =	simm.s32 @!p1 $0x3;
	[smem:$0x2] =	sst @!p3 s0;
	s0 =	simm.s32 @!p3 $0x1F  }
0xfa: {  	s1 =	simm.s32 @p1 $0x3;
	[smem:$0x3] =	sst @!p3 s0;
	s0 =	simm.s32 @!p2 $0x1  }
0xfb: {  	s29 =	smov.u32 @p0 s1;
	s3 =	simm.s32 @!p3 $0x19;
	s0 =	simm.s32 @p2 $0x1  }
0xfc: {  	[smem:$0x4] =	sst @!p3 s3;
	p3 =	seq.s32 s31, $0x1;
	s0 =	smov.u32 @p0 s2  }
.LBB2_5:
0xfd: {  	s0 =	sld [smem:$0x7EC];
	_ =	sdelay $0x1  }
0xfe: {  	s20 =	sld [smem:$0x7ED]  }
0xff: {  	s23 =	sld [smem:$0x7EE];
	p0 =	seq.s32 s0, $0x1  }
0x100: {  	s30 =	sld [smem:$0x7F0];
	s0 =	simm.s32 @!p0 $0x7  }
0x101: {  	[smem:$0x0] =	sst @!p0 s0;
	s0 =	simm.s32 @!p0 $0xC  }
0x102: {  	[smem:$0x1] =	sst @!p0 s0;
	s0 =	simm.s32 @!p0 $0x46  }
0x103: {  	s1 =	simm.s32 @!p0 $0x2;
	[smem:$0x2] =	sst @!p0 s0  }
0x104: {  	s2 =	simm.s32 @!p0 $0x6;
	[smem:$0x3] =	sst @!p0 s1  }
0x105: {  	s0 =	simm.s32 @!p0 $0x2D;
	[smem:$0x4] =	sst @!p0 s2  }
0x106: {  	[smem:$0x5] =	sst @!p0 s0;
	s0 =	simm.s32 @!p0 $0x1  }
0x107: {  	[smem:$0x6] =	sst @!p0 s0;
	s0 =	simm.s32 @!p0 $0x47  }
0x108: {  	[smem:$0x7] =	sst @!p0 s0;
	s0 =	simm.s32 @!p0 $0x55  }
0x109: {  	p1 =	seq.s32 s20, $0x1;
	[smem:$0x8] =	sst @!p0 s0;
	s0 =	simm.s32 @!p0 $0x26  }
0x10a: {  	[smem:$0x9] =	sst @!p0 s0;
	s0 =	simm.s32 @!p1 $0x8  }
0x10b: {  	[smem:$0x0] =	sst @!p1 s0;
	s0 =	simm.s32 @!p1 $0x19  }
0x10c: {  	[smem:$0x1] =	sst @!p1 s0;
	s0 =	simm.s32 @!p1 $0x3A  }
0x10d: {  	[smem:$0x2] =	sst @!p1 s0;
	s0 =	simm.s32 @!p1 $0x70  }
0x10e: {  	[smem:$0x3] =	sst @!p1 s0;
	s0 =	simm.s32 @!p1 $0x7  }
0x10f: {  	[smem:$0x4] =	sst @!p1 s0;
	s0 =	simm.s32 @!p1 $0x2E  }
0x110: {  	[smem:$0x5] =	sst @!p1 s0;
	s0 =	simm.s32 @!p1 $0x15  }
0x111: {  	[smem:$0x6] =	sst @!p1 s0;
	s0 =	simm.s32 @!p1 $0x1A  }
0x112: {  	[smem:$0x7] =	sst @!p1 s0;
	s0 =	simm.s32 @!p1 $0xA  }
0x113: {  	[smem:$0x8] =	sst @!p1 s0;
	s0 =	simm.s32 @!p1 $0x27  }
0x114: {  	[smem:$0x9] =	sst @!p1 s0;
	p1 =	seq.s32 s23, $0x1  }
0x115: {  	s31 =	sld [smem:$0x7EF];
	s0 =	simm.s32 @!p1 $0x5  }
0x116: {  	[smem:$0x0] =	sst @!p1 s0;
	s0 =	simm.s32 @!p1 $0x24  }
0x117: {  	s3 =	simm.s32 @!p1 $0xC;
	[smem:$0x1] =	sst @!p1 s0  }
0x118: {  	[smem:$0x2] =	sst @!p1 s3;
	s3 =	simm.s32 @!p1 $0x26  }
0x119: {  	[smem:$0x3] =	sst @!p1 s3;
	s3 =	simm.s32 @!p1 $0x4  }
0x11a: {  	[smem:$0x4] =	sst @!p1 s3;
	s3 =	simm.s32 @!p1 $0x2B  }
0x11b: {  	[smem:$0x5] =	sst @!p1 s3  }
0x11c: {  	[smem:$0x6] =	sst @!p1 s3;
	s3 =	simm.s32 @!p1 $0x66  }
0x11d: {  	[smem:$0x7] =	sst @!p1 s3;
	s3 =	simm.s32 @!p1 $0x61  }
0x11e: {  	p2 =	seq.s32 s30, $0x1;
	[smem:$0x8] =	sst @!p1 s3  }
0x11f: {  	[smem:$0x9] =	sst @!p1 s0;
	s0 =	simm.s32 @!p2 $0x6  }
0x120: {  	[smem:$0x0] =	sst @!p2 s0;
	s0 =	simm.s32 @!p2 $0x10  }
0x121: {  	[smem:$0x1] =	sst @!p2 s0;
	s0 =	simm.s32 @!p2 $0x1F  }
0x122: {  	[smem:$0x2] =	sst @!p2 s0;
	s0 =	simm.s32 @!p2 $0x1  }
0x123: {  	[smem:$0x3] =	sst @!p2 s0;
	s0 =	simm.s32 @!p2 $0x5  }
0x124: {  	[smem:$0x4] =	sst @!p2 s0;
	s0 =	simm.s32 @!p2 $0x2C  }
0x125: {  	s1 =	simm.s32 @p0 $0x2;
	[smem:$0x5] =	sst @!p2 s0;
	s0 =	simm.s32 @!p2 $0x30  }
.Ltmp13:
0x126: {  	[smem:$0x6] =	sst @!p2 s0;
	s0 =	simm.s32 @!p2 $0x45;
	(pc) =	sbr.rel .LBB2_16-.Ltmp13, $4  }
0x127: {  	s2 =	simm.s32 @p0 $0x6;
	p0 =	seq.s32 s31, $0x1;
	[smem:$0x7] =	sst @!p2 s0  }
0x128: {  	s29 =	simm.s32 @!p1 $0x6;
	[smem:$0x8] =	sst @!p2 s0;
	s0 =	simm.s32 @!p1 $0x2  }
0x129: {  	s29 =	simm.s32 @p1 $0x6;
	s3 =	simm.s32 @!p2 $0x25;
	s0 =	simm.s32 @p1 $0x2  }
0x12a: {  	s29 =	smov.u32 @p0 s2;
	[smem:$0x9] =	sst @!p2 s3;
	s0 =	smov.u32 @p0 s1  }
.LBB2_12:
0x12b: {  	p2 =	sgt.s32 s3, $0x15  }
0x12c: {  	p1 =	seq.s32 @p2 s3, $0x16  }
0x12d: {  	p0 =	por !p1, !p2  }
0x12e: {  	s0 =	simm.s32 @!p0 $0x19  }
0x12f: {  	[smem:$0x0] =	sst @!p0 s0;
	s0 =	simm.s32 @!p0 $0x36  }
0x130: {  	s1 =	simm.s32 @!p0 $0x3D;
	[smem:$0x1] =	sst @!p0 s0  }
0x131: {  	[smem:$0x2] =	sst @!p0 s1;
	s1 =	simm.s32 @!p0 $0x1  }
0x132: {  	[smem:$0x3] =	sst @!p0 s1;
	s1 =	simm.s32 @!p0 $0x16  }
0x133: {  	[smem:$0x4] =	sst @!p0 s1;
	s1 =	simm.s32 @!p0 $0x3F  }
0x134: {  	[smem:$0x5] =	sst @!p0 s1;
	s1 =	simm.s32 @!p0 $0x26  }
0x135: {  	[smem:$0x6] =	sst @!p0 s1;
	s1 =	simm.s32 @!p0 $0x70  }
0x136: {  	p1 =	por p1, !p2;
	[smem:$0x7] =	sst @!p0 s1;
	s1 =	simm.s32 @!p0 $0x42  }
0x137: {  	[smem:$0x8] =	sst @!p0 s1;
	s1 =	simm.s32 @!p1 $0x1B  }
0x138: {  	[smem:$0x0] =	sst @!p1 s1;
	s1 =	simm.s32 @!p1 $0x37  }
0x139: {  	[smem:$0x1] =	sst @!p1 s1;
	s1 =	simm.s32 @!p1 $0x79  }
0x13a: {  	[smem:$0x2] =	sst @!p1 s1;
	s1 =	simm.s32 @!p1 $0x2B  }
0x13b: {  	p4 =	seq.s32 @!p2 s3, $0x14;
	[smem:$0x3] =	sst @!p1 s1;
	s1 =	simm.s32 @!p1 $0x17  }
0x13c: {  	[smem:$0x4] =	sst @!p1 s1;
	p1 =	por !p4, p2  }
0x13d: {  	[smem:$0x9] =	sst @!p0 s0;
	s0 =	simm.s32 @!p1 $0x17  }
0x13e: {  	[smem:$0x0] =	sst @!p1 s0;
	s0 =	simm.s32 @!p1 $0x2F  }
0x13f: {  	[smem:$0x1] =	sst @!p1 s0;
	s0 =	simm.s32 @!p1 $0x53  }
0x140: {  	[smem:$0x2] =	sst @!p1 s0;
	s0 =	simm.s32 @!p1 $0x0  }
0x141: {  	[smem:$0x3] =	sst @!p1 s0;
	s0 =	simm.s32 @!p1 $0x14  }
0x142: {  	[smem:$0x4] =	sst @!p1 s0;
	s0 =	simm.s32 @!p1 $0x3D  }
0x143: {  	[smem:$0x5] =	sst @!p1 s0;
	s0 =	simm.s32 @!p1 $0x1C  }
0x144: {  	[smem:$0x6] =	sst @!p1 s0;
	s0 =	simm.s32 @!p1 $0x68  }
0x145: {  	[smem:$0x7] =	sst @!p1 s0;
	s0 =	simm.s32 @!p1 $0x12  }
0x146: {  	p4 =	por p4, p2;
	[smem:$0x8] =	sst @!p1 s0;
	s0 =	simm.s32 @!p1 $0x34  }
0x147: {  	[smem:$0x9] =	sst @!p1 s0;
	s0 =	simm.s32 @!p4 $0x18  }
0x148: {  	[smem:$0x0] =	sst @!p4 s0;
	s0 =	simm.s32 @!p4 $0x13  }
0x149: {  	[smem:$0x1] =	sst @!p4 s0;
	s0 =	simm.s32 @!p4 $0x1D  }
0x14a: {  	[smem:$0x2] =	sst @!p4 s0;
	s0 =	simm.s32 @!p4 $0x12  }
0x14b: {  	[smem:$0x3] =	sst @!p4 s0;
	s0 =	simm.s32 @!p4 $0x15  }
0x14c: {  	s2 =	simm.s32 @!p0 $0x2;
	[smem:$0x4] =	sst @!p4 s0;
	s0 =	simm.s32 @!p4 $0x3E  }
0x14d: {  	s2 =	simm.s32 @p0 $0x1;
	[smem:$0x5] =	sst @!p4 s0;
	s0 =	simm.s32 @!p4 $0x33  }
.Ltmp14:
0x14e: {  	s1 =	simm.s32 @!p0 $0x6;
	[smem:$0x6] =	sst @!p4 s0;
	(pc) =	sbr.rel .LBB2_16-.Ltmp14, $4  }
0x14f: {  	s1 =	simm.s32 @p0 $0x3;
	[smem:$0x7] =	sst @!p4 s0;
	s0 =	simm.s32 @!p4 $0x59  }
0x150: {  	s29 =	simm.s32 @!p1 $0x6;
	[smem:$0x8] =	sst @!p4 s0;
	s0 =	simm.s32 @!p1 $0x2  }
0x151: {  	s3 =	simm.s32 @!p4 $0x35;
	s29 =	simm.s32 @p1 $0x6;
	s0 =	simm.s32 @p1 $0x2  }
0x152: {  	s29 =	smov.u32 @p2 s1;
	[smem:$0x9] =	sst @!p4 s3;
	s0 =	smov.u32 @p2 s2  }
.LBB2_8:
0x153: {  	s0 =	sld [smem:$0x7F5];
	_ =	sdelay $0x1  }
0x154: {  	s23 =	sld [smem:$0x7F6]  }
0x155: {  	s30 =	sld [smem:$0x7F8];
	p0 =	seq.s32 s0, $0x1  }
0x156: {  	s31 =	sld [smem:$0x7F7];
	s0 =	simm.s32 @!p0 $0x11  }
0x157: {  	[smem:$0x0] =	sst @!p0 s0  }
0x158: {  	[smem:$0x1] =	sst @!p0 s0;
	s0 =	simm.s32 @!p0 $0x74  }
0x159: {  	[smem:$0x2] =	sst @!p0 s0;
	s0 =	simm.s32 @!p0 $0x5B  }
0x15a: {  	[smem:$0x3] =	sst @!p0 s0;
	s0 =	simm.s32 @!p0 $0xE  }
0x15b: {  	[smem:$0x4] =	sst @!p0 s0;
	s0 =	simm.s32 @!p0 $0x35  }
0x15c: {  	[smem:$0x5] =	sst @!p0 s0;
	s0 =	simm.s32 @!p0 $0xA  }
0x15d: {  	[smem:$0x6] =	sst @!p0 s0;
	s0 =	simm.s32 @!p0 $0x2B  }
0x15e: {  	[smem:$0x7] =	sst @!p0 s0;
	s0 =	simm.s32 @!p0 $0x45  }
0x15f: {  	p1 =	seq.s32 s23, $0x1;
	[smem:$0x8] =	sst @!p0 s0;
	s0 =	simm.s32 @!p0 $0x2E  }
0x160: {  	[smem:$0x9] =	sst @!p0 s0;
	s0 =	simm.s32 @!p1 $0x12  }
0x161: {  	[smem:$0x0] =	sst @!p1 s0;
	s0 =	simm.s32 @!p1 $0x31  }
0x162: {  	[smem:$0x1] =	sst @!p1 s0;
	s0 =	simm.s32 @!p1 $0x5  }
0x163: {  	[smem:$0x2] =	sst @!p1 s0;
	s0 =	simm.s32 @!p1 $0x35  }
0x164: {  	[smem:$0x3] =	sst @!p1 s0;
	s0 =	simm.s32 @!p1 $0xF  }
0x165: {  	[smem:$0x4] =	sst @!p1 s0;
	s0 =	simm.s32 @!p1 $0x36  }
0x166: {  	[smem:$0x5] =	sst @!p1 s0;
	s0 =	simm.s32 @!p1 $0x16  }
0x167: {  	[smem:$0x6] =	sst @!p1 s0;
	s0 =	simm.s32 @!p1 $0x17  }
0x168: {  	[smem:$0x7] =	sst @!p1 s0;
	s0 =	simm.s32 @!p1 $0x4F  }
0x169: {  	[smem:$0x8] =	sst @!p1 s0;
	s0 =	simm.s32 @!p1 $0x2F  }
0x16a: {  	[smem:$0x9] =	sst @!p1 s0;
	s0 =	simm.s32 @!p6 $0xD  }
0x16b: {  	[smem:$0x0] =	sst @!p6 s0  }
0x16c: {  	[smem:$0x1] =	sst @!p6 s0;
	s0 =	simm.s32 @!p6 $0x29  }
0x16d: {  	[smem:$0x2] =	sst @!p6 s0;
	s0 =	simm.s32 @!p6 $0x3A  }
0x16e: {  	[smem:$0x3] =	sst @!p6 s0;
	s0 =	simm.s32 @!p6 $0xC  }
0x16f: {  	[smem:$0x4] =	sst @!p6 s0;
	s0 =	simm.s32 @!p6 $0x33  }
0x170: {  	[smem:$0x5] =	sst @!p6 s0;
	s0 =	simm.s32 @!p6 $0x17  }
0x171: {  	[smem:$0x6] =	sst @!p6 s0;
	s0 =	simm.s32 @!p6 $0x32  }
0x172: {  	[smem:$0x7] =	sst @!p6 s0;
	s0 =	simm.s32 @!p6 $0x7B  }
0x173: {  	p1 =	seq.s32 s30, $0x1;
	[smem:$0x8] =	sst @!p6 s0;
	s0 =	simm.s32 @!p6 $0x2C  }
0x174: {  	[smem:$0x9] =	sst @!p6 s0;
	s0 =	simm.s32 @!p1 $0xF  }
0x175: {  	[smem:$0x0] =	sst @!p1 s0;
	s0 =	simm.s32 @!p1 $0x32  }
0x176: {  	[smem:$0x1] =	sst @!p1 s0;
	s0 =	simm.s32 @!p1 $0x3D  }
0x177: {  	s29 =	simm.s32 @!p6 $0x6;
	[smem:$0x2] =	sst @!p1 s0;
	s0 =	simm.s32 @!p1 $0x1  }
0x178: {  	s29 =	simm.s32 @p6 $0x6;
	[smem:$0x3] =	sst @!p1 s0;
	s0 =	simm.s32 @!p1 $0xD  }
0x179: {  	s1 =	simm.s32 @!p0 $0x6;
	[smem:$0x4] =	sst @!p1 s0;
	s0 =	simm.s32 @!p1 $0x34  }
0x17a: {  	s2 =	simm.s32 @!p0 $0x2;
	[smem:$0x5] =	sst @!p1 s0;
	s0 =	simm.s32 @!p1 $0x35  }
.Ltmp15:
0x17b: {  	[smem:$0x6] =	sst @!p1 s0;
	s0 =	simm.s32 @!p1 $0x69;
	(pc) =	sbr.rel .LBB2_16-.Ltmp15, $4  }
0x17c: {  	s2 =	simm.s32 @p0 $0x2;
	[smem:$0x7] =	sst @!p1 s0;
	s0 =	simm.s32 @!p1 $0x3A  }
0x17d: {  	s1 =	simm.s32 @p0 $0x6;
	[smem:$0x8] =	sst @!p1 s0;
	s0 =	simm.s32 @!p6 $0x2  }
0x17e: {  	p0 =	seq.s32 s31, $0x1;
	s3 =	simm.s32 @!p1 $0x2D;
	s0 =	simm.s32 @p6 $0x2  }
0x17f: {  	s29 =	smov.u32 @p0 s1;
	[smem:$0x9] =	sst @!p1 s3;
	s0 =	smov.u32 @p0 s2  }
.LBB2_15:
0x180: {  	p0 =	sgt.s32 s3, $0x1D  }
0x181: {  	p2 =	seq.s32 @p0 s3, $0x1E  }
0x182: {  	p1 =	por !p2, !p0  }
0x183: {  	s31 =	sld [smem:$0x7FD];
	s0 =	simm.s32 @!p1 $0x24  }
0x184: {  	[smem:$0x0] =	sst @!p1 s0;
	s0 =	simm.s32 @!p1 $0x2E  }
0x185: {  	[smem:$0x1] =	sst @!p1 s0;
	s0 =	simm.s32 @!p1 $0x1A  }
0x186: {  	[smem:$0x2] =	sst @!p1 s0;
	s0 =	simm.s32 @!p1 $0x37  }
0x187: {  	p3 =	por p2, !p0;
	[smem:$0x3] =	sst @!p1 s0;
	s0 =	simm.s32 @!p1 $0x1E  }
0x188: {  	[smem:$0x4] =	sst @!p1 s0;
	s0 =	simm.s32 @!p3 $0x25  }
0x189: {  	[smem:$0x0] =	sst @!p3 s0;
	s0 =	simm.s32 @!p3 $0xB  }
0x18a: {  	[smem:$0x1] =	sst @!p3 s0;
	s0 =	simm.s32 @!p3 $0x3D  }
0x18b: {  	p4 =	seq.s32 @!p0 s3, $0x1C;
	[smem:$0x2] =	sst @!p3 s0;
	s0 =	simm.s32 @!p3 $0x7A  }
0x18c: {  	p2 =	por !p4, p0;
	[smem:$0x3] =	sst @!p3 s0;
	s0 =	simm.s32 @!p3 $0x1F  }
0x18d: {  	[smem:$0x4] =	sst @!p3 s0;
	s0 =	simm.s32 @!p2 $0x21  }
0x18e: {  	[smem:$0x0] =	sst @!p2 s0;
	s0 =	simm.s32 @!p2 $0x1B  }
0x18f: {  	[smem:$0x1] =	sst @!p2 s0;
	s0 =	simm.s32 @!p2 $0x60  }
0x190: {  	s1 =	simm.s32 @!p1 $0x3;
	[smem:$0x2] =	sst @!p2 s0;
	s0 =	simm.s32 @!p2 $0x43  }
0x191: {  	p3 =	por p4, p0;
	[smem:$0x3] =	sst @!p2 s0;
	s0 =	simm.s32 @!p2 $0x1C  }
0x192: {  	s2 =	simm.s32 @!p1 $0x1;
	[smem:$0x4] =	sst @!p2 s0;
	s0 =	simm.s32 @!p3 $0x22  }
0x193: {  	s29 =	simm.s32 @!p2 $0x3;
	[smem:$0x0] =	sst @!p3 s0;
	s0 =	simm.s32 @!p3 $0x1A  }
0x194: {  	s2 =	simm.s32 @p1 $0x1;
	[smem:$0x1] =	sst @!p3 s0;
	s0 =	simm.s32 @!p3 $0x0  }
0x195: {  	s1 =	simm.s32 @p1 $0x3;
	[smem:$0x2] =	sst @!p3 s0;
	s0 =	simm.s32 @!p3 $0x36  }
0x196: {  	s29 =	simm.s32 @p2 $0x3;
	[smem:$0x3] =	sst @!p3 s0;
	s0 =	simm.s32 @!p2 $0x1  }
0x197: {  	s29 =	smov.u32 @p0 s1;
	s3 =	simm.s32 @!p3 $0x1D;
	s0 =	simm.s32 @p2 $0x1  }
0x198: {  	[smem:$0x4] =	sst @!p3 s3;
	p3 =	seq.s32 s31, $0x1;
	s0 =	smov.u32 @p0 s2  }
.LBB2_16:
.Ltmp16:
0x199: {  	(pc) =	sbr.rel .LBB2_17-.Ltmp16, $3  }
0x19a: {  	_ =	sdelay $0x1  }
0x19b: {  	[smem:$0xF] =	sst s0  }
0x19c: {  	s30 =	simm.s32 $0x0;
	[smem:$0x7E4] =	sst s29  }
.LBB2_33:
0x19d: {  	s0 =	sld [smem:$0x7AF];
	s30 =	sadd.s32 $0x1, s30  }
0x19e: {  	p0 =	sne.s32 s30, s29  }
.Ltmp17:
0x19f: {  	_ = 	snop;
	(pc) =	sbr.rel @!p0 .LBB2_34-.Ltmp17, $4  }
0x1a0: {  	s0 =	sadd.s32 $0x7000, s0  }
0x1a1: {  	s0 =	sshrl.u32 s0, $0x3  }
0x1a2: {  	s0 =	sadd.s32 s25, s0  }
0x1a3: {  	[hbm4b:s0+s21] =	stream.linear.scatter [tilespmem:s24], [sflag:$0x5], $0x7000, $0x38;
	[tilespmem:$0x15000] =	vst v63  }
.LBB2_17:
0x1a4: {  	s0 =	smulhi.u32 $0xAAAAAAAB, s30;
	_ =	sdelay $0x1  }
0x1a5: {  	s0 =	sshrl.u32 s0, $0x1  }
0x1a6: {  	s1 =	smul.u32 $0x14, s0;
	_ =	sdelay $0x1  }
0x1a7: {  	s1 =	sshra.s32 s1, $0x2  }
0x1a8: {  	s31 =	sld [smem:s1+$0x2]  }
0x1a9: {  	s2 =	smul.u32 $0xFFFFFFFD, s0;
	s0 =	sld [smem:s1+$0x3]  }
0x1aa: {  	s5 =	sld [smem:s1+$0x1]  }
0x1ab: {  	s6 =	sld [smem:s1+$0x0]  }
0x1ac: {  	p0 =	seq.s32 s30, $0x0;
	s2 =	sadd.s32 s30, s2;
	s1 =	sld [smem:s1+$0x4]  }
0x1ad: {  	s4 =	simm.s32 $0x1;
	s20 =	simm.s32 $0xE000;
	s8 =	smul.u32 $0xE000, s2  }
0x1ae: {  	s11 =	sand.u32 $0x7, s31;
	s3 =	sshra.s32 s31, $0x1F;
	p1 =	slt.s32 s31, $0x1  }
0x1af: {  	s12 =	sshra.s32 s0, $0x1F;
	s14 =	smul.u32 $0x2A000, s5;
	[smem:$0x7DE] =	sst s1  }
0x1b0: {  	s16 =	sand.u32 $0xF, s0;
	s23 =	sadd.s32 $0x63, s0;
	p2 =	sne.s32 s11, $0x0  }
0x1b1: {  	s5 =	smul.u32 $0x2A000, s6;
	s3 =	sshrl.u32 s3, $0x1D;
	p1 =	por !p1, !p2  }
0x1b2: {  	s13 =	sshrl.u32 s12, $0x1C;
	s3 =	sadd.s32 s3, s31;
	p1 =	por !p1, !p1  }
0x1b3: {  	p4 =	sne.s32 s16, $0x0;
	s3 =	sshrl.u32 s3, $0x3;
	s4 =	simm.s32 @!p1 $0x0  }
0x1b4: {  	s6 =	sshra.s32 s23, $0x1F;
	s10 =	sand.u32 $0xF, s23;
	s3 =	ssub.s32 s3, s4  }
0x1b5: {  	s15 =	sadd.s32 s13, s0;
	p2 =	slt.s32 s0, $0x1;
	s3 =	sshll.u32 s3, $0x3  }
0x1b6: {  	s1 =	sshra.s32 s15, $0x4;
	s4 =	sadd.s32 s8, s14;
	p1 =	slt.s32 s3, $0x70  }
0x1b7: {  	s3 =	simm.s32 @!p1 $0x70;
	p1 =	por !p2, !p4;
	p2 =	slt.s32 s23, $0x1  }
0x1b8: {  	s17 =	sshll.u32 s3, $0x8;
	p1 =	por !p1, !p1;
	s3 =	simm.s32 $0x1  }
0x1b9: {  	p4 =	sne.s32 s10, $0x0;
	s18 =	sadd.s32 s17, s4;
	s3 =	simm.s32 @!p1 $0x0  }
0x1ba: {  	s4 =	sadd.s32 s8, s5;
	p1 =	por !p2, !p4;
	s2 =	sshrl.u32 s18, $0x3  }
0x1bb: {  	s7 =	ssub.s32 s1, s3;
	s3 =	simm.s32 @!p0 $0x4;
	s2 =	sadd.s32 s19, s2  }
0x1bc: {  	[tilespmem:s20], [sflag:$0x3] =	stream.linear.gather [hbm4b:s2+s21], $0x7000, $0x38;
	[tilespmem:$0x15000] =	vst v63  }
0x1bd: {  	s1 =	sshrl.u32 s6, $0x1C;
	s9 =	sshrl.u32 s4, $0x3;
	_ =	swait.ge @!p0 [sflag:s3], $0x7000  }
0x1be: {  	s12 =	sadd.s32 $0x7000, s4;
	s11 =	sadd.s32 s19, s9;
	[sflag:s3] =	ssyncset.done @!p0 $0x0  }
0x1bf: {  	s2 =	simm.s32 @!p0 $0x5;
	[smem:$0x7DF] =	sst s8;
	[sflag:s3] =	ssyncadd.s32 @!p0 $0xFFFF9000  }
0x1c0: {  	[tilespmem:s21], [sflag:$0x1] =	stream.linear.gather [hbm4b:s11+s21], $0x7000, $0x38;
	[tilespmem:$0x15000] =	vst v63  }
0x1c1: {  	p1 =	por !p1, !p1;
	s4 =	simm.s32 $0x1;
	_ =	swait.ge @!p0 [sflag:s2], $0x7000  }
0x1c2: {  	s1 =	sadd.s32 s1, s23;
	s3 =	sshrl.u32 s12, $0x3;
	[sflag:s2] =	ssyncset.done @!p0 $0x0  }
0x1c3: {  	s4 =	simm.s32 @!p1 $0x0;
	s13 =	sadd.s32 s19, s3;
	[sflag:s2] =	ssyncadd.s32 @!p0 $0xFFFF9000  }
0x1c4: {  	[tilespmem:s24], [sflag:$0x2] =	stream.linear.gather [hbm4b:s13+s21], $0x7000, $0x38;
	[tilespmem:$0x15000] =	vst v63  }
0x1c5: {  	s14 =	sshll.u32 s7, $0x4;
	s1 =	sshra.s32 s1, $0x4;
	_ =	swait.ge [sflag:s22], $0x7000  }
0x1c6: {  	s23 =	ssub.s32 s1, s4;
	p0 =	sgt.s32 s31, $0x6F;
	[sflag:s22] =	ssyncset.done $0x0  }
.Ltmp18:
0x1c7: {  	[smem:$0x7E0] =	sst s7;
	[sflag:s22] =	ssyncadd.s32 $0xFFFF9000;
	(pc) =	sbr.rel @p0 .LBB2_25-.Ltmp18, $4  }
0x1c8: {  	v1 =	vor.u32 s14, v0;
	s15 =	sshll.u32 s23, $0x4;
	_ =	swait.ge [sflag:s26], $0x7000  }
0x1c9: {  	s16 =	sadd.s32 $0x64, s0;
	s18 =	sadd.s32 $0x10, s14;
	vm0 =	vge.s32 v1, s0;
	v2 =	vor.u32 s15, v0;
	[smem:$0x7E1] =	sst s14  }
0x1ca: {  	s20 =	sadd.s32 $0x64, s31;
	vm1 =	vlt.s32 v1, s16;
	vm2 =	vge.s32 v2, s0;
	vm3 =	vlt.s32 v2, s16;
	[sflag:s26] =	ssyncset.done $0x0;
	[smem:$0x7E2] =	sst s18  }
0x1cb: {  	vm0 =	vmand vm0, vm1;
	vm1 =	vmand vm2, vm3;
	[smem:$0x7E3] =	sst s15;
	s18 =	sadd.s32 $0xFFFFFFF0, s15;
	[sflag:s26] =	ssyncadd.s32 $0xFFFF9000  }
0x1cc: {  	s3 =	sld [smem:$0x7E1];
	_ =	sdelay $0x1  }
0x1cd: {  	p0 =	slt.s32 s20, $0x70;
	s5 =	smov.u32 s20;
	s6 =	smov.u32 s18  }
0x1ce: {  	s7 =	smov.u32 s18;
	s5 =	simm.s32 @!p0 $0x70;
	s0 =	sadd.s32 $0x20, s3  }
0x1cf: {  	s8 =	smov.u32 s18;
	s9 =	ssub.s32 s5, s31;
	p1 =	slt.s32 s0, s18  }
0x1d0: {  	s1 =	sshra.s32 s9, $0x1F;
	s6 =	smov.u32 @p1 s0;
	s0 =	sadd.s32 $0x30, s3  }
0x1d1: {  	s2 =	sadd.s32 $0x40, s3;
	s1 =	sshrl.u32 s1, $0x1E;
	p1 =	slt.s32 s0, s18  }
0x1d2: {  	s16 =	sadd.s32 s1, s9;
	s7 =	smov.u32 @p1 s0;
	p1 =	slt.s32 s2, s18  }
0x1d3: {  	s8 =	smov.u32 @p1 s2;
	s2 =	sand.u32 $0xFFFFFFFC, s16  }
0x1d4: {  	s1 =	sadd.s32 $0x50, s3;
	s0 =	sadd.s32 $0x60, s3;
	s3 =	sadd.s32 s31, s2  }
0x1d5: {  	s4 =	sld [smem:$0x7E2];
	p2 =	sge.s32 s31, s3  }
.Ltmp19:
0x1d6: {  	_ = 	snop;
	(pc) =	sbr.rel @p2 .LBB2_22-.Ltmp19, $4  }
0x1d7: {  	s15 =	smov.u32 s18  }
0x1d8: {  	s11 =	smov.u32 s18;
	p0 =	slt.s32 s4, s18;
	p1 =	slt.s32 s1, s18  }
0x1d9: {  	s16 =	smov.u32 s18;
	s15 =	smov.u32 @p1 s1;
	p1 =	slt.s32 s0, s18  }
0x1da: {  	s11 =	smov.u32 @p0 s4;
	s16 =	smov.u32 @p1 s0  }
0x1db: {  	[dreg:$0x6] =	wrdreg s3  }
0x1dc: {  	[smem:$0x7CF] =	sst s2  }
0x1dd: {  	[smem:$0x7D0] =	sst s9  }
0x1de: {  	[smem:$0x7D1] =	sst s5  }
0x1df: {  	[smem:$0x7D2] =	sst s20  }
0x1e0: {  	[smem:$0x7D3] =	sst s18  }
0x1e1: {  	[smem:$0x7D4] =	sst s30  }
0x1e2: {  	s0 =	sld [smem:$0x7E0]  }
0x1e3: {  	s1 =	sld [smem:$0x7E1]  }
0x1e4: {  	s10 =	sld [smem:$0x7E3]  }
0x1e5: {  	[smem:$0x7D5] =	sst s23  }
0x1e6: {  	[smem:$0x7D6] =	sst s11  }
0x1e7: {  	[smem:$0x7D7] =	sst s6  }
0x1e8: {  	[smem:$0x7D8] =	sst s7  }
0x1e9: {  	[smem:$0x7D9] =	sst s8  }
0x1ea: {  	[smem:$0x7DA] =	sst s17  }
0x1eb: {  	[smem:$0x7DB] =	sst s15  }
0x1ec: {  	s12 =	sshll.u32 s23, $0x7;
	s13 =	sshll.u32 s11, $0x3;
	[smem:$0x7DC] =	sst s16  }
0x1ed: {  	s14 =	sand.u32 $0x70, s11;
	s23 =	ssub.s32 $0x0, s17;
	[smem:$0x7DD] =	sst s31  }
0x1ee: {  	s18 =	sand.u32 $0x70, s6;
	s2 =	sand.u32 $0xFFFFFC00, s12;
	[dreg:$0x3] =	wrdreg s23  }
0x1ef: {  	s4 =	sshll.u32 s6, $0x3;
	s3 =	sand.u32 $0xFFFFFC00, s13;
	[dreg:$0x12] =	wrdreg s2  }
0x1f0: {  	s19 =	sshll.u32 s7, $0x3;
	s4 =	sand.u32 $0xFFFFFC00, s4;
	[dreg:$0x13] =	wrdreg s3  }
0x1f1: {  	s22 =	sshll.u32 s8, $0x3;
	s5 =	sand.u32 $0xFFFFFC00, s19;
	[dreg:$0x14] =	wrdreg s4  }
0x1f2: {  	s20 =	sand.u32 $0x70, s7;
	s6 =	sand.u32 $0xFFFFFC00, s22;
	[dreg:$0x17] =	wrdreg s5  }
0x1f3: {  	s21 =	sand.u32 $0x70, s8;
	s24 =	sshll.u32 s15, $0x3;
	[dreg:$0x18] =	wrdreg s6  }
0x1f4: {  	s28 =	sshll.u32 s16, $0x3;
	s6 =	sand.u32 $0xFFFFFC00, s24;
	s7 =	rddreg [dreg:$0x3]  }
0x1f5: {  	s29 =	sshll.u32 s31, $0x8;
	s5 =	sand.u32 $0xFFFFFC00, s28;
	[dreg:$0x10] =	wrdreg s6  }
0x1f6: {  	s30 =	sshll.u32 s31, $0x7;
	s0 =	sshll.u32 s0, $0x7;
	[dreg:$0x11] =	wrdreg s5  }
0x1f7: {  	s6 =	sadd.s32 $0x300, s29;
	s5 =	sadd.s32 $0x180, s30;
	s30 =	rddreg [dreg:$0x12]  }
0x1f8: {  	s25 =	sand.u32 $0x70, s15;
	s0 =	sand.u32 $0xFFFFFC00, s0;
	[dreg:$0x19] =	wrdreg s6  }
0x1f9: {  	s26 =	sand.u32 $0x70, s16;
	s1 =	sand.u32 $0x70, s1;
	[dreg:$0xf] =	wrdreg s0  }
0x1fa: {  	v3 =	vmov s21;
	s21 =	sadd.s32 $0xFFFFFE80, s5;
	s0 =	sand.u32 $0x70, s10;
	s31 =	rddreg [dreg:$0x19]  }
0x1fb: {  	s24 =	sadd.s32 $0xFFFFFF00, s5;
	s10 =	sadd.s32 $0xFFFFFF80, s5;
	v6 =	vmov s0;
	s0 =	sadd.s32 s31, s7  }
0x1fc: {  	s8 =	sadd.s32 $0xFFFFFF00, s31;
	s4 =	sand.u32 $0x380, s10;
	s29 =	rddreg [dreg:$0xf]  }
0x1fd: {  	v7 =	vmov s18;
	s18 =	sadd.s32 $0xFFFFFD00, s31;
	s19 =	sadd.s32 $0xFFFFFE00, s31;
	s9 =	sadd.s32 $0xFFFFFF00, s0  }
0x1fe: {  	v5 =	vmov s1;
	s23 =	sand.u32 $0xFFFFF800, s8;
	s13 =	sadd.s32 $0xFFFFFD00, s0;
	s16 =	sadd.s32 $0xFFFFFE00, s0  }
0x1ff: {  	s0 =	sand.u32 $0xFFFFF800, s0;
	s7 =	sand.u32 $0xFFFFF800, s19;
	s8 =	sand.u32 $0x380, s24  }
0x200: {  	s11 =	sand.u32 $0xFFFFF800, s9;
	s12 =	sadd.s32 s29, s23;
	s15 =	sand.u32 $0xFFFFF800, s13  }
0x201: {  	v4 =	vmov s20;
	s2 =	sand.u32 $0xFFFFF800, s16;
	s0 =	sadd.s32 $0xE000, s0;
	s20 =	sadd.s32 $0xE000, s11  }
0x202: {  	v8 =	vmov s14;
	s6 =	sadd.s32 s4, s12;
	[smem:$0x7C5] =	sst s0;
	s14 =	sadd.s32 s29, s20  }
0x203: {  	v1 =	vmov s26;
	s26 =	sadd.s32 s29, s7;
	s13 =	sadd.s32 $0xE000, s15;
	v9 =	vld.idx.msk [tilespmem:v5+s6+$0x0 ss:$0x1], $0xffff;
	s17 =	sadd.s32 s4, s14  }
0x204: {  	s3 =	sadd.s32 $0xE000, s2;
	s12 =	sadd.s32 s29, s0;
	s15 =	sand.u32 $0x380, s21;
	v10 =	vld.idx.msk [tilespmem:v5+s17+$0x0 ss:$0x1], $0xffff  }
0x205: {  	s0 =	sadd.s32 s30, s23;
	s2 =	sadd.s32 s8, s26;
	s22 =	sadd.s32 s29, s13  }
0x206: {  	v2 =	vmov s25;
	s25 =	sadd.s32 s29, s3;
	s28 =	sadd.s32 s30, s20;
	s14 =	sand.u32 $0xFFFFF800, s18  }
0x207: {  	s16 =	sadd.s32 s4, s28;
	s19 =	sadd.s32 s15, s22;
	s21 =	sadd.s32 s8, s25  }
0x208: {  	s22 =	rddreg [dreg:$0x13];
	s10 =	sadd.s32 s29, s14;
	s17 =	sadd.s32 s4, s0  }
0x209: {  	[dreg:$0x1a] =	wrdreg s5;
	s25 =	sadd.s32 s15, s10;
	s10 =	sadd.s32 s30, s13;
	v9 =	vsel vm0, v10, v9  }
0x20a: {  	s18 =	sadd.s32 s22, s13;
	s24 =	sadd.s32 s22, s14;
	s26 =	sadd.s32 s15, s10;
	[tilespmem:v5+s6+$0x0 ss:$0x1] =	vst.idx.msk $0xffff, v9  }
0x20b: {  	s10 =	sadd.s32 s15, s18;
	s18 =	sadd.s32 s15, s24;
	s0 =	rddreg [dreg:$0x14]  }
0x20c: {  	s1 =	sand.u32 $0x380, s5;
	v9 =	vld.idx.msk [tilespmem:v6+s16+$0x0 ss:$0x1], $0xffff;
	[smem:$0x7CA] =	sst s18;
	s28 =	sadd.s32 s0, s13  }
0x20d: {  	s5 =	rddreg [dreg:$0x17];
	s24 =	sadd.s32 s15, s28;
	s28 =	sadd.s32 s0, s14  }
0x20e: {  	s9 =	sadd.s32 s5, s13;
	[smem:$0x7CB] =	sst s24;
	s6 =	sadd.s32 s15, s28  }
0x20f: {  	s18 =	sadd.s32 s15, s9;
	v10 =	vld.idx.msk [tilespmem:v6+s17+$0x0 ss:$0x1], $0xffff;
	[smem:$0x7CD] =	sst s6  }
0x210: {  	[smem:$0x7CE] =	sst s18  }
0x211: {  	s28 =	sadd.s32 s5, s14;
	s18 =	rddreg [dreg:$0x18]  }
0x212: {  	s9 =	sadd.s32 s15, s28;
	s6 =	rddreg [dreg:$0x10];
	s24 =	sadd.s32 s18, s13  }
0x213: {  	[smem:$0x7C0] =	sst s9;
	s24 =	sadd.s32 s15, s24  }
0x214: {  	s28 =	sadd.s32 s18, s14;
	v11 =	vld.idx.msk [tilespmem:v5+s19+$0x0 ss:$0x1], $0xffff;
	[smem:$0x7C1] =	sst s24  }
0x215: {  	s9 =	sadd.s32 s6, s13;
	s16 =	sadd.s32 s15, s28;
	s24 =	rddreg [dreg:$0x11]  }
0x216: {  	s19 =	sadd.s32 s15, s9;
	v12 =	vld.idx.msk [tilespmem:v5+s21+$0x0 ss:$0x1], $0xffff;
	[smem:$0x7C2] =	sst s16;
	s21 =	sadd.s32 s6, s14  }
0x217: {  	s13 =	sadd.s32 s24, s13;
	v13 =	vld.idx.msk [tilespmem:v5+s25+$0x0 ss:$0x1], $0xffff;
	[smem:$0x7C3] =	sst s19;
	s16 =	sadd.s32 s15, s21  }
0x218: {  	s13 =	sadd.s32 s15, s13;
	[smem:$0x7C4] =	sst s16  }
0x219: {  	s11 =	sadd.s32 s30, s14;
	s28 =	sadd.s32 s24, s14;
	v9 =	vsel vm1, v9, v10;
	[dreg:$0x1f] =	wrdreg s13  }
0x21a: {  	s12 =	sadd.s32 s1, s12;
	s11 =	sadd.s32 s15, s11;
	s15 =	sadd.s32 s15, s28;
	[tilespmem:v6+s17+$0x0 ss:$0x1] =	vst.idx.msk $0xffff, v9  }
0x21b: {  	s9 =	sadd.s32 s22, s20;
	s14 =	sand.u32 $0xFFFFF800, s31;
	v14 =	vld.idx.msk [tilespmem:v5+s12+$0x0 ss:$0x1], $0xffff;
	[dreg:$0x1b] =	wrdreg s15  }
0x21c: {  	s19 =	sadd.s32 s29, s14;
	s17 =	sadd.s32 s4, s9;
	v9 =	vld.idx.msk [tilespmem:v5+s2+$0x0 ss:$0x1], $0xffff  }
0x21d: {  	s13 =	sadd.s32 s1, s19;
	s9 =	sld [smem:$0x7C5];
	v10 =	vld.idx.msk [tilespmem:v8+s17+$0x0 ss:$0x1], $0xffff  }
0x21e: {  	s21 =	sadd.s32 s30, s3;
	v15 =	vld.idx.msk [tilespmem:v5+s13+$0x0 ss:$0x1], $0xffff  }
0x21f: {  	s29 =	sadd.s32 s30, s7;
	s16 =	sadd.s32 s22, s7;
	s12 =	sadd.s32 s22, s3;
	v11 =	vsel vm0, v11, v13  }
0x220: {  	s17 =	sadd.s32 s8, s21;
	s28 =	sadd.s32 s30, s9;
	[tilespmem:v5+s25+$0x0 ss:$0x1] =	vst.idx.msk $0xffff, v11;
	s25 =	sadd.s32 s22, s23  }
0x221: {  	s19 =	sadd.s32 s1, s28;
	s28 =	sadd.s32 s8, s29;
	v11 =	vld.idx.msk [tilespmem:v6+s26+$0x0 ss:$0x1], $0xffff;
	s26 =	sadd.s32 s4, s25  }
0x222: {  	s29 =	sadd.s32 s8, s12;
	s12 =	sadd.s32 s8, s16;
	s16 =	sadd.s32 s0, s20;
	v9 =	vsel vm0, v12, v9;
	[tilespmem:v8+s26+$0x0 ss:$0x1] =	vst.idx.msk $0xffff, v10  }
0x223: {  	s21 =	sadd.s32 s0, s3;
	s25 =	sadd.s32 s4, s16;
	v10 =	vsel vm0, v14, v15;
	s26 =	sadd.s32 s0, s7;
	[tilespmem:v5+s2+$0x0 ss:$0x1] =	vst.idx.msk $0xffff, v9;
	v9 =	vld.idx.msk [tilespmem:v6+s11+$0x0 ss:$0x1], $0xffff  }
0x224: {  	s15 =	sadd.s32 s8, s21;
	s16 =	sadd.s32 s5, s3;
	[tilespmem:v5+s13+$0x0 ss:$0x1] =	vst.idx.msk $0xffff, v10;
	v10 =	vld.idx.msk [tilespmem:v7+s25+$0x0 ss:$0x1], $0xffff;
	s25 =	sadd.s32 s8, s26  }
0x225: {  	s30 =	sadd.s32 s30, s14;
	s26 =	sadd.s32 s8, s16;
	v57 =	vld.idx.msk [tilespmem:v6+s17+$0x0 ss:$0x1], $0xffff;
	[smem:$0x7C6] =	sst s25  }
0x226: {  	s30 =	sadd.s32 s1, s30;
	s2 =	sadd.s32 s0, s23;
	[smem:$0x7C7] =	sst s26  }
0x227: {  	s16 =	sadd.s32 s5, s7;
	s13 =	sadd.s32 s6, s3;
	s2 =	sadd.s32 s4, s2;
	v58 =	vld.idx.msk [tilespmem:v6+s19+$0x0 ss:$0x1], $0xffff  }
0x228: {  	s17 =	sadd.s32 s5, s20;
	s25 =	sadd.s32 s8, s16;
	s26 =	sadd.s32 s18, s7;
	v59 =	vld.idx.msk [tilespmem:v6+s28+$0x0 ss:$0x1], $0xffff;
	v9 =	vsel vm1, v11, v9  }
0x229: {  	s16 =	sadd.s32 s8, s13;
	s21 =	sadd.s32 s4, s17;
	s19 =	sadd.s32 s18, s3;
	v60 =	vld.idx.msk [tilespmem:v6+s30+$0x0 ss:$0x1], $0xffff;
	[tilespmem:v6+s11+$0x0 ss:$0x1] =	vst.idx.msk $0xffff, v9  }
0x22a: {  	s17 =	sadd.s32 s8, s19;
	s19 =	sadd.s32 s6, s7;
	[smem:$0x7C8] =	sst s16  }
0x22b: {  	s31 =	sadd.s32 s8, s26;
	s26 =	sadd.s32 s8, s19;
	[tilespmem:v7+s2+$0x0 ss:$0x1] =	vst.idx.msk $0xffff, v10  }
0x22c: {  	s7 =	sadd.s32 s24, s7;
	v9 =	vld.idx.msk [tilespmem:v8+s10+$0x0 ss:$0x1], $0xffff;
	[smem:$0x7C9] =	sst s26  }
0x22d: {  	s3 =	sadd.s32 s24, s3;
	s16 =	sadd.s32 s8, s7;
	v11 =	vsel vm1, v57, v59;
	s7 =	rddreg [dreg:$0x6]  }
0x22e: {  	v10 =	vld.idx.msk [tilespmem:v4+s21+$0x0 ss:$0x1], $0xffff;
	s21 =	sadd.s32 s8, s3;
	s3 =	sld [smem:$0x7DD];
	[tilespmem:v6+s28+$0x0 ss:$0x1] =	vst.idx.msk $0xffff, v11;
	v11 =	vsel vm1, v58, v60  }
0x22f: {  	[tilespmem:v6+s30+$0x0 ss:$0x1] =	vst.idx.msk $0xffff, v11  }
0x230: {  	s28 =	sld [smem:$0x7CA];
	_ =	sdelay $0x1  }
0x231: {  	s11 =	sadd.s32 s0, s9;
	s8 =	sadd.s32 s22, s9;
	v61 =	vld.idx.msk [tilespmem:v8+s29+$0x0 ss:$0x1], $0xffff  }
0x232: {  	s10 =	sadd.s32 s22, s14;
	s13 =	sadd.s32 $0x4, s3;
	s3 =	sadd.s32 s1, s8;
	[tilespmem:v8+s28+$0x0 ss:$0x1] =	vst.idx.msk $0xffff, v9  }
0x233: {  	s26 =	sadd.s32 s5, s23;
	s22 =	sadd.s32 s0, s14;
	v11 =	vld.idx.msk [tilespmem:v8+s3+$0x0 ss:$0x1], $0xffff;
	s0 =	sld [smem:$0x7CB]  }
0x234: {  	s19 =	smov.u32 s9;
	s29 =	sadd.s32 s4, s26  }
0x235: {  	s2 =	sadd.s32 s5, s9;
	s30 =	sadd.s32 s18, s20;
	[tilespmem:v4+s29+$0x0 ss:$0x1] =	vst.idx.msk $0xffff, v10;
	s29 =	sadd.s32 s6, s19  }
0x236: {  	s8 =	sadd.s32 s1, s2;
	[tilespmem:v8+s12+$0x0 ss:$0x1] =	vst.idx.msk $0xffff, v61;
	s2 =	sadd.s32 s1, s29;
	v62 =	vld.idx.msk [tilespmem:v7+s0+$0x0 ss:$0x1], $0xffff;
	s0 =	sadd.s32 s4, s30  }
0x237: {  	s10 =	sadd.s32 s1, s10;
	v63 =	vld.idx.msk [tilespmem:v3+s0+$0x0 ss:$0x1], $0xffff;
	[smem:$0x7CC] =	sst s2  }
0x238: {  	s28 =	sadd.s32 s18, s14;
	[tilespmem:v8+s10+$0x0 ss:$0x1] =	vst.idx.msk $0xffff, v11  }
0x239: {  	s5 =	sadd.s32 s5, s14;
	s3 =	sadd.s32 s1, s28;
	s28 =	sld [smem:$0x7CD]  }
0x23a: {  	s11 =	sadd.s32 s1, s11;
	s9 =	sadd.s32 s1, s5  }
0x23b: {  	s22 =	sadd.s32 s1, s22;
	s26 =	sadd.s32 s18, s19;
	p0 =	slt.s32 s13, s7  }
.Ltmp20:
0x23c: {  	s26 =	sadd.s32 s1, s26;
	s29 =	sadd.s32 s24, s14;
	[tilespmem:v7+s28+$0x0 ss:$0x1] =	vst.idx.msk $0xffff, v62;
	(pc) =	sbr.rel @!p0 .LBB2_21-.Ltmp20, $4  }
0x23d: {  	s7 =	sadd.s32 s6, s14;
	s5 =	sadd.s32 s1, s29;
	s2 =	sld [smem:$0x7CE]  }
0x23e: {  	s30 =	smov.u32 s19;
	s19 =	smov.u32 s23;
	s23 =	sadd.s32 s18, s23;
	v9 =	vld.idx.msk [tilespmem:v7+s15+$0x0 ss:$0x1], $0xffff  }
0x23f: {  	s12 =	sadd.s32 s24, s30;
	s30 =	sadd.s32 s6, s20;
	s10 =	sadd.s32 s4, s23;
	v10 =	vld.idx.msk [tilespmem:v7+s11+$0x0 ss:$0x1], $0xffff  }
0x240: {  	s15 =	sadd.s32 s1, s7;
	s7 =	sadd.s32 s1, s12;
	s0 =	sadd.s32 s4, s30;
	[tilespmem:v3+s10+$0x0 ss:$0x1] =	vst.idx.msk $0xffff, v63;
	v11 =	vld.idx.msk [tilespmem:v4+s2+$0x0 ss:$0x1], $0xffff  }
.LBB2_20:
0x241: {  	[smem:$0x7B0] =	sst s15  }
0x242: {  	[smem:$0x7B2] =	sst s7  }
0x243: {  	[smem:$0x7B6] =	sst s16  }
0x244: {  	[smem:$0x7B8] =	sst s5  }
0x245: {  	s6 =	rddreg [dreg:$0x3]  }
0x246: {  	s14 =	sld [smem:$0x7C6]  }
0x247: {  	s18 =	rddreg [dreg:$0x1a]  }
0x248: {  	s2 =	rddreg [dreg:$0x6]  }
0x249: {  	s16 =	sld [smem:$0x7C7]  }
0x24a: {  	s10 =	smov.u32 s19;
	s19 =	rddreg [dreg:$0x19]  }
0x24b: {  	s5 =	rddreg [dreg:$0x10]  }
0x24c: {  	s28 =	sld [smem:$0x7C0]  }
0x24d: {  	s13 =	sadd.s32 $0x4, s13;
	s11 =	sld [smem:$0x7C1]  }
0x24e: {  	s1 =	smov.u32 s4;
	[dreg:$0x1d] =	wrdreg s13  }
0x24f: {  	s18 =	sadd.s32 $0x200, s18;
	p2 =	slt.s32 s13, s2;
	s24 =	sadd.s32 s5, s10  }
0x250: {  	v12 =	vld.idx.msk [tilespmem:v2+s0+$0x0 ss:$0x1], $0xffff;
	s13 =	sadd.s32 $0x400, s19;
	s0 =	sadd.s32 s1, s24;
	s24 =	rddreg [dreg:$0x11]  }
0x251: {  	s15 =	sadd.s32 $0xFFFFFF80, s18;
	s2 =	sadd.s32 s13, s6;
	[dreg:$0x19] =	wrdreg s13  }
0x252: {  	s23 =	sadd.s32 $0xFFFFFF00, s13;
	[dreg:$0x1a] =	wrdreg s18;
	s4 =	sand.u32 $0x380, s15  }
0x253: {  	s6 =	sadd.s32 $0xFFFFFF00, s2;
	s19 =	sand.u32 $0xFFFFF800, s23;
	s29 =	sadd.s32 s24, s20  }
0x254: {  	[tilespmem:v7+s14+$0x0 ss:$0x1] =	vst.idx.msk $0xffff, v9;
	s14 =	sadd.s32 $0xFFFFFD00, s2;
	s23 =	sadd.s32 $0xFFFFFE00, s2;
	s2 =	sand.u32 $0xFFFFF800, s2  }
0x255: {  	s10 =	sadd.s32 s24, s10;
	v9 =	vld.idx.msk [tilespmem:v4+s16+$0x0 ss:$0x1], $0xffff;
	s6 =	sand.u32 $0xFFFFF800, s6;
	s16 =	rddreg [dreg:$0xf]  }
0x256: {  	[tilespmem:v7+s22+$0x0 ss:$0x1] =	vst.idx.msk $0xffff, v10;
	s12 =	sadd.s32 s1, s29;
	s22 =	sand.u32 $0xFFFFF800, s14;
	s29 =	sadd.s32 $0xFFFFFD00, s13  }
0x257: {  	[tilespmem:v4+s28+$0x0 ss:$0x1] =	vst.idx.msk $0xffff, v11;
	s1 =	sadd.s32 s1, s10;
	v10 =	vld.idx.msk [tilespmem:v4+s8+$0x0 ss:$0x1], $0xffff;
	s20 =	sadd.s32 $0xE000, s6;
	s30 =	sadd.s32 s16, s19  }
0x258: {  	v11 =	vld.idx.msk [tilespmem:v3+s11+$0x0 ss:$0x1], $0xffff;
	[tilespmem:v2+s0+$0x0 ss:$0x1] =	vst.idx.msk $0xffff, v12;
	s6 =	sadd.s32 $0xE000, s22;
	s14 =	sand.u32 $0xFFFFF800, s29;
	s0 =	sadd.s32 $0xE000, s2  }
0x259: {  	s15 =	sadd.s32 s16, s20;
	s11 =	sadd.s32 s4, s30;
	v12 =	vld.idx.msk [tilespmem:v1+s12+$0x0 ss:$0x1], $0xffff;
	s12 =	sand.u32 $0xFFFFF800, s23  }
0x25a: {  	s30 =	sadd.s32 $0xFFFFFE00, s13;
	s2 =	sadd.s32 s16, s6;
	s23 =	sadd.s32 $0xFFFFFF00, s18  }
0x25b: {  	s28 =	sadd.s32 s4, s15;
	v13 =	vld.idx.msk [tilespmem:v5+s11+$0x0 ss:$0x1], $0xffff;
	s22 =	sadd.s32 $0xE000, s12;
	s15 =	sadd.s32 $0xFFFFFE80, s18  }
0x25c: {  	s12 =	sand.u32 $0xFFFFF800, s30;
	s30 =	sand.u32 $0x380, s23;
	[tilespmem:v4+s25+$0x0 ss:$0x1] =	vst.idx.msk $0xffff, v9;
	v9 =	vld.idx.msk [tilespmem:v5+s28+$0x0 ss:$0x1], $0xffff;
	s25 =	sld [smem:$0x7C3]  }
0x25d: {  	s10 =	sadd.s32 s16, s22;
	s28 =	sand.u32 $0xFFFFF800, s13;
	v14 =	vld.idx.msk [tilespmem:v3+s17+$0x0 ss:$0x1], $0xffff;
	[tilespmem:v4+s9+$0x0 ss:$0x1] =	vst.idx.msk $0xffff, v10;
	s17 =	sld [smem:$0x7C2]  }
0x25e: {  	s13 =	sadd.s32 s16, s0;
	s10 =	sadd.s32 s30, s10;
	v10 =	vld.idx.msk [tilespmem:v3+s26+$0x0 ss:$0x1], $0xffff;
	s26 =	sadd.s32 s16, s12  }
0x25f: {  	[tilespmem:v1+s1+$0x0 ss:$0x1] =	vst.idx.msk $0xffff, v12;
	s1 =	sand.u32 $0x380, s15;
	s8 =	sadd.s32 s30, s26;
	s26 =	sld [smem:$0x7C4]  }
0x260: {  	s9 =	sadd.s32 s16, s14;
	s2 =	sadd.s32 s1, s2;
	[tilespmem:v3+s17+$0x0 ss:$0x1] =	vst.idx.msk $0xffff, v11;
	s17 =	rddreg [dreg:$0x12]  }
0x261: {  	v11 =	vld.idx.msk [tilespmem:v2+s25+$0x0 ss:$0x1], $0xffff;
	v9 =	vsel vm0, v9, v13;
	s29 =	sadd.s32 s17, s20;
	s23 =	sadd.s32 s17, s19;
	s25 =	sadd.s32 s16, s28  }
0x262: {  	s7 =	sadd.s32 s17, s6;
	s16 =	sadd.s32 s17, s14;
	[tilespmem:v5+s11+$0x0 ss:$0x1] =	vst.idx.msk $0xffff, v9;
	s15 =	sadd.s32 s4, s29  }
0x263: {  	s11 =	sadd.s32 s4, s23;
	s29 =	sand.u32 $0x380, s18;
	s18 =	sadd.s32 s17, s12;
	v9 =	vld.idx.msk [tilespmem:v6+s15+$0x0 ss:$0x1], $0xffff  }
0x264: {  	[tilespmem:v3+s31+$0x0 ss:$0x1] =	vst.idx.msk $0xffff, v14;
	s23 =	sadd.s32 s1, s7;
	v12 =	vld.idx.msk [tilespmem:v6+s11+$0x0 ss:$0x1], $0xffff;
	s13 =	sadd.s32 s29, s13;
	s15 =	sadd.s32 s1, s9  }
0x265: {  	[tilespmem:v3+s3+$0x0 ss:$0x1] =	vst.idx.msk $0xffff, v10;
	v10 =	vld.idx.msk [tilespmem:v5+s2+$0x0 ss:$0x1], $0xffff;
	s2 =	sadd.s32 s29, s25;
	s9 =	sadd.s32 s17, s22;
	s25 =	sadd.s32 s17, s28  }
0x266: {  	s7 =	sadd.s32 s30, s18;
	s18 =	rddreg [dreg:$0x13];
	[tilespmem:v2+s26+$0x0 ss:$0x1] =	vst.idx.msk $0xffff, v11;
	v11 =	vld.idx.msk [tilespmem:v5+s10+$0x0 ss:$0x1], $0xffff;
	s10 =	sadd.s32 s17, s0  }
0x267: {  	s26 =	sadd.s32 s30, s9;
	s17 =	sadd.s32 s18, s6;
	s9 =	sadd.s32 s29, s10  }
0x268: {  	v51 =	vld.idx.msk [tilespmem:v5+s13+$0x0 ss:$0x1], $0xffff;
	s13 =	sadd.s32 s29, s25;
	s10 =	sadd.s32 s1, s17;
	[smem:$0x7B1] =	sst s9  }
0x269: {  	s9 =	sadd.s32 s1, s16;
	s16 =	sadd.s32 s18, s22;
	[smem:$0x7B3] =	sst s10  }
0x26a: {  	s25 =	sadd.s32 s18, s20;
	v9 =	vsel vm1, v9, v12;
	s10 =	sld [smem:$0x7C8];
	s16 =	sadd.s32 s30, s16  }
0x26b: {  	v52 =	vld.idx.msk [tilespmem:v5+s15+$0x0 ss:$0x1], $0xffff;
	s17 =	sadd.s32 s4, s25;
	s25 =	sadd.s32 s18, s0;
	[tilespmem:v6+s11+$0x0 ss:$0x1] =	vst.idx.msk $0xffff, v9;
	[smem:$0x7B4] =	sst s16  }
0x26c: {  	v16 =	vld.idx.msk [tilespmem:v8+s17+$0x0 ss:$0x1], $0xffff;
	s17 =	sadd.s32 s29, s25;
	s25 =	sld [smem:$0x7CC]  }
0x26d: {  	v15 =	vld.idx.msk [tilespmem:v5+s8+$0x0 ss:$0x1], $0xffff;
	[smem:$0x7B5] =	sst s17  }
0x26e: {  	v9 =	vld.idx.msk [tilespmem:v2+s10+$0x0 ss:$0x1], $0xffff;
	s10 =	rddreg [dreg:$0x1f]  }
0x26f: {  	s3 =	smov.u32 s21;
	s31 =	sadd.s32 s18, s14;
	s17 =	rddreg [dreg:$0x14];
	v54 =	vld.idx.msk [tilespmem:v1+s10+$0x0 ss:$0x1], $0xffff  }
0x270: {  	s16 =	sadd.s32 s18, s12;
	v10 =	vsel vm0, v10, v52;
	s10 =	sld [smem:$0x7C9];
	v17 =	vld.idx.msk [tilespmem:v2+s25+$0x0 ss:$0x1], $0xffff;
	s25 =	sadd.s32 s1, s31  }
0x271: {  	v53 =	vld.idx.msk [tilespmem:v5+s2+$0x0 ss:$0x1], $0xffff;
	s21 =	sadd.s32 s18, s28;
	[tilespmem:v5+s15+$0x0 ss:$0x1] =	vst.idx.msk $0xffff, v10;
	s15 =	sadd.s32 s30, s16;
	[smem:$0x7B7] =	sst s25  }
0x272: {  	s31 =	sadd.s32 s17, s22;
	s16 =	sadd.s32 s29, s21;
	[smem:$0x7B9] =	sst s15  }
0x273: {  	s25 =	sadd.s32 s17, s0;
	[smem:$0x7BC] =	sst s16;
	s21 =	sadd.s32 s30, s31  }
0x274: {  	v10 =	vsel vm0, v11, v15;
	v11 =	vld.idx.msk [tilespmem:v6+s23+$0x0 ss:$0x1], $0xffff;
	s23 =	sadd.s32 s18, s19;
	s18 =	sadd.s32 s17, s20;
	[smem:$0x7BB] =	sst s21  }
0x275: {  	s16 =	sadd.s32 s29, s25;
	s21 =	sadd.s32 s4, s18;
	s18 =	rddreg [dreg:$0x17]  }
0x276: {  	[tilespmem:v5+s8+$0x0 ss:$0x1] =	vst.idx.msk $0xffff, v10;
	v10 =	vsel vm0, v51, v53;
	s15 =	sadd.s32 s17, s14;
	[smem:$0x7BD] =	sst s16  }
0x277: {  	[tilespmem:v5+s2+$0x0 ss:$0x1] =	vst.idx.msk $0xffff, v10;
	s2 =	sadd.s32 s17, s12;
	s16 =	sadd.s32 s1, s15;
	s15 =	sld [smem:$0x7B1]  }
0x278: {  	s8 =	sadd.s32 s4, s23;
	s2 =	sadd.s32 s30, s2;
	[smem:$0x7BE] =	sst s16  }
0x279: {  	v55 =	vld.idx.msk [tilespmem:v6+s9+$0x0 ss:$0x1], $0xffff;
	s23 =	sadd.s32 s17, s28;
	[tilespmem:v8+s8+$0x0 ss:$0x1] =	vst.idx.msk $0xffff, v16;
	[smem:$0x7C6] =	sst s2  }
0x27a: {  	v56 =	vld.idx.msk [tilespmem:v7+s21+$0x0 ss:$0x1], $0xffff;
	s21 =	sadd.s32 s29, s23;
	s23 =	sld [smem:$0x7B0]  }
0x27b: {  	s11 =	sadd.s32 s17, s6;
	s25 =	sadd.s32 s18, s6;
	s16 =	rddreg [dreg:$0x1b]  }
0x27c: {  	v10 =	vld.idx.msk [tilespmem:v6+s26+$0x0 ss:$0x1], $0xffff;
	s26 =	sadd.s32 s18, s22;
	s8 =	sadd.s32 s1, s25;
	[smem:$0x7BA] =	sst s21  }
0x27d: {  	s17 =	sadd.s32 s17, s19;
	[tilespmem:v2+s10+$0x0 ss:$0x1] =	vst.idx.msk $0xffff, v9;
	s10 =	sadd.s32 s30, s26;
	[smem:$0x7BF] =	sst s8  }
0x27e: {  	s31 =	sadd.s32 s18, s0;
	s25 =	sadd.s32 s18, s12;
	[smem:$0x7C7] =	sst s10;
	[tilespmem:v1+s16+$0x0 ss:$0x1] =	vst.idx.msk $0xffff, v54  }
0x27f: {  	v9 =	vld.idx.msk [tilespmem:v6+s7+$0x0 ss:$0x1], $0xffff;
	s26 =	sadd.s32 s18, s28;
	s8 =	sadd.s32 s29, s31;
	s10 =	sld [smem:$0x7B2];
	v11 =	vsel vm1, v11, v55;
	[tilespmem:v2+s23+$0x0 ss:$0x1] =	vst.idx.msk $0xffff, v17  }
0x280: {  	s16 =	sadd.s32 s18, s20;
	[tilespmem:v6+s9+$0x0 ss:$0x1] =	vst.idx.msk $0xffff, v11;
	s9 =	sadd.s32 s4, s17;
	s17 =	sld [smem:$0x7B3]  }
0x281: {  	s21 =	sadd.s32 s18, s14;
	s16 =	sadd.s32 s4, s16;
	s23 =	rddreg [dreg:$0x18];
	v57 =	vld.idx.msk [tilespmem:v6+s15+$0x0 ss:$0x1], $0xffff  }
0x282: {  	s31 =	sadd.s32 s23, s6;
	v11 =	vld.idx.msk [tilespmem:v1+s10+$0x0 ss:$0x1], $0xffff;
	s10 =	sadd.s32 s1, s21;
	s21 =	sld [smem:$0x7B4]  }
0x283: {  	s15 =	sadd.s32 s23, s0;
	[smem:$0x7C0] =	sst s10;
	[tilespmem:v7+s9+$0x0 ss:$0x1] =	vst.idx.msk $0xffff, v56;
	s9 =	sadd.s32 s29, s26;
	v60 =	vld.idx.msk [tilespmem:v8+s17+$0x0 ss:$0x1], $0xffff  }
0x284: {  	v9 =	vsel vm1, v10, v9;
	s26 =	sadd.s32 s29, s15;
	s17 =	sadd.s32 s1, s31;
	v10 =	vld.idx.msk [tilespmem:v4+s16+$0x0 ss:$0x1], $0xffff;
	s16 =	sadd.s32 s23, s12  }
0x285: {  	v58 =	vld.idx.msk [tilespmem:v6+s13+$0x0 ss:$0x1], $0xffff;
	s15 =	sadd.s32 s5, s6;
	[smem:$0x7C1] =	sst s17;
	s31 =	sadd.s32 s30, s16  }
0x286: {  	v59 =	vld.idx.msk [tilespmem:v1+s3+$0x0 ss:$0x1], $0xffff;
	[tilespmem:v6+s7+$0x0 ss:$0x1] =	vst.idx.msk $0xffff, v9;
	s16 =	sadd.s32 s1, s15;
	s15 =	sadd.s32 s18, s19;
	s18 =	sld [smem:$0x7B5]  }
0x287: {  	s2 =	sadd.s32 s23, s22;
	v9 =	vld.idx.msk [tilespmem:v8+s21+$0x0 ss:$0x1], $0xffff;
	s21 =	sld [smem:$0x7B6]  }
0x288: {  	s17 =	sadd.s32 s30, s2;
	s2 =	sadd.s32 s23, s14;
	[smem:$0x7C3] =	sst s16  }
0x289: {  	s2 =	sadd.s32 s1, s2;
	s16 =	sld [smem:$0x7B7]  }
0x28a: {  	v61 =	vsel vm1, v57, v58;
	[smem:$0x7C2] =	sst s2;
	s2 =	sadd.s32 s5, s0  }
0x28b: {  	s11 =	sadd.s32 s1, s11;
	[tilespmem:v6+s13+$0x0 ss:$0x1] =	vst.idx.msk $0xffff, v61;
	s13 =	rddreg [dreg:$0x1d];
	s2 =	sadd.s32 s29, s2  }
0x28c: {  	s10 =	sadd.s32 s5, s22;
	[tilespmem:v1+s21+$0x0 ss:$0x1] =	vst.idx.msk $0xffff, v59;
	s21 =	sadd.s32 s4, s15;
	[smem:$0x7CC] =	sst s2  }
0x28d: {  	s7 =	sadd.s32 s23, s28;
	v13 =	vld.idx.msk [tilespmem:v8+s18+$0x0 ss:$0x1], $0xffff;
	s18 =	sadd.s32 s30, s10;
	[tilespmem:v4+s21+$0x0 ss:$0x1] =	vst.idx.msk $0xffff, v10;
	s21 =	sld [smem:$0x7B8]  }
0x28e: {  	s3 =	sadd.s32 s29, s7;
	[tilespmem:v8+s16+$0x0 ss:$0x1] =	vst.idx.msk $0xffff, v60;
	s16 =	sadd.s32 s5, s14;
	[smem:$0x7C8] =	sst s18  }
0x28f: {  	s7 =	sadd.s32 s23, s20;
	s15 =	sadd.s32 s1, s16;
	s16 =	sld [smem:$0x7B9]  }
0x290: {  	s2 =	sadd.s32 s24, s6;
	s18 =	sadd.s32 s4, s7;
	[smem:$0x7C4] =	sst s15  }
0x291: {  	s2 =	sadd.s32 s1, s2;
	v63 =	vld.idx.msk [tilespmem:v3+s18+$0x0 ss:$0x1], $0xffff;
	s18 =	sadd.s32 s24, s22;
	s22 =	sld [smem:$0x7BA]  }
0x292: {  	s25 =	sadd.s32 s30, s25;
	s23 =	sadd.s32 s23, s19;
	[dreg:$0x1f] =	wrdreg s2  }
0x293: {  	s23 =	sadd.s32 s4, s23;
	s0 =	sadd.s32 s24, s0;
	[tilespmem:v1+s21+$0x0 ss:$0x1] =	vst.idx.msk $0xffff, v11;
	s21 =	sld [smem:$0x7BB]  }
0x294: {  	s6 =	sadd.s32 s5, s12;
	v62 =	vld.idx.msk [tilespmem:v7+s11+$0x0 ss:$0x1], $0xffff;
	s2 =	sadd.s32 s24, s14;
	s14 =	sld [smem:$0x7BC]  }
0x295: {  	s10 =	sadd.s32 s5, s28;
	[tilespmem:v8+s16+$0x0 ss:$0x1] =	vst.idx.msk $0xffff, v9;
	s16 =	sadd.s32 s24, s12;
	s12 =	sld [smem:$0x7BD]  }
.Ltmp21:
0x296: {  	v9 =	vld.idx.msk [tilespmem:v7+s21+$0x0 ss:$0x1], $0xffff;
	s21 =	sadd.s32 s30, s18;
	s18 =	sld [smem:$0x7BE];
	(pc) =	sbr.rel @p2 .LBB2_20-.Ltmp21, $4  }
0x297: {  	s7 =	sadd.s32 s30, s6;
	[tilespmem:v8+s14+$0x0 ss:$0x1] =	vst.idx.msk $0xffff, v13;
	s14 =	sadd.s32 s24, s28;
	s28 =	sld [smem:$0x7BF]  }
0x298: {  	[smem:$0x7C9] =	sst s7;
	s15 =	sadd.s32 s29, s10;
	s1 =	sadd.s32 s1, s2  }
0x299: {  	s7 =	sadd.s32 s29, s0;
	[dreg:$0x1b] =	wrdreg s1;
	s24 =	sadd.s32 s5, s20;
	v10 =	vld.idx.msk [tilespmem:v7+s12+$0x0 ss:$0x1], $0xffff;
	[tilespmem:v7+s18+$0x0 ss:$0x1] =	vst.idx.msk $0xffff, v62  }
0x29a: {  	s16 =	sadd.s32 s30, s16;
	s0 =	sadd.s32 s4, s24;
	s5 =	sadd.s32 s29, s14;
	[tilespmem:v3+s23+$0x0 ss:$0x1] =	vst.idx.msk $0xffff, v63;
	v11 =	vld.idx.msk [tilespmem:v4+s28+$0x0 ss:$0x1], $0xffff  }
.LBB2_21:
0x29b: {  	_ = 	snop  }
0x29c: {  	s1 =	sld [smem:$0x7C6];
	_ =	sdelay $0x2  }
0x29d: {  	[tilespmem:v7+s1+$0x0 ss:$0x1] =	vst.idx.msk $0xffff, v9  }
0x29e: {  	s1 =	sld [smem:$0x7C7];
	[tilespmem:v7+s22+$0x0 ss:$0x1] =	vst.idx.msk $0xffff, v10  }
0x29f: {  	s12 =	sld [smem:$0x7C0];
	_ =	sdelay $0x1  }
0x2a0: {  	v5 =	vld.idx.msk [tilespmem:v4+s1+$0x0 ss:$0x1], $0xffff  }
0x2a1: {  	v6 =	vld.idx.msk [tilespmem:v4+s8+$0x0 ss:$0x1], $0xffff;
	[tilespmem:v4+s12+$0x0 ss:$0x1] =	vst.idx.msk $0xffff, v11  }
0x2a2: {  	s1 =	sld [smem:$0x7C1];
	_ =	sdelay $0x2  }
0x2a3: {  	v60 =	vld.idx.msk [tilespmem:v3+s1+$0x0 ss:$0x1], $0xffff;
	[tilespmem:v4+s25+$0x0 ss:$0x1] =	vst.idx.msk $0xffff, v5  }
0x2a4: {  	[tilespmem:v4+s9+$0x0 ss:$0x1] =	vst.idx.msk $0xffff, v6;
	v5 =	vld.idx.msk [tilespmem:v3+s17+$0x0 ss:$0x1], $0xffff  }
0x2a5: {  	v4 =	vld.idx.msk [tilespmem:v3+s26+$0x0 ss:$0x1], $0xffff;
	s13 =	sld [smem:$0x7C2];
	_ =	sdelay $0x2  }
0x2a6: {  	[tilespmem:v3+s13+$0x0 ss:$0x1] =	vst.idx.msk $0xffff, v60  }
0x2a7: {  	v61 =	vld.idx.msk [tilespmem:v2+s0+$0x0 ss:$0x1], $0xffff;
	s0 =	sld [smem:$0x7C3];
	[tilespmem:v3+s31+$0x0 ss:$0x1] =	vst.idx.msk $0xffff, v5  }
0x2a8: {  	[tilespmem:v3+s3+$0x0 ss:$0x1] =	vst.idx.msk $0xffff, v4  }
0x2a9: {  	s18 =	rddreg [dreg:$0x10]  }
0x2aa: {  	s14 =	sld [smem:$0x7C8];
	v7 =	vld.idx.msk [tilespmem:v2+s0+$0x0 ss:$0x1], $0xffff;
	s0 =	sadd.s32 s18, s19  }
0x2ab: {  	s17 =	sld [smem:$0x7CC];
	s0 =	sadd.s32 s4, s0  }
0x2ac: {  	s2 =	rddreg [dreg:$0x11];
	[tilespmem:v2+s0+$0x0 ss:$0x1] =	vst.idx.msk $0xffff, v61  }
0x2ad: {  	s24 =	sld [smem:$0x7C4]  }
0x2ae: {  	v4 =	vld.idx.msk [tilespmem:v2+s17+$0x0 ss:$0x1], $0xffff  }
0x2af: {  	s22 =	sadd.s32 s2, s20;
	v3 =	vld.idx.msk [tilespmem:v2+s14+$0x0 ss:$0x1], $0xffff  }
0x2b0: {  	s23 =	sadd.s32 s4, s22;
	[tilespmem:v2+s24+$0x0 ss:$0x1] =	vst.idx.msk $0xffff, v7  }
0x2b1: {  	v62 =	vld.idx.msk [tilespmem:v1+s23+$0x0 ss:$0x1], $0xffff;
	s25 =	sld [smem:$0x7C9]  }
0x2b2: {  	s0 =	rddreg [dreg:$0x1f]  }
0x2b3: {  	[tilespmem:v2+s15+$0x0 ss:$0x1] =	vst.idx.msk $0xffff, v4;
	v63 =	vld.idx.msk [tilespmem:v1+s0+$0x0 ss:$0x1], $0xffff  }
0x2b4: {  	s26 =	sadd.s32 s2, s19;
	[tilespmem:v2+s25+$0x0 ss:$0x1] =	vst.idx.msk $0xffff, v3;
	v3 =	vld.idx.msk [tilespmem:v1+s7+$0x0 ss:$0x1], $0xffff  }
0x2b5: {  	s0 =	sadd.s32 s4, s26;
	v2 =	vld.idx.msk [tilespmem:v1+s21+$0x0 ss:$0x1], $0xffff  }
0x2b6: {  	[tilespmem:v1+s0+$0x0 ss:$0x1] =	vst.idx.msk $0xffff, v62  }
0x2b7: {  	s0 =	rddreg [dreg:$0x1b]  }
0x2b8: {  	[tilespmem:v1+s0+$0x0 ss:$0x1] =	vst.idx.msk $0xffff, v63  }
0x2b9: {  	s19 =	rddreg [dreg:$0x0];
	[tilespmem:v1+s5+$0x0 ss:$0x1] =	vst.idx.msk $0xffff, v3  }
0x2ba: {  	s25 =	rddreg [dreg:$0x1];
	[tilespmem:v1+s16+$0x0 ss:$0x1] =	vst.idx.msk $0xffff, v2  }
0x2bb: {  	s29 =	sld [smem:$0x7E4]  }
0x2bc: {  	s30 =	sld [smem:$0x7D4]  }
0x2bd: {  	s31 =	sld [smem:$0x7DD]  }
0x2be: {  	s17 =	sld [smem:$0x7DA]  }
0x2bf: {  	s18 =	sld [smem:$0x7D3]  }
0x2c0: {  	s23 =	sld [smem:$0x7D5]  }
0x2c1: {  	s20 =	sld [smem:$0x7D2]  }
0x2c2: {  	s5 =	sld [smem:$0x7D1]  }
0x2c3: {  	s6 =	sld [smem:$0x7D7]  }
0x2c4: {  	s7 =	sld [smem:$0x7D8]  }
0x2c5: {  	s8 =	sld [smem:$0x7D9]  }
0x2c6: {  	s15 =	sld [smem:$0x7DB]  }
0x2c7: {  	s16 =	sld [smem:$0x7DC]  }
0x2c8: {  	s9 =	sld [smem:$0x7D0]  }
0x2c9: {  	s28 =	simm.s32 $0x2;
	s11 =	sld [smem:$0x7D6]  }
0x2ca: {  	s22 =	simm.s32 $0x1;
	s24 =	simm.s32 $0x7000;
	s2 =	sld [smem:$0x7CF]  }
0x2cb: {  	s26 =	simm.s32 $0x3;
	s21 =	simm.s32 $0x0;
	s3 =	rddreg [dreg:$0x6]  }
.LBB2_22:
0x2cc: {  	p0 =	sge.s32 s3, s5  }
.Ltmp22:
0x2cd: {  	_ = 	snop;
	(pc) =	sbr.rel @p0 .LBB2_25-.Ltmp22, $1  }
0x2ce: {  	_ =	sdelay $0x3  }
0x2cf: {  	s1 =	sld [smem:$0x7E0]  }
0x2d0: {  	s22 =	sld [smem:$0x7E1]  }
0x2d1: {  	s0 =	ssub.s32 s9, s2;
	s24 =	sshll.u32 s23, $0x7;
	s3 =	sld [smem:$0x7E3]  }
0x2d2: {  	s4 =	sshll.u32 s11, $0x3;
	s11 =	sand.u32 $0x70, s11;
	s12 =	sand.u32 $0x70, s6  }
0x2d3: {  	s13 =	sand.u32 $0x70, s7;
	s14 =	sand.u32 $0x70, s8;
	s2 =	sand.u32 $0xFFFFFC00, s24  }
0x2d4: {  	s24 =	sshll.u32 s16, $0x3;
	s16 =	sand.u32 $0x70, s16;
	s1 =	sshll.u32 s1, $0x7  }
0x2d5: {  	s9 =	sand.u32 $0x70, s22;
	s10 =	sand.u32 $0x70, s3;
	s3 =	sand.u32 $0xFFFFFC00, s4  }
0x2d6: {  	s4 =	sshll.u32 s6, $0x3;
	s22 =	smov.u32 s5;
	s6 =	sshll.u32 s7, $0x3  }
0x2d7: {  	s7 =	sshll.u32 s8, $0x3;
	s8 =	sshll.u32 s15, $0x3;
	s15 =	sand.u32 $0x70, s15  }
0x2d8: {  	s1 =	sand.u32 $0xFFFFFC00, s1;
	s4 =	sand.u32 $0xFFFFFC00, s4;
	s5 =	sand.u32 $0xFFFFFC00, s6  }
0x2d9: {  	s6 =	sand.u32 $0xFFFFFC00, s7;
	s7 =	sand.u32 $0xFFFFFC00, s8;
	s8 =	sand.u32 $0xFFFFFC00, s24  }
0x2da: {  	s24 =	smov.u32 s17;
	s17 =	sshll.u32 s22, $0x8;
	v1 =	vmov s9;
	s9 =	sshll.u32 s0, $0x8  }
0x2db: {  	v2 =	vmov s10;
	s10 =	sshll.u32 s22, $0x7;
	s22 =	smov.u32 s19;
	s19 =	smov.u32 s25  }
0x2dc: {  	s25 =	smov.u32 s20;
	s20 =	smov.u32 s23;
	s23 =	smov.u32 s18  }
0x2dd: {  	s18 =	sshll.u32 s0, $0x7;
	s9 =	ssub.s32 s17, s9;
	s17 =	smov.u32 s24  }
0x2de: {  	s24 =	simm.s32 $0x7000;
	s10 =	ssub.s32 s10, s18;
	s18 =	smov.u32 s23  }
0x2df: {  	v3 =	vmov s11;
	v4 =	vmov s12;
	v5 =	vmov s13;
	s23 =	smov.u32 s20;
	s20 =	smov.u32 s25;
	s25 =	smov.u32 s19  }
0x2e0: {  	v6 =	vmov s14;
	v8 =	vmov s16;
	v7 =	vmov s15;
	s19 =	smov.u32 s22;
	s22 =	simm.s32 $0x1;
	s11 =	ssub.s32 $0x0, s17  }
.LBB2_24:
0x2e1: {  	s12 =	sadd.s32 s9, s11  }
0x2e2: {  	s12 =	sand.u32 $0xFFFFF800, s12  }
0x2e3: {  	s12 =	sadd.s32 $0xE000, s12  }
0x2e4: {  	s13 =	sand.u32 $0x380, s10;
	s15 =	sand.u32 $0xFFFFF800, s9;
	s14 =	sadd.s32 s1, s12  }
0x2e5: {  	s16 =	sadd.s32 s1, s15;
	s14 =	sadd.s32 s13, s14  }
0x2e6: {  	v9 =	vld.idx.msk [tilespmem:v1+s14+$0x0 ss:$0x1], $0xffff;
	s14 =	sadd.s32 s13, s16  }
0x2e7: {  	v10 =	vld.idx.msk [tilespmem:v1+s14+$0x0 ss:$0x1], $0xffff;
	_ =	sdelay $0x4  }
0x2e8: {  	s16 =	sadd.s32 s2, s12;
	v9 =	vsel vm0, v9, v10  }
0x2e9: {  	[tilespmem:v1+s14+$0x0 ss:$0x1] =	vst.idx.msk $0xffff, v9;
	s14 =	sadd.s32 s13, s16;
	s16 =	sadd.s32 s2, s15  }
0x2ea: {  	v9 =	vld.idx.msk [tilespmem:v2+s14+$0x0 ss:$0x1], $0xffff;
	s14 =	sadd.s32 s13, s16  }
0x2eb: {  	v10 =	vld.idx.msk [tilespmem:v2+s14+$0x0 ss:$0x1], $0xffff;
	_ =	sdelay $0x4  }
0x2ec: {  	s16 =	sadd.s32 s3, s12;
	v9 =	vsel vm1, v9, v10  }
0x2ed: {  	s16 =	sadd.s32 s13, s16;
	[tilespmem:v2+s14+$0x0 ss:$0x1] =	vst.idx.msk $0xffff, v9  }
0x2ee: {  	v9 =	vld.idx.msk [tilespmem:v3+s16+$0x0 ss:$0x1], $0xffff;
	_ =	sdelay $0x2  }
0x2ef: {  	s16 =	sadd.s32 s3, s15  }
0x2f0: {  	s14 =	sadd.s32 s13, s16;
	s16 =	sadd.s32 s4, s12  }
0x2f1: {  	s16 =	sadd.s32 s13, s16;
	[tilespmem:v3+s14+$0x0 ss:$0x1] =	vst.idx.msk $0xffff, v9  }
0x2f2: {  	v9 =	vld.idx.msk [tilespmem:v4+s16+$0x0 ss:$0x1], $0xffff;
	_ =	sdelay $0x2  }
0x2f3: {  	s16 =	sadd.s32 s4, s15  }
0x2f4: {  	s14 =	sadd.s32 s13, s16;
	s16 =	sadd.s32 s5, s12  }
0x2f5: {  	s16 =	sadd.s32 s13, s16;
	[tilespmem:v4+s14+$0x0 ss:$0x1] =	vst.idx.msk $0xffff, v9  }
0x2f6: {  	v9 =	vld.idx.msk [tilespmem:v5+s16+$0x0 ss:$0x1], $0xffff;
	_ =	sdelay $0x2  }
0x2f7: {  	s16 =	sadd.s32 s5, s15  }
0x2f8: {  	s14 =	sadd.s32 s13, s16;
	s16 =	sadd.s32 s6, s12  }
0x2f9: {  	s16 =	sadd.s32 s13, s16;
	[tilespmem:v5+s14+$0x0 ss:$0x1] =	vst.idx.msk $0xffff, v9  }
0x2fa: {  	v9 =	vld.idx.msk [tilespmem:v6+s16+$0x0 ss:$0x1], $0xffff;
	_ =	sdelay $0x2  }
0x2fb: {  	s16 =	sadd.s32 s6, s15  }
0x2fc: {  	s14 =	sadd.s32 s13, s16;
	s16 =	sadd.s32 s7, s12  }
0x2fd: {  	s16 =	sadd.s32 s13, s16;
	[tilespmem:v6+s14+$0x0 ss:$0x1] =	vst.idx.msk $0xffff, v9  }
0x2fe: {  	v9 =	vld.idx.msk [tilespmem:v7+s16+$0x0 ss:$0x1], $0xffff;
	_ =	sdelay $0x2  }
0x2ff: {  	s16 =	sadd.s32 s7, s15  }
0x300: {  	s12 =	sadd.s32 s8, s12;
	s14 =	sadd.s32 s13, s16  }
0x301: {  	s12 =	sadd.s32 s13, s12;
	[tilespmem:v7+s14+$0x0 ss:$0x1] =	vst.idx.msk $0xffff, v9  }
0x302: {  	p0 =	sne.s32 s0, $0x1;
	v9 =	vld.idx.msk [tilespmem:v8+s12+$0x0 ss:$0x1], $0xffff  }
.Ltmp23:
0x303: {  	_ = 	snop;
	(pc) =	sbr.rel @p0 .LBB2_24-.Ltmp23, $4  }
0x304: {  	_ = 	snop  }
0x305: {  	s16 =	sadd.s32 s8, s15  }
0x306: {  	s12 =	sadd.s32 s13, s16  }
0x307: {  	s9 =	sadd.s32 $0x100, s9;
	s10 =	sadd.s32 $0x80, s10;
	s0 =	sadd.s32 $0xFFFFFFFF, s0;
	[tilespmem:v8+s12+$0x0 ss:$0x1] =	vst.idx.msk $0xffff, v9  }
.LBB2_25:
0x308: {  	s0 =	sld [smem:$0x7DE];
	_ =	sdelay $0x1  }
0x309: {  	s1 =	sld [smem:$0x7DF]  }
0x30a: {  	s0 =	smul.u32 $0x2A000, s0;
	_ =	sdelay $0x1  }
0x30b: {  	s0 =	sadd.s32 s1, s0  }
0x30c: {  	p0 =	slt.s32 s20, $0x71;
	[smem:$0x7AF] =	sst s0;
	s0 =	sshrl.u32 s0, $0x3  }
.Ltmp24:
0x30d: {  	s0 =	sadd.s32 s25, s0;
	(pc) =	sbr.rel @p0 .LBB2_33-.Ltmp24, $4  }
0x30e: {  	[hbm4b:s0+s21] =	stream.linear.scatter [tilespmem:s21], [sflag:$0x4], $0x7000, $0x38;
	[tilespmem:$0x15000] =	vst v63  }
0x30f: {  	_ =	swait.ge [sflag:s28], $0x7000  }
0x310: {  	[sflag:s28] =	ssyncset.done $0x0  }
0x311: {  	[sflag:s28] =	ssyncadd.s32 $0xFFFF9000  }
0x312: {  	p0 =	sgt.s32 s31, $0x70;
	s3 =	sld [smem:$0x7E1]  }
0x313: {  	s24 =	smov.u32 s31;
	s1 =	sld [smem:$0x7E2];
	s5 =	smov.u32 s18  }
0x314: {  	s4 =	smov.u32 s18;
	s7 =	smov.u32 s18;
	s24 =	simm.s32 @!p0 $0x70  }
0x315: {  	s6 =	smov.u32 s18;
	s8 =	smov.u32 s18;
	s9 =	ssub.s32 s20, s24  }
0x316: {  	s0 =	sadd.s32 $0x20, s3;
	p0 =	slt.s32 s1, s18;
	s2 =	sshra.s32 s9, $0x1F  }
0x317: {  	p1 =	slt.s32 s0, s18;
	s5 =	smov.u32 @p0 s1;
	s1 =	sadd.s32 $0x40, s3  }
0x318: {  	s2 =	sshrl.u32 s2, $0x1E;
	s4 =	smov.u32 @p1 s0;
	s0 =	sadd.s32 $0x30, s3  }
0x319: {  	p1 =	slt.s32 s1, s18;
	s13 =	sadd.s32 s2, s9;
	p0 =	slt.s32 s0, s18  }
0x31a: {  	s6 =	smov.u32 @p1 s1;
	s1 =	sadd.s32 $0x50, s3;
	s12 =	sand.u32 $0xFFFFFFFC, s13  }
0x31b: {  	s7 =	smov.u32 @p0 s0;
	p0 =	slt.s32 s1, s18;
	s10 =	sadd.s32 s24, s12  }
0x31c: {  	s8 =	smov.u32 @p0 s1;
	p0 =	sge.s32 s24, s10  }
.Ltmp25:
0x31d: {  	s14 =	sld [smem:$0x7E0];
	(pc) =	sbr.rel @p0 .LBB2_30-.Ltmp25, $4  }
0x31e: {  	s15 =	sld [smem:$0x7E3]  }
0x31f: {  	s2 =	sadd.s32 $0x60, s3  }
0x320: {  	s16 =	sand.u32 $0x70, s3;
	p1 =	slt.s32 s2, s18  }
0x321: {  	s11 =	sand.u32 $0x70, s15;
	s18 =	smov.u32 @p1 s2;
	s1 =	sshll.u32 s14, $0x7  }
0x322: {  	[smem:$0x7A5] =	sst s12  }
0x323: {  	[smem:$0x7A6] =	sst s9  }
0x324: {  	[smem:$0x7D2] =	sst s20  }
0x325: {  	[smem:$0x7DD] =	sst s31  }
0x326: {  	[smem:$0x7D4] =	sst s30  }
0x327: {  	[smem:$0x7A7] =	sst s1  }
0x328: {  	[smem:$0x7D5] =	sst s23  }
0x329: {  	[smem:$0x7A8] =	sst s5  }
0x32a: {  	[smem:$0x7A9] =	sst s4  }
0x32b: {  	[smem:$0x7AA] =	sst s7  }
0x32c: {  	[smem:$0x7AB] =	sst s6  }
0x32d: {  	s0 =	sand.u32 $0xFFFFFC00, s1;
	s2 =	sshll.u32 s23, $0x7;
	[smem:$0x7DA] =	sst s17  }
0x32e: {  	s3 =	sshll.u32 s5, $0x3;
	s9 =	sand.u32 $0x70, s5;
	[smem:$0x7AC] =	sst s8  }
0x32f: {  	s12 =	sand.u32 $0x70, s4;
	s13 =	sand.u32 $0x70, s7;
	[smem:$0x7D3] =	sst s18  }
0x330: {  	s14 =	sand.u32 $0x70, s6;
	s15 =	sshll.u32 s6, $0x3;
	[smem:$0x7AD] =	sst s16  }
0x331: {  	s19 =	ssub.s32 $0x0, s17;
	s20 =	sshll.u32 s8, $0x3;
	[smem:$0x7AE] =	sst s11  }
0x332: {  	s21 =	sand.u32 $0x70, s8;
	s22 =	sand.u32 $0x70, s18;
	[dreg:$0x8] =	wrdreg s0  }
0x333: {  	s23 =	sshll.u32 s18, $0x3;
	s0 =	sand.u32 $0xFFFFFC00, s2;
	[dreg:$0x4] =	wrdreg s19  }
0x334: {  	s25 =	sshll.u32 s24, $0x7;
	s1 =	sand.u32 $0xFFFFFC00, s3;
	[dreg:$0xa] =	wrdreg s0  }
0x335: {  	s2 =	sshll.u32 s4, $0x3;
	s4 =	sand.u32 $0xFFFFFC00, s15;
	[dreg:$0xb] =	wrdreg s1  }
0x336: {  	s26 =	sshll.u32 s24, $0x8;
	s28 =	sand.u32 $0xFFFFFC00, s23;
	[dreg:$0xe] =	wrdreg s4  }
0x337: {  	s3 =	sshll.u32 s7, $0x3;
	s30 =	sadd.s32 $0x180, s25;
	[dreg:$0x7] =	wrdreg s28  }
0x338: {  	v4 =	vmov s13;
	s13 =	sadd.s32 $0xFFFF9100, s26;
	s2 =	sand.u32 $0xFFFFFC00, s2;
	s15 =	rddreg [dreg:$0x4]  }
0x339: {  	v8 =	vmov s11;
	s3 =	sand.u32 $0xFFFFFC00, s3;
	s4 =	sand.u32 $0xFFFFFC00, s20;
	s11 =	rddreg [dreg:$0x8]  }
0x33a: {  	v7 =	vmov s16;
	s16 =	sadd.s32 $0x200, s13;
	s31 =	sand.u32 $0x380, s30;
	[dreg:$0x16] =	wrdreg s13  }
0x33b: {  	v2 =	vmov s21;
	s20 =	sadd.s32 $0x100, s13;
	s21 =	sadd.s32 $0x6F00, s13;
	[dreg:$0xc] =	wrdreg s2  }
0x33c: {  	s23 =	sand.u32 $0xFFFFF800, s13;
	s26 =	sadd.s32 $0xFFFFFF00, s30;
	[dreg:$0xd] =	wrdreg s3  }
0x33d: {  	v5 =	vmov s12;
	s12 =	sadd.s32 $0xFFFFC700, s30;
	[dreg:$0x9] =	wrdreg s4;
	s0 =	sadd.s32 s13, s15  }
0x33e: {  	s1 =	sand.u32 $0xFFFFF800, s16;
	s3 =	sadd.s32 $0xFFFFC800, s30;
	s6 =	sand.u32 $0xFFFFF800, s20  }
0x33f: {  	s13 =	sadd.s32 $0xFFFFFE80, s30;
	s4 =	rddreg [dreg:$0xa];
	s16 =	sadd.s32 $0xFFFFFF80, s30  }
0x340: {  	s17 =	sadd.s32 $0x7200, s0;
	s29 =	sadd.s32 $0x7000, s1;
	s15 =	sand.u32 $0x380, s3  }
0x341: {  	s18 =	sadd.s32 $0x6F00, s0;
	s19 =	sadd.s32 $0x7000, s0;
	s0 =	sadd.s32 $0x7100, s0  }
0x342: {  	s25 =	sadd.s32 $0x7000, s6;
	s2 =	sand.u32 $0xFFFFF800, s17;
	s1 =	sadd.s32 s11, s29  }
0x343: {  	v3 =	vmov s14;
	[smem:$0x797] =	sst s15;
	s5 =	sand.u32 $0xFFFFF800, s19;
	s14 =	sadd.s32 $0xE000, s2  }
0x344: {  	s3 =	sadd.s32 s15, s1;
	s2 =	sadd.s32 s11, s14;
	[smem:$0x792] =	sst s14  }
0x345: {  	v1 =	vmov s22;
	s22 =	sand.u32 $0xFFFFF800, s0;
	s2 =	sadd.s32 s31, s2;
	v9 =	vld.idx.msk [tilespmem:v7+s3+$0x0 ss:$0x1], $0xffff;
	[smem:$0x7A2] =	sst s25  }
0x346: {  	s1 =	sand.u32 $0xFFFFF800, s18;
	s5 =	sadd.s32 $0xE000, s5;
	s8 =	sadd.s32 $0xE000, s22;
	v10 =	vld.idx.msk [tilespmem:v7+s2+$0x0 ss:$0x1], $0xffff  }
0x347: {  	s18 =	sadd.s32 $0xFFFFC780, s30;
	s17 =	sadd.s32 $0xE000, s1;
	s28 =	sadd.s32 s4, s14  }
0x348: {  	s1 =	sadd.s32 s4, s5;
	s25 =	rddreg [dreg:$0xb];
	s2 =	sadd.s32 $0x7000, s23  }
0x349: {  	[dreg:$0x15] =	wrdreg s30;
	s30 =	sadd.s32 s4, s29;
	s23 =	sand.u32 $0x380, s26  }
0x34a: {  	s22 =	sadd.s32 s15, s30;
	s6 =	sadd.s32 s23, s1;
	s30 =	rddreg [dreg:$0xc]  }
0x34b: {  	s14 =	sadd.s32 s31, s28;
	s7 =	sadd.s32 s25, s5;
	[smem:$0x799] =	sst s6;
	v9 =	vsel vm0, v10, v9  }
0x34c: {  	s1 =	rddreg [dreg:$0xd];
	s15 =	sadd.s32 s23, s7;
	s26 =	sadd.s32 s30, s5;
	[tilespmem:v7+s3+$0x0 ss:$0x1] =	vst.idx.msk $0xffff, v9  }
0x34d: {  	s28 =	sadd.s32 s1, s5;
	s26 =	sadd.s32 s23, s26;
	[smem:$0x79F] =	sst s15  }
0x34e: {  	s28 =	sadd.s32 s23, s28;
	[smem:$0x7A3] =	sst s26  }
0x34f: {  	[smem:$0x78F] =	sst s28  }
0x350: {  	s7 =	rddreg [dreg:$0xe]  }
0x351: {  	s15 =	rddreg [dreg:$0x9]  }
0x352: {  	s0 =	sand.u32 $0xFFFFF800, s21;
	s21 =	sadd.s32 s11, s5;
	s6 =	rddreg [dreg:$0x7]  }
0x353: {  	v6 =	vmov s9;
	s3 =	sadd.s32 s7, s5;
	s9 =	sadd.s32 s15, s5;
	s5 =	sadd.s32 s6, s5  }
0x354: {  	v9 =	vld.idx.msk [tilespmem:v8+s14+$0x0 ss:$0x1], $0xffff;
	s28 =	sadd.s32 s23, s5  }
0x355: {  	s12 =	sand.u32 $0x380, s12;
	v10 =	vld.idx.msk [tilespmem:v8+s22+$0x0 ss:$0x1], $0xffff;
	[dreg:$0x1c] =	wrdreg s28  }
0x356: {  	s20 =	sadd.s32 s11, s0;
	s19 =	sadd.s32 s11, s17;
	s28 =	sld [smem:$0x7A2]  }
0x357: {  	s21 =	sadd.s32 s23, s21;
	s14 =	sadd.s32 s23, s3;
	s26 =	sadd.s32 s23, s9  }
0x358: {  	s3 =	sadd.s32 s11, s8;
	s5 =	sand.u32 $0x380, s18;
	[smem:$0x790] =	sst s14  }
0x359: {  	[smem:$0x791] =	sst s26;
	s14 =	sand.u32 $0x380, s13;
	s9 =	sadd.s32 s11, s28  }
0x35a: {  	s23 =	sadd.s32 s14, s20;
	s20 =	sadd.s32 s5, s9;
	s9 =	sld [smem:$0x792]  }
0x35b: {  	s26 =	sand.u32 $0x380, s16;
	s13 =	sadd.s32 s14, s19;
	s11 =	sadd.s32 s11, s2  }
0x35c: {  	s16 =	sadd.s32 s26, s3;
	v12 =	vld.idx.msk [tilespmem:v7+s21+$0x0 ss:$0x1], $0xffff;
	v9 =	vsel vm1, v9, v10;
	s19 =	sadd.s32 s12, s11;
	s11 =	sadd.s32 s25, s8  }
0x35d: {  	v10 =	vld.idx.msk [tilespmem:v7+s16+$0x0 ss:$0x1], $0xffff;
	[tilespmem:v8+s22+$0x0 ss:$0x1] =	vst.idx.msk $0xffff, v9;
	s16 =	sadd.s32 s26, s11;
	s3 =	sadd.s32 s25, s9  }
0x35e: {  	v11 =	vld.idx.msk [tilespmem:v7+s13+$0x0 ss:$0x1], $0xffff;
	[smem:$0x7A0] =	sst s16;
	s18 =	sadd.s32 s31, s3  }
0x35f: {  	s21 =	sadd.s32 s4, s8;
	v9 =	vld.idx.msk [tilespmem:v6+s18+$0x0 ss:$0x1], $0xffff;
	s18 =	sadd.s32 s30, s8  }
0x360: {  	s22 =	sadd.s32 s26, s21;
	s21 =	sadd.s32 s1, s8;
	s16 =	sadd.s32 s26, s18  }
0x361: {  	s11 =	sadd.s32 s7, s8;
	v13 =	vld.idx.msk [tilespmem:v7+s20+$0x0 ss:$0x1], $0xffff;
	s18 =	sadd.s32 s26, s21;
	[smem:$0x7A4] =	sst s16  }
0x362: {  	s3 =	sadd.s32 s15, s8;
	s21 =	sadd.s32 s26, s11;
	[smem:$0x793] =	sst s18  }
0x363: {  	s8 =	sadd.s32 s6, s8;
	s13 =	sadd.s32 s26, s3;
	[smem:$0x794] =	sst s21  }
0x364: {  	s18 =	sadd.s32 s26, s8;
	v14 =	vld.idx.msk [tilespmem:v7+s23+$0x0 ss:$0x1], $0xffff;
	[smem:$0x795] =	sst s13  }
0x365: {  	s21 =	sadd.s32 s4, s28;
	[smem:$0x796] =	sst s18  }
0x366: {  	s28 =	sadd.s32 s30, s9;
	s13 =	smov.u32 s9;
	s9 =	sld [smem:$0x797]  }
0x367: {  	v15 =	vld.idx.msk [tilespmem:v7+s19+$0x0 ss:$0x1], $0xffff  }
0x368: {  	s3 =	sadd.s32 s4, s0;
	s26 =	sadd.s32 s25, s29  }
0x369: {  	s11 =	sadd.s32 s4, s17;
	s18 =	sadd.s32 s5, s21;
	s21 =	sadd.s32 s9, s26  }
0x36a: {  	s16 =	smov.u32 s6;
	s8 =	sadd.s32 s14, s11;
	s6 =	sadd.s32 s4, s2;
	[tilespmem:v6+s21+$0x0 ss:$0x1] =	vst.idx.msk $0xffff, v9;
	v9 =	vsel vm0, v10, v13  }
0x36b: {  	s4 =	smov.u32 s29;
	s29 =	sadd.s32 s25, s17;
	s26 =	sadd.s32 s31, s28;
	[tilespmem:v7+s20+$0x0 ss:$0x1] =	vst.idx.msk $0xffff, v9;
	v10 =	vsel vm0, v11, v14  }
0x36c: {  	s11 =	sadd.s32 s14, s3;
	s3 =	sadd.s32 s12, s6;
	s6 =	sadd.s32 s30, s17;
	v9 =	vld.idx.msk [tilespmem:v5+s26+$0x0 ss:$0x1], $0xffff;
	[tilespmem:v7+s23+$0x0 ss:$0x1] =	vst.idx.msk $0xffff, v10;
	v11 =	vsel vm0, v12, v15  }
0x36d: {  	s28 =	sadd.s32 s14, s29;
	s29 =	sadd.s32 s7, s17;
	s20 =	sadd.s32 s30, s0;
	v10 =	vld.idx.msk [tilespmem:v8+s22+$0x0 ss:$0x1], $0xffff;
	[tilespmem:v7+s19+$0x0 ss:$0x1] =	vst.idx.msk $0xffff, v11  }
0x36e: {  	s22 =	sadd.s32 s14, s6;
	s6 =	sadd.s32 s14, s20;
	v12 =	vld.idx.msk [tilespmem:v8+s8+$0x0 ss:$0x1], $0xffff;
	s8 =	sld [smem:$0x799]  }
0x36f: {  	s21 =	smov.u32 s31;
	s26 =	sadd.s32 s25, s0;
	[smem:$0x798] =	sst s6  }
0x370: {  	s20 =	sadd.s32 s1, s17;
	s19 =	sadd.s32 s14, s26;
	s26 =	sadd.s32 s30, s4;
	v13 =	vld.idx.msk [tilespmem:v8+s11+$0x0 ss:$0x1], $0xffff  }
0x371: {  	s23 =	sadd.s32 s9, s26;
	s26 =	sadd.s32 s1, s0;
	v11 =	vld.idx.msk [tilespmem:v8+s8+$0x0 ss:$0x1], $0xffff;
	s8 =	sadd.s32 s1, s13  }
0x372: {  	s31 =	sadd.s32 s14, s20;
	[tilespmem:v5+s23+$0x0 ss:$0x1] =	vst.idx.msk $0xffff, v9;
	v9 =	vld.idx.msk [tilespmem:v8+s3+$0x0 ss:$0x1], $0xffff;
	s23 =	sadd.s32 s14, s26;
	s20 =	sadd.s32 s21, s8  }
0x373: {  	s26 =	sadd.s32 s14, s29;
	s29 =	smov.u32 s13;
	v14 =	vld.idx.msk [tilespmem:v4+s20+$0x0 ss:$0x1], $0xffff;
	[smem:$0x79A] =	sst s23  }
0x374: {  	s13 =	sadd.s32 s15, s0;
	s8 =	sadd.s32 s7, s0;
	[smem:$0x79B] =	sst s26  }
0x375: {  	s6 =	sadd.s32 s14, s8;
	s8 =	sadd.s32 s15, s17;
	s23 =	sadd.s32 s14, s13  }
0x376: {  	s17 =	sadd.s32 s16, s17;
	v15 =	vld.idx.msk [tilespmem:v8+s18+$0x0 ss:$0x1], $0xffff;
	s20 =	sadd.s32 s14, s8;
	[smem:$0x79D] =	sst s23  }
0x377: {  	s0 =	sadd.s32 s16, s0;
	s17 =	sadd.s32 s14, s17;
	[smem:$0x79C] =	sst s20  }
0x378: {  	s13 =	smov.u32 s16;
	s26 =	sadd.s32 s25, s2;
	v12 =	vsel vm1, v12, v13;
	[smem:$0x79E] =	sst s17  }
0x379: {  	s8 =	sadd.s32 s1, s4;
	s23 =	sadd.s32 s14, s0;
	s14 =	sadd.s32 s12, s26;
	[tilespmem:v8+s11+$0x0 ss:$0x1] =	vst.idx.msk $0xffff, v12;
	v9 =	vsel vm1, v11, v9  }
0x37a: {  	s26 =	sadd.s32 s30, s2;
	s17 =	smov.u32 s9;
	s20 =	sadd.s32 s9, s8;
	[tilespmem:v8+s3+$0x0 ss:$0x1] =	vst.idx.msk $0xffff, v9  }
0x37b: {  	s9 =	sadd.s32 s7, s29;
	s11 =	sadd.s32 s1, s2;
	v11 =	vld.idx.msk [tilespmem:v6+s28+$0x0 ss:$0x1], $0xffff;
	s28 =	sld [smem:$0x79F];
	[tilespmem:v4+s20+$0x0 ss:$0x1] =	vst.idx.msk $0xffff, v14;
	v10 =	vsel vm1, v10, v15  }
0x37c: {  	s8 =	sadd.s32 s21, s9;
	s9 =	sadd.s32 s7, s2;
	s0 =	sadd.s32 s12, s11;
	[tilespmem:v8+s18+$0x0 ss:$0x1] =	vst.idx.msk $0xffff, v10  }
0x37d: {  	s11 =	sadd.s32 s15, s2;
	s2 =	sadd.s32 s16, s2;
	s16 =	sld [smem:$0x7A0]  }
0x37e: {  	v9 =	vld.idx.msk [tilespmem:v6+s28+$0x0 ss:$0x1], $0xffff  }
0x37f: {  	s2 =	sadd.s32 s12, s2;
	v12 =	vld.idx.msk [tilespmem:v3+s8+$0x0 ss:$0x1], $0xffff  }
0x380: {  	s8 =	sadd.s32 s12, s11;
	s11 =	sadd.s32 $0x4, s24;
	s24 =	sld [smem:$0x7A2];
	v13 =	vld.idx.msk [tilespmem:v6+s16+$0x0 ss:$0x1], $0xffff  }
0x381: {  	[smem:$0x7A1] =	sst s2  }
0x382: {  	s26 =	sadd.s32 s12, s26;
	s9 =	sadd.s32 s12, s9;
	s20 =	sadd.s32 s7, s4;
	[tilespmem:v6+s19+$0x0 ss:$0x1] =	vst.idx.msk $0xffff, v11  }
0x383: {  	s3 =	sadd.s32 s17, s20;
	p0 =	slt.s32 s11, s10;
	s18 =	sadd.s32 s25, s24;
	[tilespmem:v6+s14+$0x0 ss:$0x1] =	vst.idx.msk $0xffff, v9  }
0x384: {  	s25 =	sadd.s32 s30, s24;
	s2 =	sadd.s32 s5, s18;
	s18 =	sld [smem:$0x7A3];
	[tilespmem:v3+s3+$0x0 ss:$0x1] =	vst.idx.msk $0xffff, v12  }
.Ltmp26:
0x385: {  	s28 =	sadd.s32 s1, s24;
	s30 =	sadd.s32 s15, s29;
	[tilespmem:v6+s2+$0x0 ss:$0x1] =	vst.idx.msk $0xffff, v13;
	(pc) =	sbr.rel @!p0 .LBB2_29-.Ltmp26, $4  }
0x386: {  	s12 =	sadd.s32 s5, s25;
	s20 =	sadd.s32 s21, s30;
	v10 =	vld.idx.msk [tilespmem:v5+s22+$0x0 ss:$0x1], $0xffff;
	s30 =	sld [smem:$0x7A4]  }
0x387: {  	s16 =	sadd.s32 s5, s28;
	s25 =	sadd.s32 s15, s24;
	s28 =	sadd.s32 s13, s24;
	v9 =	vld.idx.msk [tilespmem:v2+s20+$0x0 ss:$0x1], $0xffff  }
0x388: {  	s22 =	sadd.s32 s7, s24;
	s7 =	smov.u32 s17;
	s17 =	sadd.s32 s5, s25;
	v11 =	vld.idx.msk [tilespmem:v5+s18+$0x0 ss:$0x1], $0xffff  }
0x389: {  	s3 =	sadd.s32 s5, s28;
	s2 =	sadd.s32 s5, s22;
	v12 =	vld.idx.msk [tilespmem:v5+s30+$0x0 ss:$0x1], $0xffff;
	[dreg:$0x5] =	wrdreg s10  }
.LBB2_28:
0x38a: {  	[smem:$0x77D] =	sst s8  }
0x38b: {  	[smem:$0x77E] =	sst s23  }
0x38c: {  	[smem:$0x781] =	sst s3  }
0x38d: {  	s1 =	rddreg [dreg:$0x4]  }
0x38e: {  	s5 =	sld [smem:$0x798]  }
0x38f: {  	s8 =	rddreg [dreg:$0x9]  }
0x390: {  	s19 =	rddreg [dreg:$0x16]  }
0x391: {  	s14 =	rddreg [dreg:$0x7]  }
0x392: {  	s3 =	smov.u32 s4;
	s11 =	sadd.s32 $0x4, s11;
	s20 =	sld [smem:$0x78F]  }
0x393: {  	[dreg:$0x1e] =	wrdreg s11;
	s13 =	sadd.s32 s8, s3  }
0x394: {  	s19 =	sadd.s32 $0x400, s19;
	p2 =	slt.s32 s11, s10;
	s15 =	sadd.s32 s14, s29  }
0x395: {  	s14 =	smov.u32 s14;
	s10 =	rddreg [dreg:$0x8];
	s1 =	sadd.s32 s19, s1  }
0x396: {  	s18 =	sadd.s32 $0x200, s19;
	s4 =	sadd.s32 s21, s15;
	s15 =	rddreg [dreg:$0x15]  }
0x397: {  	s3 =	sadd.s32 s14, s3;
	[dreg:$0x16] =	wrdreg s19;
	[tilespmem:v5+s5+$0x0 ss:$0x1] =	vst.idx.msk $0xffff, v10;
	s5 =	smov.u32 s7  }
0x398: {  	[tilespmem:v5+s26+$0x0 ss:$0x1] =	vst.idx.msk $0xffff, v11;
	s22 =	sadd.s32 $0x7200, s1;
	s11 =	sand.u32 $0xFFFFF800, s18;
	s26 =	sld [smem:$0x793]  }
0x399: {  	s15 =	sadd.s32 $0x200, s15;
	s7 =	sld [smem:$0x79A];
	s8 =	sadd.s32 s5, s13  }
0x39a: {  	s23 =	sand.u32 $0xFFFFF800, s22;
	s24 =	sadd.s32 $0xFFFFC800, s15;
	s25 =	sadd.s32 $0x7000, s11  }
0x39b: {  	s18 =	sand.u32 $0x380, s15;
	s13 =	sadd.s32 $0x6F00, s1;
	s11 =	sadd.s32 $0x7000, s1  }
0x39c: {  	s1 =	sadd.s32 $0x7100, s1;
	s22 =	sadd.s32 s5, s3;
	s3 =	sadd.s32 $0xFFFFC700, s15  }
0x39d: {  	v10 =	vld.idx.msk [tilespmem:v4+s31+$0x0 ss:$0x1], $0xffff;
	s14 =	sadd.s32 $0xFFFFFF80, s15;
	[dreg:$0x15] =	wrdreg s15;
	s21 =	sadd.s32 $0xE000, s23  }
0x39e: {  	v11 =	vld.idx.msk [tilespmem:v4+s20+$0x0 ss:$0x1], $0xffff;
	s20 =	sand.u32 $0x380, s24;
	s28 =	sadd.s32 s10, s25;
	s23 =	sand.u32 $0xFFFFF800, s13  }
0x39f: {  	[tilespmem:v5+s12+$0x0 ss:$0x1] =	vst.idx.msk $0xffff, v12;
	s24 =	sand.u32 $0xFFFFF800, s11;
	s13 =	sadd.s32 $0xFFFFFF00, s15;
	s30 =	sadd.s32 s10, s21  }
0x3a0: {  	[tilespmem:v2+s8+$0x0 ss:$0x1] =	vst.idx.msk $0xffff, v9;
	v12 =	vld.idx.msk [tilespmem:v4+s26+$0x0 ss:$0x1], $0xffff;
	s8 =	sadd.s32 s20, s28;
	s26 =	sadd.s32 $0x100, s19;
	s28 =	sld [smem:$0x79B]  }
0x3a1: {  	v9 =	vld.idx.msk [tilespmem:v1+s4+$0x0 ss:$0x1], $0xffff;
	s12 =	sadd.s32 s18, s30;
	s30 =	sadd.s32 $0x6F00, s19;
	s11 =	sand.u32 $0xFFFFF800, s26  }
0x3a2: {  	v13 =	vld.idx.msk [tilespmem:v7+s12+$0x0 ss:$0x1], $0xffff;
	s12 =	sld [smem:$0x790];
	s26 =	sand.u32 $0xFFFFF800, s30;
	s30 =	sadd.s32 $0x7000, s11;
	[tilespmem:v4+s7+$0x0 ss:$0x1] =	vst.idx.msk $0xffff, v10  }
0x3a3: {  	s11 =	rddreg [dreg:$0xa];
	[tilespmem:v4+s0+$0x0 ss:$0x1] =	vst.idx.msk $0xffff, v11;
	s7 =	sand.u32 $0xFFFFF800, s1;
	s0 =	sadd.s32 $0xFFFFFE80, s15  }
0x3a4: {  	v10 =	vld.idx.msk [tilespmem:v7+s8+$0x0 ss:$0x1], $0xffff;
	s1 =	smov.u32 s18;
	s4 =	sadd.s32 s11, s25;
	s29 =	sadd.s32 $0xE000, s7  }
0x3a5: {  	v11 =	vld.idx.msk [tilespmem:v3+s28+$0x0 ss:$0x1], $0xffff;
	s28 =	sadd.s32 s11, s21;
	s7 =	smov.u32 s17;
	[smem:$0x783] =	sst s1  }
0x3a6: {  	[tilespmem:v1+s22+$0x0 ss:$0x1] =	vst.idx.msk $0xffff, v9;
	v9 =	vld.idx.msk [tilespmem:v3+s12+$0x0 ss:$0x1], $0xffff;
	s12 =	sadd.s32 $0xE000, s23;
	s23 =	sadd.s32 $0xE000, s24;
	s22 =	sand.u32 $0xFFFFF800, s19  }
0x3a7: {  	[tilespmem:v4+s16+$0x0 ss:$0x1] =	vst.idx.msk $0xffff, v12;
	s24 =	sld [smem:$0x794];
	s16 =	sadd.s32 $0xFFFFC780, s15;
	s5 =	sadd.s32 s18, s28  }
0x3a8: {  	s15 =	smov.u32 s26;
	s28 =	sand.u32 $0x380, s13;
	s19 =	sand.u32 $0x380, s3  }
0x3a9: {  	s13 =	sand.u32 $0x380, s14;
	s3 =	sld [smem:$0x795];
	s17 =	sadd.s32 s10, s12;
	v10 =	vsel vm0, v13, v10  }
0x3aa: {  	s18 =	sadd.s32 s10, s23;
	s14 =	sand.u32 $0x380, s16;
	v12 =	vld.idx.msk [tilespmem:v3+s24+$0x0 ss:$0x1], $0xffff;
	s24 =	sadd.s32 $0x7000, s22;
	[tilespmem:v7+s8+$0x0 ss:$0x1] =	vst.idx.msk $0xffff, v10  }
0x3ab: {  	s22 =	sadd.s32 s20, s4;
	s4 =	sadd.s32 s11, s12;
	[tilespmem:v3+s6+$0x0 ss:$0x1] =	vst.idx.msk $0xffff, v11;
	s6 =	sadd.s32 s10, s26  }
0x3ac: {  	s8 =	sadd.s32 s10, s29;
	s26 =	sadd.s32 s10, s30;
	v10 =	vld.idx.msk [tilespmem:v8+s5+$0x0 ss:$0x1], $0xffff;
	s5 =	sand.u32 $0x380, s0  }
0x3ad: {  	s0 =	sadd.s32 s10, s24;
	s10 =	sld [smem:$0x791];
	s16 =	sadd.s32 s5, s17  }
0x3ae: {  	v11 =	vld.idx.msk [tilespmem:v8+s22+$0x0 ss:$0x1], $0xffff;
	[tilespmem:v3+s9+$0x0 ss:$0x1] =	vst.idx.msk $0xffff, v9;
	s17 =	sadd.s32 s28, s18;
	s18 =	sadd.s32 s14, s26;
	s26 =	sadd.s32 s11, s30  }
0x3af: {  	s31 =	sadd.s32 s11, s24;
	s9 =	sld [smem:$0x79C];
	v15 =	vld.idx.msk [tilespmem:v7+s17+$0x0 ss:$0x1], $0xffff;
	s17 =	sadd.s32 s14, s26  }
0x3b0: {  	v14 =	vld.idx.msk [tilespmem:v7+s16+$0x0 ss:$0x1], $0xffff;
	s16 =	sadd.s32 s5, s6;
	s26 =	sadd.s32 s19, s31;
	[smem:$0x782] =	sst s17  }
0x3b1: {  	[tilespmem:v3+s2+$0x0 ss:$0x1] =	vst.idx.msk $0xffff, v12;
	v12 =	vld.idx.msk [tilespmem:v2+s10+$0x0 ss:$0x1], $0xffff;
	s10 =	sadd.s32 s13, s8;
	s2 =	sadd.s32 s11, s23;
	[smem:$0x780] =	sst s26  }
0x3b2: {  	s6 =	sadd.s32 s11, s29;
	v16 =	vld.idx.msk [tilespmem:v7+s10+$0x0 ss:$0x1], $0xffff;
	s10 =	rddreg [dreg:$0xb];
	s2 =	sadd.s32 s28, s2  }
0x3b3: {  	v9 =	vld.idx.msk [tilespmem:v2+s9+$0x0 ss:$0x1], $0xffff;
	s9 =	sadd.s32 s11, s15;
	s8 =	smov.u32 s15;
	[smem:$0x77F] =	sst s2  }
0x3b4: {  	s15 =	smov.u32 s21;
	v10 =	vsel vm1, v10, v11;
	s21 =	sadd.s32 s10, s21;
	s2 =	sld [smem:$0x77D]  }
0x3b5: {  	v13 =	vld.idx.msk [tilespmem:v2+s3+$0x0 ss:$0x1], $0xffff;
	s3 =	sadd.s32 s19, s0;
	s0 =	rddreg [dreg:$0xc];
	[tilespmem:v8+s22+$0x0 ss:$0x1] =	vst.idx.msk $0xffff, v10;
	s22 =	sadd.s32 s1, s21  }
0x3b6: {  	s11 =	sadd.s32 s13, s6;
	s21 =	sld [smem:$0x79D];
	v10 =	vld.idx.msk [tilespmem:v6+s22+$0x0 ss:$0x1], $0xffff;
	s22 =	sadd.s32 s10, s12  }
0x3b7: {  	s17 =	sadd.s32 s10, s23;
	[tilespmem:v2+s2+$0x0 ss:$0x1] =	vst.idx.msk $0xffff, v12;
	s6 =	sadd.s32 s5, s22;
	s2 =	sld [smem:$0x79E]  }
0x3b8: {  	s31 =	sadd.s32 s10, s25;
	s22 =	sadd.s32 s28, s17;
	[smem:$0x784] =	sst s6  }
0x3b9: {  	s31 =	sadd.s32 s20, s31;
	s17 =	smov.u32 s15;
	[smem:$0x785] =	sst s22  }
0x3ba: {  	[tilespmem:v2+s21+$0x0 ss:$0x1] =	vst.idx.msk $0xffff, v9;
	s21 =	sadd.s32 s10, s29;
	s22 =	sadd.s32 s10, s8;
	s6 =	rddreg [dreg:$0x1c]  }
0x3bb: {  	v11 =	vld.idx.msk [tilespmem:v7+s18+$0x0 ss:$0x1], $0xffff;
	[tilespmem:v2+s7+$0x0 ss:$0x1] =	vst.idx.msk $0xffff, v13;
	s7 =	sadd.s32 s0, s15;
	s15 =	sld [smem:$0x796];
	s26 =	sadd.s32 s13, s21  }
0x3bc: {  	v17 =	vld.idx.msk [tilespmem:v1+s6+$0x0 ss:$0x1], $0xffff;
	s6 =	smov.u32 s20;
	s20 =	sadd.s32 s1, s7;
	s7 =	sld [smem:$0x7A1]  }
0x3bd: {  	s21 =	sadd.s32 s10, s30;
	s22 =	sadd.s32 s5, s22;
	[smem:$0x786] =	sst s26  }
0x3be: {  	[smem:$0x787] =	sst s22;
	s21 =	sadd.s32 s14, s21  }
0x3bf: {  	v13 =	vld.idx.msk [tilespmem:v1+s2+$0x0 ss:$0x1], $0xffff;
	s26 =	sadd.s32 s10, s24;
	s2 =	smov.u32 s25;
	[smem:$0x78C] =	sst s21  }
0x3c0: {  	v9 =	vld.idx.msk [tilespmem:v7+s16+$0x0 ss:$0x1], $0xffff;
	s25 =	sadd.s32 s0, s12;
	[tilespmem:v6+s31+$0x0 ss:$0x1] =	vst.idx.msk $0xffff, v10;
	s1 =	sadd.s32 s19, s26;
	s31 =	sld [smem:$0x782]  }
0x3c1: {  	s10 =	sadd.s32 s0, s23;
	s22 =	sadd.s32 s5, s25;
	[smem:$0x789] =	sst s1  }
0x3c2: {  	v12 =	vld.idx.msk [tilespmem:v7+s3+$0x0 ss:$0x1], $0xffff;
	s25 =	sadd.s32 s28, s10;
	[smem:$0x788] =	sst s22  }
0x3c3: {  	v63 =	vld.idx.msk [tilespmem:v1+s15+$0x0 ss:$0x1], $0xffff;
	s15 =	sadd.s32 s0, s29;
	[smem:$0x78A] =	sst s25  }
0x3c4: {  	v11 =	vsel vm0, v16, v11;
	s26 =	sadd.s32 s13, s15;
	s1 =	sadd.s32 s0, s8;
	s22 =	sld [smem:$0x77F]  }
0x3c5: {  	s9 =	sadd.s32 s5, s9;
	[tilespmem:v7+s18+$0x0 ss:$0x1] =	vst.idx.msk $0xffff, v11;
	[smem:$0x78E] =	sst s26;
	s21 =	sadd.s32 s5, s1;
	v9 =	vsel vm0, v14, v9  }
0x3c6: {  	s4 =	sadd.s32 s5, s4;
	s18 =	smov.u32 s9;
	v11 =	vld.idx.msk [tilespmem:v8+s11+$0x0 ss:$0x1], $0xffff;
	[smem:$0x798] =	sst s21;
	[tilespmem:v7+s16+$0x0 ss:$0x1] =	vst.idx.msk $0xffff, v9  }
0x3c7: {  	s11 =	sadd.s32 s0, s24;
	s1 =	sadd.s32 s0, s2;
	v9 =	vsel vm0, v15, v12;
	v12 =	vld.idx.msk [tilespmem:v8+s4+$0x0 ss:$0x1], $0xffff;
	s4 =	rddreg [dreg:$0xd]  }
0x3c8: {  	s10 =	sadd.s32 s6, s1;
	[tilespmem:v7+s3+$0x0 ss:$0x1] =	vst.idx.msk $0xffff, v9;
	s3 =	sadd.s32 s0, s30;
	v9 =	vld.idx.msk [tilespmem:v8+s9+$0x0 ss:$0x1], $0xffff;
	s9 =	sld [smem:$0x77E]  }
0x3c9: {  	s1 =	smov.u32 s17;
	s26 =	sadd.s32 s14, s3;
	s3 =	sld [smem:$0x780]  }
0x3ca: {  	s16 =	sadd.s32 s4, s12;
	s15 =	sadd.s32 s4, s17;
	s17 =	sld [smem:$0x781]  }
0x3cb: {  	v10 =	vld.idx.msk [tilespmem:v5+s20+$0x0 ss:$0x1], $0xffff;
	s20 =	sadd.s32 s4, s23;
	s25 =	sadd.s32 s4, s29;
	[smem:$0x78B] =	sst s26  }
0x3cc: {  	s26 =	sadd.s32 s5, s16;
	s21 =	sadd.s32 s28, s20;
	s16 =	sadd.s32 s4, s30;
	[tilespmem:v1+s9+$0x0 ss:$0x1] =	vst.idx.msk $0xffff, v13  }
0x3cd: {  	s20 =	sadd.s32 s4, s24;
	s9 =	smov.u32 s2;
	[tilespmem:v1+s17+$0x0 ss:$0x1] =	vst.idx.msk $0xffff, v63;
	s17 =	sld [smem:$0x783]  }
0x3ce: {  	v13 =	vld.idx.msk [tilespmem:v8+s22+$0x0 ss:$0x1], $0xffff;
	[tilespmem:v1+s7+$0x0 ss:$0x1] =	vst.idx.msk $0xffff, v17;
	s22 =	sadd.s32 s19, s11;
	s7 =	smov.u32 s6;
	[smem:$0x78F] =	sst s21;
	v9 =	vsel vm1, v12, v9  }
0x3cf: {  	s6 =	sadd.s32 s4, s8;
	s21 =	rddreg [dreg:$0xe];
	[tilespmem:v8+s18+$0x0 ss:$0x1] =	vst.idx.msk $0xffff, v9;
	s18 =	sadd.s32 s19, s20  }
0x3d0: {  	s2 =	sadd.s32 s17, s15;
	s15 =	sadd.s32 s13, s25;
	[smem:$0x78D] =	sst s18  }
0x3d1: {  	[tilespmem:v5+s10+$0x0 ss:$0x1] =	vst.idx.msk $0xffff, v10;
	s10 =	sadd.s32 s21, s12;
	s25 =	sadd.s32 s21, s23;
	[smem:$0x793] =	sst s15  }
0x3d2: {  	v10 =	vld.idx.msk [tilespmem:v4+s2+$0x0 ss:$0x1], $0xffff;
	s2 =	sadd.s32 s5, s6;
	s20 =	sadd.s32 s28, s25;
	s25 =	sld [smem:$0x784]  }
0x3d3: {  	v14 =	vld.idx.msk [tilespmem:v8+s3+$0x0 ss:$0x1], $0xffff;
	s11 =	sadd.s32 s21, s8;
	s15 =	sadd.s32 s5, s10;
	[smem:$0x79A] =	sst s2  }
0x3d4: {  	v15 =	vld.idx.msk [tilespmem:v8+s31+$0x0 ss:$0x1], $0xffff;
	s18 =	sadd.s32 s21, s1;
	s6 =	sadd.s32 s21, s29;
	[smem:$0x79B] =	sst s15  }
0x3d5: {  	s10 =	sadd.s32 s17, s18;
	[smem:$0x790] =	sst s20;
	s0 =	sadd.s32 s13, s6  }
0x3d6: {  	s6 =	sadd.s32 s21, s30;
	s2 =	sadd.s32 s4, s9;
	[smem:$0x794] =	sst s0  }
0x3d7: {  	s0 =	smov.u32 s8;
	s15 =	sadd.s32 s7, s2;
	s8 =	rddreg [dreg:$0x9]  }
0x3d8: {  	v12 =	vsel vm1, v13, v14;
	s18 =	sadd.s32 s14, s6;
	s6 =	sadd.s32 s5, s11;
	s11 =	sld [smem:$0x786]  }
0x3d9: {  	[tilespmem:v8+s3+$0x0 ss:$0x1] =	vst.idx.msk $0xffff, v12;
	v11 =	vsel vm1, v11, v15;
	s2 =	smov.u32 s1;
	v9 =	vld.idx.msk [tilespmem:v6+s25+$0x0 ss:$0x1], $0xffff;
	s20 =	sadd.s32 s8, s12;
	s25 =	sld [smem:$0x785]  }
0x3da: {  	[tilespmem:v8+s31+$0x0 ss:$0x1] =	vst.idx.msk $0xffff, v11;
	s31 =	smov.u32 s26;
	s3 =	sadd.s32 s5, s20;
	s20 =	sld [smem:$0x787]  }
0x3db: {  	s26 =	smov.u32 s22;
	s22 =	sadd.s32 s8, s29;
	[smem:$0x79C] =	sst s3  }
0x3dc: {  	s1 =	sadd.s32 s21, s24;
	[tilespmem:v4+s15+$0x0 ss:$0x1] =	vst.idx.msk $0xffff, v10;
	v14 =	vld.idx.msk [tilespmem:v6+s11+$0x0 ss:$0x1], $0xffff;
	s15 =	sadd.s32 s13, s22;
	s22 =	sld [smem:$0x788]  }
0x3dd: {  	s11 =	sadd.s32 s8, s0;
	v12 =	vld.idx.msk [tilespmem:v6+s25+$0x0 ss:$0x1], $0xffff;
	s25 =	sadd.s32 s8, s23;
	[smem:$0x795] =	sst s15  }
0x3de: {  	v13 =	vld.idx.msk [tilespmem:v3+s10+$0x0 ss:$0x1], $0xffff;
	s11 =	sadd.s32 s5, s11;
	s10 =	sadd.s32 s28, s25;
	s25 =	rddreg [dreg:$0x7]  }
0x3df: {  	s4 =	smov.u32 s9;
	s9 =	sadd.s32 s19, s1;
	[smem:$0x79D] =	sst s11  }
0x3e0: {  	s3 =	sadd.s32 s21, s4;
	s15 =	sadd.s32 s8, s24;
	s11 =	rddreg [dreg:$0x1e]  }
0x3e1: {  	[smem:$0x791] =	sst s10;
	s10 =	sadd.s32 s8, s30;
	s1 =	sadd.s32 s25, s12  }
0x3e2: {  	[tilespmem:v6+s20+$0x0 ss:$0x1] =	vst.idx.msk $0xffff, v9;
	s12 =	sadd.s32 s25, s23;
	s20 =	sadd.s32 s25, s29;
	s29 =	smov.u32 s2  }
0x3e3: {  	s2 =	smov.u32 s18;
	s18 =	sld [smem:$0x789];
	s23 =	sadd.s32 s7, s3  }
0x3e4: {  	s3 =	sadd.s32 s8, s29;
	s8 =	sadd.s32 s19, s15;
	s15 =	sld [smem:$0x78C]  }
0x3e5: {  	s21 =	smov.u32 s17;
	v10 =	vld.idx.msk [tilespmem:v5+s22+$0x0 ss:$0x1], $0xffff;
	s22 =	sadd.s32 s25, s24;
	s24 =	sld [smem:$0x78E]  }
0x3e6: {  	s17 =	sadd.s32 s14, s10;
	s1 =	sadd.s32 s5, s1;
	s10 =	rddreg [dreg:$0x5]  }
0x3e7: {  	[smem:$0x79E] =	sst s1;
	[tilespmem:v6+s18+$0x0 ss:$0x1] =	vst.idx.msk $0xffff, v12  }
0x3e8: {  	s18 =	sld [smem:$0x78A];
	[tilespmem:v3+s23+$0x0 ss:$0x1] =	vst.idx.msk $0xffff, v13;
	s23 =	sadd.s32 s21, s3  }
.Ltmp27:
0x3e9: {  	s3 =	sadd.s32 s28, s12;
	s12 =	sld [smem:$0x78B];
	(pc) =	sbr.rel @p2 .LBB2_28-.Ltmp27, $4  }
0x3ea: {  	s28 =	sadd.s32 s25, s30;
	s30 =	sadd.s32 s19, s22;
	[dreg:$0x1c] =	wrdreg s3  }
0x3eb: {  	s16 =	sadd.s32 s14, s16;
	v9 =	vld.idx.msk [tilespmem:v2+s23+$0x0 ss:$0x1], $0xffff;
	[smem:$0x7A1] =	sst s30  }
0x3ec: {  	[tilespmem:v6+s15+$0x0 ss:$0x1] =	vst.idx.msk $0xffff, v14;
	v11 =	vld.idx.msk [tilespmem:v5+s18+$0x0 ss:$0x1], $0xffff;
	s18 =	sadd.s32 s13, s20;
	s20 =	sadd.s32 s25, s0;
	s0 =	sld [smem:$0x78D]  }
0x3ed: {  	s3 =	sadd.s32 s14, s28;
	v12 =	vld.idx.msk [tilespmem:v5+s24+$0x0 ss:$0x1], $0xffff;
	[smem:$0x796] =	sst s18;
	s23 =	sadd.s32 s5, s20  }
.LBB2_29:
0x3ee: {  	_ = 	snop  }
0x3ef: {  	s1 =	sld [smem:$0x798];
	_ =	sdelay $0x2  }
0x3f0: {  	[tilespmem:v5+s1+$0x0 ss:$0x1] =	vst.idx.msk $0xffff, v10  }
0x3f1: {  	[tilespmem:v5+s26+$0x0 ss:$0x1] =	vst.idx.msk $0xffff, v11  }
0x3f2: {  	s1 =	sld [smem:$0x78F]  }
0x3f3: {  	[tilespmem:v5+s12+$0x0 ss:$0x1] =	vst.idx.msk $0xffff, v12  }
0x3f4: {  	v6 =	vld.idx.msk [tilespmem:v4+s31+$0x0 ss:$0x1], $0xffff;
	s11 =	sld [smem:$0x793]  }
0x3f5: {  	v7 =	vld.idx.msk [tilespmem:v4+s1+$0x0 ss:$0x1], $0xffff  }
0x3f6: {  	s12 =	sld [smem:$0x79A]  }
0x3f7: {  	v5 =	vld.idx.msk [tilespmem:v4+s11+$0x0 ss:$0x1], $0xffff;
	_ =	sdelay $0x1  }
0x3f8: {  	[tilespmem:v4+s12+$0x0 ss:$0x1] =	vst.idx.msk $0xffff, v6  }
0x3f9: {  	[tilespmem:v4+s0+$0x0 ss:$0x1] =	vst.idx.msk $0xffff, v7  }
0x3fa: {  	s0 =	sld [smem:$0x79B]  }
0x3fb: {  	s13 =	sld [smem:$0x790];
	[tilespmem:v4+s16+$0x0 ss:$0x1] =	vst.idx.msk $0xffff, v5  }
0x3fc: {  	s14 =	sld [smem:$0x794]  }
0x3fd: {  	v6 =	vld.idx.msk [tilespmem:v3+s0+$0x0 ss:$0x1], $0xffff  }
0x3fe: {  	v7 =	vld.idx.msk [tilespmem:v3+s13+$0x0 ss:$0x1], $0xffff  }
0x3ff: {  	v4 =	vld.idx.msk [tilespmem:v3+s14+$0x0 ss:$0x1], $0xffff;
	_ =	sdelay $0x2  }
0x400: {  	[tilespmem:v3+s6+$0x0 ss:$0x1] =	vst.idx.msk $0xffff, v6  }
0x401: {  	[tilespmem:v3+s9+$0x0 ss:$0x1] =	vst.idx.msk $0xffff, v7  }
0x402: {  	s15 =	sld [smem:$0x79C];
	[tilespmem:v3+s2+$0x0 ss:$0x1] =	vst.idx.msk $0xffff, v4  }
0x403: {  	s16 =	sld [smem:$0x791]  }
0x404: {  	s19 =	rddreg [dreg:$0x9]  }
0x405: {  	s0 =	sadd.s32 s19, s4  }
0x406: {  	s18 =	sld [smem:$0x795];
	v62 =	vld.idx.msk [tilespmem:v2+s15+$0x0 ss:$0x1], $0xffff;
	s0 =	sadd.s32 s7, s0  }
0x407: {  	s2 =	rddreg [dreg:$0x7];
	v3 =	vld.idx.msk [tilespmem:v2+s16+$0x0 ss:$0x1], $0xffff;
	[tilespmem:v2+s0+$0x0 ss:$0x1] =	vst.idx.msk $0xffff, v9  }
0x408: {  	s22 =	sld [smem:$0x79D];
	_ =	sdelay $0x1  }
0x409: {  	v4 =	vld.idx.msk [tilespmem:v2+s18+$0x0 ss:$0x1], $0xffff  }
0x40a: {  	[tilespmem:v2+s22+$0x0 ss:$0x1] =	vst.idx.msk $0xffff, v62  }
0x40b: {  	[tilespmem:v2+s8+$0x0 ss:$0x1] =	vst.idx.msk $0xffff, v3  }
0x40c: {  	s20 =	sadd.s32 s2, s29;
	s0 =	sld [smem:$0x79E]  }
0x40d: {  	s21 =	sadd.s32 s21, s20  }
0x40e: {  	v63 =	vld.idx.msk [tilespmem:v1+s21+$0x0 ss:$0x1], $0xffff;
	[tilespmem:v2+s17+$0x0 ss:$0x1] =	vst.idx.msk $0xffff, v4  }
0x40f: {  	s26 =	sld [smem:$0x796];
	v3 =	vld.idx.msk [tilespmem:v1+s0+$0x0 ss:$0x1], $0xffff;
	_ =	sdelay $0x1  }
0x410: {  	s25 =	sadd.s32 s2, s4  }
0x411: {  	s24 =	rddreg [dreg:$0x1c];
	s0 =	sadd.s32 s7, s25;
	v4 =	vld.idx.msk [tilespmem:v1+s26+$0x0 ss:$0x1], $0xffff  }
0x412: {  	v2 =	vld.idx.msk [tilespmem:v1+s24+$0x0 ss:$0x1], $0xffff;
	[tilespmem:v1+s0+$0x0 ss:$0x1] =	vst.idx.msk $0xffff, v63  }
0x413: {  	[tilespmem:v1+s23+$0x0 ss:$0x1] =	vst.idx.msk $0xffff, v3  }
0x414: {  	s0 =	sld [smem:$0x7A1];
	_ =	sdelay $0x1  }
0x415: {  	s19 =	rddreg [dreg:$0x0];
	[tilespmem:v1+s3+$0x0 ss:$0x1] =	vst.idx.msk $0xffff, v4  }
0x416: {  	s25 =	rddreg [dreg:$0x1];
	[tilespmem:v1+s0+$0x0 ss:$0x1] =	vst.idx.msk $0xffff, v2  }
0x417: {  	s29 =	sld [smem:$0x7E4]  }
0x418: {  	s30 =	sld [smem:$0x7D4]  }
0x419: {  	s31 =	sld [smem:$0x7DD]  }
0x41a: {  	s17 =	sld [smem:$0x7DA]  }
0x41b: {  	s18 =	sld [smem:$0x7D3]  }
0x41c: {  	s23 =	sld [smem:$0x7D5]  }
0x41d: {  	s20 =	sld [smem:$0x7D2]  }
0x41e: {  	s4 =	sld [smem:$0x7A9]  }
0x41f: {  	s5 =	sld [smem:$0x7A8]  }
0x420: {  	s6 =	sld [smem:$0x7AB]  }
0x421: {  	s7 =	sld [smem:$0x7AA]  }
0x422: {  	s8 =	sld [smem:$0x7AC]  }
0x423: {  	s9 =	sld [smem:$0x7A6]  }
0x424: {  	s16 =	sld [smem:$0x7AD]  }
0x425: {  	s11 =	sld [smem:$0x7AE]  }
0x426: {  	s28 =	simm.s32 $0x2;
	s21 =	simm.s32 $0x0;
	s12 =	sld [smem:$0x7A5]  }
0x427: {  	s22 =	simm.s32 $0x1;
	s26 =	simm.s32 $0x3;
	s1 =	sld [smem:$0x7A7]  }
.LBB2_30:
0x428: {  	p0 =	sge.s32 s10, s20  }
.Ltmp28:
0x429: {  	_ = 	snop;
	(pc) =	sbr.rel @p0 .LBB2_33-.Ltmp28, $2  }
0x42a: {  	_ =	sdelay $0x2  }
0x42b: {  	s24 =	simm.s32 $0x7000  }
0x42c: {  	s0 =	ssub.s32 s9, s12;
	s1 =	sand.u32 $0xFFFFFC00, s1;
	s2 =	sshll.u32 s23, $0x7  }
0x42d: {  	s3 =	sshll.u32 s5, $0x3;
	s9 =	sand.u32 $0x70, s5;
	s20 =	smov.u32 s10  }
0x42e: {  	s10 =	sand.u32 $0x70, s4;
	s12 =	sshll.u32 s4, $0x3;
	s13 =	sshll.u32 s7, $0x3  }
0x42f: {  	s23 =	smov.u32 s11;
	s11 =	sand.u32 $0x70, s7;
	s14 =	sshll.u32 s6, $0x3  }
0x430: {  	s15 =	sshll.u32 s8, $0x3;
	s2 =	sand.u32 $0xFFFFFC00, s2;
	s3 =	sand.u32 $0xFFFFFC00, s3  }
0x431: {  	s4 =	sand.u32 $0xFFFFFC00, s12;
	s5 =	sand.u32 $0xFFFFFC00, s13;
	s12 =	sand.u32 $0x70, s6  }
0x432: {  	s6 =	sand.u32 $0xFFFFFC00, s14;
	s13 =	sand.u32 $0x70, s8;
	s7 =	sand.u32 $0xFFFFFC00, s15  }
0x433: {  	v1 =	vmov s16;
	s8 =	sshll.u32 s18, $0x3;
	s14 =	sshll.u32 s31, $0x8;
	s15 =	sshll.u32 s0, $0x8;
	v2 =	vmov s23  }
0x434: {  	s31 =	sand.u32 $0x70, s18;
	v3 =	vmov s9;
	v4 =	vmov s10;
	v5 =	vmov s11;
	s10 =	sshll.u32 s20, $0x7;
	s14 =	ssub.s32 s14, s15  }
0x435: {  	s11 =	ssub.s32 $0x0, s17;
	s8 =	sand.u32 $0xFFFFFC00, s8;
	v6 =	vmov s12;
	v7 =	vmov s13;
	v8 =	vmov s31;
	s9 =	sadd.s32 $0x6400, s14  }
.LBB2_32:
0x436: {  	s12 =	sadd.s32 s9, s11  }
0x437: {  	s15 =	sand.u32 $0xFFFFF800, s9;
	s12 =	sand.u32 $0xFFFFF800, s12  }
0x438: {  	s13 =	sand.u32 $0x380, s10;
	s16 =	sadd.s32 s1, s15;
	s12 =	sadd.s32 $0xE000, s12  }
0x439: {  	s18 =	sadd.s32 s13, s16;
	s14 =	sadd.s32 s1, s12  }
0x43a: {  	v10 =	vld.idx.msk [tilespmem:v1+s18+$0x0 ss:$0x1], $0xffff;
	s14 =	sadd.s32 s13, s14  }
0x43b: {  	v9 =	vld.idx.msk [tilespmem:v1+s14+$0x0 ss:$0x1], $0xffff;
	_ =	sdelay $0x4  }
0x43c: {  	s20 =	sadd.s32 s2, s12;
	v9 =	vsel vm0, v9, v10  }
0x43d: {  	s31 =	sadd.s32 s2, s15;
	s23 =	sadd.s32 s13, s20;
	[tilespmem:v1+s18+$0x0 ss:$0x1] =	vst.idx.msk $0xffff, v9  }
0x43e: {  	s17 =	sadd.s32 s13, s31;
	v9 =	vld.idx.msk [tilespmem:v2+s23+$0x0 ss:$0x1], $0xffff  }
0x43f: {  	v10 =	vld.idx.msk [tilespmem:v2+s17+$0x0 ss:$0x1], $0xffff;
	_ =	sdelay $0x4  }
0x440: {  	s18 =	sadd.s32 s3, s12;
	v9 =	vsel vm1, v9, v10  }
0x441: {  	s20 =	sadd.s32 s13, s18;
	[tilespmem:v2+s17+$0x0 ss:$0x1] =	vst.idx.msk $0xffff, v9  }
0x442: {  	v9 =	vld.idx.msk [tilespmem:v3+s20+$0x0 ss:$0x1], $0xffff;
	_ =	sdelay $0x2  }
0x443: {  	s23 =	sadd.s32 s3, s15  }
0x444: {  	s31 =	sadd.s32 s4, s12;
	s14 =	sadd.s32 s13, s23  }
0x445: {  	s16 =	sadd.s32 s13, s31;
	[tilespmem:v3+s14+$0x0 ss:$0x1] =	vst.idx.msk $0xffff, v9  }
0x446: {  	v9 =	vld.idx.msk [tilespmem:v4+s16+$0x0 ss:$0x1], $0xffff;
	_ =	sdelay $0x2  }
0x447: {  	s17 =	sadd.s32 s4, s15  }
0x448: {  	s18 =	sadd.s32 s5, s12;
	s14 =	sadd.s32 s13, s17  }
0x449: {  	s20 =	sadd.s32 s13, s18;
	[tilespmem:v4+s14+$0x0 ss:$0x1] =	vst.idx.msk $0xffff, v9  }
0x44a: {  	v9 =	vld.idx.msk [tilespmem:v5+s20+$0x0 ss:$0x1], $0xffff;
	_ =	sdelay $0x2  }
0x44b: {  	s23 =	sadd.s32 s5, s15  }
0x44c: {  	s31 =	sadd.s32 s6, s12;
	s14 =	sadd.s32 s13, s23  }
0x44d: {  	s16 =	sadd.s32 s13, s31;
	[tilespmem:v5+s14+$0x0 ss:$0x1] =	vst.idx.msk $0xffff, v9  }
0x44e: {  	v9 =	vld.idx.msk [tilespmem:v6+s16+$0x0 ss:$0x1], $0xffff;
	_ =	sdelay $0x2  }
0x44f: {  	s17 =	sadd.s32 s6, s15  }
0x450: {  	s18 =	sadd.s32 s7, s12;
	s14 =	sadd.s32 s13, s17  }
0x451: {  	s20 =	sadd.s32 s13, s18;
	[tilespmem:v6+s14+$0x0 ss:$0x1] =	vst.idx.msk $0xffff, v9  }
0x452: {  	v9 =	vld.idx.msk [tilespmem:v7+s20+$0x0 ss:$0x1], $0xffff;
	_ =	sdelay $0x2  }
0x453: {  	s23 =	sadd.s32 s7, s15  }
0x454: {  	s12 =	sadd.s32 s8, s12;
	s14 =	sadd.s32 s13, s23  }
0x455: {  	s12 =	sadd.s32 s13, s12;
	[tilespmem:v7+s14+$0x0 ss:$0x1] =	vst.idx.msk $0xffff, v9  }
0x456: {  	p0 =	sne.s32 s0, $0x1;
	v9 =	vld.idx.msk [tilespmem:v8+s12+$0x0 ss:$0x1], $0xffff  }
.Ltmp29:
0x457: {  	_ = 	snop;
	(pc) =	sbr.rel @p0 .LBB2_32-.Ltmp29, $4  }
0x458: {  	_ = 	snop  }
0x459: {  	s31 =	sadd.s32 s8, s15  }
0x45a: {  	s12 =	sadd.s32 s13, s31  }
0x45b: {  	s9 =	sadd.s32 $0x100, s9;
	s10 =	sadd.s32 $0x80, s10;
	s0 =	sadd.s32 $0xFFFFFFFF, s0;
	[tilespmem:v8+s12+$0x0 ss:$0x1] =	vst.idx.msk $0xffff, v9  }
.Ltmp30:
0x45c: {  	_ = 	snop;
	(pc) =	sbr.rel .LBB2_33-.Ltmp30, $1  }
0x45d: {  	_ =	sdelay $0x3  }
.LBB2_35:
0x45e: {  	_ =	sfence.sel $0x180000  }
0x45f: {  	[bflag:$0x0] =	sbarrier.arrive $0xFFFF  }
0x460: {  	_ =	strace $0x90000047  }
0x461: {  	s0 =	stileid.u32;
	[bflag:$0x2] =	sbarrier.arrive $0xFFFF  }
0x462: {  	p0 =	sne.s32 s0, $0x0;
	s0 =	rddreg [dreg:$0x2]  }
0x463: {  	s0 =	sadd.s32 @!p0 $0x100000, s0  }
0x464: {  	[sflag:s0] =	ssyncadd.tile.s32 @!p0 $0x1;
	_ =	shalt  }
.Lfunc_end2:
_tile_overlayer_lowered:
.L_overlay_start_2:
0x465: {  	(tag) =	ssettag $0x2  }
0x466: {  	s0 =	rddreg [dreg:$0x0];
	s2 =	stileid.u32  }
0x467: {  	s1 =	rddreg [dreg:$0x1];
	p0 =	sne.s32 s2, $0x0  }
0x468: {  	s3 =	rddreg [dreg:$0x2];
	[bflag:$0x3] =	sbarrier.arrive $0xFFFF;
	s2 =	simm.s32 @!p0 $0x1C06  }
0x469: {  	[timem:s3], [sflag:s2] =	dma.local @!p0 [hbm:s0], s1  }
0x46a: {  	s0 =	simm.s32 @!p0 $0x6  }
0x46b: {  	_ =	swait.ge @!p0 [sflag:s0], s1  }
0x46c: {  	s1 =	ssub.s32 @!p0 $0x0, s1;
	[sflag:s0] =	ssyncset.done @!p0 $0x0  }
0x46d: {  	[sflag:s0] =	ssyncadd.s32 @!p0 s1  }
0x46e: {  	[bflag:$0x3] =	sbarrier.arrive $0xFFFF  }
0x46f: {  	_ =	shalt  }

</sc_bundles>
